<compile_context>
chip_gen: v7x
topology: tpu7x:2x2x1
jax: 0.10.2.dev20260603
libtpu: 0.0.44.dev20260713+nightly
codegen_flags: <defaults>
</compile_context>

<pallas_src>
import functools

import jax
import jax.numpy as jnp
from jax import lax
from jax.experimental import pallas as pl
from jax.experimental.pallas import tpu as pltpu
from jax.experimental.pallas import tpu_sc as plsc

LANES = 128
NC = 2
NS = 16
NW = NC * NS
CHUNK = 128
NBUF = 3
SIB = 5


def _sc_mesh():
    return plsc.VectorSubcoreMesh(
        core_axis_name="c", subcore_axis_name="s",
        num_cores=NC, num_subcores=NS)


_SC_PARAMS = pltpu.CompilerParams(needs_layout_passes=False)


def _degree_sc(src2, dst2, zflat, n_pad):
    epw = src2.shape[1]
    nsteps = epw // 16

    @functools.partial(
        pl.kernel,
        out_type=jax.ShapeDtypeStruct((NW, 2, n_pad), jnp.float32),
        mesh=_sc_mesh(),
        scratch_types=[
            pltpu.VMEM((epw,), jnp.int32),
            pltpu.VMEM((epw,), jnp.int32),
            pltpu.VMEM((n_pad,), jnp.float32),
            pltpu.VMEM((n_pad,), jnp.float32),
        ],
        compiler_params=_SC_PARAMS,
    )
    def deg_kernel(src_hbm, dst_hbm, zflat_hbm, out_hbm,
                   se_v, de_v, hist_o, hist_i):
        c = lax.axis_index("c")
        s = lax.axis_index("s")
        wid = c * NS + s
        pltpu.sync_copy(src_hbm.at[wid], se_v)
        pltpu.sync_copy(dst_hbm.at[wid], de_v)
        pltpu.sync_copy(zflat_hbm, hist_o)
        pltpu.sync_copy(zflat_hbm, hist_i)

        ones = jnp.full((16,), 1.0, dtype=jnp.float32)

        def step(i, carry):
            off = i * 16
            vs = se_v[pl.ds(off, 16)]
            plsc.addupdate_scatter(hist_o, [vs], ones)
            vd = de_v[pl.ds(off, 16)]
            plsc.addupdate_scatter(hist_i, [vd], ones)
            return carry

        lax.fori_loop(0, nsteps, step, 0)

        pltpu.sync_copy(hist_o, out_hbm.at[wid, 0])
        pltpu.sync_copy(hist_i, out_hbm.at[wid, 1])

    return deg_kernel(src2, dst2, zflat)


def _scatter_sc(h, edgesA, edgesB, zeros_big, acc_rows):
    ka = edgesA.shape[1]
    kb = edgesB.shape[1]
    stride = (-(-acc_rows // NS) + 7) // 8 * 8
    last = acc_rows - (NS - 1) * stride
    assert 0 < last <= stride

    @functools.partial(
        pl.kernel,
        out_type=jax.ShapeDtypeStruct((NC, acc_rows, LANES), jnp.float32),
        mesh=_sc_mesh(),
        scratch_types=[
            pltpu.VMEM((SIB, 2, CHUNK), jnp.int32),
            pltpu.VMEM((NBUF, CHUNK, LANES), jnp.float32),
            pltpu.VMEM_SHARED((acc_rows, LANES), jnp.float32),
            pltpu.SemaphoreType.DMA((SIB,)),
            pltpu.SemaphoreType.DMA((NBUF,)),
            pltpu.SemaphoreType.DMA((NBUF,)),
        ],
        compiler_params=_SC_PARAMS,
    )
    def scat_kernel(h_hbm, edgesA_hbm, edgesB_hbm, zeros_hbm, out_hbm,
                    idx_v, rows_v, acc_sh, isems, gsems, ssems):
        c = lax.axis_index("c")
        s = lax.axis_index("s")

        def run(edges_hbm, k_chunks):
            def idx_fetch(j, b):
                pltpu.async_copy(edges_hbm.at[s, j], idx_v.at[b],
                                 isems.at[b])

            def idx_wait(j, b):
                pltpu.make_async_copy(
                    edges_hbm.at[s, j], idx_v.at[b], isems.at[b]).wait()

            def gather(b, rb):
                pltpu.async_copy(h_hbm.at[idx_v.at[b, 0]], rows_v.at[rb],
                                 gsems.at[rb])

            def gather_wait(b, rb):
                pltpu.make_async_copy(h_hbm.at[idx_v.at[b, 0]],
                                      rows_v.at[rb], gsems.at[rb]).wait()

            def scat(b, rb):
                pltpu.async_copy(rows_v.at[rb], acc_sh.at[idx_v.at[b, 1]],
                                 ssems.at[rb], add=True)

            def scat_wait(b, rb):
                pltpu.make_async_copy(rows_v.at[rb],
                                      acc_sh.at[idx_v.at[b, 1]],
                                      ssems.at[rb]).wait()

            for p in range(SIB):
                idx_fetch(p, p)

            def step(j, carry):
                ib = lax.rem(j, SIB)
                rb = lax.rem(j, NBUF)

                @pl.when(j >= NBUF)
                def _():
                    fb = lax.rem(j - NBUF, SIB)
                    scat_wait(fb, rb)

                    @pl.when(j - NBUF + SIB < k_chunks)
                    def _():
                        idx_fetch(j - NBUF + SIB, fb)

                idx_wait(j, ib)
                gather(ib, rb)

                @pl.when(j >= 1)
                def _():
                    pb = lax.rem(j - 1, SIB)
                    prb = lax.rem(j - 1, NBUF)
                    gather_wait(pb, prb)
                    scat(pb, prb)

                return carry

            lax.fori_loop(0, k_chunks, step, 0, unroll=2)

            jl = k_chunks - 1
            gather_wait(lax.rem(jl, SIB), lax.rem(jl, NBUF))
            scat(lax.rem(jl, SIB), lax.rem(jl, NBUF))
            for t in range(NBUF):
                jt = k_chunks - NBUF + t
                scat_wait(lax.rem(jt, SIB), lax.rem(jt, NBUF))

        @pl.when(s < NS - 1)
        def _():
            pltpu.sync_copy(zeros_hbm.at[pl.ds(s * stride, stride)],
                            acc_sh.at[pl.ds(s * stride, stride)])

        @pl.when(s == NS - 1)
        def _():
            pltpu.sync_copy(zeros_hbm.at[pl.ds((NS - 1) * stride, last)],
                            acc_sh.at[pl.ds((NS - 1) * stride, last)])

        plsc.subcore_barrier()

        @pl.when(c == 0)
        def _():
            run(edgesA_hbm, ka)

        @pl.when(c == 1)
        def _():
            run(edgesB_hbm, kb)

        plsc.subcore_barrier()

        @pl.when(s < NS - 1)
        def _():
            pltpu.sync_copy(acc_sh.at[pl.ds(s * stride, stride)],
                            out_hbm.at[c, pl.ds(s * stride, stride)])

        @pl.when(s == NS - 1)
        def _():
            pltpu.sync_copy(acc_sh.at[pl.ds((NS - 1) * stride, last)],
                            out_hbm.at[c, pl.ds((NS - 1) * stride, last)])

    return scat_kernel(h, edgesA, edgesB, zeros_big)


def _tc_norms(deg_raw, nrows):
    def body(deg_ref, norm_ref):
        deg = jnp.sum(deg_ref[...], axis=0)
        norm_ref[...] = jnp.where(deg > 0, lax.rsqrt(deg), 0.0)

    return pl.pallas_call(
        body,
        out_shape=jax.ShapeDtypeStruct((2, nrows, LANES), jnp.float32),
    )(deg_raw)


def _tc_scale(x, nsrc_col, blk):
    n = x.shape[0]

    def body(x_ref, ns_ref, h0_ref):
        h0_ref[...] = x_ref[...] * ns_ref[...]

    return pl.pallas_call(
        body,
        grid=(n // blk,),
        in_specs=[
            pl.BlockSpec((blk, LANES), lambda i: (i, 0)),
            pl.BlockSpec((blk, 1), lambda i: (i, 0)),
        ],
        out_specs=pl.BlockSpec((blk, LANES), lambda i: (i, 0)),
        out_shape=jax.ShapeDtypeStruct((n, LANES), jnp.float32),
    )(x, nsrc_col)


def _tc_mid(agg1, ndst, nsrc, W1, b1_2d, W2, n, blk):
    d_in, d_hid = W1.shape
    d_out = W2.shape[1]

    def body(p_ref, nd_ref, ns_ref, w1_ref, b1_ref, w2_ref, g_ref):
        a = (p_ref[0] + p_ref[1]) * nd_ref[...]
        h = jnp.dot(a, w1_ref[...], preferred_element_type=jnp.float32)
        h = jnp.maximum(h + b1_ref[...], 0.0)
        g_ref[...] = jnp.dot(h * ns_ref[...], w2_ref[...],
                             preferred_element_type=jnp.float32)

    return pl.pallas_call(
        body,
        grid=(n // blk,),
        in_specs=[
            pl.BlockSpec((NC, blk, d_in), lambda i: (0, i, 0)),
            pl.BlockSpec((blk, 1), lambda i: (i, 0)),
            pl.BlockSpec((blk, 1), lambda i: (i, 0)),
            pl.BlockSpec((d_in, d_hid), lambda i: (0, 0)),
            pl.BlockSpec((1, d_hid), lambda i: (0, 0)),
            pl.BlockSpec((d_hid, d_out), lambda i: (0, 0)),
        ],
        out_specs=pl.BlockSpec((blk, d_out), lambda i: (i, 0)),
        out_shape=jax.ShapeDtypeStruct((n, d_out), jnp.float32),
    )(agg1, ndst, nsrc, W1, b1_2d, W2)


def _tc_final(agg2, ndst, b2_2d, n, blk):
    d_out = b2_2d.shape[1]

    def body(q_ref, nd_ref, b2_ref, o_ref):
        o_ref[...] = (q_ref[0] + q_ref[1]) * nd_ref[...] + b2_ref[...]

    return pl.pallas_call(
        body,
        grid=(n // blk,),
        in_specs=[
            pl.BlockSpec((NC, blk, d_out), lambda i: (0, i, 0)),
            pl.BlockSpec((blk, 1), lambda i: (i, 0)),
            pl.BlockSpec((1, d_out), lambda i: (0, 0)),
        ],
        out_specs=pl.BlockSpec((blk, d_out), lambda i: (i, 0)),
        out_shape=jax.ShapeDtypeStruct((n, d_out), jnp.float32),
    )(agg2, ndst, b2_2d)


def kernel(x, edge_index, W1, b1, W2, b2):
    n = x.shape[0]
    e = edge_index.shape[1]

    nrows = -(-(n + 1) // LANES)
    if nrows % 8:
        nrows += 8 - nrows % 8
    n_pad = nrows * LANES
    t_chunks = -(-e // (NS * CHUNK))
    ka = max(SIB, min(t_chunks - SIB, round(t_chunks * 0.73)))
    kb = t_chunks - ka
    e_pad = NS * t_chunks * CHUNK
    epw = e_pad // NW

    blk = 8
    for cand in (1024, 1000, 800, 640, 512, 400, 256, 200, 128, 80, 40, 16):
        if n % cand == 0:
            blk = cand
            break

    src = edge_index[0].astype(jnp.int32)
    dst = edge_index[1].astype(jnp.int32)
    pad_idx = jnp.full((e_pad - e,), n, dtype=jnp.int32)
    src2 = jnp.concatenate([src, pad_idx]).reshape(NW, epw)
    dst2 = jnp.concatenate([dst, pad_idx]).reshape(NW, epw)
    src_p = jnp.concatenate([src, jnp.zeros((e_pad - e,), jnp.int32)])
    dst_p = jnp.concatenate([dst, pad_idx])
    ea = NS * ka * CHUNK
    edgesA = jnp.stack([src_p[:ea].reshape(NS, ka, CHUNK),
                        dst_p[:ea].reshape(NS, ka, CHUNK)], axis=2)
    edgesB = jnp.stack([src_p[ea:].reshape(NS, kb, CHUNK),
                        dst_p[ea:].reshape(NS, kb, CHUNK)], axis=2)

    acc_rows = -(-(n + 1) // NS) * NS
    zflat = jnp.zeros((n_pad,), dtype=jnp.float32)
    zeros_big = jnp.zeros((acc_rows, LANES), dtype=jnp.float32)
    b1_2d = b1.reshape(1, -1)
    b2_2d = b2.reshape(1, -1)

    deg_raw = _degree_sc(src2, dst2, zflat, n_pad)

    norms_col = _tc_norms(deg_raw.reshape(NW, 2, nrows, LANES),
                          nrows).reshape(2, n_pad, 1)
    nsrc = norms_col[0]
    ndst = norms_col[1]
    h0 = _tc_scale(x, nsrc, blk)
    agg1 = _scatter_sc(h0, edgesA, edgesB, zeros_big, acc_rows)
    g = _tc_mid(agg1, ndst, nsrc, W1, b1_2d, W2, n, blk)
    agg2 = _scatter_sc(g, edgesA, edgesB, zeros_big, acc_rows)
    return _tc_final(agg2, ndst, b2_2d, n, blk)

# --- scband reference (transcript-rebuilt; emitter-appended) ---
"""Pipeline reference for scband-actor-52673478918343 (READ-ONLY COPY).

The authoritative reference and input builder live on the scoring server;
editing this copy changes nothing except your own understanding.
"""

import jax, jax.numpy as jnp
import numpy as np

N = 10000
E = 320000
D_IN = 128
D_HID = 256
D_OUT = 128


def setup_inputs(seed: int = 0) -> dict:
    key = jax.random.key(seed)
    k1, k2, k3, k4, k5, k6 = jax.random.split(key, 6)
    x = jax.random.normal(k1, (N, D_IN), dtype=jnp.float32)
    edge_index = jax.random.randint(k2, (2, E), 0, N)
    W1 = jax.random.normal(k3, (D_IN, D_HID), dtype=jnp.float32) * (1.0 / np.sqrt(D_IN))
    b1 = jnp.zeros((D_HID,), dtype=jnp.float32)
    W2 = jax.random.normal(k4, (D_HID, D_OUT), dtype=jnp.float32) * (1.0 / np.sqrt(D_HID))
    b2 = jnp.zeros((D_OUT,), dtype=jnp.float32)
    return {"x": x, "edge_index": edge_index, "W1": W1, "b1": b1, "W2": W2, "b2": b2}


def _graph_conv(x, W, b, src, dst, n):
    # DGL GraphConv with norm='both':
    #   h = D_in^{-1/2} * A * D_out^{-1/2} * x * W + b
    ones = jnp.ones((src.shape[0],), dtype=x.dtype)
    deg_out = jax.ops.segment_sum(ones, src, num_segments=n)
    deg_in = jax.ops.segment_sum(ones, dst, num_segments=n)
    norm_src = jnp.where(deg_out > 0, deg_out ** -0.5, 0.0)
    norm_dst = jnp.where(deg_in > 0, deg_in ** -0.5, 0.0)
    h = x * norm_src[:, None]
    msgs = jnp.take(h, src, axis=0)
    agg = jax.ops.segment_sum(msgs, dst, num_segments=n)
    agg = agg * norm_dst[:, None]
    return agg @ W + b


def reference(x, edge_index, W1, b1, W2, b2):
    src = edge_index[0]
    dst = edge_index[1]
    h = _graph_conv(x, W1, b1, src, dst, N)
    h = jax.nn.relu(h)
    out = _graph_conv(h, W2, b2, src, dst, N)
    return out

if __name__ == "__main__":
    import jax
    _d = setup_inputs()
    print(jax.jit(kernel)(*tuple(_d.values())))

</pallas_src>

<mosaic_0001>
#map = affine_map<(d0, d1) -> (0, 0)>
#map1 = affine_map<(d0, d1) -> (0)>
#map2 = affine_map<(d0, d1) -> (0, 0, 0)>
module attributes {stable_mosaic.version = 14 : i64} {
  func.func @deg_kernel(%arg0: i32, %arg1: i32, %arg2: memref<32x10048xi32, #tpu.memory_space<hbm>>, %arg3: memref<32x10048xi32, #tpu.memory_space<hbm>>, %arg4: memref<10240xf32, #tpu.memory_space<hbm>>, %arg5: memref<32x2x10240xf32, #tpu.memory_space<hbm>>, %arg6: memref<10048xi32, #tpu.memory_space<vmem>>, %arg7: memref<10048xi32, #tpu.memory_space<vmem>>, %arg8: memref<10240xf32, #tpu.memory_space<vmem>>, %arg9: memref<10240xf32, #tpu.memory_space<vmem>>) attributes {dimension_semantics = [#tpu.dimension_semantics<core_parallel>, #tpu.dimension_semantics<subcore_parallel>], iteration_bounds = array<i64: 2, 16>, scalar_prefetch = 0 : i64, scratch_operands = 4 : i64, tpu.core_type = #tpu.core_type<sc_vector_subcore>, window_params = [{transform_indices = #map}, {transform_indices = #map}, {transform_indices = #map1}, {transform_indices = #map2}]} {
    %mul3A = arith.constant 16 : i32
    %mul3A_0 = arith.muli %arg0, %mul3A : i32
    %add3A = arith.addi %mul3A_0, %arg1 : i32
    "tpu.region"() ({
      %run_scoped3A_8 = tpu.sem_alloc : memref<!tpu.dma_semaphore, #tpu.memory_space<semaphore_mem>>
      %dma_start3A = arith.constant 0 : i32
      %dma_start3A_9 = tpu.memref_slice %arg2[%add3A, %dma_start3A] : memref<32x10048xi32, #tpu.memory_space<hbm>> -> memref<1x10048xi32, #tpu.memory_space<hbm>>
      %dma_start3A_10 = tpu.memref_squeeze %dma_start3A_9 : memref<1x10048xi32, #tpu.memory_space<hbm>> -> memref<10048xi32, #tpu.memory_space<hbm>>
      %dma_start3A_11 = arith.constant 0 : i32
      %dma_start3A_12 = tpu.memref_slice %arg2[%add3A, %dma_start3A_11] : memref<32x10048xi32, #tpu.memory_space<hbm>> -> memref<1x10048xi32, #tpu.memory_space<hbm>>
      %dma_start3A_13 = tpu.memref_squeeze %dma_start3A_12 : memref<1x10048xi32, #tpu.memory_space<hbm>> -> memref<10048xi32, #tpu.memory_space<hbm>>
      tpu.enqueue_dma source(%dma_start3A_13 : memref<10048xi32, #tpu.memory_space<hbm>>) target(%arg6 : memref<10048xi32, #tpu.memory_space<vmem>>) target_semaphore(%run_scoped3A_8 : memref<!tpu.dma_semaphore, #tpu.memory_space<semaphore_mem>>)
      %dma_wait3A = arith.constant 0 : i32
      %dma_wait3A_14 = tpu.memref_slice %arg2[%add3A, %dma_wait3A] : memref<32x10048xi32, #tpu.memory_space<hbm>> -> memref<1x10048xi32, #tpu.memory_space<hbm>>
      %dma_wait3A_15 = tpu.memref_squeeze %dma_wait3A_14 : memref<1x10048xi32, #tpu.memory_space<hbm>> -> memref<10048xi32, #tpu.memory_space<hbm>>
      %dma_wait3A_16 = arith.constant 0 : i32
      %dma_wait3A_17 = tpu.memref_slice %arg2[%add3A, %dma_wait3A_16] : memref<32x10048xi32, #tpu.memory_space<hbm>> -> memref<1x10048xi32, #tpu.memory_space<hbm>>
      %dma_wait3A_18 = tpu.memref_squeeze %dma_wait3A_17 : memref<1x10048xi32, #tpu.memory_space<hbm>> -> memref<10048xi32, #tpu.memory_space<hbm>>
      tpu.wait_dma2 semaphore(%run_scoped3A_8 : memref<!tpu.dma_semaphore, #tpu.memory_space<semaphore_mem>>) src(%dma_wait3A_18 : memref<10048xi32, #tpu.memory_space<hbm>>) dst(%arg6 : memref<10048xi32, #tpu.memory_space<vmem>>)
      tpu.yield
    }) : () -> ()
    "tpu.region"() ({
      %run_scoped3A_8 = tpu.sem_alloc : memref<!tpu.dma_semaphore, #tpu.memory_space<semaphore_mem>>
      %dma_start3A = arith.constant 0 : i32
      %dma_start3A_9 = tpu.memref_slice %arg3[%add3A, %dma_start3A] : memref<32x10048xi32, #tpu.memory_space<hbm>> -> memref<1x10048xi32, #tpu.memory_space<hbm>>
      %dma_start3A_10 = tpu.memref_squeeze %dma_start3A_9 : memref<1x10048xi32, #tpu.memory_space<hbm>> -> memref<10048xi32, #tpu.memory_space<hbm>>
      %dma_start3A_11 = arith.constant 0 : i32
      %dma_start3A_12 = tpu.memref_slice %arg3[%add3A, %dma_start3A_11] : memref<32x10048xi32, #tpu.memory_space<hbm>> -> memref<1x10048xi32, #tpu.memory_space<hbm>>
      %dma_start3A_13 = tpu.memref_squeeze %dma_start3A_12 : memref<1x10048xi32, #tpu.memory_space<hbm>> -> memref<10048xi32, #tpu.memory_space<hbm>>
      tpu.enqueue_dma source(%dma_start3A_13 : memref<10048xi32, #tpu.memory_space<hbm>>) target(%arg7 : memref<10048xi32, #tpu.memory_space<vmem>>) target_semaphore(%run_scoped3A_8 : memref<!tpu.dma_semaphore, #tpu.memory_space<semaphore_mem>>)
      %dma_wait3A = arith.constant 0 : i32
      %dma_wait3A_14 = tpu.memref_slice %arg3[%add3A, %dma_wait3A] : memref<32x10048xi32, #tpu.memory_space<hbm>> -> memref<1x10048xi32, #tpu.memory_space<hbm>>
      %dma_wait3A_15 = tpu.memref_squeeze %dma_wait3A_14 : memref<1x10048xi32, #tpu.memory_space<hbm>> -> memref<10048xi32, #tpu.memory_space<hbm>>
      %dma_wait3A_16 = arith.constant 0 : i32
      %dma_wait3A_17 = tpu.memref_slice %arg3[%add3A, %dma_wait3A_16] : memref<32x10048xi32, #tpu.memory_space<hbm>> -> memref<1x10048xi32, #tpu.memory_space<hbm>>
      %dma_wait3A_18 = tpu.memref_squeeze %dma_wait3A_17 : memref<1x10048xi32, #tpu.memory_space<hbm>> -> memref<10048xi32, #tpu.memory_space<hbm>>
      tpu.wait_dma2 semaphore(%run_scoped3A_8 : memref<!tpu.dma_semaphore, #tpu.memory_space<semaphore_mem>>) src(%dma_wait3A_18 : memref<10048xi32, #tpu.memory_space<hbm>>) dst(%arg7 : memref<10048xi32, #tpu.memory_space<vmem>>)
      tpu.yield
    }) : () -> ()
    "tpu.region"() ({
      %run_scoped3A_8 = tpu.sem_alloc : memref<!tpu.dma_semaphore, #tpu.memory_space<semaphore_mem>>
      tpu.enqueue_dma source(%arg4 : memref<10240xf32, #tpu.memory_space<hbm>>) target(%arg8 : memref<10240xf32, #tpu.memory_space<vmem>>) target_semaphore(%run_scoped3A_8 : memref<!tpu.dma_semaphore, #tpu.memory_space<semaphore_mem>>)
      tpu.wait_dma2 semaphore(%run_scoped3A_8 : memref<!tpu.dma_semaphore, #tpu.memory_space<semaphore_mem>>) src(%arg4 : memref<10240xf32, #tpu.memory_space<hbm>>) dst(%arg8 : memref<10240xf32, #tpu.memory_space<vmem>>)
      tpu.yield
    }) : () -> ()
    "tpu.region"() ({
      %run_scoped3A_8 = tpu.sem_alloc : memref<!tpu.dma_semaphore, #tpu.memory_space<semaphore_mem>>
      tpu.enqueue_dma source(%arg4 : memref<10240xf32, #tpu.memory_space<hbm>>) target(%arg9 : memref<10240xf32, #tpu.memory_space<vmem>>) target_semaphore(%run_scoped3A_8 : memref<!tpu.dma_semaphore, #tpu.memory_space<semaphore_mem>>)
      tpu.wait_dma2 semaphore(%run_scoped3A_8 : memref<!tpu.dma_semaphore, #tpu.memory_space<semaphore_mem>>) src(%arg4 : memref<10240xf32, #tpu.memory_space<hbm>>) dst(%arg9 : memref<10240xf32, #tpu.memory_space<vmem>>)
      tpu.yield
    }) : () -> ()
    %broadcast_in_dim3A = arith.constant 1.000000e+00 : f32
    %broadcast_in_dim3A_1 = vector.broadcast %broadcast_in_dim3A : f32 to vector<16xf32>
    %scan3A = arith.constant 0 : i32
    %scan3A_2 = arith.constant 0 : i32
    %scan3A_3 = arith.constant 628 : i32
    %scan3A_4 = arith.addi %scan3A_2, %scan3A_3 : i32
    %scan3A_5 = arith.constant 1 : i32
    scf.for %scan3A_8 = %scan3A_2 to %scan3A_4 step %scan3A_5  : i32 {
      %mul3A_9 = arith.constant 16 : i32
      %mul3A_10 = arith.muli %scan3A_8, %mul3A_9 : i32
      %get3A = arith.index_cast %mul3A_10 : i32 to index
      %get3A_11 = tpu.vector_load %arg6[%get3A] {strides = array<i32>} : memref<10048xi32, #tpu.memory_space<vmem>>, vector<16xi32>,
      tpu.vector_store_idx %arg8[%get3A_11], %broadcast_in_dim3A_1 {add = true} : memref<10240xf32, #tpu.memory_space<vmem>>[vector<16xi32>], vector<16xf32>,
      %get3A_12 = arith.index_cast %mul3A_10 : i32 to index
      %get3A_13 = tpu.vector_load %arg7[%get3A_12] {strides = array<i32>} : memref<10048xi32, #tpu.memory_space<vmem>>, vector<16xi32>,
      tpu.vector_store_idx %arg9[%get3A_13], %broadcast_in_dim3A_1 {add = true} : memref<10240xf32, #tpu.memory_space<vmem>>[vector<16xi32>], vector<16xf32>,
    }
    %scan3A_6 = arith.constant 628 : i32
    %run_scoped3A = arith.constant 0 : i32
    "tpu.region"() ({
      %run_scoped3A_8 = tpu.sem_alloc : memref<!tpu.dma_semaphore, #tpu.memory_space<semaphore_mem>>
      %dma_start3A = arith.constant 0 : i32
      %dma_start3A_9 = tpu.memref_slice %arg5[%add3A, %run_scoped3A, %dma_start3A] : memref<32x2x10240xf32, #tpu.memory_space<hbm>> -> memref<1x1x10240xf32, #tpu.memory_space<hbm>>
      %dma_start3A_10 = tpu.memref_squeeze %dma_start3A_9 : memref<1x1x10240xf32, #tpu.memory_space<hbm>> -> memref<10240xf32, #tpu.memory_space<hbm>>
      %dma_start3A_11 = arith.constant 0 : i32
      %dma_start3A_12 = tpu.memref_slice %arg5[%add3A, %run_scoped3A, %dma_start3A_11] : memref<32x2x10240xf32, #tpu.memory_space<hbm>> -> memref<1x1x10240xf32, #tpu.memory_space<hbm>>
      %dma_start3A_13 = tpu.memref_squeeze %dma_start3A_12 : memref<1x1x10240xf32, #tpu.memory_space<hbm>> -> memref<10240xf32, #tpu.memory_space<hbm>>
      tpu.enqueue_dma source(%arg8 : memref<10240xf32, #tpu.memory_space<vmem>>) target(%dma_start3A_13 : memref<10240xf32, #tpu.memory_space<hbm>>) target_semaphore(%run_scoped3A_8 : memref<!tpu.dma_semaphore, #tpu.memory_space<semaphore_mem>>)
      %dma_wait3A = arith.constant 0 : i32
      %dma_wait3A_14 = tpu.memref_slice %arg5[%add3A, %run_scoped3A, %dma_wait3A] : memref<32x2x10240xf32, #tpu.memory_space<hbm>> -> memref<1x1x10240xf32, #tpu.memory_space<hbm>>
      %dma_wait3A_15 = tpu.memref_squeeze %dma_wait3A_14 : memref<1x1x10240xf32, #tpu.memory_space<hbm>> -> memref<10240xf32, #tpu.memory_space<hbm>>
      %dma_wait3A_16 = arith.constant 0 : i32
      %dma_wait3A_17 = tpu.memref_slice %arg5[%add3A, %run_scoped3A, %dma_wait3A_16] : memref<32x2x10240xf32, #tpu.memory_space<hbm>> -> memref<1x1x10240xf32, #tpu.memory_space<hbm>>
      %dma_wait3A_18 = tpu.memref_squeeze %dma_wait3A_17 : memref<1x1x10240xf32, #tpu.memory_space<hbm>> -> memref<10240xf32, #tpu.memory_space<hbm>>
      tpu.wait_dma2 semaphore(%run_scoped3A_8 : memref<!tpu.dma_semaphore, #tpu.memory_space<semaphore_mem>>) src(%arg8 : memref<10240xf32, #tpu.memory_space<vmem>>) dst(%dma_wait3A_18 : memref<10240xf32, #tpu.memory_space<hbm>>)
      tpu.yield
    }) : () -> ()
    %run_scoped3A_7 = arith.constant 1 : i32
    "tpu.region"() ({
      %run_scoped3A_8 = tpu.sem_alloc : memref<!tpu.dma_semaphore, #tpu.memory_space<semaphore_mem>>
      %dma_start3A = arith.constant 0 : i32
      %dma_start3A_9 = tpu.memref_slice %arg5[%add3A, %run_scoped3A_7, %dma_start3A] : memref<32x2x10240xf32, #tpu.memory_space<hbm>> -> memref<1x1x10240xf32, #tpu.memory_space<hbm>>
      %dma_start3A_10 = tpu.memref_squeeze %dma_start3A_9 : memref<1x1x10240xf32, #tpu.memory_space<hbm>> -> memref<10240xf32, #tpu.memory_space<hbm>>
      %dma_start3A_11 = arith.constant 0 : i32
      %dma_start3A_12 = tpu.memref_slice %arg5[%add3A, %run_scoped3A_7, %dma_start3A_11] : memref<32x2x10240xf32, #tpu.memory_space<hbm>> -> memref<1x1x10240xf32, #tpu.memory_space<hbm>>
      %dma_start3A_13 = tpu.memref_squeeze %dma_start3A_12 : memref<1x1x10240xf32, #tpu.memory_space<hbm>> -> memref<10240xf32, #tpu.memory_space<hbm>>
      tpu.enqueue_dma source(%arg9 : memref<10240xf32, #tpu.memory_space<vmem>>) target(%dma_start3A_13 : memref<10240xf32, #tpu.memory_space<hbm>>) target_semaphore(%run_scoped3A_8 : memref<!tpu.dma_semaphore, #tpu.memory_space<semaphore_mem>>)
      %dma_wait3A = arith.constant 0 : i32
      %dma_wait3A_14 = tpu.memref_slice %arg5[%add3A, %run_scoped3A_7, %dma_wait3A] : memref<32x2x10240xf32, #tpu.memory_space<hbm>> -> memref<1x1x10240xf32, #tpu.memory_space<hbm>>
      %dma_wait3A_15 = tpu.memref_squeeze %dma_wait3A_14 : memref<1x1x10240xf32, #tpu.memory_space<hbm>> -> memref<10240xf32, #tpu.memory_space<hbm>>
      %dma_wait3A_16 = arith.constant 0 : i32
      %dma_wait3A_17 = tpu.memref_slice %arg5[%add3A, %run_scoped3A_7, %dma_wait3A_16] : memref<32x2x10240xf32, #tpu.memory_space<hbm>> -> memref<1x1x10240xf32, #tpu.memory_space<hbm>>
      %dma_wait3A_18 = tpu.memref_squeeze %dma_wait3A_17 : memref<1x1x10240xf32, #tpu.memory_space<hbm>> -> memref<10240xf32, #tpu.memory_space<hbm>>
      tpu.wait_dma2 semaphore(%run_scoped3A_8 : memref<!tpu.dma_semaphore, #tpu.memory_space<semaphore_mem>>) src(%arg9 : memref<10240xf32, #tpu.memory_space<vmem>>) dst(%dma_wait3A_18 : memref<10240xf32, #tpu.memory_space<hbm>>)
      tpu.yield
    }) : () -> ()
    return
  }
}

#map = affine_map<(d0, d1) -> (0, 0)>
#map1 = affine_map<(d0, d1) -> (0, 0, 0, 0)>
#map2 = affine_map<(d0, d1) -> (0, 0, 0)>
module attributes {stable_mosaic.version = 14 : i64} {
  func.func @scat_kernel(%arg0: i32, %arg1: i32, %arg2: memref<10000x128xf32, #tpu.memory_space<hbm>>, %arg3: memref<16x115x2x128xi32, #tpu.memory_space<hbm>>, %arg4: memref<16x42x2x128xi32, #tpu.memory_space<hbm>>, %arg5: memref<10016x128xf32, #tpu.memory_space<hbm>>, %arg6: memref<2x10016x128xf32, #tpu.memory_space<hbm>>, %arg7: memref<5x2x128xi32, #tpu.memory_space<vmem>>, %arg8: memref<3x128x128xf32, #tpu.memory_space<vmem>>, %arg9: memref<10016x128xf32, #tpu.memory_space<vmem_shared>>, %arg10: memref<5x!tpu.dma_semaphore, #tpu.memory_space<semaphore_mem>>, %arg11: memref<3x!tpu.dma_semaphore, #tpu.memory_space<semaphore_mem>>, %arg12: memref<3x!tpu.dma_semaphore, #tpu.memory_space<semaphore_mem>>) attributes {dimension_semantics = [#tpu.dimension_semantics<core_parallel>, #tpu.dimension_semantics<subcore_parallel>], iteration_bounds = array<i64: 2, 16>, scalar_prefetch = 0 : i64, scratch_operands = 6 : i64, tpu.core_type = #tpu.core_type<sc_vector_subcore>, window_params = [{transform_indices = #map}, {transform_indices = #map1}, {transform_indices = #map1}, {transform_indices = #map}, {transform_indices = #map2}]} {
    %lt3A = arith.constant 15 : i32
    %lt3A_0 = arith.cmpi slt, %arg1, %lt3A : i32
    %convert_element_type3A = arith.extui %lt3A_0 : i1 to i32
    %cond3A = arith.constant 0 : i32
    %cond3A_1 = arith.cmpi ne, %convert_element_type3A, %cond3A : i32
    scf.if %cond3A_1 {
      %mul3A = arith.constant 632 : i32
      %mul3A_27 = arith.muli %arg1, %mul3A : i32
      %mul3A_28 = arith.constant 632 : i32
      %mul3A_29 = arith.muli %arg1, %mul3A_28 : i32
      "tpu.region"() ({
        %run_scoped3A = tpu.sem_alloc : memref<!tpu.dma_semaphore, #tpu.memory_space<semaphore_mem>>
        %dma_start3A = arith.constant 0 : i32
        %dma_start3A_30 = tpu.memref_slice %arg9[%mul3A_29, %dma_start3A] : memref<10016x128xf32, #tpu.memory_space<vmem_shared>> -> memref<632x128xf32, #tpu.memory_space<vmem_shared>>
        %dma_start3A_31 = arith.constant 0 : i32
        %dma_start3A_32 = tpu.memref_slice %arg5[%mul3A_27, %dma_start3A_31] : memref<10016x128xf32, #tpu.memory_space<hbm>> -> memref<632x128xf32, #tpu.memory_space<hbm>>
        tpu.enqueue_dma source(%dma_start3A_32 : memref<632x128xf32, #tpu.memory_space<hbm>>) target(%dma_start3A_30 : memref<632x128xf32, #tpu.memory_space<vmem_shared>>) target_semaphore(%run_scoped3A : memref<!tpu.dma_semaphore, #tpu.memory_space<semaphore_mem>>)
        %dma_wait3A = arith.constant 0 : i32
        %dma_wait3A_33 = tpu.memref_slice %arg9[%mul3A_29, %dma_wait3A] : memref<10016x128xf32, #tpu.memory_space<vmem_shared>> -> memref<632x128xf32, #tpu.memory_space<vmem_shared>>
        %dma_wait3A_34 = arith.constant 0 : i32
        %dma_wait3A_35 = tpu.memref_slice %arg5[%mul3A_27, %dma_wait3A_34] : memref<10016x128xf32, #tpu.memory_space<hbm>> -> memref<632x128xf32, #tpu.memory_space<hbm>>
        tpu.wait_dma2 semaphore(%run_scoped3A : memref<!tpu.dma_semaphore, #tpu.memory_space<semaphore_mem>>) src(%dma_wait3A_35 : memref<632x128xf32, #tpu.memory_space<hbm>>) dst(%dma_wait3A_33 : memref<632x128xf32, #tpu.memory_space<vmem_shared>>)
        tpu.yield
      }) : () -> ()
    } else {
    }
    %eq3A = arith.constant 15 : i32
    %eq3A_2 = arith.cmpi eq, %arg1, %eq3A : i32
    %convert_element_type3A_3 = arith.extui %eq3A_2 : i1 to i32
    %cond3A_4 = arith.constant 0 : i32
    %cond3A_5 = arith.cmpi ne, %convert_element_type3A_3, %cond3A_4 : i32
    scf.if %cond3A_5 {
      "tpu.region"() ({
        %run_scoped3A = tpu.sem_alloc : memref<!tpu.dma_semaphore, #tpu.memory_space<semaphore_mem>>
        %dma_start3A = arith.constant 9480 : i32
        %dma_start3A_27 = arith.constant 0 : i32
        %dma_start3A_28 = tpu.memref_slice %arg9[%dma_start3A, %dma_start3A_27] : memref<10016x128xf32, #tpu.memory_space<vmem_shared>> -> memref<536x128xf32, #tpu.memory_space<vmem_shared>>
        %dma_start3A_29 = arith.constant 9480 : i32
        %dma_start3A_30 = arith.constant 0 : i32
        %dma_start3A_31 = tpu.memref_slice %arg5[%dma_start3A_29, %dma_start3A_30] : memref<10016x128xf32, #tpu.memory_space<hbm>> -> memref<536x128xf32, #tpu.memory_space<hbm>>
        tpu.enqueue_dma source(%dma_start3A_31 : memref<536x128xf32, #tpu.memory_space<hbm>>) target(%dma_start3A_28 : memref<536x128xf32, #tpu.memory_space<vmem_shared>>) target_semaphore(%run_scoped3A : memref<!tpu.dma_semaphore, #tpu.memory_space<semaphore_mem>>)
        %dma_wait3A = arith.constant 9480 : i32
        %dma_wait3A_32 = arith.constant 0 : i32
        %dma_wait3A_33 = tpu.memref_slice %arg9[%dma_wait3A, %dma_wait3A_32] : memref<10016x128xf32, #tpu.memory_space<vmem_shared>> -> memref<536x128xf32, #tpu.memory_space<vmem_shared>>
        %dma_wait3A_34 = arith.constant 9480 : i32
        %dma_wait3A_35 = arith.constant 0 : i32
        %dma_wait3A_36 = tpu.memref_slice %arg5[%dma_wait3A_34, %dma_wait3A_35] : memref<10016x128xf32, #tpu.memory_space<hbm>> -> memref<536x128xf32, #tpu.memory_space<hbm>>
        tpu.wait_dma2 semaphore(%run_scoped3A : memref<!tpu.dma_semaphore, #tpu.memory_space<semaphore_mem>>) src(%dma_wait3A_36 : memref<536x128xf32, #tpu.memory_space<hbm>>) dst(%dma_wait3A_33 : memref<536x128xf32, #tpu.memory_space<vmem_shared>>)
        tpu.yield
      }) : () -> ()
    } else {
    }
    %barrier3A = arith.constant 0 : index
    tpu.barrier barrier_id(%barrier3A)
    %eq3A_6 = arith.constant 0 : i32
    %eq3A_7 = arith.cmpi eq, %arg0, %eq3A_6 : i32
    %convert_element_type3A_8 = arith.extui %eq3A_7 : i1 to i32
    %cond3A_9 = arith.constant 0 : i32
    %cond3A_10 = arith.cmpi ne, %convert_element_type3A_8, %cond3A_9 : i32
    scf.if %cond3A_10 {
      %dma_start3A = arith.constant 0 : i32
      %dma_start3A_27 = arith.constant 0 : i32
      %dma_start3A_28 = arith.constant 0 : i32
      %dma_start3A_29 = arith.constant 0 : i32
      %dma_start3A_30 = arith.constant 0 : i32
      %dma_start3A_31 = tpu.memref_slice %arg7[%dma_start3A_27, %dma_start3A_29, %dma_start3A_30] : memref<5x2x128xi32, #tpu.memory_space<vmem>> -> memref<1x2x128xi32, #tpu.memory_space<vmem>>
      %dma_start3A_32 = tpu.memref_squeeze %dma_start3A_31 : memref<1x2x128xi32, #tpu.memory_space<vmem>> -> memref<2x128xi32, #tpu.memory_space<vmem>>
      %dma_start3A_33 = arith.constant 0 : i32
      %dma_start3A_34 = arith.constant 0 : i32
      %dma_start3A_35 = tpu.memref_slice %arg3[%arg1, %dma_start3A, %dma_start3A_33, %dma_start3A_34] : memref<16x115x2x128xi32, #tpu.memory_space<hbm>> -> memref<1x1x2x128xi32, #tpu.memory_space<hbm>>
      %dma_start3A_36 = tpu.memref_squeeze %dma_start3A_35 : memref<1x1x2x128xi32, #tpu.memory_space<hbm>> -> memref<2x128xi32, #tpu.memory_space<hbm>>
      %dma_start3A_37 = tpu.memref_slice %arg10[%dma_start3A_28] : memref<5x!tpu.dma_semaphore, #tpu.memory_space<semaphore_mem>> -> memref<1x!tpu.dma_semaphore, #tpu.memory_space<semaphore_mem>>
      %dma_start3A_38 = tpu.memref_squeeze %dma_start3A_37 : memref<1x!tpu.dma_semaphore, #tpu.memory_space<semaphore_mem>> -> memref<!tpu.dma_semaphore, #tpu.memory_space<semaphore_mem>>
      %dma_start3A_39 = arith.constant 0 : i32
      %dma_start3A_40 = arith.constant 0 : i32
      %dma_start3A_41 = tpu.memref_slice %arg7[%dma_start3A_27, %dma_start3A_39, %dma_start3A_40] : memref<5x2x128xi32, #tpu.memory_space<vmem>> -> memref<1x2x128xi32, #tpu.memory_space<vmem>>
      %dma_start3A_42 = tpu.memref_squeeze %dma_start3A_41 : memref<1x2x128xi32, #tpu.memory_space<vmem>> -> memref<2x128xi32, #tpu.memory_space<vmem>>
      %dma_start3A_43 = arith.constant 0 : i32
      %dma_start3A_44 = arith.constant 0 : i32
      %dma_start3A_45 = tpu.memref_slice %arg3[%arg1, %dma_start3A, %dma_start3A_43, %dma_start3A_44] : memref<16x115x2x128xi32, #tpu.memory_space<hbm>> -> memref<1x1x2x128xi32, #tpu.memory_space<hbm>>
      %dma_start3A_46 = tpu.memref_squeeze %dma_start3A_45 : memref<1x1x2x128xi32, #tpu.memory_space<hbm>> -> memref<2x128xi32, #tpu.memory_space<hbm>>
      tpu.enqueue_dma source(%dma_start3A_46 : memref<2x128xi32, #tpu.memory_space<hbm>>) target(%dma_start3A_42 : memref<2x128xi32, #tpu.memory_space<vmem>>) target_semaphore(%dma_start3A_38 : memref<!tpu.dma_semaphore, #tpu.memory_space<semaphore_mem>>)
      %dma_start3A_47 = arith.constant 1 : i32
      %dma_start3A_48 = arith.constant 1 : i32
      %dma_start3A_49 = arith.constant 1 : i32
      %dma_start3A_50 = arith.constant 0 : i32
      %dma_start3A_51 = arith.constant 0 : i32
      %dma_start3A_52 = tpu.memref_slice %arg7[%dma_start3A_48, %dma_start3A_50, %dma_start3A_51] : memref<5x2x128xi32, #tpu.memory_space<vmem>> -> memref<1x2x128xi32, #tpu.memory_space<vmem>>
      %dma_start3A_53 = tpu.memref_squeeze %dma_start3A_52 : memref<1x2x128xi32, #tpu.memory_space<vmem>> -> memref<2x128xi32, #tpu.memory_space<vmem>>
      %dma_start3A_54 = arith.constant 0 : i32
      %dma_start3A_55 = arith.constant 0 : i32
      %dma_start3A_56 = tpu.memref_slice %arg3[%arg1, %dma_start3A_47, %dma_start3A_54, %dma_start3A_55] : memref<16x115x2x128xi32, #tpu.memory_space<hbm>> -> memref<1x1x2x128xi32, #tpu.memory_space<hbm>>
      %dma_start3A_57 = tpu.memref_squeeze %dma_start3A_56 : memref<1x1x2x128xi32, #tpu.memory_space<hbm>> -> memref<2x128xi32, #tpu.memory_space<hbm>>
      %dma_start3A_58 = tpu.memref_slice %arg10[%dma_start3A_49] : memref<5x!tpu.dma_semaphore, #tpu.memory_space<semaphore_mem>> -> memref<1x!tpu.dma_semaphore, #tpu.memory_space<semaphore_mem>>
      %dma_start3A_59 = tpu.memref_squeeze %dma_start3A_58 : memref<1x!tpu.dma_semaphore, #tpu.memory_space<semaphore_mem>> -> memref<!tpu.dma_semaphore, #tpu.memory_space<semaphore_mem>>
      %dma_start3A_60 = arith.constant 0 : i32
      %dma_start3A_61 = arith.constant 0 : i32
      %dma_start3A_62 = tpu.memref_slice %arg7[%dma_start3A_48, %dma_start3A_60, %dma_start3A_61] : memref<5x2x128xi32, #tpu.memory_space<vmem>> -> memref<1x2x128xi32, #tpu.memory_space<vmem>>
      %dma_start3A_63 = tpu.memref_squeeze %dma_start3A_62 : memref<1x2x128xi32, #tpu.memory_space<vmem>> -> memref<2x128xi32, #tpu.memory_space<vmem>>
      %dma_start3A_64 = arith.constant 0 : i32
      %dma_start3A_65 = arith.constant 0 : i32
      %dma_start3A_66 = tpu.memref_slice %arg3[%arg1, %dma_start3A_47, %dma_start3A_64, %dma_start3A_65] : memref<16x115x2x128xi32, #tpu.memory_space<hbm>> -> memref<1x1x2x128xi32, #tpu.memory_space<hbm>>
      %dma_start3A_67 = tpu.memref_squeeze %dma_start3A_66 : memref<1x1x2x128xi32, #tpu.memory_space<hbm>> -> memref<2x128xi32, #tpu.memory_space<hbm>>
      tpu.enqueue_dma source(%dma_start3A_67 : memref<2x128xi32, #tpu.memory_space<hbm>>) target(%dma_start3A_63 : memref<2x128xi32, #tpu.memory_space<vmem>>) target_semaphore(%dma_start3A_59 : memref<!tpu.dma_semaphore, #tpu.memory_space<semaphore_mem>>)
      %dma_start3A_68 = arith.constant 2 : i32
      %dma_start3A_69 = arith.constant 2 : i32
      %dma_start3A_70 = arith.constant 2 : i32
      %dma_start3A_71 = arith.constant 0 : i32
      %dma_start3A_72 = arith.constant 0 : i32
      %dma_start3A_73 = tpu.memref_slice %arg7[%dma_start3A_69, %dma_start3A_71, %dma_start3A_72] : memref<5x2x128xi32, #tpu.memory_space<vmem>> -> memref<1x2x128xi32, #tpu.memory_space<vmem>>
      %dma_start3A_74 = tpu.memref_squeeze %dma_start3A_73 : memref<1x2x128xi32, #tpu.memory_space<vmem>> -> memref<2x128xi32, #tpu.memory_space<vmem>>
      %dma_start3A_75 = arith.constant 0 : i32
      %dma_start3A_76 = arith.constant 0 : i32
      %dma_start3A_77 = tpu.memref_slice %arg3[%arg1, %dma_start3A_68, %dma_start3A_75, %dma_start3A_76] : memref<16x115x2x128xi32, #tpu.memory_space<hbm>> -> memref<1x1x2x128xi32, #tpu.memory_space<hbm>>
      %dma_start3A_78 = tpu.memref_squeeze %dma_start3A_77 : memref<1x1x2x128xi32, #tpu.memory_space<hbm>> -> memref<2x128xi32, #tpu.memory_space<hbm>>
      %dma_start3A_79 = tpu.memref_slice %arg10[%dma_start3A_70] : memref<5x!tpu.dma_semaphore, #tpu.memory_space<semaphore_mem>> -> memref<1x!tpu.dma_semaphore, #tpu.memory_space<semaphore_mem>>
      %dma_start3A_80 = tpu.memref_squeeze %dma_start3A_79 : memref<1x!tpu.dma_semaphore, #tpu.memory_space<semaphore_mem>> -> memref<!tpu.dma_semaphore, #tpu.memory_space<semaphore_mem>>
      %dma_start3A_81 = arith.constant 0 : i32
      %dma_start3A_82 = arith.constant 0 : i32
      %dma_start3A_83 = tpu.memref_slice %arg7[%dma_start3A_69, %dma_start3A_81, %dma_start3A_82] : memref<5x2x128xi32, #tpu.memory_space<vmem>> -> memref<1x2x128xi32, #tpu.memory_space<vmem>>
      %dma_start3A_84 = tpu.memref_squeeze %dma_start3A_83 : memref<1x2x128xi32, #tpu.memory_space<vmem>> -> memref<2x128xi32, #tpu.memory_space<vmem>>
      %dma_start3A_85 = arith.constant 0 : i32
      %dma_start3A_86 = arith.constant 0 : i32
      %dma_start3A_87 = tpu.memref_slice %arg3[%arg1, %dma_start3A_68, %dma_start3A_85, %dma_start3A_86] : memref<16x115x2x128xi32, #tpu.memory_space<hbm>> -> memref<1x1x2x128xi32, #tpu.memory_space<hbm>>
      %dma_start3A_88 = tpu.memref_squeeze %dma_start3A_87 : memref<1x1x2x128xi32, #tpu.memory_space<hbm>> -> memref<2x128xi32, #tpu.memory_space<hbm>>
      tpu.enqueue_dma source(%dma_start3A_88 : memref<2x128xi32, #tpu.memory_space<hbm>>) target(%dma_start3A_84 : memref<2x128xi32, #tpu.memory_space<vmem>>) target_semaphore(%dma_start3A_80 : memref<!tpu.dma_semaphore, #tpu.memory_space<semaphore_mem>>)
      %dma_start3A_89 = arith.constant 3 : i32
      %dma_start3A_90 = arith.constant 3 : i32
      %dma_start3A_91 = arith.constant 3 : i32
      %dma_start3A_92 = arith.constant 0 : i32
      %dma_start3A_93 = arith.constant 0 : i32
      %dma_start3A_94 = tpu.memref_slice %arg7[%dma_start3A_90, %dma_start3A_92, %dma_start3A_93] : memref<5x2x128xi32, #tpu.memory_space<vmem>> -> memref<1x2x128xi32, #tpu.memory_space<vmem>>
      %dma_start3A_95 = tpu.memref_squeeze %dma_start3A_94 : memref<1x2x128xi32, #tpu.memory_space<vmem>> -> memref<2x128xi32, #tpu.memory_space<vmem>>
      %dma_start3A_96 = arith.constant 0 : i32
      %dma_start3A_97 = arith.constant 0 : i32
      %dma_start3A_98 = tpu.memref_slice %arg3[%arg1, %dma_start3A_89, %dma_start3A_96, %dma_start3A_97] : memref<16x115x2x128xi32, #tpu.memory_space<hbm>> -> memref<1x1x2x128xi32, #tpu.memory_space<hbm>>
      %dma_start3A_99 = tpu.memref_squeeze %dma_start3A_98 : memref<1x1x2x128xi32, #tpu.memory_space<hbm>> -> memref<2x128xi32, #tpu.memory_space<hbm>>
      %dma_start3A_100 = tpu.memref_slice %arg10[%dma_start3A_91] : memref<5x!tpu.dma_semaphore, #tpu.memory_space<semaphore_mem>> -> memref<1x!tpu.dma_semaphore, #tpu.memory_space<semaphore_mem>>
      %dma_start3A_101 = tpu.memref_squeeze %dma_start3A_100 : memref<1x!tpu.dma_semaphore, #tpu.memory_space<semaphore_mem>> -> memref<!tpu.dma_semaphore, #tpu.memory_space<semaphore_mem>>
      %dma_start3A_102 = arith.constant 0 : i32
      %dma_start3A_103 = arith.constant 0 : i32
      %dma_start3A_104 = tpu.memref_slice %arg7[%dma_start3A_90, %dma_start3A_102, %dma_start3A_103] : memref<5x2x128xi32, #tpu.memory_space<vmem>> -> memref<1x2x128xi32, #tpu.memory_space<vmem>>
      %dma_start3A_105 = tpu.memref_squeeze %dma_start3A_104 : memref<1x2x128xi32, #tpu.memory_space<vmem>> -> memref<2x128xi32, #tpu.memory_space<vmem>>
      %dma_start3A_106 = arith.constant 0 : i32
      %dma_start3A_107 = arith.constant 0 : i32
      %dma_start3A_108 = tpu.memref_slice %arg3[%arg1, %dma_start3A_89, %dma_start3A_106, %dma_start3A_107] : memref<16x115x2x128xi32, #tpu.memory_space<hbm>> -> memref<1x1x2x128xi32, #tpu.memory_space<hbm>>
      %dma_start3A_109 = tpu.memref_squeeze %dma_start3A_108 : memref<1x1x2x128xi32, #tpu.memory_space<hbm>> -> memref<2x128xi32, #tpu.memory_space<hbm>>
      tpu.enqueue_dma source(%dma_start3A_109 : memref<2x128xi32, #tpu.memory_space<hbm>>) target(%dma_start3A_105 : memref<2x128xi32, #tpu.memory_space<vmem>>) target_semaphore(%dma_start3A_101 : memref<!tpu.dma_semaphore, #tpu.memory_space<semaphore_mem>>)
      %dma_start3A_110 = arith.constant 4 : i32
      %dma_start3A_111 = arith.constant 4 : i32
      %dma_start3A_112 = arith.constant 4 : i32
      %dma_start3A_113 = arith.constant 0 : i32
      %dma_start3A_114 = arith.constant 0 : i32
      %dma_start3A_115 = tpu.memref_slice %arg7[%dma_start3A_111, %dma_start3A_113, %dma_start3A_114] : memref<5x2x128xi32, #tpu.memory_space<vmem>> -> memref<1x2x128xi32, #tpu.memory_space<vmem>>
      %dma_start3A_116 = tpu.memref_squeeze %dma_start3A_115 : memref<1x2x128xi32, #tpu.memory_space<vmem>> -> memref<2x128xi32, #tpu.memory_space<vmem>>
      %dma_start3A_117 = arith.constant 0 : i32
      %dma_start3A_118 = arith.constant 0 : i32
      %dma_start3A_119 = tpu.memref_slice %arg3[%arg1, %dma_start3A_110, %dma_start3A_117, %dma_start3A_118] : memref<16x115x2x128xi32, #tpu.memory_space<hbm>> -> memref<1x1x2x128xi32, #tpu.memory_space<hbm>>
      %dma_start3A_120 = tpu.memref_squeeze %dma_start3A_119 : memref<1x1x2x128xi32, #tpu.memory_space<hbm>> -> memref<2x128xi32, #tpu.memory_space<hbm>>
      %dma_start3A_121 = tpu.memref_slice %arg10[%dma_start3A_112] : memref<5x!tpu.dma_semaphore, #tpu.memory_space<semaphore_mem>> -> memref<1x!tpu.dma_semaphore, #tpu.memory_space<semaphore_mem>>
      %dma_start3A_122 = tpu.memref_squeeze %dma_start3A_121 : memref<1x!tpu.dma_semaphore, #tpu.memory_space<semaphore_mem>> -> memref<!tpu.dma_semaphore, #tpu.memory_space<semaphore_mem>>
      %dma_start3A_123 = arith.constant 0 : i32
      %dma_start3A_124 = arith.constant 0 : i32
      %dma_start3A_125 = tpu.memref_slice %arg7[%dma_start3A_111, %dma_start3A_123, %dma_start3A_124] : memref<5x2x128xi32, #tpu.memory_space<vmem>> -> memref<1x2x128xi32, #tpu.memory_space<vmem>>
      %dma_start3A_126 = tpu.memref_squeeze %dma_start3A_125 : memref<1x2x128xi32, #tpu.memory_space<vmem>> -> memref<2x128xi32, #tpu.memory_space<vmem>>
      %dma_start3A_127 = arith.constant 0 : i32
      %dma_start3A_128 = arith.constant 0 : i32
      %dma_start3A_129 = tpu.memref_slice %arg3[%arg1, %dma_start3A_110, %dma_start3A_127, %dma_start3A_128] : memref<16x115x2x128xi32, #tpu.memory_space<hbm>> -> memref<1x1x2x128xi32, #tpu.memory_space<hbm>>
      %dma_start3A_130 = tpu.memref_squeeze %dma_start3A_129 : memref<1x1x2x128xi32, #tpu.memory_space<hbm>> -> memref<2x128xi32, #tpu.memory_space<hbm>>
      tpu.enqueue_dma source(%dma_start3A_130 : memref<2x128xi32, #tpu.memory_space<hbm>>) target(%dma_start3A_126 : memref<2x128xi32, #tpu.memory_space<vmem>>) target_semaphore(%dma_start3A_122 : memref<!tpu.dma_semaphore, #tpu.memory_space<semaphore_mem>>)
      %scan3A = arith.constant 0 : i32
      %scan3A_131 = arith.constant 0 : i32
      %scan3A_132 = arith.constant 114 : i32
      %scan3A_133 = arith.addi %scan3A_131, %scan3A_132 : i32
      %scan3A_134 = arith.constant 2 : i32
      scf.for %scan3A_275 = %scan3A_131 to %scan3A_133 step %scan3A_134  : i32 {
        %rem3A_276 = arith.constant 5 : i32
        %rem3A_277 = arith.remsi %scan3A_275, %rem3A_276 : i32
        %rem3A_278 = arith.constant 3 : i32
        %rem3A_279 = arith.remsi %scan3A_275, %rem3A_278 : i32
        %ge3A_280 = arith.constant 3 : i32
        %ge3A_281 = arith.cmpi sge, %scan3A_275, %ge3A_280 : i32
        %convert_element_type3A_282 = arith.extui %ge3A_281 : i1 to i32
        %cond3A_283 = arith.constant 0 : i32
        %cond3A_284 = arith.cmpi ne, %convert_element_type3A_282, %cond3A_283 : i32
        scf.if %cond3A_284 {
          %sub3A = arith.constant 3 : i32
          %sub3A_368 = arith.subi %scan3A_275, %sub3A : i32
          %rem3A_369 = arith.constant 5 : i32
          %rem3A_370 = arith.remsi %sub3A_368, %rem3A_369 : i32
          %dma_wait3A_371 = arith.constant 1 : i32
          %dma_wait3A_372 = arith.constant 0 : i32
          %dma_wait3A_373 = arith.constant 0 : i32
          %dma_wait3A_374 = tpu.memref_slice %arg8[%rem3A_279, %dma_wait3A_372, %dma_wait3A_373] : memref<3x128x128xf32, #tpu.memory_space<vmem>> -> memref<1x128x128xf32, #tpu.memory_space<vmem>>
          %dma_wait3A_375 = tpu.memref_squeeze %dma_wait3A_374 : memref<1x128x128xf32, #tpu.memory_space<vmem>> -> memref<128x128xf32, #tpu.memory_space<vmem>>
          %dma_wait3A_376 = arith.constant 0 : i32
          %dma_wait3A_377 = tpu.memref_slice %arg7[%rem3A_370, %dma_wait3A_371, %dma_wait3A_376] : memref<5x2x128xi32, #tpu.memory_space<vmem>> -> memref<1x1x128xi32, #tpu.memory_space<vmem>>
          %dma_wait3A_378 = tpu.memref_squeeze %dma_wait3A_377 : memref<1x1x128xi32, #tpu.memory_space<vmem>> -> memref<128xi32, #tpu.memory_space<vmem>>
          %dma_wait3A_379 = arith.constant 0 : i32
          %dma_wait3A_380 = arith.constant 0 : i32
          %dma_wait3A_381 = tpu.memref_slice %arg9[%dma_wait3A_379, %dma_wait3A_380] : memref<10016x128xf32, #tpu.memory_space<vmem_shared>> -> memref<10016x128xf32, #tpu.memory_space<vmem_shared>>
          %dma_wait3A_382 = tpu.memref_slice %arg12[%rem3A_279] : memref<3x!tpu.dma_semaphore, #tpu.memory_space<semaphore_mem>> -> memref<1x!tpu.dma_semaphore, #tpu.memory_space<semaphore_mem>>
          %dma_wait3A_383 = tpu.memref_squeeze %dma_wait3A_382 : memref<1x!tpu.dma_semaphore, #tpu.memory_space<semaphore_mem>> -> memref<!tpu.dma_semaphore, #tpu.memory_space<semaphore_mem>>
          tpu.wait_indirect_dma semaphore(%dma_wait3A_383 : memref<!tpu.dma_semaphore, #tpu.memory_space<semaphore_mem>>) src(%dma_wait3A_375 : memref<128x128xf32, #tpu.memory_space<vmem>>) dst(%dma_wait3A_381 : memref<10016x128xf32, #tpu.memory_space<vmem_shared>>)
          %sub3A_384 = arith.constant 3 : i32
          %sub3A_385 = arith.subi %scan3A_275, %sub3A_384 : i32
          %add3A = arith.constant 5 : i32
          %add3A_386 = arith.addi %sub3A_385, %add3A : i32
          %lt3A_387 = arith.constant 115 : i32
          %lt3A_388 = arith.cmpi slt, %add3A_386, %lt3A_387 : i32
          %convert_element_type3A_389 = arith.extui %lt3A_388 : i1 to i32
          %cond3A_390 = arith.constant 0 : i32
          %cond3A_391 = arith.cmpi ne, %convert_element_type3A_389, %cond3A_390 : i32
          scf.if %cond3A_391 {
            %sub3A_392 = arith.constant 3 : i32
            %sub3A_393 = arith.subi %scan3A_275, %sub3A_392 : i32
            %add3A_394 = arith.constant 5 : i32
            %add3A_395 = arith.addi %sub3A_393, %add3A_394 : i32
            %dma_start3A_396 = arith.constant 0 : i32
            %dma_start3A_397 = arith.constant 0 : i32
            %dma_start3A_398 = tpu.memref_slice %arg7[%rem3A_370, %dma_start3A_396, %dma_start3A_397] : memref<5x2x128xi32, #tpu.memory_space<vmem>> -> memref<1x2x128xi32, #tpu.memory_space<vmem>>
            %dma_start3A_399 = tpu.memref_squeeze %dma_start3A_398 : memref<1x2x128xi32, #tpu.memory_space<vmem>> -> memref<2x128xi32, #tpu.memory_space<vmem>>
            %dma_start3A_400 = arith.constant 0 : i32
            %dma_start3A_401 = arith.constant 0 : i32
            %dma_start3A_402 = tpu.memref_slice %arg3[%arg1, %add3A_395, %dma_start3A_400, %dma_start3A_401] : memref<16x115x2x128xi32, #tpu.memory_space<hbm>> -> memref<1x1x2x128xi32, #tpu.memory_space<hbm>>
            %dma_start3A_403 = tpu.memref_squeeze %dma_start3A_402 : memref<1x1x2x128xi32, #tpu.memory_space<hbm>> -> memref<2x128xi32, #tpu.memory_space<hbm>>
            %dma_start3A_404 = tpu.memref_slice %arg10[%rem3A_370] : memref<5x!tpu.dma_semaphore, #tpu.memory_space<semaphore_mem>> -> memref<1x!tpu.dma_semaphore, #tpu.memory_space<semaphore_mem>>
            %dma_start3A_405 = tpu.memref_squeeze %dma_start3A_404 : memref<1x!tpu.dma_semaphore, #tpu.memory_space<semaphore_mem>> -> memref<!tpu.dma_semaphore, #tpu.memory_space<semaphore_mem>>
            %dma_start3A_406 = arith.constant 0 : i32
            %dma_start3A_407 = arith.constant 0 : i32
            %dma_start3A_408 = tpu.memref_slice %arg7[%rem3A_370, %dma_start3A_406, %dma_start3A_407] : memref<5x2x128xi32, #tpu.memory_space<vmem>> -> memref<1x2x128xi32, #tpu.memory_space<vmem>>
            %dma_start3A_409 = tpu.memref_squeeze %dma_start3A_408 : memref<1x2x128xi32, #tpu.memory_space<vmem>> -> memref<2x128xi32, #tpu.memory_space<vmem>>
            %dma_start3A_410 = arith.constant 0 : i32
            %dma_start3A_411 = arith.constant 0 : i32
            %dma_start3A_412 = tpu.memref_slice %arg3[%arg1, %add3A_395, %dma_start3A_410, %dma_start3A_411] : memref<16x115x2x128xi32, #tpu.memory_space<hbm>> -> memref<1x1x2x128xi32, #tpu.memory_space<hbm>>
            %dma_start3A_413 = tpu.memref_squeeze %dma_start3A_412 : memref<1x1x2x128xi32, #tpu.memory_space<hbm>> -> memref<2x128xi32, #tpu.memory_space<hbm>>
            tpu.enqueue_dma source(%dma_start3A_413 : memref<2x128xi32, #tpu.memory_space<hbm>>) target(%dma_start3A_409 : memref<2x128xi32, #tpu.memory_space<vmem>>) target_semaphore(%dma_start3A_405 : memref<!tpu.dma_semaphore, #tpu.memory_space<semaphore_mem>>)
          } else {
          }
        } else {
        }
        %dma_wait3A_285 = arith.constant 0 : i32
        %dma_wait3A_286 = arith.constant 0 : i32
        %dma_wait3A_287 = tpu.memref_slice %arg7[%rem3A_277, %dma_wait3A_285, %dma_wait3A_286] : memref<5x2x128xi32, #tpu.memory_space<vmem>> -> memref<1x2x128xi32, #tpu.memory_space<vmem>>
        %dma_wait3A_288 = tpu.memref_squeeze %dma_wait3A_287 : memref<1x2x128xi32, #tpu.memory_space<vmem>> -> memref<2x128xi32, #tpu.memory_space<vmem>>
        %dma_wait3A_289 = arith.constant 0 : i32
        %dma_wait3A_290 = arith.constant 0 : i32
        %dma_wait3A_291 = tpu.memref_slice %arg3[%arg1, %scan3A_275, %dma_wait3A_289, %dma_wait3A_290] : memref<16x115x2x128xi32, #tpu.memory_space<hbm>> -> memref<1x1x2x128xi32, #tpu.memory_space<hbm>>
        %dma_wait3A_292 = tpu.memref_squeeze %dma_wait3A_291 : memref<1x1x2x128xi32, #tpu.memory_space<hbm>> -> memref<2x128xi32, #tpu.memory_space<hbm>>
        %dma_wait3A_293 = tpu.memref_slice %arg10[%rem3A_277] : memref<5x!tpu.dma_semaphore, #tpu.memory_space<semaphore_mem>> -> memref<1x!tpu.dma_semaphore, #tpu.memory_space<semaphore_mem>>
        %dma_wait3A_294 = tpu.memref_squeeze %dma_wait3A_293 : memref<1x!tpu.dma_semaphore, #tpu.memory_space<semaphore_mem>> -> memref<!tpu.dma_semaphore, #tpu.memory_space<semaphore_mem>>
        %dma_wait3A_295 = arith.constant 0 : i32
        %dma_wait3A_296 = arith.constant 0 : i32
        %dma_wait3A_297 = tpu.memref_slice %arg7[%rem3A_277, %dma_wait3A_295, %dma_wait3A_296] : memref<5x2x128xi32, #tpu.memory_space<vmem>> -> memref<1x2x128xi32, #tpu.memory_space<vmem>>
        %dma_wait3A_298 = tpu.memref_squeeze %dma_wait3A_297 : memref<1x2x128xi32, #tpu.memory_space<vmem>> -> memref<2x128xi32, #tpu.memory_space<vmem>>
        %dma_wait3A_299 = arith.constant 0 : i32
        %dma_wait3A_300 = arith.constant 0 : i32
        %dma_wait3A_301 = tpu.memref_slice %arg3[%arg1, %scan3A_275, %dma_wait3A_299, %dma_wait3A_300] : memref<16x115x2x128xi32, #tpu.memory_space<hbm>> -> memref<1x1x2x128xi32, #tpu.memory_space<hbm>>
        %dma_wait3A_302 = tpu.memref_squeeze %dma_wait3A_301 : memref<1x1x2x128xi32, #tpu.memory_space<hbm>> -> memref<2x128xi32, #tpu.memory_space<hbm>>
        tpu.wait_dma2 semaphore(%dma_wait3A_294 : memref<!tpu.dma_semaphore, #tpu.memory_space<semaphore_mem>>) src(%dma_wait3A_302 : memref<2x128xi32, #tpu.memory_space<hbm>>) dst(%dma_wait3A_298 : memref<2x128xi32, #tpu.memory_space<vmem>>)
        %dma_start3A_303 = arith.constant 0 : i32
        %dma_start3A_304 = arith.constant 0 : i32
        %dma_start3A_305 = arith.constant 0 : i32
        %dma_start3A_306 = tpu.memref_slice %arg8[%rem3A_279, %dma_start3A_304, %dma_start3A_305] : memref<3x128x128xf32, #tpu.memory_space<vmem>> -> memref<1x128x128xf32, #tpu.memory_space<vmem>>
        %dma_start3A_307 = tpu.memref_squeeze %dma_start3A_306 : memref<1x128x128xf32, #tpu.memory_space<vmem>> -> memref<128x128xf32, #tpu.memory_space<vmem>>
        %dma_start3A_308 = arith.constant 0 : i32
        %dma_start3A_309 = tpu.memref_slice %arg7[%rem3A_277, %dma_start3A_303, %dma_start3A_308] : memref<5x2x128xi32, #tpu.memory_space<vmem>> -> memref<1x1x128xi32, #tpu.memory_space<vmem>>
        %dma_start3A_310 = tpu.memref_squeeze %dma_start3A_309 : memref<1x1x128xi32, #tpu.memory_space<vmem>> -> memref<128xi32, #tpu.memory_space<vmem>>
        %dma_start3A_311 = arith.constant 0 : i32
        %dma_start3A_312 = arith.constant 0 : i32
        %dma_start3A_313 = tpu.memref_slice %arg2[%dma_start3A_311, %dma_start3A_312] : memref<10000x128xf32, #tpu.memory_space<hbm>> -> memref<10000x128xf32, #tpu.memory_space<hbm>>
        %dma_start3A_314 = tpu.memref_slice %arg11[%rem3A_279] : memref<3x!tpu.dma_semaphore, #tpu.memory_space<semaphore_mem>> -> memref<1x!tpu.dma_semaphore, #tpu.memory_space<semaphore_mem>>
        %dma_start3A_315 = tpu.memref_squeeze %dma_start3A_314 : memref<1x!tpu.dma_semaphore, #tpu.memory_space<semaphore_mem>> -> memref<!tpu.dma_semaphore, #tpu.memory_space<semaphore_mem>>
        tpu.enqueue_indirect_dma source(%dma_start3A_313 : memref<10000x128xf32, #tpu.memory_space<hbm>>) target(%dma_start3A_307 : memref<128x128xf32, #tpu.memory_space<vmem>>) offsets(%dma_start3A_310 : memref<128xi32, #tpu.memory_space<vmem>>) semaphore(%dma_start3A_315 : memref<!tpu.dma_semaphore, #tpu.memory_space<semaphore_mem>>)
        %ge3A_316 = arith.constant 1 : i32
        %ge3A_317 = arith.cmpi sge, %scan3A_275, %ge3A_316 : i32
        %convert_element_type3A_318 = arith.extui %ge3A_317 : i1 to i32
        %cond3A_319 = arith.constant 0 : i32
        %cond3A_320 = arith.cmpi ne, %convert_element_type3A_318, %cond3A_319 : i32
        scf.if %cond3A_320 {
          %sub3A = arith.constant 1 : i32
          %sub3A_368 = arith.subi %scan3A_275, %sub3A : i32
          %rem3A_369 = arith.constant 5 : i32
          %rem3A_370 = arith.remsi %sub3A_368, %rem3A_369 : i32
          %sub3A_371 = arith.constant 1 : i32
          %sub3A_372 = arith.subi %scan3A_275, %sub3A_371 : i32
          %rem3A_373 = arith.constant 3 : i32
          %rem3A_374 = arith.remsi %sub3A_372, %rem3A_373 : i32
          %dma_wait3A_375 = arith.constant 0 : i32
          %dma_wait3A_376 = arith.constant 0 : i32
          %dma_wait3A_377 = arith.constant 0 : i32
          %dma_wait3A_378 = tpu.memref_slice %arg8[%rem3A_374, %dma_wait3A_376, %dma_wait3A_377] : memref<3x128x128xf32, #tpu.memory_space<vmem>> -> memref<1x128x128xf32, #tpu.memory_space<vmem>>
          %dma_wait3A_379 = tpu.memref_squeeze %dma_wait3A_378 : memref<1x128x128xf32, #tpu.memory_space<vmem>> -> memref<128x128xf32, #tpu.memory_space<vmem>>
          %dma_wait3A_380 = arith.constant 0 : i32
          %dma_wait3A_381 = tpu.memref_slice %arg7[%rem3A_370, %dma_wait3A_375, %dma_wait3A_380] : memref<5x2x128xi32, #tpu.memory_space<vmem>> -> memref<1x1x128xi32, #tpu.memory_space<vmem>>
          %dma_wait3A_382 = tpu.memref_squeeze %dma_wait3A_381 : memref<1x1x128xi32, #tpu.memory_space<vmem>> -> memref<128xi32, #tpu.memory_space<vmem>>
          %dma_wait3A_383 = arith.constant 0 : i32
          %dma_wait3A_384 = arith.constant 0 : i32
          %dma_wait3A_385 = tpu.memref_slice %arg2[%dma_wait3A_383, %dma_wait3A_384] : memref<10000x128xf32, #tpu.memory_space<hbm>> -> memref<10000x128xf32, #tpu.memory_space<hbm>>
          %dma_wait3A_386 = tpu.memref_slice %arg11[%rem3A_374] : memref<3x!tpu.dma_semaphore, #tpu.memory_space<semaphore_mem>> -> memref<1x!tpu.dma_semaphore, #tpu.memory_space<semaphore_mem>>
          %dma_wait3A_387 = tpu.memref_squeeze %dma_wait3A_386 : memref<1x!tpu.dma_semaphore, #tpu.memory_space<semaphore_mem>> -> memref<!tpu.dma_semaphore, #tpu.memory_space<semaphore_mem>>
          tpu.wait_indirect_dma semaphore(%dma_wait3A_387 : memref<!tpu.dma_semaphore, #tpu.memory_space<semaphore_mem>>) src(%dma_wait3A_385 : memref<10000x128xf32, #tpu.memory_space<hbm>>) dst(%dma_wait3A_379 : memref<128x128xf32, #tpu.memory_space<vmem>>)
          %dma_start3A_388 = arith.constant 1 : i32
          %dma_start3A_389 = arith.constant 0 : i32
          %dma_start3A_390 = arith.constant 0 : i32
          %dma_start3A_391 = tpu.memref_slice %arg8[%rem3A_374, %dma_start3A_389, %dma_start3A_390] : memref<3x128x128xf32, #tpu.memory_space<vmem>> -> memref<1x128x128xf32, #tpu.memory_space<vmem>>
          %dma_start3A_392 = tpu.memref_squeeze %dma_start3A_391 : memref<1x128x128xf32, #tpu.memory_space<vmem>> -> memref<128x128xf32, #tpu.memory_space<vmem>>
          %dma_start3A_393 = arith.constant 0 : i32
          %dma_start3A_394 = tpu.memref_slice %arg7[%rem3A_370, %dma_start3A_388, %dma_start3A_393] : memref<5x2x128xi32, #tpu.memory_space<vmem>> -> memref<1x1x128xi32, #tpu.memory_space<vmem>>
          %dma_start3A_395 = tpu.memref_squeeze %dma_start3A_394 : memref<1x1x128xi32, #tpu.memory_space<vmem>> -> memref<128xi32, #tpu.memory_space<vmem>>
          %dma_start3A_396 = arith.constant 0 : i32
          %dma_start3A_397 = arith.constant 0 : i32
          %dma_start3A_398 = tpu.memref_slice %arg9[%dma_start3A_396, %dma_start3A_397] : memref<10016x128xf32, #tpu.memory_space<vmem_shared>> -> memref<10016x128xf32, #tpu.memory_space<vmem_shared>>
          %dma_start3A_399 = tpu.memref_slice %arg12[%rem3A_374] : memref<3x!tpu.dma_semaphore, #tpu.memory_space<semaphore_mem>> -> memref<1x!tpu.dma_semaphore, #tpu.memory_space<semaphore_mem>>
          %dma_start3A_400 = tpu.memref_squeeze %dma_start3A_399 : memref<1x!tpu.dma_semaphore, #tpu.memory_space<semaphore_mem>> -> memref<!tpu.dma_semaphore, #tpu.memory_space<semaphore_mem>>
          tpu.enqueue_indirect_dma source(%dma_start3A_392 : memref<128x128xf32, #tpu.memory_space<vmem>>) target(%dma_start3A_398 : memref<10016x128xf32, #tpu.memory_space<vmem_shared>>) offsets(%dma_start3A_395 : memref<128xi32, #tpu.memory_space<vmem>>) semaphore(%dma_start3A_400 : memref<!tpu.dma_semaphore, #tpu.memory_space<semaphore_mem>>) {add = true}
        } else {
        }
        %scan3A_321 = arith.constant 1 : i32
        %scan3A_322 = arith.addi %scan3A_275, %scan3A_321 : i32
        %rem3A_323 = arith.constant 5 : i32
        %rem3A_324 = arith.remsi %scan3A_322, %rem3A_323 : i32
        %rem3A_325 = arith.constant 3 : i32
        %rem3A_326 = arith.remsi %scan3A_322, %rem3A_325 : i32
        %ge3A_327 = arith.constant 3 : i32
        %ge3A_328 = arith.cmpi sge, %scan3A_322, %ge3A_327 : i32
        %convert_element_type3A_329 = arith.extui %ge3A_328 : i1 to i32
        %cond3A_330 = arith.constant 0 : i32
        %cond3A_331 = arith.cmpi ne, %convert_element_type3A_329, %cond3A_330 : i32
        scf.if %cond3A_331 {
          %sub3A = arith.constant 3 : i32
          %sub3A_368 = arith.subi %scan3A_322, %sub3A : i32
          %rem3A_369 = arith.constant 5 : i32
          %rem3A_370 = arith.remsi %sub3A_368, %rem3A_369 : i32
          %dma_wait3A_371 = arith.constant 1 : i32
          %dma_wait3A_372 = arith.constant 0 : i32
          %dma_wait3A_373 = arith.constant 0 : i32
          %dma_wait3A_374 = tpu.memref_slice %arg8[%rem3A_326, %dma_wait3A_372, %dma_wait3A_373] : memref<3x128x128xf32, #tpu.memory_space<vmem>> -> memref<1x128x128xf32, #tpu.memory_space<vmem>>
          %dma_wait3A_375 = tpu.memref_squeeze %dma_wait3A_374 : memref<1x128x128xf32, #tpu.memory_space<vmem>> -> memref<128x128xf32, #tpu.memory_space<vmem>>
          %dma_wait3A_376 = arith.constant 0 : i32
          %dma_wait3A_377 = tpu.memref_slice %arg7[%rem3A_370, %dma_wait3A_371, %dma_wait3A_376] : memref<5x2x128xi32, #tpu.memory_space<vmem>> -> memref<1x1x128xi32, #tpu.memory_space<vmem>>
          %dma_wait3A_378 = tpu.memref_squeeze %dma_wait3A_377 : memref<1x1x128xi32, #tpu.memory_space<vmem>> -> memref<128xi32, #tpu.memory_space<vmem>>
          %dma_wait3A_379 = arith.constant 0 : i32
          %dma_wait3A_380 = arith.constant 0 : i32
          %dma_wait3A_381 = tpu.memref_slice %arg9[%dma_wait3A_379, %dma_wait3A_380] : memref<10016x128xf32, #tpu.memory_space<vmem_shared>> -> memref<10016x128xf32, #tpu.memory_space<vmem_shared>>
          %dma_wait3A_382 = tpu.memref_slice %arg12[%rem3A_326] : memref<3x!tpu.dma_semaphore, #tpu.memory_space<semaphore_mem>> -> memref<1x!tpu.dma_semaphore, #tpu.memory_space<semaphore_mem>>
          %dma_wait3A_383 = tpu.memref_squeeze %dma_wait3A_382 : memref<1x!tpu.dma_semaphore, #tpu.memory_space<semaphore_mem>> -> memref<!tpu.dma_semaphore, #tpu.memory_space<semaphore_mem>>
          tpu.wait_indirect_dma semaphore(%dma_wait3A_383 : memref<!tpu.dma_semaphore, #tpu.memory_space<semaphore_mem>>) src(%dma_wait3A_375 : memref<128x128xf32, #tpu.memory_space<vmem>>) dst(%dma_wait3A_381 : memref<10016x128xf32, #tpu.memory_space<vmem_shared>>)
          %sub3A_384 = arith.constant 3 : i32
          %sub3A_385 = arith.subi %scan3A_322, %sub3A_384 : i32
          %add3A = arith.constant 5 : i32
          %add3A_386 = arith.addi %sub3A_385, %add3A : i32
          %lt3A_387 = arith.constant 115 : i32
          %lt3A_388 = arith.cmpi slt, %add3A_386, %lt3A_387 : i32
          %convert_element_type3A_389 = arith.extui %lt3A_388 : i1 to i32
          %cond3A_390 = arith.constant 0 : i32
          %cond3A_391 = arith.cmpi ne, %convert_element_type3A_389, %cond3A_390 : i32
          scf.if %cond3A_391 {
            %sub3A_392 = arith.constant 3 : i32
            %sub3A_393 = arith.subi %scan3A_322, %sub3A_392 : i32
            %add3A_394 = arith.constant 5 : i32
            %add3A_395 = arith.addi %sub3A_393, %add3A_394 : i32
            %dma_start3A_396 = arith.constant 0 : i32
            %dma_start3A_397 = arith.constant 0 : i32
            %dma_start3A_398 = tpu.memref_slice %arg7[%rem3A_370, %dma_start3A_396, %dma_start3A_397] : memref<5x2x128xi32, #tpu.memory_space<vmem>> -> memref<1x2x128xi32, #tpu.memory_space<vmem>>
            %dma_start3A_399 = tpu.memref_squeeze %dma_start3A_398 : memref<1x2x128xi32, #tpu.memory_space<vmem>> -> memref<2x128xi32, #tpu.memory_space<vmem>>
            %dma_start3A_400 = arith.constant 0 : i32
            %dma_start3A_401 = arith.constant 0 : i32
            %dma_start3A_402 = tpu.memref_slice %arg3[%arg1, %add3A_395, %dma_start3A_400, %dma_start3A_401] : memref<16x115x2x128xi32, #tpu.memory_space<hbm>> -> memref<1x1x2x128xi32, #tpu.memory_space<hbm>>
            %dma_start3A_403 = tpu.memref_squeeze %dma_start3A_402 : memref<1x1x2x128xi32, #tpu.memory_space<hbm>> -> memref<2x128xi32, #tpu.memory_space<hbm>>
            %dma_start3A_404 = tpu.memref_slice %arg10[%rem3A_370] : memref<5x!tpu.dma_semaphore, #tpu.memory_space<semaphore_mem>> -> memref<1x!tpu.dma_semaphore, #tpu.memory_space<semaphore_mem>>
            %dma_start3A_405 = tpu.memref_squeeze %dma_start3A_404 : memref<1x!tpu.dma_semaphore, #tpu.memory_space<semaphore_mem>> -> memref<!tpu.dma_semaphore, #tpu.memory_space<semaphore_mem>>
            %dma_start3A_406 = arith.constant 0 : i32
            %dma_start3A_407 = arith.constant 0 : i32
            %dma_start3A_408 = tpu.memref_slice %arg7[%rem3A_370, %dma_start3A_406, %dma_start3A_407] : memref<5x2x128xi32, #tpu.memory_space<vmem>> -> memref<1x2x128xi32, #tpu.memory_space<vmem>>
            %dma_start3A_409 = tpu.memref_squeeze %dma_start3A_408 : memref<1x2x128xi32, #tpu.memory_space<vmem>> -> memref<2x128xi32, #tpu.memory_space<vmem>>
            %dma_start3A_410 = arith.constant 0 : i32
            %dma_start3A_411 = arith.constant 0 : i32
            %dma_start3A_412 = tpu.memref_slice %arg3[%arg1, %add3A_395, %dma_start3A_410, %dma_start3A_411] : memref<16x115x2x128xi32, #tpu.memory_space<hbm>> -> memref<1x1x2x128xi32, #tpu.memory_space<hbm>>
            %dma_start3A_413 = tpu.memref_squeeze %dma_start3A_412 : memref<1x1x2x128xi32, #tpu.memory_space<hbm>> -> memref<2x128xi32, #tpu.memory_space<hbm>>
            tpu.enqueue_dma source(%dma_start3A_413 : memref<2x128xi32, #tpu.memory_space<hbm>>) target(%dma_start3A_409 : memref<2x128xi32, #tpu.memory_space<vmem>>) target_semaphore(%dma_start3A_405 : memref<!tpu.dma_semaphore, #tpu.memory_space<semaphore_mem>>)
          } else {
          }
        } else {
        }
        %dma_wait3A_332 = arith.constant 0 : i32
        %dma_wait3A_333 = arith.constant 0 : i32
        %dma_wait3A_334 = tpu.memref_slice %arg7[%rem3A_324, %dma_wait3A_332, %dma_wait3A_333] : memref<5x2x128xi32, #tpu.memory_space<vmem>> -> memref<1x2x128xi32, #tpu.memory_space<vmem>>
        %dma_wait3A_335 = tpu.memref_squeeze %dma_wait3A_334 : memref<1x2x128xi32, #tpu.memory_space<vmem>> -> memref<2x128xi32, #tpu.memory_space<vmem>>
        %dma_wait3A_336 = arith.constant 0 : i32
        %dma_wait3A_337 = arith.constant 0 : i32
        %dma_wait3A_338 = tpu.memref_slice %arg3[%arg1, %scan3A_322, %dma_wait3A_336, %dma_wait3A_337] : memref<16x115x2x128xi32, #tpu.memory_space<hbm>> -> memref<1x1x2x128xi32, #tpu.memory_space<hbm>>
        %dma_wait3A_339 = tpu.memref_squeeze %dma_wait3A_338 : memref<1x1x2x128xi32, #tpu.memory_space<hbm>> -> memref<2x128xi32, #tpu.memory_space<hbm>>
        %dma_wait3A_340 = tpu.memref_slice %arg10[%rem3A_324] : memref<5x!tpu.dma_semaphore, #tpu.memory_space<semaphore_mem>> -> memref<1x!tpu.dma_semaphore, #tpu.memory_space<semaphore_mem>>
        %dma_wait3A_341 = tpu.memref_squeeze %dma_wait3A_340 : memref<1x!tpu.dma_semaphore, #tpu.memory_space<semaphore_mem>> -> memref<!tpu.dma_semaphore, #tpu.memory_space<semaphore_mem>>
        %dma_wait3A_342 = arith.constant 0 : i32
        %dma_wait3A_343 = arith.constant 0 : i32
        %dma_wait3A_344 = tpu.memref_slice %arg7[%rem3A_324, %dma_wait3A_342, %dma_wait3A_343] : memref<5x2x128xi32, #tpu.memory_space<vmem>> -> memref<1x2x128xi32, #tpu.memory_space<vmem>>
        %dma_wait3A_345 = tpu.memref_squeeze %dma_wait3A_344 : memref<1x2x128xi32, #tpu.memory_space<vmem>> -> memref<2x128xi32, #tpu.memory_space<vmem>>
        %dma_wait3A_346 = arith.constant 0 : i32
        %dma_wait3A_347 = arith.constant 0 : i32
        %dma_wait3A_348 = tpu.memref_slice %arg3[%arg1, %scan3A_322, %dma_wait3A_346, %dma_wait3A_347] : memref<16x115x2x128xi32, #tpu.memory_space<hbm>> -> memref<1x1x2x128xi32, #tpu.memory_space<hbm>>
        %dma_wait3A_349 = tpu.memref_squeeze %dma_wait3A_348 : memref<1x1x2x128xi32, #tpu.memory_space<hbm>> -> memref<2x128xi32, #tpu.memory_space<hbm>>
        tpu.wait_dma2 semaphore(%dma_wait3A_341 : memref<!tpu.dma_semaphore, #tpu.memory_space<semaphore_mem>>) src(%dma_wait3A_349 : memref<2x128xi32, #tpu.memory_space<hbm>>) dst(%dma_wait3A_345 : memref<2x128xi32, #tpu.memory_space<vmem>>)
        %dma_start3A_350 = arith.constant 0 : i32
        %dma_start3A_351 = arith.constant 0 : i32
        %dma_start3A_352 = arith.constant 0 : i32
        %dma_start3A_353 = tpu.memref_slice %arg8[%rem3A_326, %dma_start3A_351, %dma_start3A_352] : memref<3x128x128xf32, #tpu.memory_space<vmem>> -> memref<1x128x128xf32, #tpu.memory_space<vmem>>
        %dma_start3A_354 = tpu.memref_squeeze %dma_start3A_353 : memref<1x128x128xf32, #tpu.memory_space<vmem>> -> memref<128x128xf32, #tpu.memory_space<vmem>>
        %dma_start3A_355 = arith.constant 0 : i32
        %dma_start3A_356 = tpu.memref_slice %arg7[%rem3A_324, %dma_start3A_350, %dma_start3A_355] : memref<5x2x128xi32, #tpu.memory_space<vmem>> -> memref<1x1x128xi32, #tpu.memory_space<vmem>>
        %dma_start3A_357 = tpu.memref_squeeze %dma_start3A_356 : memref<1x1x128xi32, #tpu.memory_space<vmem>> -> memref<128xi32, #tpu.memory_space<vmem>>
        %dma_start3A_358 = arith.constant 0 : i32
        %dma_start3A_359 = arith.constant 0 : i32
        %dma_start3A_360 = tpu.memref_slice %arg2[%dma_start3A_358, %dma_start3A_359] : memref<10000x128xf32, #tpu.memory_space<hbm>> -> memref<10000x128xf32, #tpu.memory_space<hbm>>
        %dma_start3A_361 = tpu.memref_slice %arg11[%rem3A_326] : memref<3x!tpu.dma_semaphore, #tpu.memory_space<semaphore_mem>> -> memref<1x!tpu.dma_semaphore, #tpu.memory_space<semaphore_mem>>
        %dma_start3A_362 = tpu.memref_squeeze %dma_start3A_361 : memref<1x!tpu.dma_semaphore, #tpu.memory_space<semaphore_mem>> -> memref<!tpu.dma_semaphore, #tpu.memory_space<semaphore_mem>>
        tpu.enqueue_indirect_dma source(%dma_start3A_360 : memref<10000x128xf32, #tpu.memory_space<hbm>>) target(%dma_start3A_354 : memref<128x128xf32, #tpu.memory_space<vmem>>) offsets(%dma_start3A_357 : memref<128xi32, #tpu.memory_space<vmem>>) semaphore(%dma_start3A_362 : memref<!tpu.dma_semaphore, #tpu.memory_space<semaphore_mem>>)
        %ge3A_363 = arith.constant 1 : i32
        %ge3A_364 = arith.cmpi sge, %scan3A_322, %ge3A_363 : i32
        %convert_element_type3A_365 = arith.extui %ge3A_364 : i1 to i32
        %cond3A_366 = arith.constant 0 : i32
        %cond3A_367 = arith.cmpi ne, %convert_element_type3A_365, %cond3A_366 : i32
        scf.if %cond3A_367 {
          %sub3A = arith.constant 1 : i32
          %sub3A_368 = arith.subi %scan3A_322, %sub3A : i32
          %rem3A_369 = arith.constant 5 : i32
          %rem3A_370 = arith.remsi %sub3A_368, %rem3A_369 : i32
          %sub3A_371 = arith.constant 1 : i32
          %sub3A_372 = arith.subi %scan3A_322, %sub3A_371 : i32
          %rem3A_373 = arith.constant 3 : i32
          %rem3A_374 = arith.remsi %sub3A_372, %rem3A_373 : i32
          %dma_wait3A_375 = arith.constant 0 : i32
          %dma_wait3A_376 = arith.constant 0 : i32
          %dma_wait3A_377 = arith.constant 0 : i32
          %dma_wait3A_378 = tpu.memref_slice %arg8[%rem3A_374, %dma_wait3A_376, %dma_wait3A_377] : memref<3x128x128xf32, #tpu.memory_space<vmem>> -> memref<1x128x128xf32, #tpu.memory_space<vmem>>
          %dma_wait3A_379 = tpu.memref_squeeze %dma_wait3A_378 : memref<1x128x128xf32, #tpu.memory_space<vmem>> -> memref<128x128xf32, #tpu.memory_space<vmem>>
          %dma_wait3A_380 = arith.constant 0 : i32
          %dma_wait3A_381 = tpu.memref_slice %arg7[%rem3A_370, %dma_wait3A_375, %dma_wait3A_380] : memref<5x2x128xi32, #tpu.memory_space<vmem>> -> memref<1x1x128xi32, #tpu.memory_space<vmem>>
          %dma_wait3A_382 = tpu.memref_squeeze %dma_wait3A_381 : memref<1x1x128xi32, #tpu.memory_space<vmem>> -> memref<128xi32, #tpu.memory_space<vmem>>
          %dma_wait3A_383 = arith.constant 0 : i32
          %dma_wait3A_384 = arith.constant 0 : i32
          %dma_wait3A_385 = tpu.memref_slice %arg2[%dma_wait3A_383, %dma_wait3A_384] : memref<10000x128xf32, #tpu.memory_space<hbm>> -> memref<10000x128xf32, #tpu.memory_space<hbm>>
          %dma_wait3A_386 = tpu.memref_slice %arg11[%rem3A_374] : memref<3x!tpu.dma_semaphore, #tpu.memory_space<semaphore_mem>> -> memref<1x!tpu.dma_semaphore, #tpu.memory_space<semaphore_mem>>
          %dma_wait3A_387 = tpu.memref_squeeze %dma_wait3A_386 : memref<1x!tpu.dma_semaphore, #tpu.memory_space<semaphore_mem>> -> memref<!tpu.dma_semaphore, #tpu.memory_space<semaphore_mem>>
          tpu.wait_indirect_dma semaphore(%dma_wait3A_387 : memref<!tpu.dma_semaphore, #tpu.memory_space<semaphore_mem>>) src(%dma_wait3A_385 : memref<10000x128xf32, #tpu.memory_space<hbm>>) dst(%dma_wait3A_379 : memref<128x128xf32, #tpu.memory_space<vmem>>)
          %dma_start3A_388 = arith.constant 1 : i32
          %dma_start3A_389 = arith.constant 0 : i32
          %dma_start3A_390 = arith.constant 0 : i32
          %dma_start3A_391 = tpu.memref_slice %arg8[%rem3A_374, %dma_start3A_389, %dma_start3A_390] : memref<3x128x128xf32, #tpu.memory_space<vmem>> -> memref<1x128x128xf32, #tpu.memory_space<vmem>>
          %dma_start3A_392 = tpu.memref_squeeze %dma_start3A_391 : memref<1x128x128xf32, #tpu.memory_space<vmem>> -> memref<128x128xf32, #tpu.memory_space<vmem>>
          %dma_start3A_393 = arith.constant 0 : i32
          %dma_start3A_394 = tpu.memref_slice %arg7[%rem3A_370, %dma_start3A_388, %dma_start3A_393] : memref<5x2x128xi32, #tpu.memory_space<vmem>> -> memref<1x1x128xi32, #tpu.memory_space<vmem>>
          %dma_start3A_395 = tpu.memref_squeeze %dma_start3A_394 : memref<1x1x128xi32, #tpu.memory_space<vmem>> -> memref<128xi32, #tpu.memory_space<vmem>>
          %dma_start3A_396 = arith.constant 0 : i32
          %dma_start3A_397 = arith.constant 0 : i32
          %dma_start3A_398 = tpu.memref_slice %arg9[%dma_start3A_396, %dma_start3A_397] : memref<10016x128xf32, #tpu.memory_space<vmem_shared>> -> memref<10016x128xf32, #tpu.memory_space<vmem_shared>>
          %dma_start3A_399 = tpu.memref_slice %arg12[%rem3A_374] : memref<3x!tpu.dma_semaphore, #tpu.memory_space<semaphore_mem>> -> memref<1x!tpu.dma_semaphore, #tpu.memory_space<semaphore_mem>>
          %dma_start3A_400 = tpu.memref_squeeze %dma_start3A_399 : memref<1x!tpu.dma_semaphore, #tpu.memory_space<semaphore_mem>> -> memref<!tpu.dma_semaphore, #tpu.memory_space<semaphore_mem>>
          tpu.enqueue_indirect_dma source(%dma_start3A_392 : memref<128x128xf32, #tpu.memory_space<vmem>>) target(%dma_start3A_398 : memref<10016x128xf32, #tpu.memory_space<vmem_shared>>) offsets(%dma_start3A_395 : memref<128xi32, #tpu.memory_space<vmem>>) semaphore(%dma_start3A_400 : memref<!tpu.dma_semaphore, #tpu.memory_space<semaphore_mem>>) {add = true}
        } else {
        }
      }
      %scan3A_135 = arith.constant 114 : i32
      %scan3A_136 = arith.addi %scan3A_131, %scan3A_135 : i32
      %rem3A = arith.constant 5 : i32
      %rem3A_137 = arith.remsi %scan3A_136, %rem3A : i32
      %rem3A_138 = arith.constant 3 : i32
      %rem3A_139 = arith.remsi %scan3A_136, %rem3A_138 : i32
      %ge3A = arith.constant 3 : i32
      %ge3A_140 = arith.cmpi sge, %scan3A_136, %ge3A : i32
      %convert_element_type3A_141 = arith.extui %ge3A_140 : i1 to i32
      %cond3A_142 = arith.constant 0 : i32
      %cond3A_143 = arith.cmpi ne, %convert_element_type3A_141, %cond3A_142 : i32
      scf.if %cond3A_143 {
        %sub3A = arith.constant 3 : i32
        %sub3A_275 = arith.subi %scan3A_136, %sub3A : i32
        %rem3A_276 = arith.constant 5 : i32
        %rem3A_277 = arith.remsi %sub3A_275, %rem3A_276 : i32
        %dma_wait3A_278 = arith.constant 1 : i32
        %dma_wait3A_279 = arith.constant 0 : i32
        %dma_wait3A_280 = arith.constant 0 : i32
        %dma_wait3A_281 = tpu.memref_slice %arg8[%rem3A_139, %dma_wait3A_279, %dma_wait3A_280] : memref<3x128x128xf32, #tpu.memory_space<vmem>> -> memref<1x128x128xf32, #tpu.memory_space<vmem>>
        %dma_wait3A_282 = tpu.memref_squeeze %dma_wait3A_281 : memref<1x128x128xf32, #tpu.memory_space<vmem>> -> memref<128x128xf32, #tpu.memory_space<vmem>>
        %dma_wait3A_283 = arith.constant 0 : i32
        %dma_wait3A_284 = tpu.memref_slice %arg7[%rem3A_277, %dma_wait3A_278, %dma_wait3A_283] : memref<5x2x128xi32, #tpu.memory_space<vmem>> -> memref<1x1x128xi32, #tpu.memory_space<vmem>>
        %dma_wait3A_285 = tpu.memref_squeeze %dma_wait3A_284 : memref<1x1x128xi32, #tpu.memory_space<vmem>> -> memref<128xi32, #tpu.memory_space<vmem>>
        %dma_wait3A_286 = arith.constant 0 : i32
        %dma_wait3A_287 = arith.constant 0 : i32
        %dma_wait3A_288 = tpu.memref_slice %arg9[%dma_wait3A_286, %dma_wait3A_287] : memref<10016x128xf32, #tpu.memory_space<vmem_shared>> -> memref<10016x128xf32, #tpu.memory_space<vmem_shared>>
        %dma_wait3A_289 = tpu.memref_slice %arg12[%rem3A_139] : memref<3x!tpu.dma_semaphore, #tpu.memory_space<semaphore_mem>> -> memref<1x!tpu.dma_semaphore, #tpu.memory_space<semaphore_mem>>
        %dma_wait3A_290 = tpu.memref_squeeze %dma_wait3A_289 : memref<1x!tpu.dma_semaphore, #tpu.memory_space<semaphore_mem>> -> memref<!tpu.dma_semaphore, #tpu.memory_space<semaphore_mem>>
        tpu.wait_indirect_dma semaphore(%dma_wait3A_290 : memref<!tpu.dma_semaphore, #tpu.memory_space<semaphore_mem>>) src(%dma_wait3A_282 : memref<128x128xf32, #tpu.memory_space<vmem>>) dst(%dma_wait3A_288 : memref<10016x128xf32, #tpu.memory_space<vmem_shared>>)
        %sub3A_291 = arith.constant 3 : i32
        %sub3A_292 = arith.subi %scan3A_136, %sub3A_291 : i32
        %add3A = arith.constant 5 : i32
        %add3A_293 = arith.addi %sub3A_292, %add3A : i32
        %lt3A_294 = arith.constant 115 : i32
        %lt3A_295 = arith.cmpi slt, %add3A_293, %lt3A_294 : i32
        %convert_element_type3A_296 = arith.extui %lt3A_295 : i1 to i32
        %cond3A_297 = arith.constant 0 : i32
        %cond3A_298 = arith.cmpi ne, %convert_element_type3A_296, %cond3A_297 : i32
        scf.if %cond3A_298 {
          %sub3A_299 = arith.constant 3 : i32
          %sub3A_300 = arith.subi %scan3A_136, %sub3A_299 : i32
          %add3A_301 = arith.constant 5 : i32
          %add3A_302 = arith.addi %sub3A_300, %add3A_301 : i32
          %dma_start3A_303 = arith.constant 0 : i32
          %dma_start3A_304 = arith.constant 0 : i32
          %dma_start3A_305 = tpu.memref_slice %arg7[%rem3A_277, %dma_start3A_303, %dma_start3A_304] : memref<5x2x128xi32, #tpu.memory_space<vmem>> -> memref<1x2x128xi32, #tpu.memory_space<vmem>>
          %dma_start3A_306 = tpu.memref_squeeze %dma_start3A_305 : memref<1x2x128xi32, #tpu.memory_space<vmem>> -> memref<2x128xi32, #tpu.memory_space<vmem>>
          %dma_start3A_307 = arith.constant 0 : i32
          %dma_start3A_308 = arith.constant 0 : i32
          %dma_start3A_309 = tpu.memref_slice %arg3[%arg1, %add3A_302, %dma_start3A_307, %dma_start3A_308] : memref<16x115x2x128xi32, #tpu.memory_space<hbm>> -> memref<1x1x2x128xi32, #tpu.memory_space<hbm>>
          %dma_start3A_310 = tpu.memref_squeeze %dma_start3A_309 : memref<1x1x2x128xi32, #tpu.memory_space<hbm>> -> memref<2x128xi32, #tpu.memory_space<hbm>>
          %dma_start3A_311 = tpu.memref_slice %arg10[%rem3A_277] : memref<5x!tpu.dma_semaphore, #tpu.memory_space<semaphore_mem>> -> memref<1x!tpu.dma_semaphore, #tpu.memory_space<semaphore_mem>>
          %dma_start3A_312 = tpu.memref_squeeze %dma_start3A_311 : memref<1x!tpu.dma_semaphore, #tpu.memory_space<semaphore_mem>> -> memref<!tpu.dma_semaphore, #tpu.memory_space<semaphore_mem>>
          %dma_start3A_313 = arith.constant 0 : i32
          %dma_start3A_314 = arith.constant 0 : i32
          %dma_start3A_315 = tpu.memref_slice %arg7[%rem3A_277, %dma_start3A_313, %dma_start3A_314] : memref<5x2x128xi32, #tpu.memory_space<vmem>> -> memref<1x2x128xi32, #tpu.memory_space<vmem>>
          %dma_start3A_316 = tpu.memref_squeeze %dma_start3A_315 : memref<1x2x128xi32, #tpu.memory_space<vmem>> -> memref<2x128xi32, #tpu.memory_space<vmem>>
          %dma_start3A_317 = arith.constant 0 : i32
          %dma_start3A_318 = arith.constant 0 : i32
          %dma_start3A_319 = tpu.memref_slice %arg3[%arg1, %add3A_302, %dma_start3A_317, %dma_start3A_318] : memref<16x115x2x128xi32, #tpu.memory_space<hbm>> -> memref<1x1x2x128xi32, #tpu.memory_space<hbm>>
          %dma_start3A_320 = tpu.memref_squeeze %dma_start3A_319 : memref<1x1x2x128xi32, #tpu.memory_space<hbm>> -> memref<2x128xi32, #tpu.memory_space<hbm>>
          tpu.enqueue_dma source(%dma_start3A_320 : memref<2x128xi32, #tpu.memory_space<hbm>>) target(%dma_start3A_316 : memref<2x128xi32, #tpu.memory_space<vmem>>) target_semaphore(%dma_start3A_312 : memref<!tpu.dma_semaphore, #tpu.memory_space<semaphore_mem>>)
        } else {
        }
      } else {
      }
      %dma_wait3A = arith.constant 0 : i32
      %dma_wait3A_144 = arith.constant 0 : i32
      %dma_wait3A_145 = tpu.memref_slice %arg7[%rem3A_137, %dma_wait3A, %dma_wait3A_144] : memref<5x2x128xi32, #tpu.memory_space<vmem>> -> memref<1x2x128xi32, #tpu.memory_space<vmem>>
      %dma_wait3A_146 = tpu.memref_squeeze %dma_wait3A_145 : memref<1x2x128xi32, #tpu.memory_space<vmem>> -> memref<2x128xi32, #tpu.memory_space<vmem>>
      %dma_wait3A_147 = arith.constant 0 : i32
      %dma_wait3A_148 = arith.constant 0 : i32
      %dma_wait3A_149 = tpu.memref_slice %arg3[%arg1, %scan3A_136, %dma_wait3A_147, %dma_wait3A_148] : memref<16x115x2x128xi32, #tpu.memory_space<hbm>> -> memref<1x1x2x128xi32, #tpu.memory_space<hbm>>
      %dma_wait3A_150 = tpu.memref_squeeze %dma_wait3A_149 : memref<1x1x2x128xi32, #tpu.memory_space<hbm>> -> memref<2x128xi32, #tpu.memory_space<hbm>>
      %dma_wait3A_151 = tpu.memref_slice %arg10[%rem3A_137] : memref<5x!tpu.dma_semaphore, #tpu.memory_space<semaphore_mem>> -> memref<1x!tpu.dma_semaphore, #tpu.memory_space<semaphore_mem>>
      %dma_wait3A_152 = tpu.memref_squeeze %dma_wait3A_151 : memref<1x!tpu.dma_semaphore, #tpu.memory_space<semaphore_mem>> -> memref<!tpu.dma_semaphore, #tpu.memory_space<semaphore_mem>>
      %dma_wait3A_153 = arith.constant 0 : i32
      %dma_wait3A_154 = arith.constant 0 : i32
      %dma_wait3A_155 = tpu.memref_slice %arg7[%rem3A_137, %dma_wait3A_153, %dma_wait3A_154] : memref<5x2x128xi32, #tpu.memory_space<vmem>> -> memref<1x2x128xi32, #tpu.memory_space<vmem>>
      %dma_wait3A_156 = tpu.memref_squeeze %dma_wait3A_155 : memref<1x2x128xi32, #tpu.memory_space<vmem>> -> memref<2x128xi32, #tpu.memory_space<vmem>>
      %dma_wait3A_157 = arith.constant 0 : i32
      %dma_wait3A_158 = arith.constant 0 : i32
      %dma_wait3A_159 = tpu.memref_slice %arg3[%arg1, %scan3A_136, %dma_wait3A_157, %dma_wait3A_158] : memref<16x115x2x128xi32, #tpu.memory_space<hbm>> -> memref<1x1x2x128xi32, #tpu.memory_space<hbm>>
      %dma_wait3A_160 = tpu.memref_squeeze %dma_wait3A_159 : memref<1x1x2x128xi32, #tpu.memory_space<hbm>> -> memref<2x128xi32, #tpu.memory_space<hbm>>
      tpu.wait_dma2 semaphore(%dma_wait3A_152 : memref<!tpu.dma_semaphore, #tpu.memory_space<semaphore_mem>>) src(%dma_wait3A_160 : memref<2x128xi32, #tpu.memory_space<hbm>>) dst(%dma_wait3A_156 : memref<2x128xi32, #tpu.memory_space<vmem>>)
      %dma_start3A_161 = arith.constant 0 : i32
      %dma_start3A_162 = arith.constant 0 : i32
      %dma_start3A_163 = arith.constant 0 : i32
      %dma_start3A_164 = tpu.memref_slice %arg8[%rem3A_139, %dma_start3A_162, %dma_start3A_163] : memref<3x128x128xf32, #tpu.memory_space<vmem>> -> memref<1x128x128xf32, #tpu.memory_space<vmem>>
      %dma_start3A_165 = tpu.memref_squeeze %dma_start3A_164 : memref<1x128x128xf32, #tpu.memory_space<vmem>> -> memref<128x128xf32, #tpu.memory_space<vmem>>
      %dma_start3A_166 = arith.constant 0 : i32
      %dma_start3A_167 = tpu.memref_slice %arg7[%rem3A_137, %dma_start3A_161, %dma_start3A_166] : memref<5x2x128xi32, #tpu.memory_space<vmem>> -> memref<1x1x128xi32, #tpu.memory_space<vmem>>
      %dma_start3A_168 = tpu.memref_squeeze %dma_start3A_167 : memref<1x1x128xi32, #tpu.memory_space<vmem>> -> memref<128xi32, #tpu.memory_space<vmem>>
      %dma_start3A_169 = arith.constant 0 : i32
      %dma_start3A_170 = arith.constant 0 : i32
      %dma_start3A_171 = tpu.memref_slice %arg2[%dma_start3A_169, %dma_start3A_170] : memref<10000x128xf32, #tpu.memory_space<hbm>> -> memref<10000x128xf32, #tpu.memory_space<hbm>>
      %dma_start3A_172 = tpu.memref_slice %arg11[%rem3A_139] : memref<3x!tpu.dma_semaphore, #tpu.memory_space<semaphore_mem>> -> memref<1x!tpu.dma_semaphore, #tpu.memory_space<semaphore_mem>>
      %dma_start3A_173 = tpu.memref_squeeze %dma_start3A_172 : memref<1x!tpu.dma_semaphore, #tpu.memory_space<semaphore_mem>> -> memref<!tpu.dma_semaphore, #tpu.memory_space<semaphore_mem>>
      tpu.enqueue_indirect_dma source(%dma_start3A_171 : memref<10000x128xf32, #tpu.memory_space<hbm>>) target(%dma_start3A_165 : memref<128x128xf32, #tpu.memory_space<vmem>>) offsets(%dma_start3A_168 : memref<128xi32, #tpu.memory_space<vmem>>) semaphore(%dma_start3A_173 : memref<!tpu.dma_semaphore, #tpu.memory_space<semaphore_mem>>)
      %ge3A_174 = arith.constant 1 : i32
      %ge3A_175 = arith.cmpi sge, %scan3A_136, %ge3A_174 : i32
      %convert_element_type3A_176 = arith.extui %ge3A_175 : i1 to i32
      %cond3A_177 = arith.constant 0 : i32
      %cond3A_178 = arith.cmpi ne, %convert_element_type3A_176, %cond3A_177 : i32
      scf.if %cond3A_178 {
        %sub3A = arith.constant 1 : i32
        %sub3A_275 = arith.subi %scan3A_136, %sub3A : i32
        %rem3A_276 = arith.constant 5 : i32
        %rem3A_277 = arith.remsi %sub3A_275, %rem3A_276 : i32
        %sub3A_278 = arith.constant 1 : i32
        %sub3A_279 = arith.subi %scan3A_136, %sub3A_278 : i32
        %rem3A_280 = arith.constant 3 : i32
        %rem3A_281 = arith.remsi %sub3A_279, %rem3A_280 : i32
        %dma_wait3A_282 = arith.constant 0 : i32
        %dma_wait3A_283 = arith.constant 0 : i32
        %dma_wait3A_284 = arith.constant 0 : i32
        %dma_wait3A_285 = tpu.memref_slice %arg8[%rem3A_281, %dma_wait3A_283, %dma_wait3A_284] : memref<3x128x128xf32, #tpu.memory_space<vmem>> -> memref<1x128x128xf32, #tpu.memory_space<vmem>>
        %dma_wait3A_286 = tpu.memref_squeeze %dma_wait3A_285 : memref<1x128x128xf32, #tpu.memory_space<vmem>> -> memref<128x128xf32, #tpu.memory_space<vmem>>
        %dma_wait3A_287 = arith.constant 0 : i32
        %dma_wait3A_288 = tpu.memref_slice %arg7[%rem3A_277, %dma_wait3A_282, %dma_wait3A_287] : memref<5x2x128xi32, #tpu.memory_space<vmem>> -> memref<1x1x128xi32, #tpu.memory_space<vmem>>
        %dma_wait3A_289 = tpu.memref_squeeze %dma_wait3A_288 : memref<1x1x128xi32, #tpu.memory_space<vmem>> -> memref<128xi32, #tpu.memory_space<vmem>>
        %dma_wait3A_290 = arith.constant 0 : i32
        %dma_wait3A_291 = arith.constant 0 : i32
        %dma_wait3A_292 = tpu.memref_slice %arg2[%dma_wait3A_290, %dma_wait3A_291] : memref<10000x128xf32, #tpu.memory_space<hbm>> -> memref<10000x128xf32, #tpu.memory_space<hbm>>
        %dma_wait3A_293 = tpu.memref_slice %arg11[%rem3A_281] : memref<3x!tpu.dma_semaphore, #tpu.memory_space<semaphore_mem>> -> memref<1x!tpu.dma_semaphore, #tpu.memory_space<semaphore_mem>>
        %dma_wait3A_294 = tpu.memref_squeeze %dma_wait3A_293 : memref<1x!tpu.dma_semaphore, #tpu.memory_space<semaphore_mem>> -> memref<!tpu.dma_semaphore, #tpu.memory_space<semaphore_mem>>
        tpu.wait_indirect_dma semaphore(%dma_wait3A_294 : memref<!tpu.dma_semaphore, #tpu.memory_space<semaphore_mem>>) src(%dma_wait3A_292 : memref<10000x128xf32, #tpu.memory_space<hbm>>) dst(%dma_wait3A_286 : memref<128x128xf32, #tpu.memory_space<vmem>>)
        %dma_start3A_295 = arith.constant 1 : i32
        %dma_start3A_296 = arith.constant 0 : i32
        %dma_start3A_297 = arith.constant 0 : i32
        %dma_start3A_298 = tpu.memref_slice %arg8[%rem3A_281, %dma_start3A_296, %dma_start3A_297] : memref<3x128x128xf32, #tpu.memory_space<vmem>> -> memref<1x128x128xf32, #tpu.memory_space<vmem>>
        %dma_start3A_299 = tpu.memref_squeeze %dma_start3A_298 : memref<1x128x128xf32, #tpu.memory_space<vmem>> -> memref<128x128xf32, #tpu.memory_space<vmem>>
        %dma_start3A_300 = arith.constant 0 : i32
        %dma_start3A_301 = tpu.memref_slice %arg7[%rem3A_277, %dma_start3A_295, %dma_start3A_300] : memref<5x2x128xi32, #tpu.memory_space<vmem>> -> memref<1x1x128xi32, #tpu.memory_space<vmem>>
        %dma_start3A_302 = tpu.memref_squeeze %dma_start3A_301 : memref<1x1x128xi32, #tpu.memory_space<vmem>> -> memref<128xi32, #tpu.memory_space<vmem>>
        %dma_start3A_303 = arith.constant 0 : i32
        %dma_start3A_304 = arith.constant 0 : i32
        %dma_start3A_305 = tpu.memref_slice %arg9[%dma_start3A_303, %dma_start3A_304] : memref<10016x128xf32, #tpu.memory_space<vmem_shared>> -> memref<10016x128xf32, #tpu.memory_space<vmem_shared>>
        %dma_start3A_306 = tpu.memref_slice %arg12[%rem3A_281] : memref<3x!tpu.dma_semaphore, #tpu.memory_space<semaphore_mem>> -> memref<1x!tpu.dma_semaphore, #tpu.memory_space<semaphore_mem>>
        %dma_start3A_307 = tpu.memref_squeeze %dma_start3A_306 : memref<1x!tpu.dma_semaphore, #tpu.memory_space<semaphore_mem>> -> memref<!tpu.dma_semaphore, #tpu.memory_space<semaphore_mem>>
        tpu.enqueue_indirect_dma source(%dma_start3A_299 : memref<128x128xf32, #tpu.memory_space<vmem>>) target(%dma_start3A_305 : memref<10016x128xf32, #tpu.memory_space<vmem_shared>>) offsets(%dma_start3A_302 : memref<128xi32, #tpu.memory_space<vmem>>) semaphore(%dma_start3A_307 : memref<!tpu.dma_semaphore, #tpu.memory_space<semaphore_mem>>) {add = true}
      } else {
      }
      %scan3A_179 = arith.constant 115 : i32
      %rem3A_180 = arith.constant 114 : i32
      %rem3A_181 = arith.constant 5 : i32
      %rem3A_182 = arith.remsi %rem3A_180, %rem3A_181 : i32
      %rem3A_183 = arith.constant 114 : i32
      %rem3A_184 = arith.constant 3 : i32
      %rem3A_185 = arith.remsi %rem3A_183, %rem3A_184 : i32
      %dma_wait3A_186 = arith.constant 0 : i32
      %dma_wait3A_187 = arith.constant 0 : i32
      %dma_wait3A_188 = arith.constant 0 : i32
      %dma_wait3A_189 = tpu.memref_slice %arg8[%rem3A_185, %dma_wait3A_187, %dma_wait3A_188] : memref<3x128x128xf32, #tpu.memory_space<vmem>> -> memref<1x128x128xf32, #tpu.memory_space<vmem>>
      %dma_wait3A_190 = tpu.memref_squeeze %dma_wait3A_189 : memref<1x128x128xf32, #tpu.memory_space<vmem>> -> memref<128x128xf32, #tpu.memory_space<vmem>>
      %dma_wait3A_191 = arith.constant 0 : i32
      %dma_wait3A_192 = tpu.memref_slice %arg7[%rem3A_182, %dma_wait3A_186, %dma_wait3A_191] : memref<5x2x128xi32, #tpu.memory_space<vmem>> -> memref<1x1x128xi32, #tpu.memory_space<vmem>>
      %dma_wait3A_193 = tpu.memref_squeeze %dma_wait3A_192 : memref<1x1x128xi32, #tpu.memory_space<vmem>> -> memref<128xi32, #tpu.memory_space<vmem>>
      %dma_wait3A_194 = arith.constant 0 : i32
      %dma_wait3A_195 = arith.constant 0 : i32
      %dma_wait3A_196 = tpu.memref_slice %arg2[%dma_wait3A_194, %dma_wait3A_195] : memref<10000x128xf32, #tpu.memory_space<hbm>> -> memref<10000x128xf32, #tpu.memory_space<hbm>>
      %dma_wait3A_197 = tpu.memref_slice %arg11[%rem3A_185] : memref<3x!tpu.dma_semaphore, #tpu.memory_space<semaphore_mem>> -> memref<1x!tpu.dma_semaphore, #tpu.memory_space<semaphore_mem>>
      %dma_wait3A_198 = tpu.memref_squeeze %dma_wait3A_197 : memref<1x!tpu.dma_semaphore, #tpu.memory_space<semaphore_mem>> -> memref<!tpu.dma_semaphore, #tpu.memory_space<semaphore_mem>>
      tpu.wait_indirect_dma semaphore(%dma_wait3A_198 : memref<!tpu.dma_semaphore, #tpu.memory_space<semaphore_mem>>) src(%dma_wait3A_196 : memref<10000x128xf32, #tpu.memory_space<hbm>>) dst(%dma_wait3A_190 : memref<128x128xf32, #tpu.memory_space<vmem>>)
      %rem3A_199 = arith.constant 114 : i32
      %rem3A_200 = arith.constant 5 : i32
      %rem3A_201 = arith.remsi %rem3A_199, %rem3A_200 : i32
      %rem3A_202 = arith.constant 114 : i32
      %rem3A_203 = arith.constant 3 : i32
      %rem3A_204 = arith.remsi %rem3A_202, %rem3A_203 : i32
      %dma_start3A_205 = arith.constant 1 : i32
      %dma_start3A_206 = arith.constant 0 : i32
      %dma_start3A_207 = arith.constant 0 : i32
      %dma_start3A_208 = tpu.memref_slice %arg8[%rem3A_204, %dma_start3A_206, %dma_start3A_207] : memref<3x128x128xf32, #tpu.memory_space<vmem>> -> memref<1x128x128xf32, #tpu.memory_space<vmem>>
      %dma_start3A_209 = tpu.memref_squeeze %dma_start3A_208 : memref<1x128x128xf32, #tpu.memory_space<vmem>> -> memref<128x128xf32, #tpu.memory_space<vmem>>
      %dma_start3A_210 = arith.constant 0 : i32
      %dma_start3A_211 = tpu.memref_slice %arg7[%rem3A_201, %dma_start3A_205, %dma_start3A_210] : memref<5x2x128xi32, #tpu.memory_space<vmem>> -> memref<1x1x128xi32, #tpu.memory_space<vmem>>
      %dma_start3A_212 = tpu.memref_squeeze %dma_start3A_211 : memref<1x1x128xi32, #tpu.memory_space<vmem>> -> memref<128xi32, #tpu.memory_space<vmem>>
      %dma_start3A_213 = arith.constant 0 : i32
      %dma_start3A_214 = arith.constant 0 : i32
      %dma_start3A_215 = tpu.memref_slice %arg9[%dma_start3A_213, %dma_start3A_214] : memref<10016x128xf32, #tpu.memory_space<vmem_shared>> -> memref<10016x128xf32, #tpu.memory_space<vmem_shared>>
      %dma_start3A_216 = tpu.memref_slice %arg12[%rem3A_204] : memref<3x!tpu.dma_semaphore, #tpu.memory_space<semaphore_mem>> -> memref<1x!tpu.dma_semaphore, #tpu.memory_space<semaphore_mem>>
      %dma_start3A_217 = tpu.memref_squeeze %dma_start3A_216 : memref<1x!tpu.dma_semaphore, #tpu.memory_space<semaphore_mem>> -> memref<!tpu.dma_semaphore, #tpu.memory_space<semaphore_mem>>
      tpu.enqueue_indirect_dma source(%dma_start3A_209 : memref<128x128xf32, #tpu.memory_space<vmem>>) target(%dma_start3A_215 : memref<10016x128xf32, #tpu.memory_space<vmem_shared>>) offsets(%dma_start3A_212 : memref<128xi32, #tpu.memory_space<vmem>>) semaphore(%dma_start3A_217 : memref<!tpu.dma_semaphore, #tpu.memory_space<semaphore_mem>>) {add = true}
      %rem3A_218 = arith.constant 112 : i32
      %rem3A_219 = arith.constant 5 : i32
      %rem3A_220 = arith.remsi %rem3A_218, %rem3A_219 : i32
      %rem3A_221 = arith.constant 112 : i32
      %rem3A_222 = arith.constant 3 : i32
      %rem3A_223 = arith.remsi %rem3A_221, %rem3A_222 : i32
      %dma_wait3A_224 = arith.constant 1 : i32
      %dma_wait3A_225 = arith.constant 0 : i32
      %dma_wait3A_226 = arith.constant 0 : i32
      %dma_wait3A_227 = tpu.memref_slice %arg8[%rem3A_223, %dma_wait3A_225, %dma_wait3A_226] : memref<3x128x128xf32, #tpu.memory_space<vmem>> -> memref<1x128x128xf32, #tpu.memory_space<vmem>>
      %dma_wait3A_228 = tpu.memref_squeeze %dma_wait3A_227 : memref<1x128x128xf32, #tpu.memory_space<vmem>> -> memref<128x128xf32, #tpu.memory_space<vmem>>
      %dma_wait3A_229 = arith.constant 0 : i32
      %dma_wait3A_230 = tpu.memref_slice %arg7[%rem3A_220, %dma_wait3A_224, %dma_wait3A_229] : memref<5x2x128xi32, #tpu.memory_space<vmem>> -> memref<1x1x128xi32, #tpu.memory_space<vmem>>
      %dma_wait3A_231 = tpu.memref_squeeze %dma_wait3A_230 : memref<1x1x128xi32, #tpu.memory_space<vmem>> -> memref<128xi32, #tpu.memory_space<vmem>>
      %dma_wait3A_232 = arith.constant 0 : i32
      %dma_wait3A_233 = arith.constant 0 : i32
      %dma_wait3A_234 = tpu.memref_slice %arg9[%dma_wait3A_232, %dma_wait3A_233] : memref<10016x128xf32, #tpu.memory_space<vmem_shared>> -> memref<10016x128xf32, #tpu.memory_space<vmem_shared>>
      %dma_wait3A_235 = tpu.memref_slice %arg12[%rem3A_223] : memref<3x!tpu.dma_semaphore, #tpu.memory_space<semaphore_mem>> -> memref<1x!tpu.dma_semaphore, #tpu.memory_space<semaphore_mem>>
      %dma_wait3A_236 = tpu.memref_squeeze %dma_wait3A_235 : memref<1x!tpu.dma_semaphore, #tpu.memory_space<semaphore_mem>> -> memref<!tpu.dma_semaphore, #tpu.memory_space<semaphore_mem>>
      tpu.wait_indirect_dma semaphore(%dma_wait3A_236 : memref<!tpu.dma_semaphore, #tpu.memory_space<semaphore_mem>>) src(%dma_wait3A_228 : memref<128x128xf32, #tpu.memory_space<vmem>>) dst(%dma_wait3A_234 : memref<10016x128xf32, #tpu.memory_space<vmem_shared>>)
      %rem3A_237 = arith.constant 113 : i32
      %rem3A_238 = arith.constant 5 : i32
      %rem3A_239 = arith.remsi %rem3A_237, %rem3A_238 : i32
      %rem3A_240 = arith.constant 113 : i32
      %rem3A_241 = arith.constant 3 : i32
      %rem3A_242 = arith.remsi %rem3A_240, %rem3A_241 : i32
      %dma_wait3A_243 = arith.constant 1 : i32
      %dma_wait3A_244 = arith.constant 0 : i32
      %dma_wait3A_245 = arith.constant 0 : i32
      %dma_wait3A_246 = tpu.memref_slice %arg8[%rem3A_242, %dma_wait3A_244, %dma_wait3A_245] : memref<3x128x128xf32, #tpu.memory_space<vmem>> -> memref<1x128x128xf32, #tpu.memory_space<vmem>>
      %dma_wait3A_247 = tpu.memref_squeeze %dma_wait3A_246 : memref<1x128x128xf32, #tpu.memory_space<vmem>> -> memref<128x128xf32, #tpu.memory_space<vmem>>
      %dma_wait3A_248 = arith.constant 0 : i32
      %dma_wait3A_249 = tpu.memref_slice %arg7[%rem3A_239, %dma_wait3A_243, %dma_wait3A_248] : memref<5x2x128xi32, #tpu.memory_space<vmem>> -> memref<1x1x128xi32, #tpu.memory_space<vmem>>
      %dma_wait3A_250 = tpu.memref_squeeze %dma_wait3A_249 : memref<1x1x128xi32, #tpu.memory_space<vmem>> -> memref<128xi32, #tpu.memory_space<vmem>>
      %dma_wait3A_251 = arith.constant 0 : i32
      %dma_wait3A_252 = arith.constant 0 : i32
      %dma_wait3A_253 = tpu.memref_slice %arg9[%dma_wait3A_251, %dma_wait3A_252] : memref<10016x128xf32, #tpu.memory_space<vmem_shared>> -> memref<10016x128xf32, #tpu.memory_space<vmem_shared>>
      %dma_wait3A_254 = tpu.memref_slice %arg12[%rem3A_242] : memref<3x!tpu.dma_semaphore, #tpu.memory_space<semaphore_mem>> -> memref<1x!tpu.dma_semaphore, #tpu.memory_space<semaphore_mem>>
      %dma_wait3A_255 = tpu.memref_squeeze %dma_wait3A_254 : memref<1x!tpu.dma_semaphore, #tpu.memory_space<semaphore_mem>> -> memref<!tpu.dma_semaphore, #tpu.memory_space<semaphore_mem>>
      tpu.wait_indirect_dma semaphore(%dma_wait3A_255 : memref<!tpu.dma_semaphore, #tpu.memory_space<semaphore_mem>>) src(%dma_wait3A_247 : memref<128x128xf32, #tpu.memory_space<vmem>>) dst(%dma_wait3A_253 : memref<10016x128xf32, #tpu.memory_space<vmem_shared>>)
      %rem3A_256 = arith.constant 114 : i32
      %rem3A_257 = arith.constant 5 : i32
      %rem3A_258 = arith.remsi %rem3A_256, %rem3A_257 : i32
      %rem3A_259 = arith.constant 114 : i32
      %rem3A_260 = arith.constant 3 : i32
      %rem3A_261 = arith.remsi %rem3A_259, %rem3A_260 : i32
      %dma_wait3A_262 = arith.constant 1 : i32
      %dma_wait3A_263 = arith.constant 0 : i32
      %dma_wait3A_264 = arith.constant 0 : i32
      %dma_wait3A_265 = tpu.memref_slice %arg8[%rem3A_261, %dma_wait3A_263, %dma_wait3A_264] : memref<3x128x128xf32, #tpu.memory_space<vmem>> -> memref<1x128x128xf32, #tpu.memory_space<vmem>>
      %dma_wait3A_266 = tpu.memref_squeeze %dma_wait3A_265 : memref<1x128x128xf32, #tpu.memory_space<vmem>> -> memref<128x128xf32, #tpu.memory_space<vmem>>
      %dma_wait3A_267 = arith.constant 0 : i32
      %dma_wait3A_268 = tpu.memref_slice %arg7[%rem3A_258, %dma_wait3A_262, %dma_wait3A_267] : memref<5x2x128xi32, #tpu.memory_space<vmem>> -> memref<1x1x128xi32, #tpu.memory_space<vmem>>
      %dma_wait3A_269 = tpu.memref_squeeze %dma_wait3A_268 : memref<1x1x128xi32, #tpu.memory_space<vmem>> -> memref<128xi32, #tpu.memory_space<vmem>>
      %dma_wait3A_270 = arith.constant 0 : i32
      %dma_wait3A_271 = arith.constant 0 : i32
      %dma_wait3A_272 = tpu.memref_slice %arg9[%dma_wait3A_270, %dma_wait3A_271] : memref<10016x128xf32, #tpu.memory_space<vmem_shared>> -> memref<10016x128xf32, #tpu.memory_space<vmem_shared>>
      %dma_wait3A_273 = tpu.memref_slice %arg12[%rem3A_261] : memref<3x!tpu.dma_semaphore, #tpu.memory_space<semaphore_mem>> -> memref<1x!tpu.dma_semaphore, #tpu.memory_space<semaphore_mem>>
      %dma_wait3A_274 = tpu.memref_squeeze %dma_wait3A_273 : memref<1x!tpu.dma_semaphore, #tpu.memory_space<semaphore_mem>> -> memref<!tpu.dma_semaphore, #tpu.memory_space<semaphore_mem>>
      tpu.wait_indirect_dma semaphore(%dma_wait3A_274 : memref<!tpu.dma_semaphore, #tpu.memory_space<semaphore_mem>>) src(%dma_wait3A_266 : memref<128x128xf32, #tpu.memory_space<vmem>>) dst(%dma_wait3A_272 : memref<10016x128xf32, #tpu.memory_space<vmem_shared>>)
    } else {
    }
    %eq3A_11 = arith.constant 1 : i32
    %eq3A_12 = arith.cmpi eq, %arg0, %eq3A_11 : i32
    %convert_element_type3A_13 = arith.extui %eq3A_12 : i1 to i32
    %cond3A_14 = arith.constant 0 : i32
    %cond3A_15 = arith.cmpi ne, %convert_element_type3A_13, %cond3A_14 : i32
    scf.if %cond3A_15 {
      %dma_start3A = arith.constant 0 : i32
      %dma_start3A_27 = arith.constant 0 : i32
      %dma_start3A_28 = arith.constant 0 : i32
      %dma_start3A_29 = arith.constant 0 : i32
      %dma_start3A_30 = arith.constant 0 : i32
      %dma_start3A_31 = tpu.memref_slice %arg7[%dma_start3A_27, %dma_start3A_29, %dma_start3A_30] : memref<5x2x128xi32, #tpu.memory_space<vmem>> -> memref<1x2x128xi32, #tpu.memory_space<vmem>>
      %dma_start3A_32 = tpu.memref_squeeze %dma_start3A_31 : memref<1x2x128xi32, #tpu.memory_space<vmem>> -> memref<2x128xi32, #tpu.memory_space<vmem>>
      %dma_start3A_33 = arith.constant 0 : i32
      %dma_start3A_34 = arith.constant 0 : i32
      %dma_start3A_35 = tpu.memref_slice %arg4[%arg1, %dma_start3A, %dma_start3A_33, %dma_start3A_34] : memref<16x42x2x128xi32, #tpu.memory_space<hbm>> -> memref<1x1x2x128xi32, #tpu.memory_space<hbm>>
      %dma_start3A_36 = tpu.memref_squeeze %dma_start3A_35 : memref<1x1x2x128xi32, #tpu.memory_space<hbm>> -> memref<2x128xi32, #tpu.memory_space<hbm>>
      %dma_start3A_37 = tpu.memref_slice %arg10[%dma_start3A_28] : memref<5x!tpu.dma_semaphore, #tpu.memory_space<semaphore_mem>> -> memref<1x!tpu.dma_semaphore, #tpu.memory_space<semaphore_mem>>
      %dma_start3A_38 = tpu.memref_squeeze %dma_start3A_37 : memref<1x!tpu.dma_semaphore, #tpu.memory_space<semaphore_mem>> -> memref<!tpu.dma_semaphore, #tpu.memory_space<semaphore_mem>>
      %dma_start3A_39 = arith.constant 0 : i32
      %dma_start3A_40 = arith.constant 0 : i32
      %dma_start3A_41 = tpu.memref_slice %arg7[%dma_start3A_27, %dma_start3A_39, %dma_start3A_40] : memref<5x2x128xi32, #tpu.memory_space<vmem>> -> memref<1x2x128xi32, #tpu.memory_space<vmem>>
      %dma_start3A_42 = tpu.memref_squeeze %dma_start3A_41 : memref<1x2x128xi32, #tpu.memory_space<vmem>> -> memref<2x128xi32, #tpu.memory_space<vmem>>
      %dma_start3A_43 = arith.constant 0 : i32
      %dma_start3A_44 = arith.constant 0 : i32
      %dma_start3A_45 = tpu.memref_slice %arg4[%arg1, %dma_start3A, %dma_start3A_43, %dma_start3A_44] : memref<16x42x2x128xi32, #tpu.memory_space<hbm>> -> memref<1x1x2x128xi32, #tpu.memory_space<hbm>>
      %dma_start3A_46 = tpu.memref_squeeze %dma_start3A_45 : memref<1x1x2x128xi32, #tpu.memory_space<hbm>> -> memref<2x128xi32, #tpu.memory_space<hbm>>
      tpu.enqueue_dma source(%dma_start3A_46 : memref<2x128xi32, #tpu.memory_space<hbm>>) target(%dma_start3A_42 : memref<2x128xi32, #tpu.memory_space<vmem>>) target_semaphore(%dma_start3A_38 : memref<!tpu.dma_semaphore, #tpu.memory_space<semaphore_mem>>)
      %dma_start3A_47 = arith.constant 1 : i32
      %dma_start3A_48 = arith.constant 1 : i32
      %dma_start3A_49 = arith.constant 1 : i32
      %dma_start3A_50 = arith.constant 0 : i32
      %dma_start3A_51 = arith.constant 0 : i32
      %dma_start3A_52 = tpu.memref_slice %arg7[%dma_start3A_48, %dma_start3A_50, %dma_start3A_51] : memref<5x2x128xi32, #tpu.memory_space<vmem>> -> memref<1x2x128xi32, #tpu.memory_space<vmem>>
      %dma_start3A_53 = tpu.memref_squeeze %dma_start3A_52 : memref<1x2x128xi32, #tpu.memory_space<vmem>> -> memref<2x128xi32, #tpu.memory_space<vmem>>
      %dma_start3A_54 = arith.constant 0 : i32
      %dma_start3A_55 = arith.constant 0 : i32
      %dma_start3A_56 = tpu.memref_slice %arg4[%arg1, %dma_start3A_47, %dma_start3A_54, %dma_start3A_55] : memref<16x42x2x128xi32, #tpu.memory_space<hbm>> -> memref<1x1x2x128xi32, #tpu.memory_space<hbm>>
      %dma_start3A_57 = tpu.memref_squeeze %dma_start3A_56 : memref<1x1x2x128xi32, #tpu.memory_space<hbm>> -> memref<2x128xi32, #tpu.memory_space<hbm>>
      %dma_start3A_58 = tpu.memref_slice %arg10[%dma_start3A_49] : memref<5x!tpu.dma_semaphore, #tpu.memory_space<semaphore_mem>> -> memref<1x!tpu.dma_semaphore, #tpu.memory_space<semaphore_mem>>
      %dma_start3A_59 = tpu.memref_squeeze %dma_start3A_58 : memref<1x!tpu.dma_semaphore, #tpu.memory_space<semaphore_mem>> -> memref<!tpu.dma_semaphore, #tpu.memory_space<semaphore_mem>>
      %dma_start3A_60 = arith.constant 0 : i32
      %dma_start3A_61 = arith.constant 0 : i32
      %dma_start3A_62 = tpu.memref_slice %arg7[%dma_start3A_48, %dma_start3A_60, %dma_start3A_61] : memref<5x2x128xi32, #tpu.memory_space<vmem>> -> memref<1x2x128xi32, #tpu.memory_space<vmem>>
      %dma_start3A_63 = tpu.memref_squeeze %dma_start3A_62 : memref<1x2x128xi32, #tpu.memory_space<vmem>> -> memref<2x128xi32, #tpu.memory_space<vmem>>
      %dma_start3A_64 = arith.constant 0 : i32
      %dma_start3A_65 = arith.constant 0 : i32
      %dma_start3A_66 = tpu.memref_slice %arg4[%arg1, %dma_start3A_47, %dma_start3A_64, %dma_start3A_65] : memref<16x42x2x128xi32, #tpu.memory_space<hbm>> -> memref<1x1x2x128xi32, #tpu.memory_space<hbm>>
      %dma_start3A_67 = tpu.memref_squeeze %dma_start3A_66 : memref<1x1x2x128xi32, #tpu.memory_space<hbm>> -> memref<2x128xi32, #tpu.memory_space<hbm>>
      tpu.enqueue_dma source(%dma_start3A_67 : memref<2x128xi32, #tpu.memory_space<hbm>>) target(%dma_start3A_63 : memref<2x128xi32, #tpu.memory_space<vmem>>) target_semaphore(%dma_start3A_59 : memref<!tpu.dma_semaphore, #tpu.memory_space<semaphore_mem>>)
      %dma_start3A_68 = arith.constant 2 : i32
      %dma_start3A_69 = arith.constant 2 : i32
      %dma_start3A_70 = arith.constant 2 : i32
      %dma_start3A_71 = arith.constant 0 : i32
      %dma_start3A_72 = arith.constant 0 : i32
      %dma_start3A_73 = tpu.memref_slice %arg7[%dma_start3A_69, %dma_start3A_71, %dma_start3A_72] : memref<5x2x128xi32, #tpu.memory_space<vmem>> -> memref<1x2x128xi32, #tpu.memory_space<vmem>>
      %dma_start3A_74 = tpu.memref_squeeze %dma_start3A_73 : memref<1x2x128xi32, #tpu.memory_space<vmem>> -> memref<2x128xi32, #tpu.memory_space<vmem>>
      %dma_start3A_75 = arith.constant 0 : i32
      %dma_start3A_76 = arith.constant 0 : i32
      %dma_start3A_77 = tpu.memref_slice %arg4[%arg1, %dma_start3A_68, %dma_start3A_75, %dma_start3A_76] : memref<16x42x2x128xi32, #tpu.memory_space<hbm>> -> memref<1x1x2x128xi32, #tpu.memory_space<hbm>>
      %dma_start3A_78 = tpu.memref_squeeze %dma_start3A_77 : memref<1x1x2x128xi32, #tpu.memory_space<hbm>> -> memref<2x128xi32, #tpu.memory_space<hbm>>
      %dma_start3A_79 = tpu.memref_slice %arg10[%dma_start3A_70] : memref<5x!tpu.dma_semaphore, #tpu.memory_space<semaphore_mem>> -> memref<1x!tpu.dma_semaphore, #tpu.memory_space<semaphore_mem>>
      %dma_start3A_80 = tpu.memref_squeeze %dma_start3A_79 : memref<1x!tpu.dma_semaphore, #tpu.memory_space<semaphore_mem>> -> memref<!tpu.dma_semaphore, #tpu.memory_space<semaphore_mem>>
      %dma_start3A_81 = arith.constant 0 : i32
      %dma_start3A_82 = arith.constant 0 : i32
      %dma_start3A_83 = tpu.memref_slice %arg7[%dma_start3A_69, %dma_start3A_81, %dma_start3A_82] : memref<5x2x128xi32, #tpu.memory_space<vmem>> -> memref<1x2x128xi32, #tpu.memory_space<vmem>>
      %dma_start3A_84 = tpu.memref_squeeze %dma_start3A_83 : memref<1x2x128xi32, #tpu.memory_space<vmem>> -> memref<2x128xi32, #tpu.memory_space<vmem>>
      %dma_start3A_85 = arith.constant 0 : i32
      %dma_start3A_86 = arith.constant 0 : i32
      %dma_start3A_87 = tpu.memref_slice %arg4[%arg1, %dma_start3A_68, %dma_start3A_85, %dma_start3A_86] : memref<16x42x2x128xi32, #tpu.memory_space<hbm>> -> memref<1x1x2x128xi32, #tpu.memory_space<hbm>>
      %dma_start3A_88 = tpu.memref_squeeze %dma_start3A_87 : memref<1x1x2x128xi32, #tpu.memory_space<hbm>> -> memref<2x128xi32, #tpu.memory_space<hbm>>
      tpu.enqueue_dma source(%dma_start3A_88 : memref<2x128xi32, #tpu.memory_space<hbm>>) target(%dma_start3A_84 : memref<2x128xi32, #tpu.memory_space<vmem>>) target_semaphore(%dma_start3A_80 : memref<!tpu.dma_semaphore, #tpu.memory_space<semaphore_mem>>)
      %dma_start3A_89 = arith.constant 3 : i32
      %dma_start3A_90 = arith.constant 3 : i32
      %dma_start3A_91 = arith.constant 3 : i32
      %dma_start3A_92 = arith.constant 0 : i32
      %dma_start3A_93 = arith.constant 0 : i32
      %dma_start3A_94 = tpu.memref_slice %arg7[%dma_start3A_90, %dma_start3A_92, %dma_start3A_93] : memref<5x2x128xi32, #tpu.memory_space<vmem>> -> memref<1x2x128xi32, #tpu.memory_space<vmem>>
      %dma_start3A_95 = tpu.memref_squeeze %dma_start3A_94 : memref<1x2x128xi32, #tpu.memory_space<vmem>> -> memref<2x128xi32, #tpu.memory_space<vmem>>
      %dma_start3A_96 = arith.constant 0 : i32
      %dma_start3A_97 = arith.constant 0 : i32
      %dma_start3A_98 = tpu.memref_slice %arg4[%arg1, %dma_start3A_89, %dma_start3A_96, %dma_start3A_97] : memref<16x42x2x128xi32, #tpu.memory_space<hbm>> -> memref<1x1x2x128xi32, #tpu.memory_space<hbm>>
      %dma_start3A_99 = tpu.memref_squeeze %dma_start3A_98 : memref<1x1x2x128xi32, #tpu.memory_space<hbm>> -> memref<2x128xi32, #tpu.memory_space<hbm>>
      %dma_start3A_100 = tpu.memref_slice %arg10[%dma_start3A_91] : memref<5x!tpu.dma_semaphore, #tpu.memory_space<semaphore_mem>> -> memref<1x!tpu.dma_semaphore, #tpu.memory_space<semaphore_mem>>
      %dma_start3A_101 = tpu.memref_squeeze %dma_start3A_100 : memref<1x!tpu.dma_semaphore, #tpu.memory_space<semaphore_mem>> -> memref<!tpu.dma_semaphore, #tpu.memory_space<semaphore_mem>>
      %dma_start3A_102 = arith.constant 0 : i32
      %dma_start3A_103 = arith.constant 0 : i32
      %dma_start3A_104 = tpu.memref_slice %arg7[%dma_start3A_90, %dma_start3A_102, %dma_start3A_103] : memref<5x2x128xi32, #tpu.memory_space<vmem>> -> memref<1x2x128xi32, #tpu.memory_space<vmem>>
      %dma_start3A_105 = tpu.memref_squeeze %dma_start3A_104 : memref<1x2x128xi32, #tpu.memory_space<vmem>> -> memref<2x128xi32, #tpu.memory_space<vmem>>
      %dma_start3A_106 = arith.constant 0 : i32
      %dma_start3A_107 = arith.constant 0 : i32
      %dma_start3A_108 = tpu.memref_slice %arg4[%arg1, %dma_start3A_89, %dma_start3A_106, %dma_start3A_107] : memref<16x42x2x128xi32, #tpu.memory_space<hbm>> -> memref<1x1x2x128xi32, #tpu.memory_space<hbm>>
      %dma_start3A_109 = tpu.memref_squeeze %dma_start3A_108 : memref<1x1x2x128xi32, #tpu.memory_space<hbm>> -> memref<2x128xi32, #tpu.memory_space<hbm>>
      tpu.enqueue_dma source(%dma_start3A_109 : memref<2x128xi32, #tpu.memory_space<hbm>>) target(%dma_start3A_105 : memref<2x128xi32, #tpu.memory_space<vmem>>) target_semaphore(%dma_start3A_101 : memref<!tpu.dma_semaphore, #tpu.memory_space<semaphore_mem>>)
      %dma_start3A_110 = arith.constant 4 : i32
      %dma_start3A_111 = arith.constant 4 : i32
      %dma_start3A_112 = arith.constant 4 : i32
      %dma_start3A_113 = arith.constant 0 : i32
      %dma_start3A_114 = arith.constant 0 : i32
      %dma_start3A_115 = tpu.memref_slice %arg7[%dma_start3A_111, %dma_start3A_113, %dma_start3A_114] : memref<5x2x128xi32, #tpu.memory_space<vmem>> -> memref<1x2x128xi32, #tpu.memory_space<vmem>>
      %dma_start3A_116 = tpu.memref_squeeze %dma_start3A_115 : memref<1x2x128xi32, #tpu.memory_space<vmem>> -> memref<2x128xi32, #tpu.memory_space<vmem>>
      %dma_start3A_117 = arith.constant 0 : i32
      %dma_start3A_118 = arith.constant 0 : i32
      %dma_start3A_119 = tpu.memref_slice %arg4[%arg1, %dma_start3A_110, %dma_start3A_117, %dma_start3A_118] : memref<16x42x2x128xi32, #tpu.memory_space<hbm>> -> memref<1x1x2x128xi32, #tpu.memory_space<hbm>>
      %dma_start3A_120 = tpu.memref_squeeze %dma_start3A_119 : memref<1x1x2x128xi32, #tpu.memory_space<hbm>> -> memref<2x128xi32, #tpu.memory_space<hbm>>
      %dma_start3A_121 = tpu.memref_slice %arg10[%dma_start3A_112] : memref<5x!tpu.dma_semaphore, #tpu.memory_space<semaphore_mem>> -> memref<1x!tpu.dma_semaphore, #tpu.memory_space<semaphore_mem>>
      %dma_start3A_122 = tpu.memref_squeeze %dma_start3A_121 : memref<1x!tpu.dma_semaphore, #tpu.memory_space<semaphore_mem>> -> memref<!tpu.dma_semaphore, #tpu.memory_space<semaphore_mem>>
      %dma_start3A_123 = arith.constant 0 : i32
      %dma_start3A_124 = arith.constant 0 : i32
      %dma_start3A_125 = tpu.memref_slice %arg7[%dma_start3A_111, %dma_start3A_123, %dma_start3A_124] : memref<5x2x128xi32, #tpu.memory_space<vmem>> -> memref<1x2x128xi32, #tpu.memory_space<vmem>>
      %dma_start3A_126 = tpu.memref_squeeze %dma_start3A_125 : memref<1x2x128xi32, #tpu.memory_space<vmem>> -> memref<2x128xi32, #tpu.memory_space<vmem>>
      %dma_start3A_127 = arith.constant 0 : i32
      %dma_start3A_128 = arith.constant 0 : i32
      %dma_start3A_129 = tpu.memref_slice %arg4[%arg1, %dma_start3A_110, %dma_start3A_127, %dma_start3A_128] : memref<16x42x2x128xi32, #tpu.memory_space<hbm>> -> memref<1x1x2x128xi32, #tpu.memory_space<hbm>>
      %dma_start3A_130 = tpu.memref_squeeze %dma_start3A_129 : memref<1x1x2x128xi32, #tpu.memory_space<hbm>> -> memref<2x128xi32, #tpu.memory_space<hbm>>
      tpu.enqueue_dma source(%dma_start3A_130 : memref<2x128xi32, #tpu.memory_space<hbm>>) target(%dma_start3A_126 : memref<2x128xi32, #tpu.memory_space<vmem>>) target_semaphore(%dma_start3A_122 : memref<!tpu.dma_semaphore, #tpu.memory_space<semaphore_mem>>)
      %scan3A = arith.constant 0 : i32
      %scan3A_131 = arith.constant 0 : i32
      %scan3A_132 = arith.constant 42 : i32
      %scan3A_133 = arith.addi %scan3A_131, %scan3A_132 : i32
      %scan3A_134 = arith.constant 2 : i32
      scf.for %scan3A_229 = %scan3A_131 to %scan3A_133 step %scan3A_134  : i32 {
        %rem3A_230 = arith.constant 5 : i32
        %rem3A_231 = arith.remsi %scan3A_229, %rem3A_230 : i32
        %rem3A_232 = arith.constant 3 : i32
        %rem3A_233 = arith.remsi %scan3A_229, %rem3A_232 : i32
        %ge3A = arith.constant 3 : i32
        %ge3A_234 = arith.cmpi sge, %scan3A_229, %ge3A : i32
        %convert_element_type3A_235 = arith.extui %ge3A_234 : i1 to i32
        %cond3A_236 = arith.constant 0 : i32
        %cond3A_237 = arith.cmpi ne, %convert_element_type3A_235, %cond3A_236 : i32
        scf.if %cond3A_237 {
          %sub3A = arith.constant 3 : i32
          %sub3A_321 = arith.subi %scan3A_229, %sub3A : i32
          %rem3A_322 = arith.constant 5 : i32
          %rem3A_323 = arith.remsi %sub3A_321, %rem3A_322 : i32
          %dma_wait3A_324 = arith.constant 1 : i32
          %dma_wait3A_325 = arith.constant 0 : i32
          %dma_wait3A_326 = arith.constant 0 : i32
          %dma_wait3A_327 = tpu.memref_slice %arg8[%rem3A_233, %dma_wait3A_325, %dma_wait3A_326] : memref<3x128x128xf32, #tpu.memory_space<vmem>> -> memref<1x128x128xf32, #tpu.memory_space<vmem>>
          %dma_wait3A_328 = tpu.memref_squeeze %dma_wait3A_327 : memref<1x128x128xf32, #tpu.memory_space<vmem>> -> memref<128x128xf32, #tpu.memory_space<vmem>>
          %dma_wait3A_329 = arith.constant 0 : i32
          %dma_wait3A_330 = tpu.memref_slice %arg7[%rem3A_323, %dma_wait3A_324, %dma_wait3A_329] : memref<5x2x128xi32, #tpu.memory_space<vmem>> -> memref<1x1x128xi32, #tpu.memory_space<vmem>>
          %dma_wait3A_331 = tpu.memref_squeeze %dma_wait3A_330 : memref<1x1x128xi32, #tpu.memory_space<vmem>> -> memref<128xi32, #tpu.memory_space<vmem>>
          %dma_wait3A_332 = arith.constant 0 : i32
          %dma_wait3A_333 = arith.constant 0 : i32
          %dma_wait3A_334 = tpu.memref_slice %arg9[%dma_wait3A_332, %dma_wait3A_333] : memref<10016x128xf32, #tpu.memory_space<vmem_shared>> -> memref<10016x128xf32, #tpu.memory_space<vmem_shared>>
          %dma_wait3A_335 = tpu.memref_slice %arg12[%rem3A_233] : memref<3x!tpu.dma_semaphore, #tpu.memory_space<semaphore_mem>> -> memref<1x!tpu.dma_semaphore, #tpu.memory_space<semaphore_mem>>
          %dma_wait3A_336 = tpu.memref_squeeze %dma_wait3A_335 : memref<1x!tpu.dma_semaphore, #tpu.memory_space<semaphore_mem>> -> memref<!tpu.dma_semaphore, #tpu.memory_space<semaphore_mem>>
          tpu.wait_indirect_dma semaphore(%dma_wait3A_336 : memref<!tpu.dma_semaphore, #tpu.memory_space<semaphore_mem>>) src(%dma_wait3A_328 : memref<128x128xf32, #tpu.memory_space<vmem>>) dst(%dma_wait3A_334 : memref<10016x128xf32, #tpu.memory_space<vmem_shared>>)
          %sub3A_337 = arith.constant 3 : i32
          %sub3A_338 = arith.subi %scan3A_229, %sub3A_337 : i32
          %add3A = arith.constant 5 : i32
          %add3A_339 = arith.addi %sub3A_338, %add3A : i32
          %lt3A_340 = arith.constant 42 : i32
          %lt3A_341 = arith.cmpi slt, %add3A_339, %lt3A_340 : i32
          %convert_element_type3A_342 = arith.extui %lt3A_341 : i1 to i32
          %cond3A_343 = arith.constant 0 : i32
          %cond3A_344 = arith.cmpi ne, %convert_element_type3A_342, %cond3A_343 : i32
          scf.if %cond3A_344 {
            %sub3A_345 = arith.constant 3 : i32
            %sub3A_346 = arith.subi %scan3A_229, %sub3A_345 : i32
            %add3A_347 = arith.constant 5 : i32
            %add3A_348 = arith.addi %sub3A_346, %add3A_347 : i32
            %dma_start3A_349 = arith.constant 0 : i32
            %dma_start3A_350 = arith.constant 0 : i32
            %dma_start3A_351 = tpu.memref_slice %arg7[%rem3A_323, %dma_start3A_349, %dma_start3A_350] : memref<5x2x128xi32, #tpu.memory_space<vmem>> -> memref<1x2x128xi32, #tpu.memory_space<vmem>>
            %dma_start3A_352 = tpu.memref_squeeze %dma_start3A_351 : memref<1x2x128xi32, #tpu.memory_space<vmem>> -> memref<2x128xi32, #tpu.memory_space<vmem>>
            %dma_start3A_353 = arith.constant 0 : i32
            %dma_start3A_354 = arith.constant 0 : i32
            %dma_start3A_355 = tpu.memref_slice %arg4[%arg1, %add3A_348, %dma_start3A_353, %dma_start3A_354] : memref<16x42x2x128xi32, #tpu.memory_space<hbm>> -> memref<1x1x2x128xi32, #tpu.memory_space<hbm>>
            %dma_start3A_356 = tpu.memref_squeeze %dma_start3A_355 : memref<1x1x2x128xi32, #tpu.memory_space<hbm>> -> memref<2x128xi32, #tpu.memory_space<hbm>>
            %dma_start3A_357 = tpu.memref_slice %arg10[%rem3A_323] : memref<5x!tpu.dma_semaphore, #tpu.memory_space<semaphore_mem>> -> memref<1x!tpu.dma_semaphore, #tpu.memory_space<semaphore_mem>>
            %dma_start3A_358 = tpu.memref_squeeze %dma_start3A_357 : memref<1x!tpu.dma_semaphore, #tpu.memory_space<semaphore_mem>> -> memref<!tpu.dma_semaphore, #tpu.memory_space<semaphore_mem>>
            %dma_start3A_359 = arith.constant 0 : i32
            %dma_start3A_360 = arith.constant 0 : i32
            %dma_start3A_361 = tpu.memref_slice %arg7[%rem3A_323, %dma_start3A_359, %dma_start3A_360] : memref<5x2x128xi32, #tpu.memory_space<vmem>> -> memref<1x2x128xi32, #tpu.memory_space<vmem>>
            %dma_start3A_362 = tpu.memref_squeeze %dma_start3A_361 : memref<1x2x128xi32, #tpu.memory_space<vmem>> -> memref<2x128xi32, #tpu.memory_space<vmem>>
            %dma_start3A_363 = arith.constant 0 : i32
            %dma_start3A_364 = arith.constant 0 : i32
            %dma_start3A_365 = tpu.memref_slice %arg4[%arg1, %add3A_348, %dma_start3A_363, %dma_start3A_364] : memref<16x42x2x128xi32, #tpu.memory_space<hbm>> -> memref<1x1x2x128xi32, #tpu.memory_space<hbm>>
            %dma_start3A_366 = tpu.memref_squeeze %dma_start3A_365 : memref<1x1x2x128xi32, #tpu.memory_space<hbm>> -> memref<2x128xi32, #tpu.memory_space<hbm>>
            tpu.enqueue_dma source(%dma_start3A_366 : memref<2x128xi32, #tpu.memory_space<hbm>>) target(%dma_start3A_362 : memref<2x128xi32, #tpu.memory_space<vmem>>) target_semaphore(%dma_start3A_358 : memref<!tpu.dma_semaphore, #tpu.memory_space<semaphore_mem>>)
          } else {
          }
        } else {
        }
        %dma_wait3A_238 = arith.constant 0 : i32
        %dma_wait3A_239 = arith.constant 0 : i32
        %dma_wait3A_240 = tpu.memref_slice %arg7[%rem3A_231, %dma_wait3A_238, %dma_wait3A_239] : memref<5x2x128xi32, #tpu.memory_space<vmem>> -> memref<1x2x128xi32, #tpu.memory_space<vmem>>
        %dma_wait3A_241 = tpu.memref_squeeze %dma_wait3A_240 : memref<1x2x128xi32, #tpu.memory_space<vmem>> -> memref<2x128xi32, #tpu.memory_space<vmem>>
        %dma_wait3A_242 = arith.constant 0 : i32
        %dma_wait3A_243 = arith.constant 0 : i32
        %dma_wait3A_244 = tpu.memref_slice %arg4[%arg1, %scan3A_229, %dma_wait3A_242, %dma_wait3A_243] : memref<16x42x2x128xi32, #tpu.memory_space<hbm>> -> memref<1x1x2x128xi32, #tpu.memory_space<hbm>>
        %dma_wait3A_245 = tpu.memref_squeeze %dma_wait3A_244 : memref<1x1x2x128xi32, #tpu.memory_space<hbm>> -> memref<2x128xi32, #tpu.memory_space<hbm>>
        %dma_wait3A_246 = tpu.memref_slice %arg10[%rem3A_231] : memref<5x!tpu.dma_semaphore, #tpu.memory_space<semaphore_mem>> -> memref<1x!tpu.dma_semaphore, #tpu.memory_space<semaphore_mem>>
        %dma_wait3A_247 = tpu.memref_squeeze %dma_wait3A_246 : memref<1x!tpu.dma_semaphore, #tpu.memory_space<semaphore_mem>> -> memref<!tpu.dma_semaphore, #tpu.memory_space<semaphore_mem>>
        %dma_wait3A_248 = arith.constant 0 : i32
        %dma_wait3A_249 = arith.constant 0 : i32
        %dma_wait3A_250 = tpu.memref_slice %arg7[%rem3A_231, %dma_wait3A_248, %dma_wait3A_249] : memref<5x2x128xi32, #tpu.memory_space<vmem>> -> memref<1x2x128xi32, #tpu.memory_space<vmem>>
        %dma_wait3A_251 = tpu.memref_squeeze %dma_wait3A_250 : memref<1x2x128xi32, #tpu.memory_space<vmem>> -> memref<2x128xi32, #tpu.memory_space<vmem>>
        %dma_wait3A_252 = arith.constant 0 : i32
        %dma_wait3A_253 = arith.constant 0 : i32
        %dma_wait3A_254 = tpu.memref_slice %arg4[%arg1, %scan3A_229, %dma_wait3A_252, %dma_wait3A_253] : memref<16x42x2x128xi32, #tpu.memory_space<hbm>> -> memref<1x1x2x128xi32, #tpu.memory_space<hbm>>
        %dma_wait3A_255 = tpu.memref_squeeze %dma_wait3A_254 : memref<1x1x2x128xi32, #tpu.memory_space<hbm>> -> memref<2x128xi32, #tpu.memory_space<hbm>>
        tpu.wait_dma2 semaphore(%dma_wait3A_247 : memref<!tpu.dma_semaphore, #tpu.memory_space<semaphore_mem>>) src(%dma_wait3A_255 : memref<2x128xi32, #tpu.memory_space<hbm>>) dst(%dma_wait3A_251 : memref<2x128xi32, #tpu.memory_space<vmem>>)
        %dma_start3A_256 = arith.constant 0 : i32
        %dma_start3A_257 = arith.constant 0 : i32
        %dma_start3A_258 = arith.constant 0 : i32
        %dma_start3A_259 = tpu.memref_slice %arg8[%rem3A_233, %dma_start3A_257, %dma_start3A_258] : memref<3x128x128xf32, #tpu.memory_space<vmem>> -> memref<1x128x128xf32, #tpu.memory_space<vmem>>
        %dma_start3A_260 = tpu.memref_squeeze %dma_start3A_259 : memref<1x128x128xf32, #tpu.memory_space<vmem>> -> memref<128x128xf32, #tpu.memory_space<vmem>>
        %dma_start3A_261 = arith.constant 0 : i32
        %dma_start3A_262 = tpu.memref_slice %arg7[%rem3A_231, %dma_start3A_256, %dma_start3A_261] : memref<5x2x128xi32, #tpu.memory_space<vmem>> -> memref<1x1x128xi32, #tpu.memory_space<vmem>>
        %dma_start3A_263 = tpu.memref_squeeze %dma_start3A_262 : memref<1x1x128xi32, #tpu.memory_space<vmem>> -> memref<128xi32, #tpu.memory_space<vmem>>
        %dma_start3A_264 = arith.constant 0 : i32
        %dma_start3A_265 = arith.constant 0 : i32
        %dma_start3A_266 = tpu.memref_slice %arg2[%dma_start3A_264, %dma_start3A_265] : memref<10000x128xf32, #tpu.memory_space<hbm>> -> memref<10000x128xf32, #tpu.memory_space<hbm>>
        %dma_start3A_267 = tpu.memref_slice %arg11[%rem3A_233] : memref<3x!tpu.dma_semaphore, #tpu.memory_space<semaphore_mem>> -> memref<1x!tpu.dma_semaphore, #tpu.memory_space<semaphore_mem>>
        %dma_start3A_268 = tpu.memref_squeeze %dma_start3A_267 : memref<1x!tpu.dma_semaphore, #tpu.memory_space<semaphore_mem>> -> memref<!tpu.dma_semaphore, #tpu.memory_space<semaphore_mem>>
        tpu.enqueue_indirect_dma source(%dma_start3A_266 : memref<10000x128xf32, #tpu.memory_space<hbm>>) target(%dma_start3A_260 : memref<128x128xf32, #tpu.memory_space<vmem>>) offsets(%dma_start3A_263 : memref<128xi32, #tpu.memory_space<vmem>>) semaphore(%dma_start3A_268 : memref<!tpu.dma_semaphore, #tpu.memory_space<semaphore_mem>>)
        %ge3A_269 = arith.constant 1 : i32
        %ge3A_270 = arith.cmpi sge, %scan3A_229, %ge3A_269 : i32
        %convert_element_type3A_271 = arith.extui %ge3A_270 : i1 to i32
        %cond3A_272 = arith.constant 0 : i32
        %cond3A_273 = arith.cmpi ne, %convert_element_type3A_271, %cond3A_272 : i32
        scf.if %cond3A_273 {
          %sub3A = arith.constant 1 : i32
          %sub3A_321 = arith.subi %scan3A_229, %sub3A : i32
          %rem3A_322 = arith.constant 5 : i32
          %rem3A_323 = arith.remsi %sub3A_321, %rem3A_322 : i32
          %sub3A_324 = arith.constant 1 : i32
          %sub3A_325 = arith.subi %scan3A_229, %sub3A_324 : i32
          %rem3A_326 = arith.constant 3 : i32
          %rem3A_327 = arith.remsi %sub3A_325, %rem3A_326 : i32
          %dma_wait3A_328 = arith.constant 0 : i32
          %dma_wait3A_329 = arith.constant 0 : i32
          %dma_wait3A_330 = arith.constant 0 : i32
          %dma_wait3A_331 = tpu.memref_slice %arg8[%rem3A_327, %dma_wait3A_329, %dma_wait3A_330] : memref<3x128x128xf32, #tpu.memory_space<vmem>> -> memref<1x128x128xf32, #tpu.memory_space<vmem>>
          %dma_wait3A_332 = tpu.memref_squeeze %dma_wait3A_331 : memref<1x128x128xf32, #tpu.memory_space<vmem>> -> memref<128x128xf32, #tpu.memory_space<vmem>>
          %dma_wait3A_333 = arith.constant 0 : i32
          %dma_wait3A_334 = tpu.memref_slice %arg7[%rem3A_323, %dma_wait3A_328, %dma_wait3A_333] : memref<5x2x128xi32, #tpu.memory_space<vmem>> -> memref<1x1x128xi32, #tpu.memory_space<vmem>>
          %dma_wait3A_335 = tpu.memref_squeeze %dma_wait3A_334 : memref<1x1x128xi32, #tpu.memory_space<vmem>> -> memref<128xi32, #tpu.memory_space<vmem>>
          %dma_wait3A_336 = arith.constant 0 : i32
          %dma_wait3A_337 = arith.constant 0 : i32
          %dma_wait3A_338 = tpu.memref_slice %arg2[%dma_wait3A_336, %dma_wait3A_337] : memref<10000x128xf32, #tpu.memory_space<hbm>> -> memref<10000x128xf32, #tpu.memory_space<hbm>>
          %dma_wait3A_339 = tpu.memref_slice %arg11[%rem3A_327] : memref<3x!tpu.dma_semaphore, #tpu.memory_space<semaphore_mem>> -> memref<1x!tpu.dma_semaphore, #tpu.memory_space<semaphore_mem>>
          %dma_wait3A_340 = tpu.memref_squeeze %dma_wait3A_339 : memref<1x!tpu.dma_semaphore, #tpu.memory_space<semaphore_mem>> -> memref<!tpu.dma_semaphore, #tpu.memory_space<semaphore_mem>>
          tpu.wait_indirect_dma semaphore(%dma_wait3A_340 : memref<!tpu.dma_semaphore, #tpu.memory_space<semaphore_mem>>) src(%dma_wait3A_338 : memref<10000x128xf32, #tpu.memory_space<hbm>>) dst(%dma_wait3A_332 : memref<128x128xf32, #tpu.memory_space<vmem>>)
          %dma_start3A_341 = arith.constant 1 : i32
          %dma_start3A_342 = arith.constant 0 : i32
          %dma_start3A_343 = arith.constant 0 : i32
          %dma_start3A_344 = tpu.memref_slice %arg8[%rem3A_327, %dma_start3A_342, %dma_start3A_343] : memref<3x128x128xf32, #tpu.memory_space<vmem>> -> memref<1x128x128xf32, #tpu.memory_space<vmem>>
          %dma_start3A_345 = tpu.memref_squeeze %dma_start3A_344 : memref<1x128x128xf32, #tpu.memory_space<vmem>> -> memref<128x128xf32, #tpu.memory_space<vmem>>
          %dma_start3A_346 = arith.constant 0 : i32
          %dma_start3A_347 = tpu.memref_slice %arg7[%rem3A_323, %dma_start3A_341, %dma_start3A_346] : memref<5x2x128xi32, #tpu.memory_space<vmem>> -> memref<1x1x128xi32, #tpu.memory_space<vmem>>
          %dma_start3A_348 = tpu.memref_squeeze %dma_start3A_347 : memref<1x1x128xi32, #tpu.memory_space<vmem>> -> memref<128xi32, #tpu.memory_space<vmem>>
          %dma_start3A_349 = arith.constant 0 : i32
          %dma_start3A_350 = arith.constant 0 : i32
          %dma_start3A_351 = tpu.memref_slice %arg9[%dma_start3A_349, %dma_start3A_350] : memref<10016x128xf32, #tpu.memory_space<vmem_shared>> -> memref<10016x128xf32, #tpu.memory_space<vmem_shared>>
          %dma_start3A_352 = tpu.memref_slice %arg12[%rem3A_327] : memref<3x!tpu.dma_semaphore, #tpu.memory_space<semaphore_mem>> -> memref<1x!tpu.dma_semaphore, #tpu.memory_space<semaphore_mem>>
          %dma_start3A_353 = tpu.memref_squeeze %dma_start3A_352 : memref<1x!tpu.dma_semaphore, #tpu.memory_space<semaphore_mem>> -> memref<!tpu.dma_semaphore, #tpu.memory_space<semaphore_mem>>
          tpu.enqueue_indirect_dma source(%dma_start3A_345 : memref<128x128xf32, #tpu.memory_space<vmem>>) target(%dma_start3A_351 : memref<10016x128xf32, #tpu.memory_space<vmem_shared>>) offsets(%dma_start3A_348 : memref<128xi32, #tpu.memory_space<vmem>>) semaphore(%dma_start3A_353 : memref<!tpu.dma_semaphore, #tpu.memory_space<semaphore_mem>>) {add = true}
        } else {
        }
        %scan3A_274 = arith.constant 1 : i32
        %scan3A_275 = arith.addi %scan3A_229, %scan3A_274 : i32
        %rem3A_276 = arith.constant 5 : i32
        %rem3A_277 = arith.remsi %scan3A_275, %rem3A_276 : i32
        %rem3A_278 = arith.constant 3 : i32
        %rem3A_279 = arith.remsi %scan3A_275, %rem3A_278 : i32
        %ge3A_280 = arith.constant 3 : i32
        %ge3A_281 = arith.cmpi sge, %scan3A_275, %ge3A_280 : i32
        %convert_element_type3A_282 = arith.extui %ge3A_281 : i1 to i32
        %cond3A_283 = arith.constant 0 : i32
        %cond3A_284 = arith.cmpi ne, %convert_element_type3A_282, %cond3A_283 : i32
        scf.if %cond3A_284 {
          %sub3A = arith.constant 3 : i32
          %sub3A_321 = arith.subi %scan3A_275, %sub3A : i32
          %rem3A_322 = arith.constant 5 : i32
          %rem3A_323 = arith.remsi %sub3A_321, %rem3A_322 : i32
          %dma_wait3A_324 = arith.constant 1 : i32
          %dma_wait3A_325 = arith.constant 0 : i32
          %dma_wait3A_326 = arith.constant 0 : i32
          %dma_wait3A_327 = tpu.memref_slice %arg8[%rem3A_279, %dma_wait3A_325, %dma_wait3A_326] : memref<3x128x128xf32, #tpu.memory_space<vmem>> -> memref<1x128x128xf32, #tpu.memory_space<vmem>>
          %dma_wait3A_328 = tpu.memref_squeeze %dma_wait3A_327 : memref<1x128x128xf32, #tpu.memory_space<vmem>> -> memref<128x128xf32, #tpu.memory_space<vmem>>
          %dma_wait3A_329 = arith.constant 0 : i32
          %dma_wait3A_330 = tpu.memref_slice %arg7[%rem3A_323, %dma_wait3A_324, %dma_wait3A_329] : memref<5x2x128xi32, #tpu.memory_space<vmem>> -> memref<1x1x128xi32, #tpu.memory_space<vmem>>
          %dma_wait3A_331 = tpu.memref_squeeze %dma_wait3A_330 : memref<1x1x128xi32, #tpu.memory_space<vmem>> -> memref<128xi32, #tpu.memory_space<vmem>>
          %dma_wait3A_332 = arith.constant 0 : i32
          %dma_wait3A_333 = arith.constant 0 : i32
          %dma_wait3A_334 = tpu.memref_slice %arg9[%dma_wait3A_332, %dma_wait3A_333] : memref<10016x128xf32, #tpu.memory_space<vmem_shared>> -> memref<10016x128xf32, #tpu.memory_space<vmem_shared>>
          %dma_wait3A_335 = tpu.memref_slice %arg12[%rem3A_279] : memref<3x!tpu.dma_semaphore, #tpu.memory_space<semaphore_mem>> -> memref<1x!tpu.dma_semaphore, #tpu.memory_space<semaphore_mem>>
          %dma_wait3A_336 = tpu.memref_squeeze %dma_wait3A_335 : memref<1x!tpu.dma_semaphore, #tpu.memory_space<semaphore_mem>> -> memref<!tpu.dma_semaphore, #tpu.memory_space<semaphore_mem>>
          tpu.wait_indirect_dma semaphore(%dma_wait3A_336 : memref<!tpu.dma_semaphore, #tpu.memory_space<semaphore_mem>>) src(%dma_wait3A_328 : memref<128x128xf32, #tpu.memory_space<vmem>>) dst(%dma_wait3A_334 : memref<10016x128xf32, #tpu.memory_space<vmem_shared>>)
          %sub3A_337 = arith.constant 3 : i32
          %sub3A_338 = arith.subi %scan3A_275, %sub3A_337 : i32
          %add3A = arith.constant 5 : i32
          %add3A_339 = arith.addi %sub3A_338, %add3A : i32
          %lt3A_340 = arith.constant 42 : i32
          %lt3A_341 = arith.cmpi slt, %add3A_339, %lt3A_340 : i32
          %convert_element_type3A_342 = arith.extui %lt3A_341 : i1 to i32
          %cond3A_343 = arith.constant 0 : i32
          %cond3A_344 = arith.cmpi ne, %convert_element_type3A_342, %cond3A_343 : i32
          scf.if %cond3A_344 {
            %sub3A_345 = arith.constant 3 : i32
            %sub3A_346 = arith.subi %scan3A_275, %sub3A_345 : i32
            %add3A_347 = arith.constant 5 : i32
            %add3A_348 = arith.addi %sub3A_346, %add3A_347 : i32
            %dma_start3A_349 = arith.constant 0 : i32
            %dma_start3A_350 = arith.constant 0 : i32
            %dma_start3A_351 = tpu.memref_slice %arg7[%rem3A_323, %dma_start3A_349, %dma_start3A_350] : memref<5x2x128xi32, #tpu.memory_space<vmem>> -> memref<1x2x128xi32, #tpu.memory_space<vmem>>
            %dma_start3A_352 = tpu.memref_squeeze %dma_start3A_351 : memref<1x2x128xi32, #tpu.memory_space<vmem>> -> memref<2x128xi32, #tpu.memory_space<vmem>>
            %dma_start3A_353 = arith.constant 0 : i32
            %dma_start3A_354 = arith.constant 0 : i32
            %dma_start3A_355 = tpu.memref_slice %arg4[%arg1, %add3A_348, %dma_start3A_353, %dma_start3A_354] : memref<16x42x2x128xi32, #tpu.memory_space<hbm>> -> memref<1x1x2x128xi32, #tpu.memory_space<hbm>>
            %dma_start3A_356 = tpu.memref_squeeze %dma_start3A_355 : memref<1x1x2x128xi32, #tpu.memory_space<hbm>> -> memref<2x128xi32, #tpu.memory_space<hbm>>
            %dma_start3A_357 = tpu.memref_slice %arg10[%rem3A_323] : memref<5x!tpu.dma_semaphore, #tpu.memory_space<semaphore_mem>> -> memref<1x!tpu.dma_semaphore, #tpu.memory_space<semaphore_mem>>
            %dma_start3A_358 = tpu.memref_squeeze %dma_start3A_357 : memref<1x!tpu.dma_semaphore, #tpu.memory_space<semaphore_mem>> -> memref<!tpu.dma_semaphore, #tpu.memory_space<semaphore_mem>>
            %dma_start3A_359 = arith.constant 0 : i32
            %dma_start3A_360 = arith.constant 0 : i32
            %dma_start3A_361 = tpu.memref_slice %arg7[%rem3A_323, %dma_start3A_359, %dma_start3A_360] : memref<5x2x128xi32, #tpu.memory_space<vmem>> -> memref<1x2x128xi32, #tpu.memory_space<vmem>>
            %dma_start3A_362 = tpu.memref_squeeze %dma_start3A_361 : memref<1x2x128xi32, #tpu.memory_space<vmem>> -> memref<2x128xi32, #tpu.memory_space<vmem>>
            %dma_start3A_363 = arith.constant 0 : i32
            %dma_start3A_364 = arith.constant 0 : i32
            %dma_start3A_365 = tpu.memref_slice %arg4[%arg1, %add3A_348, %dma_start3A_363, %dma_start3A_364] : memref<16x42x2x128xi32, #tpu.memory_space<hbm>> -> memref<1x1x2x128xi32, #tpu.memory_space<hbm>>
            %dma_start3A_366 = tpu.memref_squeeze %dma_start3A_365 : memref<1x1x2x128xi32, #tpu.memory_space<hbm>> -> memref<2x128xi32, #tpu.memory_space<hbm>>
            tpu.enqueue_dma source(%dma_start3A_366 : memref<2x128xi32, #tpu.memory_space<hbm>>) target(%dma_start3A_362 : memref<2x128xi32, #tpu.memory_space<vmem>>) target_semaphore(%dma_start3A_358 : memref<!tpu.dma_semaphore, #tpu.memory_space<semaphore_mem>>)
          } else {
          }
        } else {
        }
        %dma_wait3A_285 = arith.constant 0 : i32
        %dma_wait3A_286 = arith.constant 0 : i32
        %dma_wait3A_287 = tpu.memref_slice %arg7[%rem3A_277, %dma_wait3A_285, %dma_wait3A_286] : memref<5x2x128xi32, #tpu.memory_space<vmem>> -> memref<1x2x128xi32, #tpu.memory_space<vmem>>
        %dma_wait3A_288 = tpu.memref_squeeze %dma_wait3A_287 : memref<1x2x128xi32, #tpu.memory_space<vmem>> -> memref<2x128xi32, #tpu.memory_space<vmem>>
        %dma_wait3A_289 = arith.constant 0 : i32
        %dma_wait3A_290 = arith.constant 0 : i32
        %dma_wait3A_291 = tpu.memref_slice %arg4[%arg1, %scan3A_275, %dma_wait3A_289, %dma_wait3A_290] : memref<16x42x2x128xi32, #tpu.memory_space<hbm>> -> memref<1x1x2x128xi32, #tpu.memory_space<hbm>>
        %dma_wait3A_292 = tpu.memref_squeeze %dma_wait3A_291 : memref<1x1x2x128xi32, #tpu.memory_space<hbm>> -> memref<2x128xi32, #tpu.memory_space<hbm>>
        %dma_wait3A_293 = tpu.memref_slice %arg10[%rem3A_277] : memref<5x!tpu.dma_semaphore, #tpu.memory_space<semaphore_mem>> -> memref<1x!tpu.dma_semaphore, #tpu.memory_space<semaphore_mem>>
        %dma_wait3A_294 = tpu.memref_squeeze %dma_wait3A_293 : memref<1x!tpu.dma_semaphore, #tpu.memory_space<semaphore_mem>> -> memref<!tpu.dma_semaphore, #tpu.memory_space<semaphore_mem>>
        %dma_wait3A_295 = arith.constant 0 : i32
        %dma_wait3A_296 = arith.constant 0 : i32
        %dma_wait3A_297 = tpu.memref_slice %arg7[%rem3A_277, %dma_wait3A_295, %dma_wait3A_296] : memref<5x2x128xi32, #tpu.memory_space<vmem>> -> memref<1x2x128xi32, #tpu.memory_space<vmem>>
        %dma_wait3A_298 = tpu.memref_squeeze %dma_wait3A_297 : memref<1x2x128xi32, #tpu.memory_space<vmem>> -> memref<2x128xi32, #tpu.memory_space<vmem>>
        %dma_wait3A_299 = arith.constant 0 : i32
        %dma_wait3A_300 = arith.constant 0 : i32
        %dma_wait3A_301 = tpu.memref_slice %arg4[%arg1, %scan3A_275, %dma_wait3A_299, %dma_wait3A_300] : memref<16x42x2x128xi32, #tpu.memory_space<hbm>> -> memref<1x1x2x128xi32, #tpu.memory_space<hbm>>
        %dma_wait3A_302 = tpu.memref_squeeze %dma_wait3A_301 : memref<1x1x2x128xi32, #tpu.memory_space<hbm>> -> memref<2x128xi32, #tpu.memory_space<hbm>>
        tpu.wait_dma2 semaphore(%dma_wait3A_294 : memref<!tpu.dma_semaphore, #tpu.memory_space<semaphore_mem>>) src(%dma_wait3A_302 : memref<2x128xi32, #tpu.memory_space<hbm>>) dst(%dma_wait3A_298 : memref<2x128xi32, #tpu.memory_space<vmem>>)
        %dma_start3A_303 = arith.constant 0 : i32
        %dma_start3A_304 = arith.constant 0 : i32
        %dma_start3A_305 = arith.constant 0 : i32
        %dma_start3A_306 = tpu.memref_slice %arg8[%rem3A_279, %dma_start3A_304, %dma_start3A_305] : memref<3x128x128xf32, #tpu.memory_space<vmem>> -> memref<1x128x128xf32, #tpu.memory_space<vmem>>
        %dma_start3A_307 = tpu.memref_squeeze %dma_start3A_306 : memref<1x128x128xf32, #tpu.memory_space<vmem>> -> memref<128x128xf32, #tpu.memory_space<vmem>>
        %dma_start3A_308 = arith.constant 0 : i32
        %dma_start3A_309 = tpu.memref_slice %arg7[%rem3A_277, %dma_start3A_303, %dma_start3A_308] : memref<5x2x128xi32, #tpu.memory_space<vmem>> -> memref<1x1x128xi32, #tpu.memory_space<vmem>>
        %dma_start3A_310 = tpu.memref_squeeze %dma_start3A_309 : memref<1x1x128xi32, #tpu.memory_space<vmem>> -> memref<128xi32, #tpu.memory_space<vmem>>
        %dma_start3A_311 = arith.constant 0 : i32
        %dma_start3A_312 = arith.constant 0 : i32
        %dma_start3A_313 = tpu.memref_slice %arg2[%dma_start3A_311, %dma_start3A_312] : memref<10000x128xf32, #tpu.memory_space<hbm>> -> memref<10000x128xf32, #tpu.memory_space<hbm>>
        %dma_start3A_314 = tpu.memref_slice %arg11[%rem3A_279] : memref<3x!tpu.dma_semaphore, #tpu.memory_space<semaphore_mem>> -> memref<1x!tpu.dma_semaphore, #tpu.memory_space<semaphore_mem>>
        %dma_start3A_315 = tpu.memref_squeeze %dma_start3A_314 : memref<1x!tpu.dma_semaphore, #tpu.memory_space<semaphore_mem>> -> memref<!tpu.dma_semaphore, #tpu.memory_space<semaphore_mem>>
        tpu.enqueue_indirect_dma source(%dma_start3A_313 : memref<10000x128xf32, #tpu.memory_space<hbm>>) target(%dma_start3A_307 : memref<128x128xf32, #tpu.memory_space<vmem>>) offsets(%dma_start3A_310 : memref<128xi32, #tpu.memory_space<vmem>>) semaphore(%dma_start3A_315 : memref<!tpu.dma_semaphore, #tpu.memory_space<semaphore_mem>>)
        %ge3A_316 = arith.constant 1 : i32
        %ge3A_317 = arith.cmpi sge, %scan3A_275, %ge3A_316 : i32
        %convert_element_type3A_318 = arith.extui %ge3A_317 : i1 to i32
        %cond3A_319 = arith.constant 0 : i32
        %cond3A_320 = arith.cmpi ne, %convert_element_type3A_318, %cond3A_319 : i32
        scf.if %cond3A_320 {
          %sub3A = arith.constant 1 : i32
          %sub3A_321 = arith.subi %scan3A_275, %sub3A : i32
          %rem3A_322 = arith.constant 5 : i32
          %rem3A_323 = arith.remsi %sub3A_321, %rem3A_322 : i32
          %sub3A_324 = arith.constant 1 : i32
          %sub3A_325 = arith.subi %scan3A_275, %sub3A_324 : i32
          %rem3A_326 = arith.constant 3 : i32
          %rem3A_327 = arith.remsi %sub3A_325, %rem3A_326 : i32
          %dma_wait3A_328 = arith.constant 0 : i32
          %dma_wait3A_329 = arith.constant 0 : i32
          %dma_wait3A_330 = arith.constant 0 : i32
          %dma_wait3A_331 = tpu.memref_slice %arg8[%rem3A_327, %dma_wait3A_329, %dma_wait3A_330] : memref<3x128x128xf32, #tpu.memory_space<vmem>> -> memref<1x128x128xf32, #tpu.memory_space<vmem>>
          %dma_wait3A_332 = tpu.memref_squeeze %dma_wait3A_331 : memref<1x128x128xf32, #tpu.memory_space<vmem>> -> memref<128x128xf32, #tpu.memory_space<vmem>>
          %dma_wait3A_333 = arith.constant 0 : i32
          %dma_wait3A_334 = tpu.memref_slice %arg7[%rem3A_323, %dma_wait3A_328, %dma_wait3A_333] : memref<5x2x128xi32, #tpu.memory_space<vmem>> -> memref<1x1x128xi32, #tpu.memory_space<vmem>>
          %dma_wait3A_335 = tpu.memref_squeeze %dma_wait3A_334 : memref<1x1x128xi32, #tpu.memory_space<vmem>> -> memref<128xi32, #tpu.memory_space<vmem>>
          %dma_wait3A_336 = arith.constant 0 : i32
          %dma_wait3A_337 = arith.constant 0 : i32
          %dma_wait3A_338 = tpu.memref_slice %arg2[%dma_wait3A_336, %dma_wait3A_337] : memref<10000x128xf32, #tpu.memory_space<hbm>> -> memref<10000x128xf32, #tpu.memory_space<hbm>>
          %dma_wait3A_339 = tpu.memref_slice %arg11[%rem3A_327] : memref<3x!tpu.dma_semaphore, #tpu.memory_space<semaphore_mem>> -> memref<1x!tpu.dma_semaphore, #tpu.memory_space<semaphore_mem>>
          %dma_wait3A_340 = tpu.memref_squeeze %dma_wait3A_339 : memref<1x!tpu.dma_semaphore, #tpu.memory_space<semaphore_mem>> -> memref<!tpu.dma_semaphore, #tpu.memory_space<semaphore_mem>>
          tpu.wait_indirect_dma semaphore(%dma_wait3A_340 : memref<!tpu.dma_semaphore, #tpu.memory_space<semaphore_mem>>) src(%dma_wait3A_338 : memref<10000x128xf32, #tpu.memory_space<hbm>>) dst(%dma_wait3A_332 : memref<128x128xf32, #tpu.memory_space<vmem>>)
          %dma_start3A_341 = arith.constant 1 : i32
          %dma_start3A_342 = arith.constant 0 : i32
          %dma_start3A_343 = arith.constant 0 : i32
          %dma_start3A_344 = tpu.memref_slice %arg8[%rem3A_327, %dma_start3A_342, %dma_start3A_343] : memref<3x128x128xf32, #tpu.memory_space<vmem>> -> memref<1x128x128xf32, #tpu.memory_space<vmem>>
          %dma_start3A_345 = tpu.memref_squeeze %dma_start3A_344 : memref<1x128x128xf32, #tpu.memory_space<vmem>> -> memref<128x128xf32, #tpu.memory_space<vmem>>
          %dma_start3A_346 = arith.constant 0 : i32
          %dma_start3A_347 = tpu.memref_slice %arg7[%rem3A_323, %dma_start3A_341, %dma_start3A_346] : memref<5x2x128xi32, #tpu.memory_space<vmem>> -> memref<1x1x128xi32, #tpu.memory_space<vmem>>
          %dma_start3A_348 = tpu.memref_squeeze %dma_start3A_347 : memref<1x1x128xi32, #tpu.memory_space<vmem>> -> memref<128xi32, #tpu.memory_space<vmem>>
          %dma_start3A_349 = arith.constant 0 : i32
          %dma_start3A_350 = arith.constant 0 : i32
          %dma_start3A_351 = tpu.memref_slice %arg9[%dma_start3A_349, %dma_start3A_350] : memref<10016x128xf32, #tpu.memory_space<vmem_shared>> -> memref<10016x128xf32, #tpu.memory_space<vmem_shared>>
          %dma_start3A_352 = tpu.memref_slice %arg12[%rem3A_327] : memref<3x!tpu.dma_semaphore, #tpu.memory_space<semaphore_mem>> -> memref<1x!tpu.dma_semaphore, #tpu.memory_space<semaphore_mem>>
          %dma_start3A_353 = tpu.memref_squeeze %dma_start3A_352 : memref<1x!tpu.dma_semaphore, #tpu.memory_space<semaphore_mem>> -> memref<!tpu.dma_semaphore, #tpu.memory_space<semaphore_mem>>
          tpu.enqueue_indirect_dma source(%dma_start3A_345 : memref<128x128xf32, #tpu.memory_space<vmem>>) target(%dma_start3A_351 : memref<10016x128xf32, #tpu.memory_space<vmem_shared>>) offsets(%dma_start3A_348 : memref<128xi32, #tpu.memory_space<vmem>>) semaphore(%dma_start3A_353 : memref<!tpu.dma_semaphore, #tpu.memory_space<semaphore_mem>>) {add = true}
        } else {
        }
      }
      %scan3A_135 = arith.constant 42 : i32
      %rem3A = arith.constant 41 : i32
      %rem3A_136 = arith.constant 5 : i32
      %rem3A_137 = arith.remsi %rem3A, %rem3A_136 : i32
      %rem3A_138 = arith.constant 41 : i32
      %rem3A_139 = arith.constant 3 : i32
      %rem3A_140 = arith.remsi %rem3A_138, %rem3A_139 : i32
      %dma_wait3A = arith.constant 0 : i32
      %dma_wait3A_141 = arith.constant 0 : i32
      %dma_wait3A_142 = arith.constant 0 : i32
      %dma_wait3A_143 = tpu.memref_slice %arg8[%rem3A_140, %dma_wait3A_141, %dma_wait3A_142] : memref<3x128x128xf32, #tpu.memory_space<vmem>> -> memref<1x128x128xf32, #tpu.memory_space<vmem>>
      %dma_wait3A_144 = tpu.memref_squeeze %dma_wait3A_143 : memref<1x128x128xf32, #tpu.memory_space<vmem>> -> memref<128x128xf32, #tpu.memory_space<vmem>>
      %dma_wait3A_145 = arith.constant 0 : i32
      %dma_wait3A_146 = tpu.memref_slice %arg7[%rem3A_137, %dma_wait3A, %dma_wait3A_145] : memref<5x2x128xi32, #tpu.memory_space<vmem>> -> memref<1x1x128xi32, #tpu.memory_space<vmem>>
      %dma_wait3A_147 = tpu.memref_squeeze %dma_wait3A_146 : memref<1x1x128xi32, #tpu.memory_space<vmem>> -> memref<128xi32, #tpu.memory_space<vmem>>
      %dma_wait3A_148 = arith.constant 0 : i32
      %dma_wait3A_149 = arith.constant 0 : i32
      %dma_wait3A_150 = tpu.memref_slice %arg2[%dma_wait3A_148, %dma_wait3A_149] : memref<10000x128xf32, #tpu.memory_space<hbm>> -> memref<10000x128xf32, #tpu.memory_space<hbm>>
      %dma_wait3A_151 = tpu.memref_slice %arg11[%rem3A_140] : memref<3x!tpu.dma_semaphore, #tpu.memory_space<semaphore_mem>> -> memref<1x!tpu.dma_semaphore, #tpu.memory_space<semaphore_mem>>
      %dma_wait3A_152 = tpu.memref_squeeze %dma_wait3A_151 : memref<1x!tpu.dma_semaphore, #tpu.memory_space<semaphore_mem>> -> memref<!tpu.dma_semaphore, #tpu.memory_space<semaphore_mem>>
      tpu.wait_indirect_dma semaphore(%dma_wait3A_152 : memref<!tpu.dma_semaphore, #tpu.memory_space<semaphore_mem>>) src(%dma_wait3A_150 : memref<10000x128xf32, #tpu.memory_space<hbm>>) dst(%dma_wait3A_144 : memref<128x128xf32, #tpu.memory_space<vmem>>)
      %rem3A_153 = arith.constant 41 : i32
      %rem3A_154 = arith.constant 5 : i32
      %rem3A_155 = arith.remsi %rem3A_153, %rem3A_154 : i32
      %rem3A_156 = arith.constant 41 : i32
      %rem3A_157 = arith.constant 3 : i32
      %rem3A_158 = arith.remsi %rem3A_156, %rem3A_157 : i32
      %dma_start3A_159 = arith.constant 1 : i32
      %dma_start3A_160 = arith.constant 0 : i32
      %dma_start3A_161 = arith.constant 0 : i32
      %dma_start3A_162 = tpu.memref_slice %arg8[%rem3A_158, %dma_start3A_160, %dma_start3A_161] : memref<3x128x128xf32, #tpu.memory_space<vmem>> -> memref<1x128x128xf32, #tpu.memory_space<vmem>>
      %dma_start3A_163 = tpu.memref_squeeze %dma_start3A_162 : memref<1x128x128xf32, #tpu.memory_space<vmem>> -> memref<128x128xf32, #tpu.memory_space<vmem>>
      %dma_start3A_164 = arith.constant 0 : i32
      %dma_start3A_165 = tpu.memref_slice %arg7[%rem3A_155, %dma_start3A_159, %dma_start3A_164] : memref<5x2x128xi32, #tpu.memory_space<vmem>> -> memref<1x1x128xi32, #tpu.memory_space<vmem>>
      %dma_start3A_166 = tpu.memref_squeeze %dma_start3A_165 : memref<1x1x128xi32, #tpu.memory_space<vmem>> -> memref<128xi32, #tpu.memory_space<vmem>>
      %dma_start3A_167 = arith.constant 0 : i32
      %dma_start3A_168 = arith.constant 0 : i32
      %dma_start3A_169 = tpu.memref_slice %arg9[%dma_start3A_167, %dma_start3A_168] : memref<10016x128xf32, #tpu.memory_space<vmem_shared>> -> memref<10016x128xf32, #tpu.memory_space<vmem_shared>>
      %dma_start3A_170 = tpu.memref_slice %arg12[%rem3A_158] : memref<3x!tpu.dma_semaphore, #tpu.memory_space<semaphore_mem>> -> memref<1x!tpu.dma_semaphore, #tpu.memory_space<semaphore_mem>>
      %dma_start3A_171 = tpu.memref_squeeze %dma_start3A_170 : memref<1x!tpu.dma_semaphore, #tpu.memory_space<semaphore_mem>> -> memref<!tpu.dma_semaphore, #tpu.memory_space<semaphore_mem>>
      tpu.enqueue_indirect_dma source(%dma_start3A_163 : memref<128x128xf32, #tpu.memory_space<vmem>>) target(%dma_start3A_169 : memref<10016x128xf32, #tpu.memory_space<vmem_shared>>) offsets(%dma_start3A_166 : memref<128xi32, #tpu.memory_space<vmem>>) semaphore(%dma_start3A_171 : memref<!tpu.dma_semaphore, #tpu.memory_space<semaphore_mem>>) {add = true}
      %rem3A_172 = arith.constant 39 : i32
      %rem3A_173 = arith.constant 5 : i32
      %rem3A_174 = arith.remsi %rem3A_172, %rem3A_173 : i32
      %rem3A_175 = arith.constant 39 : i32
      %rem3A_176 = arith.constant 3 : i32
      %rem3A_177 = arith.remsi %rem3A_175, %rem3A_176 : i32
      %dma_wait3A_178 = arith.constant 1 : i32
      %dma_wait3A_179 = arith.constant 0 : i32
      %dma_wait3A_180 = arith.constant 0 : i32
      %dma_wait3A_181 = tpu.memref_slice %arg8[%rem3A_177, %dma_wait3A_179, %dma_wait3A_180] : memref<3x128x128xf32, #tpu.memory_space<vmem>> -> memref<1x128x128xf32, #tpu.memory_space<vmem>>
      %dma_wait3A_182 = tpu.memref_squeeze %dma_wait3A_181 : memref<1x128x128xf32, #tpu.memory_space<vmem>> -> memref<128x128xf32, #tpu.memory_space<vmem>>
      %dma_wait3A_183 = arith.constant 0 : i32
      %dma_wait3A_184 = tpu.memref_slice %arg7[%rem3A_174, %dma_wait3A_178, %dma_wait3A_183] : memref<5x2x128xi32, #tpu.memory_space<vmem>> -> memref<1x1x128xi32, #tpu.memory_space<vmem>>
      %dma_wait3A_185 = tpu.memref_squeeze %dma_wait3A_184 : memref<1x1x128xi32, #tpu.memory_space<vmem>> -> memref<128xi32, #tpu.memory_space<vmem>>
      %dma_wait3A_186 = arith.constant 0 : i32
      %dma_wait3A_187 = arith.constant 0 : i32
      %dma_wait3A_188 = tpu.memref_slice %arg9[%dma_wait3A_186, %dma_wait3A_187] : memref<10016x128xf32, #tpu.memory_space<vmem_shared>> -> memref<10016x128xf32, #tpu.memory_space<vmem_shared>>
      %dma_wait3A_189 = tpu.memref_slice %arg12[%rem3A_177] : memref<3x!tpu.dma_semaphore, #tpu.memory_space<semaphore_mem>> -> memref<1x!tpu.dma_semaphore, #tpu.memory_space<semaphore_mem>>
      %dma_wait3A_190 = tpu.memref_squeeze %dma_wait3A_189 : memref<1x!tpu.dma_semaphore, #tpu.memory_space<semaphore_mem>> -> memref<!tpu.dma_semaphore, #tpu.memory_space<semaphore_mem>>
      tpu.wait_indirect_dma semaphore(%dma_wait3A_190 : memref<!tpu.dma_semaphore, #tpu.memory_space<semaphore_mem>>) src(%dma_wait3A_182 : memref<128x128xf32, #tpu.memory_space<vmem>>) dst(%dma_wait3A_188 : memref<10016x128xf32, #tpu.memory_space<vmem_shared>>)
      %rem3A_191 = arith.constant 40 : i32
      %rem3A_192 = arith.constant 5 : i32
      %rem3A_193 = arith.remsi %rem3A_191, %rem3A_192 : i32
      %rem3A_194 = arith.constant 40 : i32
      %rem3A_195 = arith.constant 3 : i32
      %rem3A_196 = arith.remsi %rem3A_194, %rem3A_195 : i32
      %dma_wait3A_197 = arith.constant 1 : i32
      %dma_wait3A_198 = arith.constant 0 : i32
      %dma_wait3A_199 = arith.constant 0 : i32
      %dma_wait3A_200 = tpu.memref_slice %arg8[%rem3A_196, %dma_wait3A_198, %dma_wait3A_199] : memref<3x128x128xf32, #tpu.memory_space<vmem>> -> memref<1x128x128xf32, #tpu.memory_space<vmem>>
      %dma_wait3A_201 = tpu.memref_squeeze %dma_wait3A_200 : memref<1x128x128xf32, #tpu.memory_space<vmem>> -> memref<128x128xf32, #tpu.memory_space<vmem>>
      %dma_wait3A_202 = arith.constant 0 : i32
      %dma_wait3A_203 = tpu.memref_slice %arg7[%rem3A_193, %dma_wait3A_197, %dma_wait3A_202] : memref<5x2x128xi32, #tpu.memory_space<vmem>> -> memref<1x1x128xi32, #tpu.memory_space<vmem>>
      %dma_wait3A_204 = tpu.memref_squeeze %dma_wait3A_203 : memref<1x1x128xi32, #tpu.memory_space<vmem>> -> memref<128xi32, #tpu.memory_space<vmem>>
      %dma_wait3A_205 = arith.constant 0 : i32
      %dma_wait3A_206 = arith.constant 0 : i32
      %dma_wait3A_207 = tpu.memref_slice %arg9[%dma_wait3A_205, %dma_wait3A_206] : memref<10016x128xf32, #tpu.memory_space<vmem_shared>> -> memref<10016x128xf32, #tpu.memory_space<vmem_shared>>
      %dma_wait3A_208 = tpu.memref_slice %arg12[%rem3A_196] : memref<3x!tpu.dma_semaphore, #tpu.memory_space<semaphore_mem>> -> memref<1x!tpu.dma_semaphore, #tpu.memory_space<semaphore_mem>>
      %dma_wait3A_209 = tpu.memref_squeeze %dma_wait3A_208 : memref<1x!tpu.dma_semaphore, #tpu.memory_space<semaphore_mem>> -> memref<!tpu.dma_semaphore, #tpu.memory_space<semaphore_mem>>
      tpu.wait_indirect_dma semaphore(%dma_wait3A_209 : memref<!tpu.dma_semaphore, #tpu.memory_space<semaphore_mem>>) src(%dma_wait3A_201 : memref<128x128xf32, #tpu.memory_space<vmem>>) dst(%dma_wait3A_207 : memref<10016x128xf32, #tpu.memory_space<vmem_shared>>)
      %rem3A_210 = arith.constant 41 : i32
      %rem3A_211 = arith.constant 5 : i32
      %rem3A_212 = arith.remsi %rem3A_210, %rem3A_211 : i32
      %rem3A_213 = arith.constant 41 : i32
      %rem3A_214 = arith.constant 3 : i32
      %rem3A_215 = arith.remsi %rem3A_213, %rem3A_214 : i32
      %dma_wait3A_216 = arith.constant 1 : i32
      %dma_wait3A_217 = arith.constant 0 : i32
      %dma_wait3A_218 = arith.constant 0 : i32
      %dma_wait3A_219 = tpu.memref_slice %arg8[%rem3A_215, %dma_wait3A_217, %dma_wait3A_218] : memref<3x128x128xf32, #tpu.memory_space<vmem>> -> memref<1x128x128xf32, #tpu.memory_space<vmem>>
      %dma_wait3A_220 = tpu.memref_squeeze %dma_wait3A_219 : memref<1x128x128xf32, #tpu.memory_space<vmem>> -> memref<128x128xf32, #tpu.memory_space<vmem>>
      %dma_wait3A_221 = arith.constant 0 : i32
      %dma_wait3A_222 = tpu.memref_slice %arg7[%rem3A_212, %dma_wait3A_216, %dma_wait3A_221] : memref<5x2x128xi32, #tpu.memory_space<vmem>> -> memref<1x1x128xi32, #tpu.memory_space<vmem>>
      %dma_wait3A_223 = tpu.memref_squeeze %dma_wait3A_222 : memref<1x1x128xi32, #tpu.memory_space<vmem>> -> memref<128xi32, #tpu.memory_space<vmem>>
      %dma_wait3A_224 = arith.constant 0 : i32
      %dma_wait3A_225 = arith.constant 0 : i32
      %dma_wait3A_226 = tpu.memref_slice %arg9[%dma_wait3A_224, %dma_wait3A_225] : memref<10016x128xf32, #tpu.memory_space<vmem_shared>> -> memref<10016x128xf32, #tpu.memory_space<vmem_shared>>
      %dma_wait3A_227 = tpu.memref_slice %arg12[%rem3A_215] : memref<3x!tpu.dma_semaphore, #tpu.memory_space<semaphore_mem>> -> memref<1x!tpu.dma_semaphore, #tpu.memory_space<semaphore_mem>>
      %dma_wait3A_228 = tpu.memref_squeeze %dma_wait3A_227 : memref<1x!tpu.dma_semaphore, #tpu.memory_space<semaphore_mem>> -> memref<!tpu.dma_semaphore, #tpu.memory_space<semaphore_mem>>
      tpu.wait_indirect_dma semaphore(%dma_wait3A_228 : memref<!tpu.dma_semaphore, #tpu.memory_space<semaphore_mem>>) src(%dma_wait3A_220 : memref<128x128xf32, #tpu.memory_space<vmem>>) dst(%dma_wait3A_226 : memref<10016x128xf32, #tpu.memory_space<vmem_shared>>)
    } else {
    }
    %barrier3A_16 = arith.constant 0 : index
    tpu.barrier barrier_id(%barrier3A_16)
    %lt3A_17 = arith.constant 15 : i32
    %lt3A_18 = arith.cmpi slt, %arg1, %lt3A_17 : i32
    %convert_element_type3A_19 = arith.extui %lt3A_18 : i1 to i32
    %cond3A_20 = arith.constant 0 : i32
    %cond3A_21 = arith.cmpi ne, %convert_element_type3A_19, %cond3A_20 : i32
    scf.if %cond3A_21 {
      %mul3A = arith.constant 632 : i32
      %mul3A_27 = arith.muli %arg1, %mul3A : i32
      %mul3A_28 = arith.constant 632 : i32
      %mul3A_29 = arith.muli %arg1, %mul3A_28 : i32
      "tpu.region"() ({
        %run_scoped3A = tpu.sem_alloc : memref<!tpu.dma_semaphore, #tpu.memory_space<semaphore_mem>>
        %dma_start3A = arith.constant 0 : i32
        %dma_start3A_30 = tpu.memref_slice %arg6[%arg0, %mul3A_29, %dma_start3A] : memref<2x10016x128xf32, #tpu.memory_space<hbm>> -> memref<1x632x128xf32, #tpu.memory_space<hbm>>
        %dma_start3A_31 = tpu.memref_squeeze %dma_start3A_30 : memref<1x632x128xf32, #tpu.memory_space<hbm>> -> memref<632x128xf32, #tpu.memory_space<hbm>>
        %dma_start3A_32 = arith.constant 0 : i32
        %dma_start3A_33 = tpu.memref_slice %arg9[%mul3A_27, %dma_start3A_32] : memref<10016x128xf32, #tpu.memory_space<vmem_shared>> -> memref<632x128xf32, #tpu.memory_space<vmem_shared>>
        tpu.enqueue_dma source(%dma_start3A_33 : memref<632x128xf32, #tpu.memory_space<vmem_shared>>) target(%dma_start3A_31 : memref<632x128xf32, #tpu.memory_space<hbm>>) target_semaphore(%run_scoped3A : memref<!tpu.dma_semaphore, #tpu.memory_space<semaphore_mem>>)
        %dma_wait3A = arith.constant 0 : i32
        %dma_wait3A_34 = tpu.memref_slice %arg6[%arg0, %mul3A_29, %dma_wait3A] : memref<2x10016x128xf32, #tpu.memory_space<hbm>> -> memref<1x632x128xf32, #tpu.memory_space<hbm>>
        %dma_wait3A_35 = tpu.memref_squeeze %dma_wait3A_34 : memref<1x632x128xf32, #tpu.memory_space<hbm>> -> memref<632x128xf32, #tpu.memory_space<hbm>>
        %dma_wait3A_36 = arith.constant 0 : i32
        %dma_wait3A_37 = tpu.memref_slice %arg9[%mul3A_27, %dma_wait3A_36] : memref<10016x128xf32, #tpu.memory_space<vmem_shared>> -> memref<632x128xf32, #tpu.memory_space<vmem_shared>>
        tpu.wait_dma2 semaphore(%run_scoped3A : memref<!tpu.dma_semaphore, #tpu.memory_space<semaphore_mem>>) src(%dma_wait3A_37 : memref<632x128xf32, #tpu.memory_space<vmem_shared>>) dst(%dma_wait3A_35 : memref<632x128xf32, #tpu.memory_space<hbm>>)
        tpu.yield
      }) : () -> ()
    } else {
    }
    %eq3A_22 = arith.constant 15 : i32
    %eq3A_23 = arith.cmpi eq, %arg1, %eq3A_22 : i32
    %convert_element_type3A_24 = arith.extui %eq3A_23 : i1 to i32
    %cond3A_25 = arith.constant 0 : i32
    %cond3A_26 = arith.cmpi ne, %convert_element_type3A_24, %cond3A_25 : i32
    scf.if %cond3A_26 {
      "tpu.region"() ({
        %run_scoped3A = tpu.sem_alloc : memref<!tpu.dma_semaphore, #tpu.memory_space<semaphore_mem>>
        %dma_start3A = arith.constant 9480 : i32
        %dma_start3A_27 = arith.constant 0 : i32
        %dma_start3A_28 = tpu.memref_slice %arg6[%arg0, %dma_start3A, %dma_start3A_27] : memref<2x10016x128xf32, #tpu.memory_space<hbm>> -> memref<1x536x128xf32, #tpu.memory_space<hbm>>
        %dma_start3A_29 = tpu.memref_squeeze %dma_start3A_28 : memref<1x536x128xf32, #tpu.memory_space<hbm>> -> memref<536x128xf32, #tpu.memory_space<hbm>>
        %dma_start3A_30 = arith.constant 9480 : i32
        %dma_start3A_31 = arith.constant 0 : i32
        %dma_start3A_32 = tpu.memref_slice %arg9[%dma_start3A_30, %dma_start3A_31] : memref<10016x128xf32, #tpu.memory_space<vmem_shared>> -> memref<536x128xf32, #tpu.memory_space<vmem_shared>>
        tpu.enqueue_dma source(%dma_start3A_32 : memref<536x128xf32, #tpu.memory_space<vmem_shared>>) target(%dma_start3A_29 : memref<536x128xf32, #tpu.memory_space<hbm>>) target_semaphore(%run_scoped3A : memref<!tpu.dma_semaphore, #tpu.memory_space<semaphore_mem>>)
        %dma_wait3A = arith.constant 9480 : i32
        %dma_wait3A_33 = arith.constant 0 : i32
        %dma_wait3A_34 = tpu.memref_slice %arg6[%arg0, %dma_wait3A, %dma_wait3A_33] : memref<2x10016x128xf32, #tpu.memory_space<hbm>> -> memref<1x536x128xf32, #tpu.memory_space<hbm>>
        %dma_wait3A_35 = tpu.memref_squeeze %dma_wait3A_34 : memref<1x536x128xf32, #tpu.memory_space<hbm>> -> memref<536x128xf32, #tpu.memory_space<hbm>>
        %dma_wait3A_36 = arith.constant 9480 : i32
        %dma_wait3A_37 = arith.constant 0 : i32
        %dma_wait3A_38 = tpu.memref_slice %arg9[%dma_wait3A_36, %dma_wait3A_37] : memref<10016x128xf32, #tpu.memory_space<vmem_shared>> -> memref<536x128xf32, #tpu.memory_space<vmem_shared>>
        tpu.wait_dma2 semaphore(%run_scoped3A : memref<!tpu.dma_semaphore, #tpu.memory_space<semaphore_mem>>) src(%dma_wait3A_38 : memref<536x128xf32, #tpu.memory_space<vmem_shared>>) dst(%dma_wait3A_35 : memref<536x128xf32, #tpu.memory_space<hbm>>)
        tpu.yield
      }) : () -> ()
    } else {
    }
    return
  }
}

#map = affine_map<(d0, d1) -> (0, 0)>
#map1 = affine_map<(d0, d1) -> (0, 0, 0, 0)>
#map2 = affine_map<(d0, d1) -> (0, 0, 0)>
module attributes {stable_mosaic.version = 14 : i64} {
  func.func @scat_kernel(%arg0: i32, %arg1: i32, %arg2: memref<10000x128xf32, #tpu.memory_space<hbm>>, %arg3: memref<16x115x2x128xi32, #tpu.memory_space<hbm>>, %arg4: memref<16x42x2x128xi32, #tpu.memory_space<hbm>>, %arg5: memref<10016x128xf32, #tpu.memory_space<hbm>>, %arg6: memref<2x10016x128xf32, #tpu.memory_space<hbm>>, %arg7: memref<5x2x128xi32, #tpu.memory_space<vmem>>, %arg8: memref<3x128x128xf32, #tpu.memory_space<vmem>>, %arg9: memref<10016x128xf32, #tpu.memory_space<vmem_shared>>, %arg10: memref<5x!tpu.dma_semaphore, #tpu.memory_space<semaphore_mem>>, %arg11: memref<3x!tpu.dma_semaphore, #tpu.memory_space<semaphore_mem>>, %arg12: memref<3x!tpu.dma_semaphore, #tpu.memory_space<semaphore_mem>>) attributes {dimension_semantics = [#tpu.dimension_semantics<core_parallel>, #tpu.dimension_semantics<subcore_parallel>], iteration_bounds = array<i64: 2, 16>, scalar_prefetch = 0 : i64, scratch_operands = 6 : i64, tpu.core_type = #tpu.core_type<sc_vector_subcore>, window_params = [{transform_indices = #map}, {transform_indices = #map1}, {transform_indices = #map1}, {transform_indices = #map}, {transform_indices = #map2}]} {
    %lt3A = arith.constant 15 : i32
    %lt3A_0 = arith.cmpi slt, %arg1, %lt3A : i32
    %convert_element_type3A = arith.extui %lt3A_0 : i1 to i32
    %cond3A = arith.constant 0 : i32
    %cond3A_1 = arith.cmpi ne, %convert_element_type3A, %cond3A : i32
    scf.if %cond3A_1 {
      %mul3A = arith.constant 632 : i32
      %mul3A_27 = arith.muli %arg1, %mul3A : i32
      %mul3A_28 = arith.constant 632 : i32
      %mul3A_29 = arith.muli %arg1, %mul3A_28 : i32
      "tpu.region"() ({
        %run_scoped3A = tpu.sem_alloc : memref<!tpu.dma_semaphore, #tpu.memory_space<semaphore_mem>>
        %dma_start3A = arith.constant 0 : i32
        %dma_start3A_30 = tpu.memref_slice %arg9[%mul3A_29, %dma_start3A] : memref<10016x128xf32, #tpu.memory_space<vmem_shared>> -> memref<632x128xf32, #tpu.memory_space<vmem_shared>>
        %dma_start3A_31 = arith.constant 0 : i32
        %dma_start3A_32 = tpu.memref_slice %arg5[%mul3A_27, %dma_start3A_31] : memref<10016x128xf32, #tpu.memory_space<hbm>> -> memref<632x128xf32, #tpu.memory_space<hbm>>
        tpu.enqueue_dma source(%dma_start3A_32 : memref<632x128xf32, #tpu.memory_space<hbm>>) target(%dma_start3A_30 : memref<632x128xf32, #tpu.memory_space<vmem_shared>>) target_semaphore(%run_scoped3A : memref<!tpu.dma_semaphore, #tpu.memory_space<semaphore_mem>>)
        %dma_wait3A = arith.constant 0 : i32
        %dma_wait3A_33 = tpu.memref_slice %arg9[%mul3A_29, %dma_wait3A] : memref<10016x128xf32, #tpu.memory_space<vmem_shared>> -> memref<632x128xf32, #tpu.memory_space<vmem_shared>>
        %dma_wait3A_34 = arith.constant 0 : i32
        %dma_wait3A_35 = tpu.memref_slice %arg5[%mul3A_27, %dma_wait3A_34] : memref<10016x128xf32, #tpu.memory_space<hbm>> -> memref<632x128xf32, #tpu.memory_space<hbm>>
        tpu.wait_dma2 semaphore(%run_scoped3A : memref<!tpu.dma_semaphore, #tpu.memory_space<semaphore_mem>>) src(%dma_wait3A_35 : memref<632x128xf32, #tpu.memory_space<hbm>>) dst(%dma_wait3A_33 : memref<632x128xf32, #tpu.memory_space<vmem_shared>>)
        tpu.yield
      }) : () -> ()
    } else {
    }
    %eq3A = arith.constant 15 : i32
    %eq3A_2 = arith.cmpi eq, %arg1, %eq3A : i32
    %convert_element_type3A_3 = arith.extui %eq3A_2 : i1 to i32
    %cond3A_4 = arith.constant 0 : i32
    %cond3A_5 = arith.cmpi ne, %convert_element_type3A_3, %cond3A_4 : i32
    scf.if %cond3A_5 {
      "tpu.region"() ({
        %run_scoped3A = tpu.sem_alloc : memref<!tpu.dma_semaphore, #tpu.memory_space<semaphore_mem>>
        %dma_start3A = arith.constant 9480 : i32
        %dma_start3A_27 = arith.constant 0 : i32
        %dma_start3A_28 = tpu.memref_slice %arg9[%dma_start3A, %dma_start3A_27] : memref<10016x128xf32, #tpu.memory_space<vmem_shared>> -> memref<536x128xf32, #tpu.memory_space<vmem_shared>>
        %dma_start3A_29 = arith.constant 9480 : i32
        %dma_start3A_30 = arith.constant 0 : i32
        %dma_start3A_31 = tpu.memref_slice %arg5[%dma_start3A_29, %dma_start3A_30] : memref<10016x128xf32, #tpu.memory_space<hbm>> -> memref<536x128xf32, #tpu.memory_space<hbm>>
        tpu.enqueue_dma source(%dma_start3A_31 : memref<536x128xf32, #tpu.memory_space<hbm>>) target(%dma_start3A_28 : memref<536x128xf32, #tpu.memory_space<vmem_shared>>) target_semaphore(%run_scoped3A : memref<!tpu.dma_semaphore, #tpu.memory_space<semaphore_mem>>)
        %dma_wait3A = arith.constant 9480 : i32
        %dma_wait3A_32 = arith.constant 0 : i32
        %dma_wait3A_33 = tpu.memref_slice %arg9[%dma_wait3A, %dma_wait3A_32] : memref<10016x128xf32, #tpu.memory_space<vmem_shared>> -> memref<536x128xf32, #tpu.memory_space<vmem_shared>>
        %dma_wait3A_34 = arith.constant 9480 : i32
        %dma_wait3A_35 = arith.constant 0 : i32
        %dma_wait3A_36 = tpu.memref_slice %arg5[%dma_wait3A_34, %dma_wait3A_35] : memref<10016x128xf32, #tpu.memory_space<hbm>> -> memref<536x128xf32, #tpu.memory_space<hbm>>
        tpu.wait_dma2 semaphore(%run_scoped3A : memref<!tpu.dma_semaphore, #tpu.memory_space<semaphore_mem>>) src(%dma_wait3A_36 : memref<536x128xf32, #tpu.memory_space<hbm>>) dst(%dma_wait3A_33 : memref<536x128xf32, #tpu.memory_space<vmem_shared>>)
        tpu.yield
      }) : () -> ()
    } else {
    }
    %barrier3A = arith.constant 0 : index
    tpu.barrier barrier_id(%barrier3A)
    %eq3A_6 = arith.constant 0 : i32
    %eq3A_7 = arith.cmpi eq, %arg0, %eq3A_6 : i32
    %convert_element_type3A_8 = arith.extui %eq3A_7 : i1 to i32
    %cond3A_9 = arith.constant 0 : i32
    %cond3A_10 = arith.cmpi ne, %convert_element_type3A_8, %cond3A_9 : i32
    scf.if %cond3A_10 {
      %dma_start3A = arith.constant 0 : i32
      %dma_start3A_27 = arith.constant 0 : i32
      %dma_start3A_28 = arith.constant 0 : i32
      %dma_start3A_29 = arith.constant 0 : i32
      %dma_start3A_30 = arith.constant 0 : i32
      %dma_start3A_31 = tpu.memref_slice %arg7[%dma_start3A_27, %dma_start3A_29, %dma_start3A_30] : memref<5x2x128xi32, #tpu.memory_space<vmem>> -> memref<1x2x128xi32, #tpu.memory_space<vmem>>
      %dma_start3A_32 = tpu.memref_squeeze %dma_start3A_31 : memref<1x2x128xi32, #tpu.memory_space<vmem>> -> memref<2x128xi32, #tpu.memory_space<vmem>>
      %dma_start3A_33 = arith.constant 0 : i32
      %dma_start3A_34 = arith.constant 0 : i32
      %dma_start3A_35 = tpu.memref_slice %arg3[%arg1, %dma_start3A, %dma_start3A_33, %dma_start3A_34] : memref<16x115x2x128xi32, #tpu.memory_space<hbm>> -> memref<1x1x2x128xi32, #tpu.memory_space<hbm>>
      %dma_start3A_36 = tpu.memref_squeeze %dma_start3A_35 : memref<1x1x2x128xi32, #tpu.memory_space<hbm>> -> memref<2x128xi32, #tpu.memory_space<hbm>>
      %dma_start3A_37 = tpu.memref_slice %arg10[%dma_start3A_28] : memref<5x!tpu.dma_semaphore, #tpu.memory_space<semaphore_mem>> -> memref<1x!tpu.dma_semaphore, #tpu.memory_space<semaphore_mem>>
      %dma_start3A_38 = tpu.memref_squeeze %dma_start3A_37 : memref<1x!tpu.dma_semaphore, #tpu.memory_space<semaphore_mem>> -> memref<!tpu.dma_semaphore, #tpu.memory_space<semaphore_mem>>
      %dma_start3A_39 = arith.constant 0 : i32
      %dma_start3A_40 = arith.constant 0 : i32
      %dma_start3A_41 = tpu.memref_slice %arg7[%dma_start3A_27, %dma_start3A_39, %dma_start3A_40] : memref<5x2x128xi32, #tpu.memory_space<vmem>> -> memref<1x2x128xi32, #tpu.memory_space<vmem>>
      %dma_start3A_42 = tpu.memref_squeeze %dma_start3A_41 : memref<1x2x128xi32, #tpu.memory_space<vmem>> -> memref<2x128xi32, #tpu.memory_space<vmem>>
      %dma_start3A_43 = arith.constant 0 : i32
      %dma_start3A_44 = arith.constant 0 : i32
      %dma_start3A_45 = tpu.memref_slice %arg3[%arg1, %dma_start3A, %dma_start3A_43, %dma_start3A_44] : memref<16x115x2x128xi32, #tpu.memory_space<hbm>> -> memref<1x1x2x128xi32, #tpu.memory_space<hbm>>
      %dma_start3A_46 = tpu.memref_squeeze %dma_start3A_45 : memref<1x1x2x128xi32, #tpu.memory_space<hbm>> -> memref<2x128xi32, #tpu.memory_space<hbm>>
      tpu.enqueue_dma source(%dma_start3A_46 : memref<2x128xi32, #tpu.memory_space<hbm>>) target(%dma_start3A_42 : memref<2x128xi32, #tpu.memory_space<vmem>>) target_semaphore(%dma_start3A_38 : memref<!tpu.dma_semaphore, #tpu.memory_space<semaphore_mem>>)
      %dma_start3A_47 = arith.constant 1 : i32
      %dma_start3A_48 = arith.constant 1 : i32
      %dma_start3A_49 = arith.constant 1 : i32
      %dma_start3A_50 = arith.constant 0 : i32
      %dma_start3A_51 = arith.constant 0 : i32
      %dma_start3A_52 = tpu.memref_slice %arg7[%dma_start3A_48, %dma_start3A_50, %dma_start3A_51] : memref<5x2x128xi32, #tpu.memory_space<vmem>> -> memref<1x2x128xi32, #tpu.memory_space<vmem>>
      %dma_start3A_53 = tpu.memref_squeeze %dma_start3A_52 : memref<1x2x128xi32, #tpu.memory_space<vmem>> -> memref<2x128xi32, #tpu.memory_space<vmem>>
      %dma_start3A_54 = arith.constant 0 : i32
      %dma_start3A_55 = arith.constant 0 : i32
      %dma_start3A_56 = tpu.memref_slice %arg3[%arg1, %dma_start3A_47, %dma_start3A_54, %dma_start3A_55] : memref<16x115x2x128xi32, #tpu.memory_space<hbm>> -> memref<1x1x2x128xi32, #tpu.memory_space<hbm>>
      %dma_start3A_57 = tpu.memref_squeeze %dma_start3A_56 : memref<1x1x2x128xi32, #tpu.memory_space<hbm>> -> memref<2x128xi32, #tpu.memory_space<hbm>>
      %dma_start3A_58 = tpu.memref_slice %arg10[%dma_start3A_49] : memref<5x!tpu.dma_semaphore, #tpu.memory_space<semaphore_mem>> -> memref<1x!tpu.dma_semaphore, #tpu.memory_space<semaphore_mem>>
      %dma_start3A_59 = tpu.memref_squeeze %dma_start3A_58 : memref<1x!tpu.dma_semaphore, #tpu.memory_space<semaphore_mem>> -> memref<!tpu.dma_semaphore, #tpu.memory_space<semaphore_mem>>
      %dma_start3A_60 = arith.constant 0 : i32
      %dma_start3A_61 = arith.constant 0 : i32
      %dma_start3A_62 = tpu.memref_slice %arg7[%dma_start3A_48, %dma_start3A_60, %dma_start3A_61] : memref<5x2x128xi32, #tpu.memory_space<vmem>> -> memref<1x2x128xi32, #tpu.memory_space<vmem>>
      %dma_start3A_63 = tpu.memref_squeeze %dma_start3A_62 : memref<1x2x128xi32, #tpu.memory_space<vmem>> -> memref<2x128xi32, #tpu.memory_space<vmem>>
      %dma_start3A_64 = arith.constant 0 : i32
      %dma_start3A_65 = arith.constant 0 : i32
      %dma_start3A_66 = tpu.memref_slice %arg3[%arg1, %dma_start3A_47, %dma_start3A_64, %dma_start3A_65] : memref<16x115x2x128xi32, #tpu.memory_space<hbm>> -> memref<1x1x2x128xi32, #tpu.memory_space<hbm>>
      %dma_start3A_67 = tpu.memref_squeeze %dma_start3A_66 : memref<1x1x2x128xi32, #tpu.memory_space<hbm>> -> memref<2x128xi32, #tpu.memory_space<hbm>>
      tpu.enqueue_dma source(%dma_start3A_67 : memref<2x128xi32, #tpu.memory_space<hbm>>) target(%dma_start3A_63 : memref<2x128xi32, #tpu.memory_space<vmem>>) target_semaphore(%dma_start3A_59 : memref<!tpu.dma_semaphore, #tpu.memory_space<semaphore_mem>>)
      %dma_start3A_68 = arith.constant 2 : i32
      %dma_start3A_69 = arith.constant 2 : i32
      %dma_start3A_70 = arith.constant 2 : i32
      %dma_start3A_71 = arith.constant 0 : i32
      %dma_start3A_72 = arith.constant 0 : i32
      %dma_start3A_73 = tpu.memref_slice %arg7[%dma_start3A_69, %dma_start3A_71, %dma_start3A_72] : memref<5x2x128xi32, #tpu.memory_space<vmem>> -> memref<1x2x128xi32, #tpu.memory_space<vmem>>
      %dma_start3A_74 = tpu.memref_squeeze %dma_start3A_73 : memref<1x2x128xi32, #tpu.memory_space<vmem>> -> memref<2x128xi32, #tpu.memory_space<vmem>>
      %dma_start3A_75 = arith.constant 0 : i32
      %dma_start3A_76 = arith.constant 0 : i32
      %dma_start3A_77 = tpu.memref_slice %arg3[%arg1, %dma_start3A_68, %dma_start3A_75, %dma_start3A_76] : memref<16x115x2x128xi32, #tpu.memory_space<hbm>> -> memref<1x1x2x128xi32, #tpu.memory_space<hbm>>
      %dma_start3A_78 = tpu.memref_squeeze %dma_start3A_77 : memref<1x1x2x128xi32, #tpu.memory_space<hbm>> -> memref<2x128xi32, #tpu.memory_space<hbm>>
      %dma_start3A_79 = tpu.memref_slice %arg10[%dma_start3A_70] : memref<5x!tpu.dma_semaphore, #tpu.memory_space<semaphore_mem>> -> memref<1x!tpu.dma_semaphore, #tpu.memory_space<semaphore_mem>>
      %dma_start3A_80 = tpu.memref_squeeze %dma_start3A_79 : memref<1x!tpu.dma_semaphore, #tpu.memory_space<semaphore_mem>> -> memref<!tpu.dma_semaphore, #tpu.memory_space<semaphore_mem>>
      %dma_start3A_81 = arith.constant 0 : i32
      %dma_start3A_82 = arith.constant 0 : i32
      %dma_start3A_83 = tpu.memref_slice %arg7[%dma_start3A_69, %dma_start3A_81, %dma_start3A_82] : memref<5x2x128xi32, #tpu.memory_space<vmem>> -> memref<1x2x128xi32, #tpu.memory_space<vmem>>
      %dma_start3A_84 = tpu.memref_squeeze %dma_start3A_83 : memref<1x2x128xi32, #tpu.memory_space<vmem>> -> memref<2x128xi32, #tpu.memory_space<vmem>>
      %dma_start3A_85 = arith.constant 0 : i32
      %dma_start3A_86 = arith.constant 0 : i32
      %dma_start3A_87 = tpu.memref_slice %arg3[%arg1, %dma_start3A_68, %dma_start3A_85, %dma_start3A_86] : memref<16x115x2x128xi32, #tpu.memory_space<hbm>> -> memref<1x1x2x128xi32, #tpu.memory_space<hbm>>
      %dma_start3A_88 = tpu.memref_squeeze %dma_start3A_87 : memref<1x1x2x128xi32, #tpu.memory_space<hbm>> -> memref<2x128xi32, #tpu.memory_space<hbm>>
      tpu.enqueue_dma source(%dma_start3A_88 : memref<2x128xi32, #tpu.memory_space<hbm>>) target(%dma_start3A_84 : memref<2x128xi32, #tpu.memory_space<vmem>>) target_semaphore(%dma_start3A_80 : memref<!tpu.dma_semaphore, #tpu.memory_space<semaphore_mem>>)
      %dma_start3A_89 = arith.constant 3 : i32
      %dma_start3A_90 = arith.constant 3 : i32
      %dma_start3A_91 = arith.constant 3 : i32
      %dma_start3A_92 = arith.constant 0 : i32
      %dma_start3A_93 = arith.constant 0 : i32
      %dma_start3A_94 = tpu.memref_slice %arg7[%dma_start3A_90, %dma_start3A_92, %dma_start3A_93] : memref<5x2x128xi32, #tpu.memory_space<vmem>> -> memref<1x2x128xi32, #tpu.memory_space<vmem>>
      %dma_start3A_95 = tpu.memref_squeeze %dma_start3A_94 : memref<1x2x128xi32, #tpu.memory_space<vmem>> -> memref<2x128xi32, #tpu.memory_space<vmem>>
      %dma_start3A_96 = arith.constant 0 : i32
      %dma_start3A_97 = arith.constant 0 : i32
      %dma_start3A_98 = tpu.memref_slice %arg3[%arg1, %dma_start3A_89, %dma_start3A_96, %dma_start3A_97] : memref<16x115x2x128xi32, #tpu.memory_space<hbm>> -> memref<1x1x2x128xi32, #tpu.memory_space<hbm>>
      %dma_start3A_99 = tpu.memref_squeeze %dma_start3A_98 : memref<1x1x2x128xi32, #tpu.memory_space<hbm>> -> memref<2x128xi32, #tpu.memory_space<hbm>>
      %dma_start3A_100 = tpu.memref_slice %arg10[%dma_start3A_91] : memref<5x!tpu.dma_semaphore, #tpu.memory_space<semaphore_mem>> -> memref<1x!tpu.dma_semaphore, #tpu.memory_space<semaphore_mem>>
      %dma_start3A_101 = tpu.memref_squeeze %dma_start3A_100 : memref<1x!tpu.dma_semaphore, #tpu.memory_space<semaphore_mem>> -> memref<!tpu.dma_semaphore, #tpu.memory_space<semaphore_mem>>
      %dma_start3A_102 = arith.constant 0 : i32
      %dma_start3A_103 = arith.constant 0 : i32
      %dma_start3A_104 = tpu.memref_slice %arg7[%dma_start3A_90, %dma_start3A_102, %dma_start3A_103] : memref<5x2x128xi32, #tpu.memory_space<vmem>> -> memref<1x2x128xi32, #tpu.memory_space<vmem>>
      %dma_start3A_105 = tpu.memref_squeeze %dma_start3A_104 : memref<1x2x128xi32, #tpu.memory_space<vmem>> -> memref<2x128xi32, #tpu.memory_space<vmem>>
      %dma_start3A_106 = arith.constant 0 : i32
      %dma_start3A_107 = arith.constant 0 : i32
      %dma_start3A_108 = tpu.memref_slice %arg3[%arg1, %dma_start3A_89, %dma_start3A_106, %dma_start3A_107] : memref<16x115x2x128xi32, #tpu.memory_space<hbm>> -> memref<1x1x2x128xi32, #tpu.memory_space<hbm>>
      %dma_start3A_109 = tpu.memref_squeeze %dma_start3A_108 : memref<1x1x2x128xi32, #tpu.memory_space<hbm>> -> memref<2x128xi32, #tpu.memory_space<hbm>>
      tpu.enqueue_dma source(%dma_start3A_109 : memref<2x128xi32, #tpu.memory_space<hbm>>) target(%dma_start3A_105 : memref<2x128xi32, #tpu.memory_space<vmem>>) target_semaphore(%dma_start3A_101 : memref<!tpu.dma_semaphore, #tpu.memory_space<semaphore_mem>>)
      %dma_start3A_110 = arith.constant 4 : i32
      %dma_start3A_111 = arith.constant 4 : i32
      %dma_start3A_112 = arith.constant 4 : i32
      %dma_start3A_113 = arith.constant 0 : i32
      %dma_start3A_114 = arith.constant 0 : i32
      %dma_start3A_115 = tpu.memref_slice %arg7[%dma_start3A_111, %dma_start3A_113, %dma_start3A_114] : memref<5x2x128xi32, #tpu.memory_space<vmem>> -> memref<1x2x128xi32, #tpu.memory_space<vmem>>
      %dma_start3A_116 = tpu.memref_squeeze %dma_start3A_115 : memref<1x2x128xi32, #tpu.memory_space<vmem>> -> memref<2x128xi32, #tpu.memory_space<vmem>>
      %dma_start3A_117 = arith.constant 0 : i32
      %dma_start3A_118 = arith.constant 0 : i32
      %dma_start3A_119 = tpu.memref_slice %arg3[%arg1, %dma_start3A_110, %dma_start3A_117, %dma_start3A_118] : memref<16x115x2x128xi32, #tpu.memory_space<hbm>> -> memref<1x1x2x128xi32, #tpu.memory_space<hbm>>
      %dma_start3A_120 = tpu.memref_squeeze %dma_start3A_119 : memref<1x1x2x128xi32, #tpu.memory_space<hbm>> -> memref<2x128xi32, #tpu.memory_space<hbm>>
      %dma_start3A_121 = tpu.memref_slice %arg10[%dma_start3A_112] : memref<5x!tpu.dma_semaphore, #tpu.memory_space<semaphore_mem>> -> memref<1x!tpu.dma_semaphore, #tpu.memory_space<semaphore_mem>>
      %dma_start3A_122 = tpu.memref_squeeze %dma_start3A_121 : memref<1x!tpu.dma_semaphore, #tpu.memory_space<semaphore_mem>> -> memref<!tpu.dma_semaphore, #tpu.memory_space<semaphore_mem>>
      %dma_start3A_123 = arith.constant 0 : i32
      %dma_start3A_124 = arith.constant 0 : i32
      %dma_start3A_125 = tpu.memref_slice %arg7[%dma_start3A_111, %dma_start3A_123, %dma_start3A_124] : memref<5x2x128xi32, #tpu.memory_space<vmem>> -> memref<1x2x128xi32, #tpu.memory_space<vmem>>
      %dma_start3A_126 = tpu.memref_squeeze %dma_start3A_125 : memref<1x2x128xi32, #tpu.memory_space<vmem>> -> memref<2x128xi32, #tpu.memory_space<vmem>>
      %dma_start3A_127 = arith.constant 0 : i32
      %dma_start3A_128 = arith.constant 0 : i32
      %dma_start3A_129 = tpu.memref_slice %arg3[%arg1, %dma_start3A_110, %dma_start3A_127, %dma_start3A_128] : memref<16x115x2x128xi32, #tpu.memory_space<hbm>> -> memref<1x1x2x128xi32, #tpu.memory_space<hbm>>
      %dma_start3A_130 = tpu.memref_squeeze %dma_start3A_129 : memref<1x1x2x128xi32, #tpu.memory_space<hbm>> -> memref<2x128xi32, #tpu.memory_space<hbm>>
      tpu.enqueue_dma source(%dma_start3A_130 : memref<2x128xi32, #tpu.memory_space<hbm>>) target(%dma_start3A_126 : memref<2x128xi32, #tpu.memory_space<vmem>>) target_semaphore(%dma_start3A_122 : memref<!tpu.dma_semaphore, #tpu.memory_space<semaphore_mem>>)
      %scan3A = arith.constant 0 : i32
      %scan3A_131 = arith.constant 0 : i32
      %scan3A_132 = arith.constant 114 : i32
      %scan3A_133 = arith.addi %scan3A_131, %scan3A_132 : i32
      %scan3A_134 = arith.constant 2 : i32
      scf.for %scan3A_275 = %scan3A_131 to %scan3A_133 step %scan3A_134  : i32 {
        %rem3A_276 = arith.constant 5 : i32
        %rem3A_277 = arith.remsi %scan3A_275, %rem3A_276 : i32
        %rem3A_278 = arith.constant 3 : i32
        %rem3A_279 = arith.remsi %scan3A_275, %rem3A_278 : i32
        %ge3A_280 = arith.constant 3 : i32
        %ge3A_281 = arith.cmpi sge, %scan3A_275, %ge3A_280 : i32
        %convert_element_type3A_282 = arith.extui %ge3A_281 : i1 to i32
        %cond3A_283 = arith.constant 0 : i32
        %cond3A_284 = arith.cmpi ne, %convert_element_type3A_282, %cond3A_283 : i32
        scf.if %cond3A_284 {
          %sub3A = arith.constant 3 : i32
          %sub3A_368 = arith.subi %scan3A_275, %sub3A : i32
          %rem3A_369 = arith.constant 5 : i32
          %rem3A_370 = arith.remsi %sub3A_368, %rem3A_369 : i32
          %dma_wait3A_371 = arith.constant 1 : i32
          %dma_wait3A_372 = arith.constant 0 : i32
          %dma_wait3A_373 = arith.constant 0 : i32
          %dma_wait3A_374 = tpu.memref_slice %arg8[%rem3A_279, %dma_wait3A_372, %dma_wait3A_373] : memref<3x128x128xf32, #tpu.memory_space<vmem>> -> memref<1x128x128xf32, #tpu.memory_space<vmem>>
          %dma_wait3A_375 = tpu.memref_squeeze %dma_wait3A_374 : memref<1x128x128xf32, #tpu.memory_space<vmem>> -> memref<128x128xf32, #tpu.memory_space<vmem>>
          %dma_wait3A_376 = arith.constant 0 : i32
          %dma_wait3A_377 = tpu.memref_slice %arg7[%rem3A_370, %dma_wait3A_371, %dma_wait3A_376] : memref<5x2x128xi32, #tpu.memory_space<vmem>> -> memref<1x1x128xi32, #tpu.memory_space<vmem>>
          %dma_wait3A_378 = tpu.memref_squeeze %dma_wait3A_377 : memref<1x1x128xi32, #tpu.memory_space<vmem>> -> memref<128xi32, #tpu.memory_space<vmem>>
          %dma_wait3A_379 = arith.constant 0 : i32
          %dma_wait3A_380 = arith.constant 0 : i32
          %dma_wait3A_381 = tpu.memref_slice %arg9[%dma_wait3A_379, %dma_wait3A_380] : memref<10016x128xf32, #tpu.memory_space<vmem_shared>> -> memref<10016x128xf32, #tpu.memory_space<vmem_shared>>
          %dma_wait3A_382 = tpu.memref_slice %arg12[%rem3A_279] : memref<3x!tpu.dma_semaphore, #tpu.memory_space<semaphore_mem>> -> memref<1x!tpu.dma_semaphore, #tpu.memory_space<semaphore_mem>>
          %dma_wait3A_383 = tpu.memref_squeeze %dma_wait3A_382 : memref<1x!tpu.dma_semaphore, #tpu.memory_space<semaphore_mem>> -> memref<!tpu.dma_semaphore, #tpu.memory_space<semaphore_mem>>
          tpu.wait_indirect_dma semaphore(%dma_wait3A_383 : memref<!tpu.dma_semaphore, #tpu.memory_space<semaphore_mem>>) src(%dma_wait3A_375 : memref<128x128xf32, #tpu.memory_space<vmem>>) dst(%dma_wait3A_381 : memref<10016x128xf32, #tpu.memory_space<vmem_shared>>)
          %sub3A_384 = arith.constant 3 : i32
          %sub3A_385 = arith.subi %scan3A_275, %sub3A_384 : i32
          %add3A = arith.constant 5 : i32
          %add3A_386 = arith.addi %sub3A_385, %add3A : i32
          %lt3A_387 = arith.constant 115 : i32
          %lt3A_388 = arith.cmpi slt, %add3A_386, %lt3A_387 : i32
          %convert_element_type3A_389 = arith.extui %lt3A_388 : i1 to i32
          %cond3A_390 = arith.constant 0 : i32
          %cond3A_391 = arith.cmpi ne, %convert_element_type3A_389, %cond3A_390 : i32
          scf.if %cond3A_391 {
            %sub3A_392 = arith.constant 3 : i32
            %sub3A_393 = arith.subi %scan3A_275, %sub3A_392 : i32
            %add3A_394 = arith.constant 5 : i32
            %add3A_395 = arith.addi %sub3A_393, %add3A_394 : i32
            %dma_start3A_396 = arith.constant 0 : i32
            %dma_start3A_397 = arith.constant 0 : i32
            %dma_start3A_398 = tpu.memref_slice %arg7[%rem3A_370, %dma_start3A_396, %dma_start3A_397] : memref<5x2x128xi32, #tpu.memory_space<vmem>> -> memref<1x2x128xi32, #tpu.memory_space<vmem>>
            %dma_start3A_399 = tpu.memref_squeeze %dma_start3A_398 : memref<1x2x128xi32, #tpu.memory_space<vmem>> -> memref<2x128xi32, #tpu.memory_space<vmem>>
            %dma_start3A_400 = arith.constant 0 : i32
            %dma_start3A_401 = arith.constant 0 : i32
            %dma_start3A_402 = tpu.memref_slice %arg3[%arg1, %add3A_395, %dma_start3A_400, %dma_start3A_401] : memref<16x115x2x128xi32, #tpu.memory_space<hbm>> -> memref<1x1x2x128xi32, #tpu.memory_space<hbm>>
            %dma_start3A_403 = tpu.memref_squeeze %dma_start3A_402 : memref<1x1x2x128xi32, #tpu.memory_space<hbm>> -> memref<2x128xi32, #tpu.memory_space<hbm>>
            %dma_start3A_404 = tpu.memref_slice %arg10[%rem3A_370] : memref<5x!tpu.dma_semaphore, #tpu.memory_space<semaphore_mem>> -> memref<1x!tpu.dma_semaphore, #tpu.memory_space<semaphore_mem>>
            %dma_start3A_405 = tpu.memref_squeeze %dma_start3A_404 : memref<1x!tpu.dma_semaphore, #tpu.memory_space<semaphore_mem>> -> memref<!tpu.dma_semaphore, #tpu.memory_space<semaphore_mem>>
            %dma_start3A_406 = arith.constant 0 : i32
            %dma_start3A_407 = arith.constant 0 : i32
            %dma_start3A_408 = tpu.memref_slice %arg7[%rem3A_370, %dma_start3A_406, %dma_start3A_407] : memref<5x2x128xi32, #tpu.memory_space<vmem>> -> memref<1x2x128xi32, #tpu.memory_space<vmem>>
            %dma_start3A_409 = tpu.memref_squeeze %dma_start3A_408 : memref<1x2x128xi32, #tpu.memory_space<vmem>> -> memref<2x128xi32, #tpu.memory_space<vmem>>
            %dma_start3A_410 = arith.constant 0 : i32
            %dma_start3A_411 = arith.constant 0 : i32
            %dma_start3A_412 = tpu.memref_slice %arg3[%arg1, %add3A_395, %dma_start3A_410, %dma_start3A_411] : memref<16x115x2x128xi32, #tpu.memory_space<hbm>> -> memref<1x1x2x128xi32, #tpu.memory_space<hbm>>
            %dma_start3A_413 = tpu.memref_squeeze %dma_start3A_412 : memref<1x1x2x128xi32, #tpu.memory_space<hbm>> -> memref<2x128xi32, #tpu.memory_space<hbm>>
            tpu.enqueue_dma source(%dma_start3A_413 : memref<2x128xi32, #tpu.memory_space<hbm>>) target(%dma_start3A_409 : memref<2x128xi32, #tpu.memory_space<vmem>>) target_semaphore(%dma_start3A_405 : memref<!tpu.dma_semaphore, #tpu.memory_space<semaphore_mem>>)
          } else {
          }
        } else {
        }
        %dma_wait3A_285 = arith.constant 0 : i32
        %dma_wait3A_286 = arith.constant 0 : i32
        %dma_wait3A_287 = tpu.memref_slice %arg7[%rem3A_277, %dma_wait3A_285, %dma_wait3A_286] : memref<5x2x128xi32, #tpu.memory_space<vmem>> -> memref<1x2x128xi32, #tpu.memory_space<vmem>>
        %dma_wait3A_288 = tpu.memref_squeeze %dma_wait3A_287 : memref<1x2x128xi32, #tpu.memory_space<vmem>> -> memref<2x128xi32, #tpu.memory_space<vmem>>
        %dma_wait3A_289 = arith.constant 0 : i32
        %dma_wait3A_290 = arith.constant 0 : i32
        %dma_wait3A_291 = tpu.memref_slice %arg3[%arg1, %scan3A_275, %dma_wait3A_289, %dma_wait3A_290] : memref<16x115x2x128xi32, #tpu.memory_space<hbm>> -> memref<1x1x2x128xi32, #tpu.memory_space<hbm>>
        %dma_wait3A_292 = tpu.memref_squeeze %dma_wait3A_291 : memref<1x1x2x128xi32, #tpu.memory_space<hbm>> -> memref<2x128xi32, #tpu.memory_space<hbm>>
        %dma_wait3A_293 = tpu.memref_slice %arg10[%rem3A_277] : memref<5x!tpu.dma_semaphore, #tpu.memory_space<semaphore_mem>> -> memref<1x!tpu.dma_semaphore, #tpu.memory_space<semaphore_mem>>
        %dma_wait3A_294 = tpu.memref_squeeze %dma_wait3A_293 : memref<1x!tpu.dma_semaphore, #tpu.memory_space<semaphore_mem>> -> memref<!tpu.dma_semaphore, #tpu.memory_space<semaphore_mem>>
        %dma_wait3A_295 = arith.constant 0 : i32
        %dma_wait3A_296 = arith.constant 0 : i32
        %dma_wait3A_297 = tpu.memref_slice %arg7[%rem3A_277, %dma_wait3A_295, %dma_wait3A_296] : memref<5x2x128xi32, #tpu.memory_space<vmem>> -> memref<1x2x128xi32, #tpu.memory_space<vmem>>
        %dma_wait3A_298 = tpu.memref_squeeze %dma_wait3A_297 : memref<1x2x128xi32, #tpu.memory_space<vmem>> -> memref<2x128xi32, #tpu.memory_space<vmem>>
        %dma_wait3A_299 = arith.constant 0 : i32
        %dma_wait3A_300 = arith.constant 0 : i32
        %dma_wait3A_301 = tpu.memref_slice %arg3[%arg1, %scan3A_275, %dma_wait3A_299, %dma_wait3A_300] : memref<16x115x2x128xi32, #tpu.memory_space<hbm>> -> memref<1x1x2x128xi32, #tpu.memory_space<hbm>>
        %dma_wait3A_302 = tpu.memref_squeeze %dma_wait3A_301 : memref<1x1x2x128xi32, #tpu.memory_space<hbm>> -> memref<2x128xi32, #tpu.memory_space<hbm>>
        tpu.wait_dma2 semaphore(%dma_wait3A_294 : memref<!tpu.dma_semaphore, #tpu.memory_space<semaphore_mem>>) src(%dma_wait3A_302 : memref<2x128xi32, #tpu.memory_space<hbm>>) dst(%dma_wait3A_298 : memref<2x128xi32, #tpu.memory_space<vmem>>)
        %dma_start3A_303 = arith.constant 0 : i32
        %dma_start3A_304 = arith.constant 0 : i32
        %dma_start3A_305 = arith.constant 0 : i32
        %dma_start3A_306 = tpu.memref_slice %arg8[%rem3A_279, %dma_start3A_304, %dma_start3A_305] : memref<3x128x128xf32, #tpu.memory_space<vmem>> -> memref<1x128x128xf32, #tpu.memory_space<vmem>>
        %dma_start3A_307 = tpu.memref_squeeze %dma_start3A_306 : memref<1x128x128xf32, #tpu.memory_space<vmem>> -> memref<128x128xf32, #tpu.memory_space<vmem>>
        %dma_start3A_308 = arith.constant 0 : i32
        %dma_start3A_309 = tpu.memref_slice %arg7[%rem3A_277, %dma_start3A_303, %dma_start3A_308] : memref<5x2x128xi32, #tpu.memory_space<vmem>> -> memref<1x1x128xi32, #tpu.memory_space<vmem>>
        %dma_start3A_310 = tpu.memref_squeeze %dma_start3A_309 : memref<1x1x128xi32, #tpu.memory_space<vmem>> -> memref<128xi32, #tpu.memory_space<vmem>>
        %dma_start3A_311 = arith.constant 0 : i32
        %dma_start3A_312 = arith.constant 0 : i32
        %dma_start3A_313 = tpu.memref_slice %arg2[%dma_start3A_311, %dma_start3A_312] : memref<10000x128xf32, #tpu.memory_space<hbm>> -> memref<10000x128xf32, #tpu.memory_space<hbm>>
        %dma_start3A_314 = tpu.memref_slice %arg11[%rem3A_279] : memref<3x!tpu.dma_semaphore, #tpu.memory_space<semaphore_mem>> -> memref<1x!tpu.dma_semaphore, #tpu.memory_space<semaphore_mem>>
        %dma_start3A_315 = tpu.memref_squeeze %dma_start3A_314 : memref<1x!tpu.dma_semaphore, #tpu.memory_space<semaphore_mem>> -> memref<!tpu.dma_semaphore, #tpu.memory_space<semaphore_mem>>
        tpu.enqueue_indirect_dma source(%dma_start3A_313 : memref<10000x128xf32, #tpu.memory_space<hbm>>) target(%dma_start3A_307 : memref<128x128xf32, #tpu.memory_space<vmem>>) offsets(%dma_start3A_310 : memref<128xi32, #tpu.memory_space<vmem>>) semaphore(%dma_start3A_315 : memref<!tpu.dma_semaphore, #tpu.memory_space<semaphore_mem>>)
        %ge3A_316 = arith.constant 1 : i32
        %ge3A_317 = arith.cmpi sge, %scan3A_275, %ge3A_316 : i32
        %convert_element_type3A_318 = arith.extui %ge3A_317 : i1 to i32
        %cond3A_319 = arith.constant 0 : i32
        %cond3A_320 = arith.cmpi ne, %convert_element_type3A_318, %cond3A_319 : i32
        scf.if %cond3A_320 {
          %sub3A = arith.constant 1 : i32
          %sub3A_368 = arith.subi %scan3A_275, %sub3A : i32
          %rem3A_369 = arith.constant 5 : i32
          %rem3A_370 = arith.remsi %sub3A_368, %rem3A_369 : i32
          %sub3A_371 = arith.constant 1 : i32
          %sub3A_372 = arith.subi %scan3A_275, %sub3A_371 : i32
          %rem3A_373 = arith.constant 3 : i32
          %rem3A_374 = arith.remsi %sub3A_372, %rem3A_373 : i32
          %dma_wait3A_375 = arith.constant 0 : i32
          %dma_wait3A_376 = arith.constant 0 : i32
          %dma_wait3A_377 = arith.constant 0 : i32
          %dma_wait3A_378 = tpu.memref_slice %arg8[%rem3A_374, %dma_wait3A_376, %dma_wait3A_377] : memref<3x128x128xf32, #tpu.memory_space<vmem>> -> memref<1x128x128xf32, #tpu.memory_space<vmem>>
          %dma_wait3A_379 = tpu.memref_squeeze %dma_wait3A_378 : memref<1x128x128xf32, #tpu.memory_space<vmem>> -> memref<128x128xf32, #tpu.memory_space<vmem>>
          %dma_wait3A_380 = arith.constant 0 : i32
          %dma_wait3A_381 = tpu.memref_slice %arg7[%rem3A_370, %dma_wait3A_375, %dma_wait3A_380] : memref<5x2x128xi32, #tpu.memory_space<vmem>> -> memref<1x1x128xi32, #tpu.memory_space<vmem>>
          %dma_wait3A_382 = tpu.memref_squeeze %dma_wait3A_381 : memref<1x1x128xi32, #tpu.memory_space<vmem>> -> memref<128xi32, #tpu.memory_space<vmem>>
          %dma_wait3A_383 = arith.constant 0 : i32
          %dma_wait3A_384 = arith.constant 0 : i32
          %dma_wait3A_385 = tpu.memref_slice %arg2[%dma_wait3A_383, %dma_wait3A_384] : memref<10000x128xf32, #tpu.memory_space<hbm>> -> memref<10000x128xf32, #tpu.memory_space<hbm>>
          %dma_wait3A_386 = tpu.memref_slice %arg11[%rem3A_374] : memref<3x!tpu.dma_semaphore, #tpu.memory_space<semaphore_mem>> -> memref<1x!tpu.dma_semaphore, #tpu.memory_space<semaphore_mem>>
          %dma_wait3A_387 = tpu.memref_squeeze %dma_wait3A_386 : memref<1x!tpu.dma_semaphore, #tpu.memory_space<semaphore_mem>> -> memref<!tpu.dma_semaphore, #tpu.memory_space<semaphore_mem>>
          tpu.wait_indirect_dma semaphore(%dma_wait3A_387 : memref<!tpu.dma_semaphore, #tpu.memory_space<semaphore_mem>>) src(%dma_wait3A_385 : memref<10000x128xf32, #tpu.memory_space<hbm>>) dst(%dma_wait3A_379 : memref<128x128xf32, #tpu.memory_space<vmem>>)
          %dma_start3A_388 = arith.constant 1 : i32
          %dma_start3A_389 = arith.constant 0 : i32
          %dma_start3A_390 = arith.constant 0 : i32
          %dma_start3A_391 = tpu.memref_slice %arg8[%rem3A_374, %dma_start3A_389, %dma_start3A_390] : memref<3x128x128xf32, #tpu.memory_space<vmem>> -> memref<1x128x128xf32, #tpu.memory_space<vmem>>
          %dma_start3A_392 = tpu.memref_squeeze %dma_start3A_391 : memref<1x128x128xf32, #tpu.memory_space<vmem>> -> memref<128x128xf32, #tpu.memory_space<vmem>>
          %dma_start3A_393 = arith.constant 0 : i32
          %dma_start3A_394 = tpu.memref_slice %arg7[%rem3A_370, %dma_start3A_388, %dma_start3A_393] : memref<5x2x128xi32, #tpu.memory_space<vmem>> -> memref<1x1x128xi32, #tpu.memory_space<vmem>>
          %dma_start3A_395 = tpu.memref_squeeze %dma_start3A_394 : memref<1x1x128xi32, #tpu.memory_space<vmem>> -> memref<128xi32, #tpu.memory_space<vmem>>
          %dma_start3A_396 = arith.constant 0 : i32
          %dma_start3A_397 = arith.constant 0 : i32
          %dma_start3A_398 = tpu.memref_slice %arg9[%dma_start3A_396, %dma_start3A_397] : memref<10016x128xf32, #tpu.memory_space<vmem_shared>> -> memref<10016x128xf32, #tpu.memory_space<vmem_shared>>
          %dma_start3A_399 = tpu.memref_slice %arg12[%rem3A_374] : memref<3x!tpu.dma_semaphore, #tpu.memory_space<semaphore_mem>> -> memref<1x!tpu.dma_semaphore, #tpu.memory_space<semaphore_mem>>
          %dma_start3A_400 = tpu.memref_squeeze %dma_start3A_399 : memref<1x!tpu.dma_semaphore, #tpu.memory_space<semaphore_mem>> -> memref<!tpu.dma_semaphore, #tpu.memory_space<semaphore_mem>>
          tpu.enqueue_indirect_dma source(%dma_start3A_392 : memref<128x128xf32, #tpu.memory_space<vmem>>) target(%dma_start3A_398 : memref<10016x128xf32, #tpu.memory_space<vmem_shared>>) offsets(%dma_start3A_395 : memref<128xi32, #tpu.memory_space<vmem>>) semaphore(%dma_start3A_400 : memref<!tpu.dma_semaphore, #tpu.memory_space<semaphore_mem>>) {add = true}
        } else {
        }
        %scan3A_321 = arith.constant 1 : i32
        %scan3A_322 = arith.addi %scan3A_275, %scan3A_321 : i32
        %rem3A_323 = arith.constant 5 : i32
        %rem3A_324 = arith.remsi %scan3A_322, %rem3A_323 : i32
        %rem3A_325 = arith.constant 3 : i32
        %rem3A_326 = arith.remsi %scan3A_322, %rem3A_325 : i32
        %ge3A_327 = arith.constant 3 : i32
        %ge3A_328 = arith.cmpi sge, %scan3A_322, %ge3A_327 : i32
        %convert_element_type3A_329 = arith.extui %ge3A_328 : i1 to i32
        %cond3A_330 = arith.constant 0 : i32
        %cond3A_331 = arith.cmpi ne, %convert_element_type3A_329, %cond3A_330 : i32
        scf.if %cond3A_331 {
          %sub3A = arith.constant 3 : i32
          %sub3A_368 = arith.subi %scan3A_322, %sub3A : i32
          %rem3A_369 = arith.constant 5 : i32
          %rem3A_370 = arith.remsi %sub3A_368, %rem3A_369 : i32
          %dma_wait3A_371 = arith.constant 1 : i32
          %dma_wait3A_372 = arith.constant 0 : i32
          %dma_wait3A_373 = arith.constant 0 : i32
          %dma_wait3A_374 = tpu.memref_slice %arg8[%rem3A_326, %dma_wait3A_372, %dma_wait3A_373] : memref<3x128x128xf32, #tpu.memory_space<vmem>> -> memref<1x128x128xf32, #tpu.memory_space<vmem>>
          %dma_wait3A_375 = tpu.memref_squeeze %dma_wait3A_374 : memref<1x128x128xf32, #tpu.memory_space<vmem>> -> memref<128x128xf32, #tpu.memory_space<vmem>>
          %dma_wait3A_376 = arith.constant 0 : i32
          %dma_wait3A_377 = tpu.memref_slice %arg7[%rem3A_370, %dma_wait3A_371, %dma_wait3A_376] : memref<5x2x128xi32, #tpu.memory_space<vmem>> -> memref<1x1x128xi32, #tpu.memory_space<vmem>>
          %dma_wait3A_378 = tpu.memref_squeeze %dma_wait3A_377 : memref<1x1x128xi32, #tpu.memory_space<vmem>> -> memref<128xi32, #tpu.memory_space<vmem>>
          %dma_wait3A_379 = arith.constant 0 : i32
          %dma_wait3A_380 = arith.constant 0 : i32
          %dma_wait3A_381 = tpu.memref_slice %arg9[%dma_wait3A_379, %dma_wait3A_380] : memref<10016x128xf32, #tpu.memory_space<vmem_shared>> -> memref<10016x128xf32, #tpu.memory_space<vmem_shared>>
          %dma_wait3A_382 = tpu.memref_slice %arg12[%rem3A_326] : memref<3x!tpu.dma_semaphore, #tpu.memory_space<semaphore_mem>> -> memref<1x!tpu.dma_semaphore, #tpu.memory_space<semaphore_mem>>
          %dma_wait3A_383 = tpu.memref_squeeze %dma_wait3A_382 : memref<1x!tpu.dma_semaphore, #tpu.memory_space<semaphore_mem>> -> memref<!tpu.dma_semaphore, #tpu.memory_space<semaphore_mem>>
          tpu.wait_indirect_dma semaphore(%dma_wait3A_383 : memref<!tpu.dma_semaphore, #tpu.memory_space<semaphore_mem>>) src(%dma_wait3A_375 : memref<128x128xf32, #tpu.memory_space<vmem>>) dst(%dma_wait3A_381 : memref<10016x128xf32, #tpu.memory_space<vmem_shared>>)
          %sub3A_384 = arith.constant 3 : i32
          %sub3A_385 = arith.subi %scan3A_322, %sub3A_384 : i32
          %add3A = arith.constant 5 : i32
          %add3A_386 = arith.addi %sub3A_385, %add3A : i32
          %lt3A_387 = arith.constant 115 : i32
          %lt3A_388 = arith.cmpi slt, %add3A_386, %lt3A_387 : i32
          %convert_element_type3A_389 = arith.extui %lt3A_388 : i1 to i32
          %cond3A_390 = arith.constant 0 : i32
          %cond3A_391 = arith.cmpi ne, %convert_element_type3A_389, %cond3A_390 : i32
          scf.if %cond3A_391 {
            %sub3A_392 = arith.constant 3 : i32
            %sub3A_393 = arith.subi %scan3A_322, %sub3A_392 : i32
            %add3A_394 = arith.constant 5 : i32
            %add3A_395 = arith.addi %sub3A_393, %add3A_394 : i32
            %dma_start3A_396 = arith.constant 0 : i32
            %dma_start3A_397 = arith.constant 0 : i32
            %dma_start3A_398 = tpu.memref_slice %arg7[%rem3A_370, %dma_start3A_396, %dma_start3A_397] : memref<5x2x128xi32, #tpu.memory_space<vmem>> -> memref<1x2x128xi32, #tpu.memory_space<vmem>>
            %dma_start3A_399 = tpu.memref_squeeze %dma_start3A_398 : memref<1x2x128xi32, #tpu.memory_space<vmem>> -> memref<2x128xi32, #tpu.memory_space<vmem>>
            %dma_start3A_400 = arith.constant 0 : i32
            %dma_start3A_401 = arith.constant 0 : i32
            %dma_start3A_402 = tpu.memref_slice %arg3[%arg1, %add3A_395, %dma_start3A_400, %dma_start3A_401] : memref<16x115x2x128xi32, #tpu.memory_space<hbm>> -> memref<1x1x2x128xi32, #tpu.memory_space<hbm>>
            %dma_start3A_403 = tpu.memref_squeeze %dma_start3A_402 : memref<1x1x2x128xi32, #tpu.memory_space<hbm>> -> memref<2x128xi32, #tpu.memory_space<hbm>>
            %dma_start3A_404 = tpu.memref_slice %arg10[%rem3A_370] : memref<5x!tpu.dma_semaphore, #tpu.memory_space<semaphore_mem>> -> memref<1x!tpu.dma_semaphore, #tpu.memory_space<semaphore_mem>>
            %dma_start3A_405 = tpu.memref_squeeze %dma_start3A_404 : memref<1x!tpu.dma_semaphore, #tpu.memory_space<semaphore_mem>> -> memref<!tpu.dma_semaphore, #tpu.memory_space<semaphore_mem>>
            %dma_start3A_406 = arith.constant 0 : i32
            %dma_start3A_407 = arith.constant 0 : i32
            %dma_start3A_408 = tpu.memref_slice %arg7[%rem3A_370, %dma_start3A_406, %dma_start3A_407] : memref<5x2x128xi32, #tpu.memory_space<vmem>> -> memref<1x2x128xi32, #tpu.memory_space<vmem>>
            %dma_start3A_409 = tpu.memref_squeeze %dma_start3A_408 : memref<1x2x128xi32, #tpu.memory_space<vmem>> -> memref<2x128xi32, #tpu.memory_space<vmem>>
            %dma_start3A_410 = arith.constant 0 : i32
            %dma_start3A_411 = arith.constant 0 : i32
            %dma_start3A_412 = tpu.memref_slice %arg3[%arg1, %add3A_395, %dma_start3A_410, %dma_start3A_411] : memref<16x115x2x128xi32, #tpu.memory_space<hbm>> -> memref<1x1x2x128xi32, #tpu.memory_space<hbm>>
            %dma_start3A_413 = tpu.memref_squeeze %dma_start3A_412 : memref<1x1x2x128xi32, #tpu.memory_space<hbm>> -> memref<2x128xi32, #tpu.memory_space<hbm>>
            tpu.enqueue_dma source(%dma_start3A_413 : memref<2x128xi32, #tpu.memory_space<hbm>>) target(%dma_start3A_409 : memref<2x128xi32, #tpu.memory_space<vmem>>) target_semaphore(%dma_start3A_405 : memref<!tpu.dma_semaphore, #tpu.memory_space<semaphore_mem>>)
          } else {
          }
        } else {
        }
        %dma_wait3A_332 = arith.constant 0 : i32
        %dma_wait3A_333 = arith.constant 0 : i32
        %dma_wait3A_334 = tpu.memref_slice %arg7[%rem3A_324, %dma_wait3A_332, %dma_wait3A_333] : memref<5x2x128xi32, #tpu.memory_space<vmem>> -> memref<1x2x128xi32, #tpu.memory_space<vmem>>
        %dma_wait3A_335 = tpu.memref_squeeze %dma_wait3A_334 : memref<1x2x128xi32, #tpu.memory_space<vmem>> -> memref<2x128xi32, #tpu.memory_space<vmem>>
        %dma_wait3A_336 = arith.constant 0 : i32
        %dma_wait3A_337 = arith.constant 0 : i32
        %dma_wait3A_338 = tpu.memref_slice %arg3[%arg1, %scan3A_322, %dma_wait3A_336, %dma_wait3A_337] : memref<16x115x2x128xi32, #tpu.memory_space<hbm>> -> memref<1x1x2x128xi32, #tpu.memory_space<hbm>>
        %dma_wait3A_339 = tpu.memref_squeeze %dma_wait3A_338 : memref<1x1x2x128xi32, #tpu.memory_space<hbm>> -> memref<2x128xi32, #tpu.memory_space<hbm>>
        %dma_wait3A_340 = tpu.memref_slice %arg10[%rem3A_324] : memref<5x!tpu.dma_semaphore, #tpu.memory_space<semaphore_mem>> -> memref<1x!tpu.dma_semaphore, #tpu.memory_space<semaphore_mem>>
        %dma_wait3A_341 = tpu.memref_squeeze %dma_wait3A_340 : memref<1x!tpu.dma_semaphore, #tpu.memory_space<semaphore_mem>> -> memref<!tpu.dma_semaphore, #tpu.memory_space<semaphore_mem>>
        %dma_wait3A_342 = arith.constant 0 : i32
        %dma_wait3A_343 = arith.constant 0 : i32
        %dma_wait3A_344 = tpu.memref_slice %arg7[%rem3A_324, %dma_wait3A_342, %dma_wait3A_343] : memref<5x2x128xi32, #tpu.memory_space<vmem>> -> memref<1x2x128xi32, #tpu.memory_space<vmem>>
        %dma_wait3A_345 = tpu.memref_squeeze %dma_wait3A_344 : memref<1x2x128xi32, #tpu.memory_space<vmem>> -> memref<2x128xi32, #tpu.memory_space<vmem>>
        %dma_wait3A_346 = arith.constant 0 : i32
        %dma_wait3A_347 = arith.constant 0 : i32
        %dma_wait3A_348 = tpu.memref_slice %arg3[%arg1, %scan3A_322, %dma_wait3A_346, %dma_wait3A_347] : memref<16x115x2x128xi32, #tpu.memory_space<hbm>> -> memref<1x1x2x128xi32, #tpu.memory_space<hbm>>
        %dma_wait3A_349 = tpu.memref_squeeze %dma_wait3A_348 : memref<1x1x2x128xi32, #tpu.memory_space<hbm>> -> memref<2x128xi32, #tpu.memory_space<hbm>>
        tpu.wait_dma2 semaphore(%dma_wait3A_341 : memref<!tpu.dma_semaphore, #tpu.memory_space<semaphore_mem>>) src(%dma_wait3A_349 : memref<2x128xi32, #tpu.memory_space<hbm>>) dst(%dma_wait3A_345 : memref<2x128xi32, #tpu.memory_space<vmem>>)
        %dma_start3A_350 = arith.constant 0 : i32
        %dma_start3A_351 = arith.constant 0 : i32
        %dma_start3A_352 = arith.constant 0 : i32
        %dma_start3A_353 = tpu.memref_slice %arg8[%rem3A_326, %dma_start3A_351, %dma_start3A_352] : memref<3x128x128xf32, #tpu.memory_space<vmem>> -> memref<1x128x128xf32, #tpu.memory_space<vmem>>
        %dma_start3A_354 = tpu.memref_squeeze %dma_start3A_353 : memref<1x128x128xf32, #tpu.memory_space<vmem>> -> memref<128x128xf32, #tpu.memory_space<vmem>>
        %dma_start3A_355 = arith.constant 0 : i32
        %dma_start3A_356 = tpu.memref_slice %arg7[%rem3A_324, %dma_start3A_350, %dma_start3A_355] : memref<5x2x128xi32, #tpu.memory_space<vmem>> -> memref<1x1x128xi32, #tpu.memory_space<vmem>>
        %dma_start3A_357 = tpu.memref_squeeze %dma_start3A_356 : memref<1x1x128xi32, #tpu.memory_space<vmem>> -> memref<128xi32, #tpu.memory_space<vmem>>
        %dma_start3A_358 = arith.constant 0 : i32
        %dma_start3A_359 = arith.constant 0 : i32
        %dma_start3A_360 = tpu.memref_slice %arg2[%dma_start3A_358, %dma_start3A_359] : memref<10000x128xf32, #tpu.memory_space<hbm>> -> memref<10000x128xf32, #tpu.memory_space<hbm>>
        %dma_start3A_361 = tpu.memref_slice %arg11[%rem3A_326] : memref<3x!tpu.dma_semaphore, #tpu.memory_space<semaphore_mem>> -> memref<1x!tpu.dma_semaphore, #tpu.memory_space<semaphore_mem>>
        %dma_start3A_362 = tpu.memref_squeeze %dma_start3A_361 : memref<1x!tpu.dma_semaphore, #tpu.memory_space<semaphore_mem>> -> memref<!tpu.dma_semaphore, #tpu.memory_space<semaphore_mem>>
        tpu.enqueue_indirect_dma source(%dma_start3A_360 : memref<10000x128xf32, #tpu.memory_space<hbm>>) target(%dma_start3A_354 : memref<128x128xf32, #tpu.memory_space<vmem>>) offsets(%dma_start3A_357 : memref<128xi32, #tpu.memory_space<vmem>>) semaphore(%dma_start3A_362 : memref<!tpu.dma_semaphore, #tpu.memory_space<semaphore_mem>>)
        %ge3A_363 = arith.constant 1 : i32
        %ge3A_364 = arith.cmpi sge, %scan3A_322, %ge3A_363 : i32
        %convert_element_type3A_365 = arith.extui %ge3A_364 : i1 to i32
        %cond3A_366 = arith.constant 0 : i32
        %cond3A_367 = arith.cmpi ne, %convert_element_type3A_365, %cond3A_366 : i32
        scf.if %cond3A_367 {
          %sub3A = arith.constant 1 : i32
          %sub3A_368 = arith.subi %scan3A_322, %sub3A : i32
          %rem3A_369 = arith.constant 5 : i32
          %rem3A_370 = arith.remsi %sub3A_368, %rem3A_369 : i32
          %sub3A_371 = arith.constant 1 : i32
          %sub3A_372 = arith.subi %scan3A_322, %sub3A_371 : i32
          %rem3A_373 = arith.constant 3 : i32
          %rem3A_374 = arith.remsi %sub3A_372, %rem3A_373 : i32
          %dma_wait3A_375 = arith.constant 0 : i32
          %dma_wait3A_376 = arith.constant 0 : i32
          %dma_wait3A_377 = arith.constant 0 : i32
          %dma_wait3A_378 = tpu.memref_slice %arg8[%rem3A_374, %dma_wait3A_376, %dma_wait3A_377] : memref<3x128x128xf32, #tpu.memory_space<vmem>> -> memref<1x128x128xf32, #tpu.memory_space<vmem>>
          %dma_wait3A_379 = tpu.memref_squeeze %dma_wait3A_378 : memref<1x128x128xf32, #tpu.memory_space<vmem>> -> memref<128x128xf32, #tpu.memory_space<vmem>>
          %dma_wait3A_380 = arith.constant 0 : i32
          %dma_wait3A_381 = tpu.memref_slice %arg7[%rem3A_370, %dma_wait3A_375, %dma_wait3A_380] : memref<5x2x128xi32, #tpu.memory_space<vmem>> -> memref<1x1x128xi32, #tpu.memory_space<vmem>>
          %dma_wait3A_382 = tpu.memref_squeeze %dma_wait3A_381 : memref<1x1x128xi32, #tpu.memory_space<vmem>> -> memref<128xi32, #tpu.memory_space<vmem>>
          %dma_wait3A_383 = arith.constant 0 : i32
          %dma_wait3A_384 = arith.constant 0 : i32
          %dma_wait3A_385 = tpu.memref_slice %arg2[%dma_wait3A_383, %dma_wait3A_384] : memref<10000x128xf32, #tpu.memory_space<hbm>> -> memref<10000x128xf32, #tpu.memory_space<hbm>>
          %dma_wait3A_386 = tpu.memref_slice %arg11[%rem3A_374] : memref<3x!tpu.dma_semaphore, #tpu.memory_space<semaphore_mem>> -> memref<1x!tpu.dma_semaphore, #tpu.memory_space<semaphore_mem>>
          %dma_wait3A_387 = tpu.memref_squeeze %dma_wait3A_386 : memref<1x!tpu.dma_semaphore, #tpu.memory_space<semaphore_mem>> -> memref<!tpu.dma_semaphore, #tpu.memory_space<semaphore_mem>>
          tpu.wait_indirect_dma semaphore(%dma_wait3A_387 : memref<!tpu.dma_semaphore, #tpu.memory_space<semaphore_mem>>) src(%dma_wait3A_385 : memref<10000x128xf32, #tpu.memory_space<hbm>>) dst(%dma_wait3A_379 : memref<128x128xf32, #tpu.memory_space<vmem>>)
          %dma_start3A_388 = arith.constant 1 : i32
          %dma_start3A_389 = arith.constant 0 : i32
          %dma_start3A_390 = arith.constant 0 : i32
          %dma_start3A_391 = tpu.memref_slice %arg8[%rem3A_374, %dma_start3A_389, %dma_start3A_390] : memref<3x128x128xf32, #tpu.memory_space<vmem>> -> memref<1x128x128xf32, #tpu.memory_space<vmem>>
          %dma_start3A_392 = tpu.memref_squeeze %dma_start3A_391 : memref<1x128x128xf32, #tpu.memory_space<vmem>> -> memref<128x128xf32, #tpu.memory_space<vmem>>
          %dma_start3A_393 = arith.constant 0 : i32
          %dma_start3A_394 = tpu.memref_slice %arg7[%rem3A_370, %dma_start3A_388, %dma_start3A_393] : memref<5x2x128xi32, #tpu.memory_space<vmem>> -> memref<1x1x128xi32, #tpu.memory_space<vmem>>
          %dma_start3A_395 = tpu.memref_squeeze %dma_start3A_394 : memref<1x1x128xi32, #tpu.memory_space<vmem>> -> memref<128xi32, #tpu.memory_space<vmem>>
          %dma_start3A_396 = arith.constant 0 : i32
          %dma_start3A_397 = arith.constant 0 : i32
          %dma_start3A_398 = tpu.memref_slice %arg9[%dma_start3A_396, %dma_start3A_397] : memref<10016x128xf32, #tpu.memory_space<vmem_shared>> -> memref<10016x128xf32, #tpu.memory_space<vmem_shared>>
          %dma_start3A_399 = tpu.memref_slice %arg12[%rem3A_374] : memref<3x!tpu.dma_semaphore, #tpu.memory_space<semaphore_mem>> -> memref<1x!tpu.dma_semaphore, #tpu.memory_space<semaphore_mem>>
          %dma_start3A_400 = tpu.memref_squeeze %dma_start3A_399 : memref<1x!tpu.dma_semaphore, #tpu.memory_space<semaphore_mem>> -> memref<!tpu.dma_semaphore, #tpu.memory_space<semaphore_mem>>
          tpu.enqueue_indirect_dma source(%dma_start3A_392 : memref<128x128xf32, #tpu.memory_space<vmem>>) target(%dma_start3A_398 : memref<10016x128xf32, #tpu.memory_space<vmem_shared>>) offsets(%dma_start3A_395 : memref<128xi32, #tpu.memory_space<vmem>>) semaphore(%dma_start3A_400 : memref<!tpu.dma_semaphore, #tpu.memory_space<semaphore_mem>>) {add = true}
        } else {
        }
      }
      %scan3A_135 = arith.constant 114 : i32
      %scan3A_136 = arith.addi %scan3A_131, %scan3A_135 : i32
      %rem3A = arith.constant 5 : i32
      %rem3A_137 = arith.remsi %scan3A_136, %rem3A : i32
      %rem3A_138 = arith.constant 3 : i32
      %rem3A_139 = arith.remsi %scan3A_136, %rem3A_138 : i32
      %ge3A = arith.constant 3 : i32
      %ge3A_140 = arith.cmpi sge, %scan3A_136, %ge3A : i32
      %convert_element_type3A_141 = arith.extui %ge3A_140 : i1 to i32
      %cond3A_142 = arith.constant 0 : i32
      %cond3A_143 = arith.cmpi ne, %convert_element_type3A_141, %cond3A_142 : i32
      scf.if %cond3A_143 {
        %sub3A = arith.constant 3 : i32
        %sub3A_275 = arith.subi %scan3A_136, %sub3A : i32
        %rem3A_276 = arith.constant 5 : i32
        %rem3A_277 = arith.remsi %sub3A_275, %rem3A_276 : i32
        %dma_wait3A_278 = arith.constant 1 : i32
        %dma_wait3A_279 = arith.constant 0 : i32
        %dma_wait3A_280 = arith.constant 0 : i32
        %dma_wait3A_281 = tpu.memref_slice %arg8[%rem3A_139, %dma_wait3A_279, %dma_wait3A_280] : memref<3x128x128xf32, #tpu.memory_space<vmem>> -> memref<1x128x128xf32, #tpu.memory_space<vmem>>
        %dma_wait3A_282 = tpu.memref_squeeze %dma_wait3A_281 : memref<1x128x128xf32, #tpu.memory_space<vmem>> -> memref<128x128xf32, #tpu.memory_space<vmem>>
        %dma_wait3A_283 = arith.constant 0 : i32
        %dma_wait3A_284 = tpu.memref_slice %arg7[%rem3A_277, %dma_wait3A_278, %dma_wait3A_283] : memref<5x2x128xi32, #tpu.memory_space<vmem>> -> memref<1x1x128xi32, #tpu.memory_space<vmem>>
        %dma_wait3A_285 = tpu.memref_squeeze %dma_wait3A_284 : memref<1x1x128xi32, #tpu.memory_space<vmem>> -> memref<128xi32, #tpu.memory_space<vmem>>
        %dma_wait3A_286 = arith.constant 0 : i32
        %dma_wait3A_287 = arith.constant 0 : i32
        %dma_wait3A_288 = tpu.memref_slice %arg9[%dma_wait3A_286, %dma_wait3A_287] : memref<10016x128xf32, #tpu.memory_space<vmem_shared>> -> memref<10016x128xf32, #tpu.memory_space<vmem_shared>>
        %dma_wait3A_289 = tpu.memref_slice %arg12[%rem3A_139] : memref<3x!tpu.dma_semaphore, #tpu.memory_space<semaphore_mem>> -> memref<1x!tpu.dma_semaphore, #tpu.memory_space<semaphore_mem>>
        %dma_wait3A_290 = tpu.memref_squeeze %dma_wait3A_289 : memref<1x!tpu.dma_semaphore, #tpu.memory_space<semaphore_mem>> -> memref<!tpu.dma_semaphore, #tpu.memory_space<semaphore_mem>>
        tpu.wait_indirect_dma semaphore(%dma_wait3A_290 : memref<!tpu.dma_semaphore, #tpu.memory_space<semaphore_mem>>) src(%dma_wait3A_282 : memref<128x128xf32, #tpu.memory_space<vmem>>) dst(%dma_wait3A_288 : memref<10016x128xf32, #tpu.memory_space<vmem_shared>>)
        %sub3A_291 = arith.constant 3 : i32
        %sub3A_292 = arith.subi %scan3A_136, %sub3A_291 : i32
        %add3A = arith.constant 5 : i32
        %add3A_293 = arith.addi %sub3A_292, %add3A : i32
        %lt3A_294 = arith.constant 115 : i32
        %lt3A_295 = arith.cmpi slt, %add3A_293, %lt3A_294 : i32
        %convert_element_type3A_296 = arith.extui %lt3A_295 : i1 to i32
        %cond3A_297 = arith.constant 0 : i32
        %cond3A_298 = arith.cmpi ne, %convert_element_type3A_296, %cond3A_297 : i32
        scf.if %cond3A_298 {
          %sub3A_299 = arith.constant 3 : i32
          %sub3A_300 = arith.subi %scan3A_136, %sub3A_299 : i32
          %add3A_301 = arith.constant 5 : i32
          %add3A_302 = arith.addi %sub3A_300, %add3A_301 : i32
          %dma_start3A_303 = arith.constant 0 : i32
          %dma_start3A_304 = arith.constant 0 : i32
          %dma_start3A_305 = tpu.memref_slice %arg7[%rem3A_277, %dma_start3A_303, %dma_start3A_304] : memref<5x2x128xi32, #tpu.memory_space<vmem>> -> memref<1x2x128xi32, #tpu.memory_space<vmem>>
          %dma_start3A_306 = tpu.memref_squeeze %dma_start3A_305 : memref<1x2x128xi32, #tpu.memory_space<vmem>> -> memref<2x128xi32, #tpu.memory_space<vmem>>
          %dma_start3A_307 = arith.constant 0 : i32
          %dma_start3A_308 = arith.constant 0 : i32
          %dma_start3A_309 = tpu.memref_slice %arg3[%arg1, %add3A_302, %dma_start3A_307, %dma_start3A_308] : memref<16x115x2x128xi32, #tpu.memory_space<hbm>> -> memref<1x1x2x128xi32, #tpu.memory_space<hbm>>
          %dma_start3A_310 = tpu.memref_squeeze %dma_start3A_309 : memref<1x1x2x128xi32, #tpu.memory_space<hbm>> -> memref<2x128xi32, #tpu.memory_space<hbm>>
          %dma_start3A_311 = tpu.memref_slice %arg10[%rem3A_277] : memref<5x!tpu.dma_semaphore, #tpu.memory_space<semaphore_mem>> -> memref<1x!tpu.dma_semaphore, #tpu.memory_space<semaphore_mem>>
          %dma_start3A_312 = tpu.memref_squeeze %dma_start3A_311 : memref<1x!tpu.dma_semaphore, #tpu.memory_space<semaphore_mem>> -> memref<!tpu.dma_semaphore, #tpu.memory_space<semaphore_mem>>
          %dma_start3A_313 = arith.constant 0 : i32
          %dma_start3A_314 = arith.constant 0 : i32
          %dma_start3A_315 = tpu.memref_slice %arg7[%rem3A_277, %dma_start3A_313, %dma_start3A_314] : memref<5x2x128xi32, #tpu.memory_space<vmem>> -> memref<1x2x128xi32, #tpu.memory_space<vmem>>
          %dma_start3A_316 = tpu.memref_squeeze %dma_start3A_315 : memref<1x2x128xi32, #tpu.memory_space<vmem>> -> memref<2x128xi32, #tpu.memory_space<vmem>>
          %dma_start3A_317 = arith.constant 0 : i32
          %dma_start3A_318 = arith.constant 0 : i32
          %dma_start3A_319 = tpu.memref_slice %arg3[%arg1, %add3A_302, %dma_start3A_317, %dma_start3A_318] : memref<16x115x2x128xi32, #tpu.memory_space<hbm>> -> memref<1x1x2x128xi32, #tpu.memory_space<hbm>>
          %dma_start3A_320 = tpu.memref_squeeze %dma_start3A_319 : memref<1x1x2x128xi32, #tpu.memory_space<hbm>> -> memref<2x128xi32, #tpu.memory_space<hbm>>
          tpu.enqueue_dma source(%dma_start3A_320 : memref<2x128xi32, #tpu.memory_space<hbm>>) target(%dma_start3A_316 : memref<2x128xi32, #tpu.memory_space<vmem>>) target_semaphore(%dma_start3A_312 : memref<!tpu.dma_semaphore, #tpu.memory_space<semaphore_mem>>)
        } else {
        }
      } else {
      }
      %dma_wait3A = arith.constant 0 : i32
      %dma_wait3A_144 = arith.constant 0 : i32
      %dma_wait3A_145 = tpu.memref_slice %arg7[%rem3A_137, %dma_wait3A, %dma_wait3A_144] : memref<5x2x128xi32, #tpu.memory_space<vmem>> -> memref<1x2x128xi32, #tpu.memory_space<vmem>>
      %dma_wait3A_146 = tpu.memref_squeeze %dma_wait3A_145 : memref<1x2x128xi32, #tpu.memory_space<vmem>> -> memref<2x128xi32, #tpu.memory_space<vmem>>
      %dma_wait3A_147 = arith.constant 0 : i32
      %dma_wait3A_148 = arith.constant 0 : i32
      %dma_wait3A_149 = tpu.memref_slice %arg3[%arg1, %scan3A_136, %dma_wait3A_147, %dma_wait3A_148] : memref<16x115x2x128xi32, #tpu.memory_space<hbm>> -> memref<1x1x2x128xi32, #tpu.memory_space<hbm>>
      %dma_wait3A_150 = tpu.memref_squeeze %dma_wait3A_149 : memref<1x1x2x128xi32, #tpu.memory_space<hbm>> -> memref<2x128xi32, #tpu.memory_space<hbm>>
      %dma_wait3A_151 = tpu.memref_slice %arg10[%rem3A_137] : memref<5x!tpu.dma_semaphore, #tpu.memory_space<semaphore_mem>> -> memref<1x!tpu.dma_semaphore, #tpu.memory_space<semaphore_mem>>
      %dma_wait3A_152 = tpu.memref_squeeze %dma_wait3A_151 : memref<1x!tpu.dma_semaphore, #tpu.memory_space<semaphore_mem>> -> memref<!tpu.dma_semaphore, #tpu.memory_space<semaphore_mem>>
      %dma_wait3A_153 = arith.constant 0 : i32
      %dma_wait3A_154 = arith.constant 0 : i32
      %dma_wait3A_155 = tpu.memref_slice %arg7[%rem3A_137, %dma_wait3A_153, %dma_wait3A_154] : memref<5x2x128xi32, #tpu.memory_space<vmem>> -> memref<1x2x128xi32, #tpu.memory_space<vmem>>
      %dma_wait3A_156 = tpu.memref_squeeze %dma_wait3A_155 : memref<1x2x128xi32, #tpu.memory_space<vmem>> -> memref<2x128xi32, #tpu.memory_space<vmem>>
      %dma_wait3A_157 = arith.constant 0 : i32
      %dma_wait3A_158 = arith.constant 0 : i32
      %dma_wait3A_159 = tpu.memref_slice %arg3[%arg1, %scan3A_136, %dma_wait3A_157, %dma_wait3A_158] : memref<16x115x2x128xi32, #tpu.memory_space<hbm>> -> memref<1x1x2x128xi32, #tpu.memory_space<hbm>>
      %dma_wait3A_160 = tpu.memref_squeeze %dma_wait3A_159 : memref<1x1x2x128xi32, #tpu.memory_space<hbm>> -> memref<2x128xi32, #tpu.memory_space<hbm>>
      tpu.wait_dma2 semaphore(%dma_wait3A_152 : memref<!tpu.dma_semaphore, #tpu.memory_space<semaphore_mem>>) src(%dma_wait3A_160 : memref<2x128xi32, #tpu.memory_space<hbm>>) dst(%dma_wait3A_156 : memref<2x128xi32, #tpu.memory_space<vmem>>)
      %dma_start3A_161 = arith.constant 0 : i32
      %dma_start3A_162 = arith.constant 0 : i32
      %dma_start3A_163 = arith.constant 0 : i32
      %dma_start3A_164 = tpu.memref_slice %arg8[%rem3A_139, %dma_start3A_162, %dma_start3A_163] : memref<3x128x128xf32, #tpu.memory_space<vmem>> -> memref<1x128x128xf32, #tpu.memory_space<vmem>>
      %dma_start3A_165 = tpu.memref_squeeze %dma_start3A_164 : memref<1x128x128xf32, #tpu.memory_space<vmem>> -> memref<128x128xf32, #tpu.memory_space<vmem>>
      %dma_start3A_166 = arith.constant 0 : i32
      %dma_start3A_167 = tpu.memref_slice %arg7[%rem3A_137, %dma_start3A_161, %dma_start3A_166] : memref<5x2x128xi32, #tpu.memory_space<vmem>> -> memref<1x1x128xi32, #tpu.memory_space<vmem>>
      %dma_start3A_168 = tpu.memref_squeeze %dma_start3A_167 : memref<1x1x128xi32, #tpu.memory_space<vmem>> -> memref<128xi32, #tpu.memory_space<vmem>>
      %dma_start3A_169 = arith.constant 0 : i32
      %dma_start3A_170 = arith.constant 0 : i32
      %dma_start3A_171 = tpu.memref_slice %arg2[%dma_start3A_169, %dma_start3A_170] : memref<10000x128xf32, #tpu.memory_space<hbm>> -> memref<10000x128xf32, #tpu.memory_space<hbm>>
      %dma_start3A_172 = tpu.memref_slice %arg11[%rem3A_139] : memref<3x!tpu.dma_semaphore, #tpu.memory_space<semaphore_mem>> -> memref<1x!tpu.dma_semaphore, #tpu.memory_space<semaphore_mem>>
      %dma_start3A_173 = tpu.memref_squeeze %dma_start3A_172 : memref<1x!tpu.dma_semaphore, #tpu.memory_space<semaphore_mem>> -> memref<!tpu.dma_semaphore, #tpu.memory_space<semaphore_mem>>
      tpu.enqueue_indirect_dma source(%dma_start3A_171 : memref<10000x128xf32, #tpu.memory_space<hbm>>) target(%dma_start3A_165 : memref<128x128xf32, #tpu.memory_space<vmem>>) offsets(%dma_start3A_168 : memref<128xi32, #tpu.memory_space<vmem>>) semaphore(%dma_start3A_173 : memref<!tpu.dma_semaphore, #tpu.memory_space<semaphore_mem>>)
      %ge3A_174 = arith.constant 1 : i32
      %ge3A_175 = arith.cmpi sge, %scan3A_136, %ge3A_174 : i32
      %convert_element_type3A_176 = arith.extui %ge3A_175 : i1 to i32
      %cond3A_177 = arith.constant 0 : i32
      %cond3A_178 = arith.cmpi ne, %convert_element_type3A_176, %cond3A_177 : i32
      scf.if %cond3A_178 {
        %sub3A = arith.constant 1 : i32
        %sub3A_275 = arith.subi %scan3A_136, %sub3A : i32
        %rem3A_276 = arith.constant 5 : i32
        %rem3A_277 = arith.remsi %sub3A_275, %rem3A_276 : i32
        %sub3A_278 = arith.constant 1 : i32
        %sub3A_279 = arith.subi %scan3A_136, %sub3A_278 : i32
        %rem3A_280 = arith.constant 3 : i32
        %rem3A_281 = arith.remsi %sub3A_279, %rem3A_280 : i32
        %dma_wait3A_282 = arith.constant 0 : i32
        %dma_wait3A_283 = arith.constant 0 : i32
        %dma_wait3A_284 = arith.constant 0 : i32
        %dma_wait3A_285 = tpu.memref_slice %arg8[%rem3A_281, %dma_wait3A_283, %dma_wait3A_284] : memref<3x128x128xf32, #tpu.memory_space<vmem>> -> memref<1x128x128xf32, #tpu.memory_space<vmem>>
        %dma_wait3A_286 = tpu.memref_squeeze %dma_wait3A_285 : memref<1x128x128xf32, #tpu.memory_space<vmem>> -> memref<128x128xf32, #tpu.memory_space<vmem>>
        %dma_wait3A_287 = arith.constant 0 : i32
        %dma_wait3A_288 = tpu.memref_slice %arg7[%rem3A_277, %dma_wait3A_282, %dma_wait3A_287] : memref<5x2x128xi32, #tpu.memory_space<vmem>> -> memref<1x1x128xi32, #tpu.memory_space<vmem>>
        %dma_wait3A_289 = tpu.memref_squeeze %dma_wait3A_288 : memref<1x1x128xi32, #tpu.memory_space<vmem>> -> memref<128xi32, #tpu.memory_space<vmem>>
        %dma_wait3A_290 = arith.constant 0 : i32
        %dma_wait3A_291 = arith.constant 0 : i32
        %dma_wait3A_292 = tpu.memref_slice %arg2[%dma_wait3A_290, %dma_wait3A_291] : memref<10000x128xf32, #tpu.memory_space<hbm>> -> memref<10000x128xf32, #tpu.memory_space<hbm>>
        %dma_wait3A_293 = tpu.memref_slice %arg11[%rem3A_281] : memref<3x!tpu.dma_semaphore, #tpu.memory_space<semaphore_mem>> -> memref<1x!tpu.dma_semaphore, #tpu.memory_space<semaphore_mem>>
        %dma_wait3A_294 = tpu.memref_squeeze %dma_wait3A_293 : memref<1x!tpu.dma_semaphore, #tpu.memory_space<semaphore_mem>> -> memref<!tpu.dma_semaphore, #tpu.memory_space<semaphore_mem>>
        tpu.wait_indirect_dma semaphore(%dma_wait3A_294 : memref<!tpu.dma_semaphore, #tpu.memory_space<semaphore_mem>>) src(%dma_wait3A_292 : memref<10000x128xf32, #tpu.memory_space<hbm>>) dst(%dma_wait3A_286 : memref<128x128xf32, #tpu.memory_space<vmem>>)
        %dma_start3A_295 = arith.constant 1 : i32
        %dma_start3A_296 = arith.constant 0 : i32
        %dma_start3A_297 = arith.constant 0 : i32
        %dma_start3A_298 = tpu.memref_slice %arg8[%rem3A_281, %dma_start3A_296, %dma_start3A_297] : memref<3x128x128xf32, #tpu.memory_space<vmem>> -> memref<1x128x128xf32, #tpu.memory_space<vmem>>
        %dma_start3A_299 = tpu.memref_squeeze %dma_start3A_298 : memref<1x128x128xf32, #tpu.memory_space<vmem>> -> memref<128x128xf32, #tpu.memory_space<vmem>>
        %dma_start3A_300 = arith.constant 0 : i32
        %dma_start3A_301 = tpu.memref_slice %arg7[%rem3A_277, %dma_start3A_295, %dma_start3A_300] : memref<5x2x128xi32, #tpu.memory_space<vmem>> -> memref<1x1x128xi32, #tpu.memory_space<vmem>>
        %dma_start3A_302 = tpu.memref_squeeze %dma_start3A_301 : memref<1x1x128xi32, #tpu.memory_space<vmem>> -> memref<128xi32, #tpu.memory_space<vmem>>
        %dma_start3A_303 = arith.constant 0 : i32
        %dma_start3A_304 = arith.constant 0 : i32
        %dma_start3A_305 = tpu.memref_slice %arg9[%dma_start3A_303, %dma_start3A_304] : memref<10016x128xf32, #tpu.memory_space<vmem_shared>> -> memref<10016x128xf32, #tpu.memory_space<vmem_shared>>
        %dma_start3A_306 = tpu.memref_slice %arg12[%rem3A_281] : memref<3x!tpu.dma_semaphore, #tpu.memory_space<semaphore_mem>> -> memref<1x!tpu.dma_semaphore, #tpu.memory_space<semaphore_mem>>
        %dma_start3A_307 = tpu.memref_squeeze %dma_start3A_306 : memref<1x!tpu.dma_semaphore, #tpu.memory_space<semaphore_mem>> -> memref<!tpu.dma_semaphore, #tpu.memory_space<semaphore_mem>>
        tpu.enqueue_indirect_dma source(%dma_start3A_299 : memref<128x128xf32, #tpu.memory_space<vmem>>) target(%dma_start3A_305 : memref<10016x128xf32, #tpu.memory_space<vmem_shared>>) offsets(%dma_start3A_302 : memref<128xi32, #tpu.memory_space<vmem>>) semaphore(%dma_start3A_307 : memref<!tpu.dma_semaphore, #tpu.memory_space<semaphore_mem>>) {add = true}
      } else {
      }
      %scan3A_179 = arith.constant 115 : i32
      %rem3A_180 = arith.constant 114 : i32
      %rem3A_181 = arith.constant 5 : i32
      %rem3A_182 = arith.remsi %rem3A_180, %rem3A_181 : i32
      %rem3A_183 = arith.constant 114 : i32
      %rem3A_184 = arith.constant 3 : i32
      %rem3A_185 = arith.remsi %rem3A_183, %rem3A_184 : i32
      %dma_wait3A_186 = arith.constant 0 : i32
      %dma_wait3A_187 = arith.constant 0 : i32
      %dma_wait3A_188 = arith.constant 0 : i32
      %dma_wait3A_189 = tpu.memref_slice %arg8[%rem3A_185, %dma_wait3A_187, %dma_wait3A_188] : memref<3x128x128xf32, #tpu.memory_space<vmem>> -> memref<1x128x128xf32, #tpu.memory_space<vmem>>
      %dma_wait3A_190 = tpu.memref_squeeze %dma_wait3A_189 : memref<1x128x128xf32, #tpu.memory_space<vmem>> -> memref<128x128xf32, #tpu.memory_space<vmem>>
      %dma_wait3A_191 = arith.constant 0 : i32
      %dma_wait3A_192 = tpu.memref_slice %arg7[%rem3A_182, %dma_wait3A_186, %dma_wait3A_191] : memref<5x2x128xi32, #tpu.memory_space<vmem>> -> memref<1x1x128xi32, #tpu.memory_space<vmem>>
      %dma_wait3A_193 = tpu.memref_squeeze %dma_wait3A_192 : memref<1x1x128xi32, #tpu.memory_space<vmem>> -> memref<128xi32, #tpu.memory_space<vmem>>
      %dma_wait3A_194 = arith.constant 0 : i32
      %dma_wait3A_195 = arith.constant 0 : i32
      %dma_wait3A_196 = tpu.memref_slice %arg2[%dma_wait3A_194, %dma_wait3A_195] : memref<10000x128xf32, #tpu.memory_space<hbm>> -> memref<10000x128xf32, #tpu.memory_space<hbm>>
      %dma_wait3A_197 = tpu.memref_slice %arg11[%rem3A_185] : memref<3x!tpu.dma_semaphore, #tpu.memory_space<semaphore_mem>> -> memref<1x!tpu.dma_semaphore, #tpu.memory_space<semaphore_mem>>
      %dma_wait3A_198 = tpu.memref_squeeze %dma_wait3A_197 : memref<1x!tpu.dma_semaphore, #tpu.memory_space<semaphore_mem>> -> memref<!tpu.dma_semaphore, #tpu.memory_space<semaphore_mem>>
      tpu.wait_indirect_dma semaphore(%dma_wait3A_198 : memref<!tpu.dma_semaphore, #tpu.memory_space<semaphore_mem>>) src(%dma_wait3A_196 : memref<10000x128xf32, #tpu.memory_space<hbm>>) dst(%dma_wait3A_190 : memref<128x128xf32, #tpu.memory_space<vmem>>)
      %rem3A_199 = arith.constant 114 : i32
      %rem3A_200 = arith.constant 5 : i32
      %rem3A_201 = arith.remsi %rem3A_199, %rem3A_200 : i32
      %rem3A_202 = arith.constant 114 : i32
      %rem3A_203 = arith.constant 3 : i32
      %rem3A_204 = arith.remsi %rem3A_202, %rem3A_203 : i32
      %dma_start3A_205 = arith.constant 1 : i32
      %dma_start3A_206 = arith.constant 0 : i32
      %dma_start3A_207 = arith.constant 0 : i32
      %dma_start3A_208 = tpu.memref_slice %arg8[%rem3A_204, %dma_start3A_206, %dma_start3A_207] : memref<3x128x128xf32, #tpu.memory_space<vmem>> -> memref<1x128x128xf32, #tpu.memory_space<vmem>>
      %dma_start3A_209 = tpu.memref_squeeze %dma_start3A_208 : memref<1x128x128xf32, #tpu.memory_space<vmem>> -> memref<128x128xf32, #tpu.memory_space<vmem>>
      %dma_start3A_210 = arith.constant 0 : i32
      %dma_start3A_211 = tpu.memref_slice %arg7[%rem3A_201, %dma_start3A_205, %dma_start3A_210] : memref<5x2x128xi32, #tpu.memory_space<vmem>> -> memref<1x1x128xi32, #tpu.memory_space<vmem>>
      %dma_start3A_212 = tpu.memref_squeeze %dma_start3A_211 : memref<1x1x128xi32, #tpu.memory_space<vmem>> -> memref<128xi32, #tpu.memory_space<vmem>>
      %dma_start3A_213 = arith.constant 0 : i32
      %dma_start3A_214 = arith.constant 0 : i32
      %dma_start3A_215 = tpu.memref_slice %arg9[%dma_start3A_213, %dma_start3A_214] : memref<10016x128xf32, #tpu.memory_space<vmem_shared>> -> memref<10016x128xf32, #tpu.memory_space<vmem_shared>>
      %dma_start3A_216 = tpu.memref_slice %arg12[%rem3A_204] : memref<3x!tpu.dma_semaphore, #tpu.memory_space<semaphore_mem>> -> memref<1x!tpu.dma_semaphore, #tpu.memory_space<semaphore_mem>>
      %dma_start3A_217 = tpu.memref_squeeze %dma_start3A_216 : memref<1x!tpu.dma_semaphore, #tpu.memory_space<semaphore_mem>> -> memref<!tpu.dma_semaphore, #tpu.memory_space<semaphore_mem>>
      tpu.enqueue_indirect_dma source(%dma_start3A_209 : memref<128x128xf32, #tpu.memory_space<vmem>>) target(%dma_start3A_215 : memref<10016x128xf32, #tpu.memory_space<vmem_shared>>) offsets(%dma_start3A_212 : memref<128xi32, #tpu.memory_space<vmem>>) semaphore(%dma_start3A_217 : memref<!tpu.dma_semaphore, #tpu.memory_space<semaphore_mem>>) {add = true}
      %rem3A_218 = arith.constant 112 : i32
      %rem3A_219 = arith.constant 5 : i32
      %rem3A_220 = arith.remsi %rem3A_218, %rem3A_219 : i32
      %rem3A_221 = arith.constant 112 : i32
      %rem3A_222 = arith.constant 3 : i32
      %rem3A_223 = arith.remsi %rem3A_221, %rem3A_222 : i32
      %dma_wait3A_224 = arith.constant 1 : i32
      %dma_wait3A_225 = arith.constant 0 : i32
      %dma_wait3A_226 = arith.constant 0 : i32
      %dma_wait3A_227 = tpu.memref_slice %arg8[%rem3A_223, %dma_wait3A_225, %dma_wait3A_226] : memref<3x128x128xf32, #tpu.memory_space<vmem>> -> memref<1x128x128xf32, #tpu.memory_space<vmem>>
      %dma_wait3A_228 = tpu.memref_squeeze %dma_wait3A_227 : memref<1x128x128xf32, #tpu.memory_space<vmem>> -> memref<128x128xf32, #tpu.memory_space<vmem>>
      %dma_wait3A_229 = arith.constant 0 : i32
      %dma_wait3A_230 = tpu.memref_slice %arg7[%rem3A_220, %dma_wait3A_224, %dma_wait3A_229] : memref<5x2x128xi32, #tpu.memory_space<vmem>> -> memref<1x1x128xi32, #tpu.memory_space<vmem>>
      %dma_wait3A_231 = tpu.memref_squeeze %dma_wait3A_230 : memref<1x1x128xi32, #tpu.memory_space<vmem>> -> memref<128xi32, #tpu.memory_space<vmem>>
      %dma_wait3A_232 = arith.constant 0 : i32
      %dma_wait3A_233 = arith.constant 0 : i32
      %dma_wait3A_234 = tpu.memref_slice %arg9[%dma_wait3A_232, %dma_wait3A_233] : memref<10016x128xf32, #tpu.memory_space<vmem_shared>> -> memref<10016x128xf32, #tpu.memory_space<vmem_shared>>
      %dma_wait3A_235 = tpu.memref_slice %arg12[%rem3A_223] : memref<3x!tpu.dma_semaphore, #tpu.memory_space<semaphore_mem>> -> memref<1x!tpu.dma_semaphore, #tpu.memory_space<semaphore_mem>>
      %dma_wait3A_236 = tpu.memref_squeeze %dma_wait3A_235 : memref<1x!tpu.dma_semaphore, #tpu.memory_space<semaphore_mem>> -> memref<!tpu.dma_semaphore, #tpu.memory_space<semaphore_mem>>
      tpu.wait_indirect_dma semaphore(%dma_wait3A_236 : memref<!tpu.dma_semaphore, #tpu.memory_space<semaphore_mem>>) src(%dma_wait3A_228 : memref<128x128xf32, #tpu.memory_space<vmem>>) dst(%dma_wait3A_234 : memref<10016x128xf32, #tpu.memory_space<vmem_shared>>)
      %rem3A_237 = arith.constant 113 : i32
      %rem3A_238 = arith.constant 5 : i32
      %rem3A_239 = arith.remsi %rem3A_237, %rem3A_238 : i32
      %rem3A_240 = arith.constant 113 : i32
      %rem3A_241 = arith.constant 3 : i32
      %rem3A_242 = arith.remsi %rem3A_240, %rem3A_241 : i32
      %dma_wait3A_243 = arith.constant 1 : i32
      %dma_wait3A_244 = arith.constant 0 : i32
      %dma_wait3A_245 = arith.constant 0 : i32
      %dma_wait3A_246 = tpu.memref_slice %arg8[%rem3A_242, %dma_wait3A_244, %dma_wait3A_245] : memref<3x128x128xf32, #tpu.memory_space<vmem>> -> memref<1x128x128xf32, #tpu.memory_space<vmem>>
      %dma_wait3A_247 = tpu.memref_squeeze %dma_wait3A_246 : memref<1x128x128xf32, #tpu.memory_space<vmem>> -> memref<128x128xf32, #tpu.memory_space<vmem>>
      %dma_wait3A_248 = arith.constant 0 : i32
      %dma_wait3A_249 = tpu.memref_slice %arg7[%rem3A_239, %dma_wait3A_243, %dma_wait3A_248] : memref<5x2x128xi32, #tpu.memory_space<vmem>> -> memref<1x1x128xi32, #tpu.memory_space<vmem>>
      %dma_wait3A_250 = tpu.memref_squeeze %dma_wait3A_249 : memref<1x1x128xi32, #tpu.memory_space<vmem>> -> memref<128xi32, #tpu.memory_space<vmem>>
      %dma_wait3A_251 = arith.constant 0 : i32
      %dma_wait3A_252 = arith.constant 0 : i32
      %dma_wait3A_253 = tpu.memref_slice %arg9[%dma_wait3A_251, %dma_wait3A_252] : memref<10016x128xf32, #tpu.memory_space<vmem_shared>> -> memref<10016x128xf32, #tpu.memory_space<vmem_shared>>
      %dma_wait3A_254 = tpu.memref_slice %arg12[%rem3A_242] : memref<3x!tpu.dma_semaphore, #tpu.memory_space<semaphore_mem>> -> memref<1x!tpu.dma_semaphore, #tpu.memory_space<semaphore_mem>>
      %dma_wait3A_255 = tpu.memref_squeeze %dma_wait3A_254 : memref<1x!tpu.dma_semaphore, #tpu.memory_space<semaphore_mem>> -> memref<!tpu.dma_semaphore, #tpu.memory_space<semaphore_mem>>
      tpu.wait_indirect_dma semaphore(%dma_wait3A_255 : memref<!tpu.dma_semaphore, #tpu.memory_space<semaphore_mem>>) src(%dma_wait3A_247 : memref<128x128xf32, #tpu.memory_space<vmem>>) dst(%dma_wait3A_253 : memref<10016x128xf32, #tpu.memory_space<vmem_shared>>)
      %rem3A_256 = arith.constant 114 : i32
      %rem3A_257 = arith.constant 5 : i32
      %rem3A_258 = arith.remsi %rem3A_256, %rem3A_257 : i32
      %rem3A_259 = arith.constant 114 : i32
      %rem3A_260 = arith.constant 3 : i32
      %rem3A_261 = arith.remsi %rem3A_259, %rem3A_260 : i32
      %dma_wait3A_262 = arith.constant 1 : i32
      %dma_wait3A_263 = arith.constant 0 : i32
      %dma_wait3A_264 = arith.constant 0 : i32
      %dma_wait3A_265 = tpu.memref_slice %arg8[%rem3A_261, %dma_wait3A_263, %dma_wait3A_264] : memref<3x128x128xf32, #tpu.memory_space<vmem>> -> memref<1x128x128xf32, #tpu.memory_space<vmem>>
      %dma_wait3A_266 = tpu.memref_squeeze %dma_wait3A_265 : memref<1x128x128xf32, #tpu.memory_space<vmem>> -> memref<128x128xf32, #tpu.memory_space<vmem>>
      %dma_wait3A_267 = arith.constant 0 : i32
      %dma_wait3A_268 = tpu.memref_slice %arg7[%rem3A_258, %dma_wait3A_262, %dma_wait3A_267] : memref<5x2x128xi32, #tpu.memory_space<vmem>> -> memref<1x1x128xi32, #tpu.memory_space<vmem>>
      %dma_wait3A_269 = tpu.memref_squeeze %dma_wait3A_268 : memref<1x1x128xi32, #tpu.memory_space<vmem>> -> memref<128xi32, #tpu.memory_space<vmem>>
      %dma_wait3A_270 = arith.constant 0 : i32
      %dma_wait3A_271 = arith.constant 0 : i32
      %dma_wait3A_272 = tpu.memref_slice %arg9[%dma_wait3A_270, %dma_wait3A_271] : memref<10016x128xf32, #tpu.memory_space<vmem_shared>> -> memref<10016x128xf32, #tpu.memory_space<vmem_shared>>
      %dma_wait3A_273 = tpu.memref_slice %arg12[%rem3A_261] : memref<3x!tpu.dma_semaphore, #tpu.memory_space<semaphore_mem>> -> memref<1x!tpu.dma_semaphore, #tpu.memory_space<semaphore_mem>>
      %dma_wait3A_274 = tpu.memref_squeeze %dma_wait3A_273 : memref<1x!tpu.dma_semaphore, #tpu.memory_space<semaphore_mem>> -> memref<!tpu.dma_semaphore, #tpu.memory_space<semaphore_mem>>
      tpu.wait_indirect_dma semaphore(%dma_wait3A_274 : memref<!tpu.dma_semaphore, #tpu.memory_space<semaphore_mem>>) src(%dma_wait3A_266 : memref<128x128xf32, #tpu.memory_space<vmem>>) dst(%dma_wait3A_272 : memref<10016x128xf32, #tpu.memory_space<vmem_shared>>)
    } else {
    }
    %eq3A_11 = arith.constant 1 : i32
    %eq3A_12 = arith.cmpi eq, %arg0, %eq3A_11 : i32
    %convert_element_type3A_13 = arith.extui %eq3A_12 : i1 to i32
    %cond3A_14 = arith.constant 0 : i32
    %cond3A_15 = arith.cmpi ne, %convert_element_type3A_13, %cond3A_14 : i32
    scf.if %cond3A_15 {
      %dma_start3A = arith.constant 0 : i32
      %dma_start3A_27 = arith.constant 0 : i32
      %dma_start3A_28 = arith.constant 0 : i32
      %dma_start3A_29 = arith.constant 0 : i32
      %dma_start3A_30 = arith.constant 0 : i32
      %dma_start3A_31 = tpu.memref_slice %arg7[%dma_start3A_27, %dma_start3A_29, %dma_start3A_30] : memref<5x2x128xi32, #tpu.memory_space<vmem>> -> memref<1x2x128xi32, #tpu.memory_space<vmem>>
      %dma_start3A_32 = tpu.memref_squeeze %dma_start3A_31 : memref<1x2x128xi32, #tpu.memory_space<vmem>> -> memref<2x128xi32, #tpu.memory_space<vmem>>
      %dma_start3A_33 = arith.constant 0 : i32
      %dma_start3A_34 = arith.constant 0 : i32
      %dma_start3A_35 = tpu.memref_slice %arg4[%arg1, %dma_start3A, %dma_start3A_33, %dma_start3A_34] : memref<16x42x2x128xi32, #tpu.memory_space<hbm>> -> memref<1x1x2x128xi32, #tpu.memory_space<hbm>>
      %dma_start3A_36 = tpu.memref_squeeze %dma_start3A_35 : memref<1x1x2x128xi32, #tpu.memory_space<hbm>> -> memref<2x128xi32, #tpu.memory_space<hbm>>
      %dma_start3A_37 = tpu.memref_slice %arg10[%dma_start3A_28] : memref<5x!tpu.dma_semaphore, #tpu.memory_space<semaphore_mem>> -> memref<1x!tpu.dma_semaphore, #tpu.memory_space<semaphore_mem>>
      %dma_start3A_38 = tpu.memref_squeeze %dma_start3A_37 : memref<1x!tpu.dma_semaphore, #tpu.memory_space<semaphore_mem>> -> memref<!tpu.dma_semaphore, #tpu.memory_space<semaphore_mem>>
      %dma_start3A_39 = arith.constant 0 : i32
      %dma_start3A_40 = arith.constant 0 : i32
      %dma_start3A_41 = tpu.memref_slice %arg7[%dma_start3A_27, %dma_start3A_39, %dma_start3A_40] : memref<5x2x128xi32, #tpu.memory_space<vmem>> -> memref<1x2x128xi32, #tpu.memory_space<vmem>>
      %dma_start3A_42 = tpu.memref_squeeze %dma_start3A_41 : memref<1x2x128xi32, #tpu.memory_space<vmem>> -> memref<2x128xi32, #tpu.memory_space<vmem>>
      %dma_start3A_43 = arith.constant 0 : i32
      %dma_start3A_44 = arith.constant 0 : i32
      %dma_start3A_45 = tpu.memref_slice %arg4[%arg1, %dma_start3A, %dma_start3A_43, %dma_start3A_44] : memref<16x42x2x128xi32, #tpu.memory_space<hbm>> -> memref<1x1x2x128xi32, #tpu.memory_space<hbm>>
      %dma_start3A_46 = tpu.memref_squeeze %dma_start3A_45 : memref<1x1x2x128xi32, #tpu.memory_space<hbm>> -> memref<2x128xi32, #tpu.memory_space<hbm>>
      tpu.enqueue_dma source(%dma_start3A_46 : memref<2x128xi32, #tpu.memory_space<hbm>>) target(%dma_start3A_42 : memref<2x128xi32, #tpu.memory_space<vmem>>) target_semaphore(%dma_start3A_38 : memref<!tpu.dma_semaphore, #tpu.memory_space<semaphore_mem>>)
      %dma_start3A_47 = arith.constant 1 : i32
      %dma_start3A_48 = arith.constant 1 : i32
      %dma_start3A_49 = arith.constant 1 : i32
      %dma_start3A_50 = arith.constant 0 : i32
      %dma_start3A_51 = arith.constant 0 : i32
      %dma_start3A_52 = tpu.memref_slice %arg7[%dma_start3A_48, %dma_start3A_50, %dma_start3A_51] : memref<5x2x128xi32, #tpu.memory_space<vmem>> -> memref<1x2x128xi32, #tpu.memory_space<vmem>>
      %dma_start3A_53 = tpu.memref_squeeze %dma_start3A_52 : memref<1x2x128xi32, #tpu.memory_space<vmem>> -> memref<2x128xi32, #tpu.memory_space<vmem>>
      %dma_start3A_54 = arith.constant 0 : i32
      %dma_start3A_55 = arith.constant 0 : i32
      %dma_start3A_56 = tpu.memref_slice %arg4[%arg1, %dma_start3A_47, %dma_start3A_54, %dma_start3A_55] : memref<16x42x2x128xi32, #tpu.memory_space<hbm>> -> memref<1x1x2x128xi32, #tpu.memory_space<hbm>>
      %dma_start3A_57 = tpu.memref_squeeze %dma_start3A_56 : memref<1x1x2x128xi32, #tpu.memory_space<hbm>> -> memref<2x128xi32, #tpu.memory_space<hbm>>
      %dma_start3A_58 = tpu.memref_slice %arg10[%dma_start3A_49] : memref<5x!tpu.dma_semaphore, #tpu.memory_space<semaphore_mem>> -> memref<1x!tpu.dma_semaphore, #tpu.memory_space<semaphore_mem>>
      %dma_start3A_59 = tpu.memref_squeeze %dma_start3A_58 : memref<1x!tpu.dma_semaphore, #tpu.memory_space<semaphore_mem>> -> memref<!tpu.dma_semaphore, #tpu.memory_space<semaphore_mem>>
      %dma_start3A_60 = arith.constant 0 : i32
      %dma_start3A_61 = arith.constant 0 : i32
      %dma_start3A_62 = tpu.memref_slice %arg7[%dma_start3A_48, %dma_start3A_60, %dma_start3A_61] : memref<5x2x128xi32, #tpu.memory_space<vmem>> -> memref<1x2x128xi32, #tpu.memory_space<vmem>>
      %dma_start3A_63 = tpu.memref_squeeze %dma_start3A_62 : memref<1x2x128xi32, #tpu.memory_space<vmem>> -> memref<2x128xi32, #tpu.memory_space<vmem>>
      %dma_start3A_64 = arith.constant 0 : i32
      %dma_start3A_65 = arith.constant 0 : i32
      %dma_start3A_66 = tpu.memref_slice %arg4[%arg1, %dma_start3A_47, %dma_start3A_64, %dma_start3A_65] : memref<16x42x2x128xi32, #tpu.memory_space<hbm>> -> memref<1x1x2x128xi32, #tpu.memory_space<hbm>>
      %dma_start3A_67 = tpu.memref_squeeze %dma_start3A_66 : memref<1x1x2x128xi32, #tpu.memory_space<hbm>> -> memref<2x128xi32, #tpu.memory_space<hbm>>
      tpu.enqueue_dma source(%dma_start3A_67 : memref<2x128xi32, #tpu.memory_space<hbm>>) target(%dma_start3A_63 : memref<2x128xi32, #tpu.memory_space<vmem>>) target_semaphore(%dma_start3A_59 : memref<!tpu.dma_semaphore, #tpu.memory_space<semaphore_mem>>)
      %dma_start3A_68 = arith.constant 2 : i32
      %dma_start3A_69 = arith.constant 2 : i32
      %dma_start3A_70 = arith.constant 2 : i32
      %dma_start3A_71 = arith.constant 0 : i32
      %dma_start3A_72 = arith.constant 0 : i32
      %dma_start3A_73 = tpu.memref_slice %arg7[%dma_start3A_69, %dma_start3A_71, %dma_start3A_72] : memref<5x2x128xi32, #tpu.memory_space<vmem>> -> memref<1x2x128xi32, #tpu.memory_space<vmem>>
      %dma_start3A_74 = tpu.memref_squeeze %dma_start3A_73 : memref<1x2x128xi32, #tpu.memory_space<vmem>> -> memref<2x128xi32, #tpu.memory_space<vmem>>
      %dma_start3A_75 = arith.constant 0 : i32
      %dma_start3A_76 = arith.constant 0 : i32
      %dma_start3A_77 = tpu.memref_slice %arg4[%arg1, %dma_start3A_68, %dma_start3A_75, %dma_start3A_76] : memref<16x42x2x128xi32, #tpu.memory_space<hbm>> -> memref<1x1x2x128xi32, #tpu.memory_space<hbm>>
      %dma_start3A_78 = tpu.memref_squeeze %dma_start3A_77 : memref<1x1x2x128xi32, #tpu.memory_space<hbm>> -> memref<2x128xi32, #tpu.memory_space<hbm>>
      %dma_start3A_79 = tpu.memref_slice %arg10[%dma_start3A_70] : memref<5x!tpu.dma_semaphore, #tpu.memory_space<semaphore_mem>> -> memref<1x!tpu.dma_semaphore, #tpu.memory_space<semaphore_mem>>
      %dma_start3A_80 = tpu.memref_squeeze %dma_start3A_79 : memref<1x!tpu.dma_semaphore, #tpu.memory_space<semaphore_mem>> -> memref<!tpu.dma_semaphore, #tpu.memory_space<semaphore_mem>>
      %dma_start3A_81 = arith.constant 0 : i32
      %dma_start3A_82 = arith.constant 0 : i32
      %dma_start3A_83 = tpu.memref_slice %arg7[%dma_start3A_69, %dma_start3A_81, %dma_start3A_82] : memref<5x2x128xi32, #tpu.memory_space<vmem>> -> memref<1x2x128xi32, #tpu.memory_space<vmem>>
      %dma_start3A_84 = tpu.memref_squeeze %dma_start3A_83 : memref<1x2x128xi32, #tpu.memory_space<vmem>> -> memref<2x128xi32, #tpu.memory_space<vmem>>
      %dma_start3A_85 = arith.constant 0 : i32
      %dma_start3A_86 = arith.constant 0 : i32
      %dma_start3A_87 = tpu.memref_slice %arg4[%arg1, %dma_start3A_68, %dma_start3A_85, %dma_start3A_86] : memref<16x42x2x128xi32, #tpu.memory_space<hbm>> -> memref<1x1x2x128xi32, #tpu.memory_space<hbm>>
      %dma_start3A_88 = tpu.memref_squeeze %dma_start3A_87 : memref<1x1x2x128xi32, #tpu.memory_space<hbm>> -> memref<2x128xi32, #tpu.memory_space<hbm>>
      tpu.enqueue_dma source(%dma_start3A_88 : memref<2x128xi32, #tpu.memory_space<hbm>>) target(%dma_start3A_84 : memref<2x128xi32, #tpu.memory_space<vmem>>) target_semaphore(%dma_start3A_80 : memref<!tpu.dma_semaphore, #tpu.memory_space<semaphore_mem>>)
      %dma_start3A_89 = arith.constant 3 : i32
      %dma_start3A_90 = arith.constant 3 : i32
      %dma_start3A_91 = arith.constant 3 : i32
      %dma_start3A_92 = arith.constant 0 : i32
      %dma_start3A_93 = arith.constant 0 : i32
      %dma_start3A_94 = tpu.memref_slice %arg7[%dma_start3A_90, %dma_start3A_92, %dma_start3A_93] : memref<5x2x128xi32, #tpu.memory_space<vmem>> -> memref<1x2x128xi32, #tpu.memory_space<vmem>>
      %dma_start3A_95 = tpu.memref_squeeze %dma_start3A_94 : memref<1x2x128xi32, #tpu.memory_space<vmem>> -> memref<2x128xi32, #tpu.memory_space<vmem>>
      %dma_start3A_96 = arith.constant 0 : i32
      %dma_start3A_97 = arith.constant 0 : i32
      %dma_start3A_98 = tpu.memref_slice %arg4[%arg1, %dma_start3A_89, %dma_start3A_96, %dma_start3A_97] : memref<16x42x2x128xi32, #tpu.memory_space<hbm>> -> memref<1x1x2x128xi32, #tpu.memory_space<hbm>>
      %dma_start3A_99 = tpu.memref_squeeze %dma_start3A_98 : memref<1x1x2x128xi32, #tpu.memory_space<hbm>> -> memref<2x128xi32, #tpu.memory_space<hbm>>
      %dma_start3A_100 = tpu.memref_slice %arg10[%dma_start3A_91] : memref<5x!tpu.dma_semaphore, #tpu.memory_space<semaphore_mem>> -> memref<1x!tpu.dma_semaphore, #tpu.memory_space<semaphore_mem>>
      %dma_start3A_101 = tpu.memref_squeeze %dma_start3A_100 : memref<1x!tpu.dma_semaphore, #tpu.memory_space<semaphore_mem>> -> memref<!tpu.dma_semaphore, #tpu.memory_space<semaphore_mem>>
      %dma_start3A_102 = arith.constant 0 : i32
      %dma_start3A_103 = arith.constant 0 : i32
      %dma_start3A_104 = tpu.memref_slice %arg7[%dma_start3A_90, %dma_start3A_102, %dma_start3A_103] : memref<5x2x128xi32, #tpu.memory_space<vmem>> -> memref<1x2x128xi32, #tpu.memory_space<vmem>>
      %dma_start3A_105 = tpu.memref_squeeze %dma_start3A_104 : memref<1x2x128xi32, #tpu.memory_space<vmem>> -> memref<2x128xi32, #tpu.memory_space<vmem>>
      %dma_start3A_106 = arith.constant 0 : i32
      %dma_start3A_107 = arith.constant 0 : i32
      %dma_start3A_108 = tpu.memref_slice %arg4[%arg1, %dma_start3A_89, %dma_start3A_106, %dma_start3A_107] : memref<16x42x2x128xi32, #tpu.memory_space<hbm>> -> memref<1x1x2x128xi32, #tpu.memory_space<hbm>>
      %dma_start3A_109 = tpu.memref_squeeze %dma_start3A_108 : memref<1x1x2x128xi32, #tpu.memory_space<hbm>> -> memref<2x128xi32, #tpu.memory_space<hbm>>
      tpu.enqueue_dma source(%dma_start3A_109 : memref<2x128xi32, #tpu.memory_space<hbm>>) target(%dma_start3A_105 : memref<2x128xi32, #tpu.memory_space<vmem>>) target_semaphore(%dma_start3A_101 : memref<!tpu.dma_semaphore, #tpu.memory_space<semaphore_mem>>)
      %dma_start3A_110 = arith.constant 4 : i32
      %dma_start3A_111 = arith.constant 4 : i32
      %dma_start3A_112 = arith.constant 4 : i32
      %dma_start3A_113 = arith.constant 0 : i32
      %dma_start3A_114 = arith.constant 0 : i32
      %dma_start3A_115 = tpu.memref_slice %arg7[%dma_start3A_111, %dma_start3A_113, %dma_start3A_114] : memref<5x2x128xi32, #tpu.memory_space<vmem>> -> memref<1x2x128xi32, #tpu.memory_space<vmem>>
      %dma_start3A_116 = tpu.memref_squeeze %dma_start3A_115 : memref<1x2x128xi32, #tpu.memory_space<vmem>> -> memref<2x128xi32, #tpu.memory_space<vmem>>
      %dma_start3A_117 = arith.constant 0 : i32
      %dma_start3A_118 = arith.constant 0 : i32
      %dma_start3A_119 = tpu.memref_slice %arg4[%arg1, %dma_start3A_110, %dma_start3A_117, %dma_start3A_118] : memref<16x42x2x128xi32, #tpu.memory_space<hbm>> -> memref<1x1x2x128xi32, #tpu.memory_space<hbm>>
      %dma_start3A_120 = tpu.memref_squeeze %dma_start3A_119 : memref<1x1x2x128xi32, #tpu.memory_space<hbm>> -> memref<2x128xi32, #tpu.memory_space<hbm>>
      %dma_start3A_121 = tpu.memref_slice %arg10[%dma_start3A_112] : memref<5x!tpu.dma_semaphore, #tpu.memory_space<semaphore_mem>> -> memref<1x!tpu.dma_semaphore, #tpu.memory_space<semaphore_mem>>
      %dma_start3A_122 = tpu.memref_squeeze %dma_start3A_121 : memref<1x!tpu.dma_semaphore, #tpu.memory_space<semaphore_mem>> -> memref<!tpu.dma_semaphore, #tpu.memory_space<semaphore_mem>>
      %dma_start3A_123 = arith.constant 0 : i32
      %dma_start3A_124 = arith.constant 0 : i32
      %dma_start3A_125 = tpu.memref_slice %arg7[%dma_start3A_111, %dma_start3A_123, %dma_start3A_124] : memref<5x2x128xi32, #tpu.memory_space<vmem>> -> memref<1x2x128xi32, #tpu.memory_space<vmem>>
      %dma_start3A_126 = tpu.memref_squeeze %dma_start3A_125 : memref<1x2x128xi32, #tpu.memory_space<vmem>> -> memref<2x128xi32, #tpu.memory_space<vmem>>
      %dma_start3A_127 = arith.constant 0 : i32
      %dma_start3A_128 = arith.constant 0 : i32
      %dma_start3A_129 = tpu.memref_slice %arg4[%arg1, %dma_start3A_110, %dma_start3A_127, %dma_start3A_128] : memref<16x42x2x128xi32, #tpu.memory_space<hbm>> -> memref<1x1x2x128xi32, #tpu.memory_space<hbm>>
      %dma_start3A_130 = tpu.memref_squeeze %dma_start3A_129 : memref<1x1x2x128xi32, #tpu.memory_space<hbm>> -> memref<2x128xi32, #tpu.memory_space<hbm>>
      tpu.enqueue_dma source(%dma_start3A_130 : memref<2x128xi32, #tpu.memory_space<hbm>>) target(%dma_start3A_126 : memref<2x128xi32, #tpu.memory_space<vmem>>) target_semaphore(%dma_start3A_122 : memref<!tpu.dma_semaphore, #tpu.memory_space<semaphore_mem>>)
      %scan3A = arith.constant 0 : i32
      %scan3A_131 = arith.constant 0 : i32
      %scan3A_132 = arith.constant 42 : i32
      %scan3A_133 = arith.addi %scan3A_131, %scan3A_132 : i32
      %scan3A_134 = arith.constant 2 : i32
      scf.for %scan3A_229 = %scan3A_131 to %scan3A_133 step %scan3A_134  : i32 {
        %rem3A_230 = arith.constant 5 : i32
        %rem3A_231 = arith.remsi %scan3A_229, %rem3A_230 : i32
        %rem3A_232 = arith.constant 3 : i32
        %rem3A_233 = arith.remsi %scan3A_229, %rem3A_232 : i32
        %ge3A = arith.constant 3 : i32
        %ge3A_234 = arith.cmpi sge, %scan3A_229, %ge3A : i32
        %convert_element_type3A_235 = arith.extui %ge3A_234 : i1 to i32
        %cond3A_236 = arith.constant 0 : i32
        %cond3A_237 = arith.cmpi ne, %convert_element_type3A_235, %cond3A_236 : i32
        scf.if %cond3A_237 {
          %sub3A = arith.constant 3 : i32
          %sub3A_321 = arith.subi %scan3A_229, %sub3A : i32
          %rem3A_322 = arith.constant 5 : i32
          %rem3A_323 = arith.remsi %sub3A_321, %rem3A_322 : i32
          %dma_wait3A_324 = arith.constant 1 : i32
          %dma_wait3A_325 = arith.constant 0 : i32
          %dma_wait3A_326 = arith.constant 0 : i32
          %dma_wait3A_327 = tpu.memref_slice %arg8[%rem3A_233, %dma_wait3A_325, %dma_wait3A_326] : memref<3x128x128xf32, #tpu.memory_space<vmem>> -> memref<1x128x128xf32, #tpu.memory_space<vmem>>
          %dma_wait3A_328 = tpu.memref_squeeze %dma_wait3A_327 : memref<1x128x128xf32, #tpu.memory_space<vmem>> -> memref<128x128xf32, #tpu.memory_space<vmem>>
          %dma_wait3A_329 = arith.constant 0 : i32
          %dma_wait3A_330 = tpu.memref_slice %arg7[%rem3A_323, %dma_wait3A_324, %dma_wait3A_329] : memref<5x2x128xi32, #tpu.memory_space<vmem>> -> memref<1x1x128xi32, #tpu.memory_space<vmem>>
          %dma_wait3A_331 = tpu.memref_squeeze %dma_wait3A_330 : memref<1x1x128xi32, #tpu.memory_space<vmem>> -> memref<128xi32, #tpu.memory_space<vmem>>
          %dma_wait3A_332 = arith.constant 0 : i32
          %dma_wait3A_333 = arith.constant 0 : i32
          %dma_wait3A_334 = tpu.memref_slice %arg9[%dma_wait3A_332, %dma_wait3A_333] : memref<10016x128xf32, #tpu.memory_space<vmem_shared>> -> memref<10016x128xf32, #tpu.memory_space<vmem_shared>>
          %dma_wait3A_335 = tpu.memref_slice %arg12[%rem3A_233] : memref<3x!tpu.dma_semaphore, #tpu.memory_space<semaphore_mem>> -> memref<1x!tpu.dma_semaphore, #tpu.memory_space<semaphore_mem>>
          %dma_wait3A_336 = tpu.memref_squeeze %dma_wait3A_335 : memref<1x!tpu.dma_semaphore, #tpu.memory_space<semaphore_mem>> -> memref<!tpu.dma_semaphore, #tpu.memory_space<semaphore_mem>>
          tpu.wait_indirect_dma semaphore(%dma_wait3A_336 : memref<!tpu.dma_semaphore, #tpu.memory_space<semaphore_mem>>) src(%dma_wait3A_328 : memref<128x128xf32, #tpu.memory_space<vmem>>) dst(%dma_wait3A_334 : memref<10016x128xf32, #tpu.memory_space<vmem_shared>>)
          %sub3A_337 = arith.constant 3 : i32
          %sub3A_338 = arith.subi %scan3A_229, %sub3A_337 : i32
          %add3A = arith.constant 5 : i32
          %add3A_339 = arith.addi %sub3A_338, %add3A : i32
          %lt3A_340 = arith.constant 42 : i32
          %lt3A_341 = arith.cmpi slt, %add3A_339, %lt3A_340 : i32
          %convert_element_type3A_342 = arith.extui %lt3A_341 : i1 to i32
          %cond3A_343 = arith.constant 0 : i32
          %cond3A_344 = arith.cmpi ne, %convert_element_type3A_342, %cond3A_343 : i32
          scf.if %cond3A_344 {
            %sub3A_345 = arith.constant 3 : i32
            %sub3A_346 = arith.subi %scan3A_229, %sub3A_345 : i32
            %add3A_347 = arith.constant 5 : i32
            %add3A_348 = arith.addi %sub3A_346, %add3A_347 : i32
            %dma_start3A_349 = arith.constant 0 : i32
            %dma_start3A_350 = arith.constant 0 : i32
            %dma_start3A_351 = tpu.memref_slice %arg7[%rem3A_323, %dma_start3A_349, %dma_start3A_350] : memref<5x2x128xi32, #tpu.memory_space<vmem>> -> memref<1x2x128xi32, #tpu.memory_space<vmem>>
            %dma_start3A_352 = tpu.memref_squeeze %dma_start3A_351 : memref<1x2x128xi32, #tpu.memory_space<vmem>> -> memref<2x128xi32, #tpu.memory_space<vmem>>
            %dma_start3A_353 = arith.constant 0 : i32
            %dma_start3A_354 = arith.constant 0 : i32
            %dma_start3A_355 = tpu.memref_slice %arg4[%arg1, %add3A_348, %dma_start3A_353, %dma_start3A_354] : memref<16x42x2x128xi32, #tpu.memory_space<hbm>> -> memref<1x1x2x128xi32, #tpu.memory_space<hbm>>
            %dma_start3A_356 = tpu.memref_squeeze %dma_start3A_355 : memref<1x1x2x128xi32, #tpu.memory_space<hbm>> -> memref<2x128xi32, #tpu.memory_space<hbm>>
            %dma_start3A_357 = tpu.memref_slice %arg10[%rem3A_323] : memref<5x!tpu.dma_semaphore, #tpu.memory_space<semaphore_mem>> -> memref<1x!tpu.dma_semaphore, #tpu.memory_space<semaphore_mem>>
            %dma_start3A_358 = tpu.memref_squeeze %dma_start3A_357 : memref<1x!tpu.dma_semaphore, #tpu.memory_space<semaphore_mem>> -> memref<!tpu.dma_semaphore, #tpu.memory_space<semaphore_mem>>
            %dma_start3A_359 = arith.constant 0 : i32
            %dma_start3A_360 = arith.constant 0 : i32
            %dma_start3A_361 = tpu.memref_slice %arg7[%rem3A_323, %dma_start3A_359, %dma_start3A_360] : memref<5x2x128xi32, #tpu.memory_space<vmem>> -> memref<1x2x128xi32, #tpu.memory_space<vmem>>
            %dma_start3A_362 = tpu.memref_squeeze %dma_start3A_361 : memref<1x2x128xi32, #tpu.memory_space<vmem>> -> memref<2x128xi32, #tpu.memory_space<vmem>>
            %dma_start3A_363 = arith.constant 0 : i32
            %dma_start3A_364 = arith.constant 0 : i32
            %dma_start3A_365 = tpu.memref_slice %arg4[%arg1, %add3A_348, %dma_start3A_363, %dma_start3A_364] : memref<16x42x2x128xi32, #tpu.memory_space<hbm>> -> memref<1x1x2x128xi32, #tpu.memory_space<hbm>>
            %dma_start3A_366 = tpu.memref_squeeze %dma_start3A_365 : memref<1x1x2x128xi32, #tpu.memory_space<hbm>> -> memref<2x128xi32, #tpu.memory_space<hbm>>
            tpu.enqueue_dma source(%dma_start3A_366 : memref<2x128xi32, #tpu.memory_space<hbm>>) target(%dma_start3A_362 : memref<2x128xi32, #tpu.memory_space<vmem>>) target_semaphore(%dma_start3A_358 : memref<!tpu.dma_semaphore, #tpu.memory_space<semaphore_mem>>)
          } else {
          }
        } else {
        }
        %dma_wait3A_238 = arith.constant 0 : i32
        %dma_wait3A_239 = arith.constant 0 : i32
        %dma_wait3A_240 = tpu.memref_slice %arg7[%rem3A_231, %dma_wait3A_238, %dma_wait3A_239] : memref<5x2x128xi32, #tpu.memory_space<vmem>> -> memref<1x2x128xi32, #tpu.memory_space<vmem>>
        %dma_wait3A_241 = tpu.memref_squeeze %dma_wait3A_240 : memref<1x2x128xi32, #tpu.memory_space<vmem>> -> memref<2x128xi32, #tpu.memory_space<vmem>>
        %dma_wait3A_242 = arith.constant 0 : i32
        %dma_wait3A_243 = arith.constant 0 : i32
        %dma_wait3A_244 = tpu.memref_slice %arg4[%arg1, %scan3A_229, %dma_wait3A_242, %dma_wait3A_243] : memref<16x42x2x128xi32, #tpu.memory_space<hbm>> -> memref<1x1x2x128xi32, #tpu.memory_space<hbm>>
        %dma_wait3A_245 = tpu.memref_squeeze %dma_wait3A_244 : memref<1x1x2x128xi32, #tpu.memory_space<hbm>> -> memref<2x128xi32, #tpu.memory_space<hbm>>
        %dma_wait3A_246 = tpu.memref_slice %arg10[%rem3A_231] : memref<5x!tpu.dma_semaphore, #tpu.memory_space<semaphore_mem>> -> memref<1x!tpu.dma_semaphore, #tpu.memory_space<semaphore_mem>>
        %dma_wait3A_247 = tpu.memref_squeeze %dma_wait3A_246 : memref<1x!tpu.dma_semaphore, #tpu.memory_space<semaphore_mem>> -> memref<!tpu.dma_semaphore, #tpu.memory_space<semaphore_mem>>
        %dma_wait3A_248 = arith.constant 0 : i32
        %dma_wait3A_249 = arith.constant 0 : i32
        %dma_wait3A_250 = tpu.memref_slice %arg7[%rem3A_231, %dma_wait3A_248, %dma_wait3A_249] : memref<5x2x128xi32, #tpu.memory_space<vmem>> -> memref<1x2x128xi32, #tpu.memory_space<vmem>>
        %dma_wait3A_251 = tpu.memref_squeeze %dma_wait3A_250 : memref<1x2x128xi32, #tpu.memory_space<vmem>> -> memref<2x128xi32, #tpu.memory_space<vmem>>
        %dma_wait3A_252 = arith.constant 0 : i32
        %dma_wait3A_253 = arith.constant 0 : i32
        %dma_wait3A_254 = tpu.memref_slice %arg4[%arg1, %scan3A_229, %dma_wait3A_252, %dma_wait3A_253] : memref<16x42x2x128xi32, #tpu.memory_space<hbm>> -> memref<1x1x2x128xi32, #tpu.memory_space<hbm>>
        %dma_wait3A_255 = tpu.memref_squeeze %dma_wait3A_254 : memref<1x1x2x128xi32, #tpu.memory_space<hbm>> -> memref<2x128xi32, #tpu.memory_space<hbm>>
        tpu.wait_dma2 semaphore(%dma_wait3A_247 : memref<!tpu.dma_semaphore, #tpu.memory_space<semaphore_mem>>) src(%dma_wait3A_255 : memref<2x128xi32, #tpu.memory_space<hbm>>) dst(%dma_wait3A_251 : memref<2x128xi32, #tpu.memory_space<vmem>>)
        %dma_start3A_256 = arith.constant 0 : i32
        %dma_start3A_257 = arith.constant 0 : i32
        %dma_start3A_258 = arith.constant 0 : i32
        %dma_start3A_259 = tpu.memref_slice %arg8[%rem3A_233, %dma_start3A_257, %dma_start3A_258] : memref<3x128x128xf32, #tpu.memory_space<vmem>> -> memref<1x128x128xf32, #tpu.memory_space<vmem>>
        %dma_start3A_260 = tpu.memref_squeeze %dma_start3A_259 : memref<1x128x128xf32, #tpu.memory_space<vmem>> -> memref<128x128xf32, #tpu.memory_space<vmem>>
        %dma_start3A_261 = arith.constant 0 : i32
        %dma_start3A_262 = tpu.memref_slice %arg7[%rem3A_231, %dma_start3A_256, %dma_start3A_261] : memref<5x2x128xi32, #tpu.memory_space<vmem>> -> memref<1x1x128xi32, #tpu.memory_space<vmem>>
        %dma_start3A_263 = tpu.memref_squeeze %dma_start3A_262 : memref<1x1x128xi32, #tpu.memory_space<vmem>> -> memref<128xi32, #tpu.memory_space<vmem>>
        %dma_start3A_264 = arith.constant 0 : i32
        %dma_start3A_265 = arith.constant 0 : i32
        %dma_start3A_266 = tpu.memref_slice %arg2[%dma_start3A_264, %dma_start3A_265] : memref<10000x128xf32, #tpu.memory_space<hbm>> -> memref<10000x128xf32, #tpu.memory_space<hbm>>
        %dma_start3A_267 = tpu.memref_slice %arg11[%rem3A_233] : memref<3x!tpu.dma_semaphore, #tpu.memory_space<semaphore_mem>> -> memref<1x!tpu.dma_semaphore, #tpu.memory_space<semaphore_mem>>
        %dma_start3A_268 = tpu.memref_squeeze %dma_start3A_267 : memref<1x!tpu.dma_semaphore, #tpu.memory_space<semaphore_mem>> -> memref<!tpu.dma_semaphore, #tpu.memory_space<semaphore_mem>>
        tpu.enqueue_indirect_dma source(%dma_start3A_266 : memref<10000x128xf32, #tpu.memory_space<hbm>>) target(%dma_start3A_260 : memref<128x128xf32, #tpu.memory_space<vmem>>) offsets(%dma_start3A_263 : memref<128xi32, #tpu.memory_space<vmem>>) semaphore(%dma_start3A_268 : memref<!tpu.dma_semaphore, #tpu.memory_space<semaphore_mem>>)
        %ge3A_269 = arith.constant 1 : i32
        %ge3A_270 = arith.cmpi sge, %scan3A_229, %ge3A_269 : i32
        %convert_element_type3A_271 = arith.extui %ge3A_270 : i1 to i32
        %cond3A_272 = arith.constant 0 : i32
        %cond3A_273 = arith.cmpi ne, %convert_element_type3A_271, %cond3A_272 : i32
        scf.if %cond3A_273 {
          %sub3A = arith.constant 1 : i32
          %sub3A_321 = arith.subi %scan3A_229, %sub3A : i32
          %rem3A_322 = arith.constant 5 : i32
          %rem3A_323 = arith.remsi %sub3A_321, %rem3A_322 : i32
          %sub3A_324 = arith.constant 1 : i32
          %sub3A_325 = arith.subi %scan3A_229, %sub3A_324 : i32
          %rem3A_326 = arith.constant 3 : i32
          %rem3A_327 = arith.remsi %sub3A_325, %rem3A_326 : i32
          %dma_wait3A_328 = arith.constant 0 : i32
          %dma_wait3A_329 = arith.constant 0 : i32
          %dma_wait3A_330 = arith.constant 0 : i32
          %dma_wait3A_331 = tpu.memref_slice %arg8[%rem3A_327, %dma_wait3A_329, %dma_wait3A_330] : memref<3x128x128xf32, #tpu.memory_space<vmem>> -> memref<1x128x128xf32, #tpu.memory_space<vmem>>
          %dma_wait3A_332 = tpu.memref_squeeze %dma_wait3A_331 : memref<1x128x128xf32, #tpu.memory_space<vmem>> -> memref<128x128xf32, #tpu.memory_space<vmem>>
          %dma_wait3A_333 = arith.constant 0 : i32
          %dma_wait3A_334 = tpu.memref_slice %arg7[%rem3A_323, %dma_wait3A_328, %dma_wait3A_333] : memref<5x2x128xi32, #tpu.memory_space<vmem>> -> memref<1x1x128xi32, #tpu.memory_space<vmem>>
          %dma_wait3A_335 = tpu.memref_squeeze %dma_wait3A_334 : memref<1x1x128xi32, #tpu.memory_space<vmem>> -> memref<128xi32, #tpu.memory_space<vmem>>
          %dma_wait3A_336 = arith.constant 0 : i32
          %dma_wait3A_337 = arith.constant 0 : i32
          %dma_wait3A_338 = tpu.memref_slice %arg2[%dma_wait3A_336, %dma_wait3A_337] : memref<10000x128xf32, #tpu.memory_space<hbm>> -> memref<10000x128xf32, #tpu.memory_space<hbm>>
          %dma_wait3A_339 = tpu.memref_slice %arg11[%rem3A_327] : memref<3x!tpu.dma_semaphore, #tpu.memory_space<semaphore_mem>> -> memref<1x!tpu.dma_semaphore, #tpu.memory_space<semaphore_mem>>
          %dma_wait3A_340 = tpu.memref_squeeze %dma_wait3A_339 : memref<1x!tpu.dma_semaphore, #tpu.memory_space<semaphore_mem>> -> memref<!tpu.dma_semaphore, #tpu.memory_space<semaphore_mem>>
          tpu.wait_indirect_dma semaphore(%dma_wait3A_340 : memref<!tpu.dma_semaphore, #tpu.memory_space<semaphore_mem>>) src(%dma_wait3A_338 : memref<10000x128xf32, #tpu.memory_space<hbm>>) dst(%dma_wait3A_332 : memref<128x128xf32, #tpu.memory_space<vmem>>)
          %dma_start3A_341 = arith.constant 1 : i32
          %dma_start3A_342 = arith.constant 0 : i32
          %dma_start3A_343 = arith.constant 0 : i32
          %dma_start3A_344 = tpu.memref_slice %arg8[%rem3A_327, %dma_start3A_342, %dma_start3A_343] : memref<3x128x128xf32, #tpu.memory_space<vmem>> -> memref<1x128x128xf32, #tpu.memory_space<vmem>>
          %dma_start3A_345 = tpu.memref_squeeze %dma_start3A_344 : memref<1x128x128xf32, #tpu.memory_space<vmem>> -> memref<128x128xf32, #tpu.memory_space<vmem>>
          %dma_start3A_346 = arith.constant 0 : i32
          %dma_start3A_347 = tpu.memref_slice %arg7[%rem3A_323, %dma_start3A_341, %dma_start3A_346] : memref<5x2x128xi32, #tpu.memory_space<vmem>> -> memref<1x1x128xi32, #tpu.memory_space<vmem>>
          %dma_start3A_348 = tpu.memref_squeeze %dma_start3A_347 : memref<1x1x128xi32, #tpu.memory_space<vmem>> -> memref<128xi32, #tpu.memory_space<vmem>>
          %dma_start3A_349 = arith.constant 0 : i32
          %dma_start3A_350 = arith.constant 0 : i32
          %dma_start3A_351 = tpu.memref_slice %arg9[%dma_start3A_349, %dma_start3A_350] : memref<10016x128xf32, #tpu.memory_space<vmem_shared>> -> memref<10016x128xf32, #tpu.memory_space<vmem_shared>>
          %dma_start3A_352 = tpu.memref_slice %arg12[%rem3A_327] : memref<3x!tpu.dma_semaphore, #tpu.memory_space<semaphore_mem>> -> memref<1x!tpu.dma_semaphore, #tpu.memory_space<semaphore_mem>>
          %dma_start3A_353 = tpu.memref_squeeze %dma_start3A_352 : memref<1x!tpu.dma_semaphore, #tpu.memory_space<semaphore_mem>> -> memref<!tpu.dma_semaphore, #tpu.memory_space<semaphore_mem>>
          tpu.enqueue_indirect_dma source(%dma_start3A_345 : memref<128x128xf32, #tpu.memory_space<vmem>>) target(%dma_start3A_351 : memref<10016x128xf32, #tpu.memory_space<vmem_shared>>) offsets(%dma_start3A_348 : memref<128xi32, #tpu.memory_space<vmem>>) semaphore(%dma_start3A_353 : memref<!tpu.dma_semaphore, #tpu.memory_space<semaphore_mem>>) {add = true}
        } else {
        }
        %scan3A_274 = arith.constant 1 : i32
        %scan3A_275 = arith.addi %scan3A_229, %scan3A_274 : i32
        %rem3A_276 = arith.constant 5 : i32
        %rem3A_277 = arith.remsi %scan3A_275, %rem3A_276 : i32
        %rem3A_278 = arith.constant 3 : i32
        %rem3A_279 = arith.remsi %scan3A_275, %rem3A_278 : i32
        %ge3A_280 = arith.constant 3 : i32
        %ge3A_281 = arith.cmpi sge, %scan3A_275, %ge3A_280 : i32
        %convert_element_type3A_282 = arith.extui %ge3A_281 : i1 to i32
        %cond3A_283 = arith.constant 0 : i32
        %cond3A_284 = arith.cmpi ne, %convert_element_type3A_282, %cond3A_283 : i32
        scf.if %cond3A_284 {
          %sub3A = arith.constant 3 : i32
          %sub3A_321 = arith.subi %scan3A_275, %sub3A : i32
          %rem3A_322 = arith.constant 5 : i32
          %rem3A_323 = arith.remsi %sub3A_321, %rem3A_322 : i32
          %dma_wait3A_324 = arith.constant 1 : i32
          %dma_wait3A_325 = arith.constant 0 : i32
          %dma_wait3A_326 = arith.constant 0 : i32
          %dma_wait3A_327 = tpu.memref_slice %arg8[%rem3A_279, %dma_wait3A_325, %dma_wait3A_326] : memref<3x128x128xf32, #tpu.memory_space<vmem>> -> memref<1x128x128xf32, #tpu.memory_space<vmem>>
          %dma_wait3A_328 = tpu.memref_squeeze %dma_wait3A_327 : memref<1x128x128xf32, #tpu.memory_space<vmem>> -> memref<128x128xf32, #tpu.memory_space<vmem>>
          %dma_wait3A_329 = arith.constant 0 : i32
          %dma_wait3A_330 = tpu.memref_slice %arg7[%rem3A_323, %dma_wait3A_324, %dma_wait3A_329] : memref<5x2x128xi32, #tpu.memory_space<vmem>> -> memref<1x1x128xi32, #tpu.memory_space<vmem>>
          %dma_wait3A_331 = tpu.memref_squeeze %dma_wait3A_330 : memref<1x1x128xi32, #tpu.memory_space<vmem>> -> memref<128xi32, #tpu.memory_space<vmem>>
          %dma_wait3A_332 = arith.constant 0 : i32
          %dma_wait3A_333 = arith.constant 0 : i32
          %dma_wait3A_334 = tpu.memref_slice %arg9[%dma_wait3A_332, %dma_wait3A_333] : memref<10016x128xf32, #tpu.memory_space<vmem_shared>> -> memref<10016x128xf32, #tpu.memory_space<vmem_shared>>
          %dma_wait3A_335 = tpu.memref_slice %arg12[%rem3A_279] : memref<3x!tpu.dma_semaphore, #tpu.memory_space<semaphore_mem>> -> memref<1x!tpu.dma_semaphore, #tpu.memory_space<semaphore_mem>>
          %dma_wait3A_336 = tpu.memref_squeeze %dma_wait3A_335 : memref<1x!tpu.dma_semaphore, #tpu.memory_space<semaphore_mem>> -> memref<!tpu.dma_semaphore, #tpu.memory_space<semaphore_mem>>
          tpu.wait_indirect_dma semaphore(%dma_wait3A_336 : memref<!tpu.dma_semaphore, #tpu.memory_space<semaphore_mem>>) src(%dma_wait3A_328 : memref<128x128xf32, #tpu.memory_space<vmem>>) dst(%dma_wait3A_334 : memref<10016x128xf32, #tpu.memory_space<vmem_shared>>)
          %sub3A_337 = arith.constant 3 : i32
          %sub3A_338 = arith.subi %scan3A_275, %sub3A_337 : i32
          %add3A = arith.constant 5 : i32
          %add3A_339 = arith.addi %sub3A_338, %add3A : i32
          %lt3A_340 = arith.constant 42 : i32
          %lt3A_341 = arith.cmpi slt, %add3A_339, %lt3A_340 : i32
          %convert_element_type3A_342 = arith.extui %lt3A_341 : i1 to i32
          %cond3A_343 = arith.constant 0 : i32
          %cond3A_344 = arith.cmpi ne, %convert_element_type3A_342, %cond3A_343 : i32
          scf.if %cond3A_344 {
            %sub3A_345 = arith.constant 3 : i32
            %sub3A_346 = arith.subi %scan3A_275, %sub3A_345 : i32
            %add3A_347 = arith.constant 5 : i32
            %add3A_348 = arith.addi %sub3A_346, %add3A_347 : i32
            %dma_start3A_349 = arith.constant 0 : i32
            %dma_start3A_350 = arith.constant 0 : i32
            %dma_start3A_351 = tpu.memref_slice %arg7[%rem3A_323, %dma_start3A_349, %dma_start3A_350] : memref<5x2x128xi32, #tpu.memory_space<vmem>> -> memref<1x2x128xi32, #tpu.memory_space<vmem>>
            %dma_start3A_352 = tpu.memref_squeeze %dma_start3A_351 : memref<1x2x128xi32, #tpu.memory_space<vmem>> -> memref<2x128xi32, #tpu.memory_space<vmem>>
            %dma_start3A_353 = arith.constant 0 : i32
            %dma_start3A_354 = arith.constant 0 : i32
            %dma_start3A_355 = tpu.memref_slice %arg4[%arg1, %add3A_348, %dma_start3A_353, %dma_start3A_354] : memref<16x42x2x128xi32, #tpu.memory_space<hbm>> -> memref<1x1x2x128xi32, #tpu.memory_space<hbm>>
            %dma_start3A_356 = tpu.memref_squeeze %dma_start3A_355 : memref<1x1x2x128xi32, #tpu.memory_space<hbm>> -> memref<2x128xi32, #tpu.memory_space<hbm>>
            %dma_start3A_357 = tpu.memref_slice %arg10[%rem3A_323] : memref<5x!tpu.dma_semaphore, #tpu.memory_space<semaphore_mem>> -> memref<1x!tpu.dma_semaphore, #tpu.memory_space<semaphore_mem>>
            %dma_start3A_358 = tpu.memref_squeeze %dma_start3A_357 : memref<1x!tpu.dma_semaphore, #tpu.memory_space<semaphore_mem>> -> memref<!tpu.dma_semaphore, #tpu.memory_space<semaphore_mem>>
            %dma_start3A_359 = arith.constant 0 : i32
            %dma_start3A_360 = arith.constant 0 : i32
            %dma_start3A_361 = tpu.memref_slice %arg7[%rem3A_323, %dma_start3A_359, %dma_start3A_360] : memref<5x2x128xi32, #tpu.memory_space<vmem>> -> memref<1x2x128xi32, #tpu.memory_space<vmem>>
            %dma_start3A_362 = tpu.memref_squeeze %dma_start3A_361 : memref<1x2x128xi32, #tpu.memory_space<vmem>> -> memref<2x128xi32, #tpu.memory_space<vmem>>
            %dma_start3A_363 = arith.constant 0 : i32
            %dma_start3A_364 = arith.constant 0 : i32
            %dma_start3A_365 = tpu.memref_slice %arg4[%arg1, %add3A_348, %dma_start3A_363, %dma_start3A_364] : memref<16x42x2x128xi32, #tpu.memory_space<hbm>> -> memref<1x1x2x128xi32, #tpu.memory_space<hbm>>
            %dma_start3A_366 = tpu.memref_squeeze %dma_start3A_365 : memref<1x1x2x128xi32, #tpu.memory_space<hbm>> -> memref<2x128xi32, #tpu.memory_space<hbm>>
            tpu.enqueue_dma source(%dma_start3A_366 : memref<2x128xi32, #tpu.memory_space<hbm>>) target(%dma_start3A_362 : memref<2x128xi32, #tpu.memory_space<vmem>>) target_semaphore(%dma_start3A_358 : memref<!tpu.dma_semaphore, #tpu.memory_space<semaphore_mem>>)
          } else {
          }
        } else {
        }
        %dma_wait3A_285 = arith.constant 0 : i32
        %dma_wait3A_286 = arith.constant 0 : i32
        %dma_wait3A_287 = tpu.memref_slice %arg7[%rem3A_277, %dma_wait3A_285, %dma_wait3A_286] : memref<5x2x128xi32, #tpu.memory_space<vmem>> -> memref<1x2x128xi32, #tpu.memory_space<vmem>>
        %dma_wait3A_288 = tpu.memref_squeeze %dma_wait3A_287 : memref<1x2x128xi32, #tpu.memory_space<vmem>> -> memref<2x128xi32, #tpu.memory_space<vmem>>
        %dma_wait3A_289 = arith.constant 0 : i32
        %dma_wait3A_290 = arith.constant 0 : i32
        %dma_wait3A_291 = tpu.memref_slice %arg4[%arg1, %scan3A_275, %dma_wait3A_289, %dma_wait3A_290] : memref<16x42x2x128xi32, #tpu.memory_space<hbm>> -> memref<1x1x2x128xi32, #tpu.memory_space<hbm>>
        %dma_wait3A_292 = tpu.memref_squeeze %dma_wait3A_291 : memref<1x1x2x128xi32, #tpu.memory_space<hbm>> -> memref<2x128xi32, #tpu.memory_space<hbm>>
        %dma_wait3A_293 = tpu.memref_slice %arg10[%rem3A_277] : memref<5x!tpu.dma_semaphore, #tpu.memory_space<semaphore_mem>> -> memref<1x!tpu.dma_semaphore, #tpu.memory_space<semaphore_mem>>
        %dma_wait3A_294 = tpu.memref_squeeze %dma_wait3A_293 : memref<1x!tpu.dma_semaphore, #tpu.memory_space<semaphore_mem>> -> memref<!tpu.dma_semaphore, #tpu.memory_space<semaphore_mem>>
        %dma_wait3A_295 = arith.constant 0 : i32
        %dma_wait3A_296 = arith.constant 0 : i32
        %dma_wait3A_297 = tpu.memref_slice %arg7[%rem3A_277, %dma_wait3A_295, %dma_wait3A_296] : memref<5x2x128xi32, #tpu.memory_space<vmem>> -> memref<1x2x128xi32, #tpu.memory_space<vmem>>
        %dma_wait3A_298 = tpu.memref_squeeze %dma_wait3A_297 : memref<1x2x128xi32, #tpu.memory_space<vmem>> -> memref<2x128xi32, #tpu.memory_space<vmem>>
        %dma_wait3A_299 = arith.constant 0 : i32
        %dma_wait3A_300 = arith.constant 0 : i32
        %dma_wait3A_301 = tpu.memref_slice %arg4[%arg1, %scan3A_275, %dma_wait3A_299, %dma_wait3A_300] : memref<16x42x2x128xi32, #tpu.memory_space<hbm>> -> memref<1x1x2x128xi32, #tpu.memory_space<hbm>>
        %dma_wait3A_302 = tpu.memref_squeeze %dma_wait3A_301 : memref<1x1x2x128xi32, #tpu.memory_space<hbm>> -> memref<2x128xi32, #tpu.memory_space<hbm>>
        tpu.wait_dma2 semaphore(%dma_wait3A_294 : memref<!tpu.dma_semaphore, #tpu.memory_space<semaphore_mem>>) src(%dma_wait3A_302 : memref<2x128xi32, #tpu.memory_space<hbm>>) dst(%dma_wait3A_298 : memref<2x128xi32, #tpu.memory_space<vmem>>)
        %dma_start3A_303 = arith.constant 0 : i32
        %dma_start3A_304 = arith.constant 0 : i32
        %dma_start3A_305 = arith.constant 0 : i32
        %dma_start3A_306 = tpu.memref_slice %arg8[%rem3A_279, %dma_start3A_304, %dma_start3A_305] : memref<3x128x128xf32, #tpu.memory_space<vmem>> -> memref<1x128x128xf32, #tpu.memory_space<vmem>>
        %dma_start3A_307 = tpu.memref_squeeze %dma_start3A_306 : memref<1x128x128xf32, #tpu.memory_space<vmem>> -> memref<128x128xf32, #tpu.memory_space<vmem>>
        %dma_start3A_308 = arith.constant 0 : i32
        %dma_start3A_309 = tpu.memref_slice %arg7[%rem3A_277, %dma_start3A_303, %dma_start3A_308] : memref<5x2x128xi32, #tpu.memory_space<vmem>> -> memref<1x1x128xi32, #tpu.memory_space<vmem>>
        %dma_start3A_310 = tpu.memref_squeeze %dma_start3A_309 : memref<1x1x128xi32, #tpu.memory_space<vmem>> -> memref<128xi32, #tpu.memory_space<vmem>>
        %dma_start3A_311 = arith.constant 0 : i32
        %dma_start3A_312 = arith.constant 0 : i32
        %dma_start3A_313 = tpu.memref_slice %arg2[%dma_start3A_311, %dma_start3A_312] : memref<10000x128xf32, #tpu.memory_space<hbm>> -> memref<10000x128xf32, #tpu.memory_space<hbm>>
        %dma_start3A_314 = tpu.memref_slice %arg11[%rem3A_279] : memref<3x!tpu.dma_semaphore, #tpu.memory_space<semaphore_mem>> -> memref<1x!tpu.dma_semaphore, #tpu.memory_space<semaphore_mem>>
        %dma_start3A_315 = tpu.memref_squeeze %dma_start3A_314 : memref<1x!tpu.dma_semaphore, #tpu.memory_space<semaphore_mem>> -> memref<!tpu.dma_semaphore, #tpu.memory_space<semaphore_mem>>
        tpu.enqueue_indirect_dma source(%dma_start3A_313 : memref<10000x128xf32, #tpu.memory_space<hbm>>) target(%dma_start3A_307 : memref<128x128xf32, #tpu.memory_space<vmem>>) offsets(%dma_start3A_310 : memref<128xi32, #tpu.memory_space<vmem>>) semaphore(%dma_start3A_315 : memref<!tpu.dma_semaphore, #tpu.memory_space<semaphore_mem>>)
        %ge3A_316 = arith.constant 1 : i32
        %ge3A_317 = arith.cmpi sge, %scan3A_275, %ge3A_316 : i32
        %convert_element_type3A_318 = arith.extui %ge3A_317 : i1 to i32
        %cond3A_319 = arith.constant 0 : i32
        %cond3A_320 = arith.cmpi ne, %convert_element_type3A_318, %cond3A_319 : i32
        scf.if %cond3A_320 {
          %sub3A = arith.constant 1 : i32
          %sub3A_321 = arith.subi %scan3A_275, %sub3A : i32
          %rem3A_322 = arith.constant 5 : i32
          %rem3A_323 = arith.remsi %sub3A_321, %rem3A_322 : i32
          %sub3A_324 = arith.constant 1 : i32
          %sub3A_325 = arith.subi %scan3A_275, %sub3A_324 : i32
          %rem3A_326 = arith.constant 3 : i32
          %rem3A_327 = arith.remsi %sub3A_325, %rem3A_326 : i32
          %dma_wait3A_328 = arith.constant 0 : i32
          %dma_wait3A_329 = arith.constant 0 : i32
          %dma_wait3A_330 = arith.constant 0 : i32
          %dma_wait3A_331 = tpu.memref_slice %arg8[%rem3A_327, %dma_wait3A_329, %dma_wait3A_330] : memref<3x128x128xf32, #tpu.memory_space<vmem>> -> memref<1x128x128xf32, #tpu.memory_space<vmem>>
          %dma_wait3A_332 = tpu.memref_squeeze %dma_wait3A_331 : memref<1x128x128xf32, #tpu.memory_space<vmem>> -> memref<128x128xf32, #tpu.memory_space<vmem>>
          %dma_wait3A_333 = arith.constant 0 : i32
          %dma_wait3A_334 = tpu.memref_slice %arg7[%rem3A_323, %dma_wait3A_328, %dma_wait3A_333] : memref<5x2x128xi32, #tpu.memory_space<vmem>> -> memref<1x1x128xi32, #tpu.memory_space<vmem>>
          %dma_wait3A_335 = tpu.memref_squeeze %dma_wait3A_334 : memref<1x1x128xi32, #tpu.memory_space<vmem>> -> memref<128xi32, #tpu.memory_space<vmem>>
          %dma_wait3A_336 = arith.constant 0 : i32
          %dma_wait3A_337 = arith.constant 0 : i32
          %dma_wait3A_338 = tpu.memref_slice %arg2[%dma_wait3A_336, %dma_wait3A_337] : memref<10000x128xf32, #tpu.memory_space<hbm>> -> memref<10000x128xf32, #tpu.memory_space<hbm>>
          %dma_wait3A_339 = tpu.memref_slice %arg11[%rem3A_327] : memref<3x!tpu.dma_semaphore, #tpu.memory_space<semaphore_mem>> -> memref<1x!tpu.dma_semaphore, #tpu.memory_space<semaphore_mem>>
          %dma_wait3A_340 = tpu.memref_squeeze %dma_wait3A_339 : memref<1x!tpu.dma_semaphore, #tpu.memory_space<semaphore_mem>> -> memref<!tpu.dma_semaphore, #tpu.memory_space<semaphore_mem>>
          tpu.wait_indirect_dma semaphore(%dma_wait3A_340 : memref<!tpu.dma_semaphore, #tpu.memory_space<semaphore_mem>>) src(%dma_wait3A_338 : memref<10000x128xf32, #tpu.memory_space<hbm>>) dst(%dma_wait3A_332 : memref<128x128xf32, #tpu.memory_space<vmem>>)
          %dma_start3A_341 = arith.constant 1 : i32
          %dma_start3A_342 = arith.constant 0 : i32
          %dma_start3A_343 = arith.constant 0 : i32
          %dma_start3A_344 = tpu.memref_slice %arg8[%rem3A_327, %dma_start3A_342, %dma_start3A_343] : memref<3x128x128xf32, #tpu.memory_space<vmem>> -> memref<1x128x128xf32, #tpu.memory_space<vmem>>
          %dma_start3A_345 = tpu.memref_squeeze %dma_start3A_344 : memref<1x128x128xf32, #tpu.memory_space<vmem>> -> memref<128x128xf32, #tpu.memory_space<vmem>>
          %dma_start3A_346 = arith.constant 0 : i32
          %dma_start3A_347 = tpu.memref_slice %arg7[%rem3A_323, %dma_start3A_341, %dma_start3A_346] : memref<5x2x128xi32, #tpu.memory_space<vmem>> -> memref<1x1x128xi32, #tpu.memory_space<vmem>>
          %dma_start3A_348 = tpu.memref_squeeze %dma_start3A_347 : memref<1x1x128xi32, #tpu.memory_space<vmem>> -> memref<128xi32, #tpu.memory_space<vmem>>
          %dma_start3A_349 = arith.constant 0 : i32
          %dma_start3A_350 = arith.constant 0 : i32
          %dma_start3A_351 = tpu.memref_slice %arg9[%dma_start3A_349, %dma_start3A_350] : memref<10016x128xf32, #tpu.memory_space<vmem_shared>> -> memref<10016x128xf32, #tpu.memory_space<vmem_shared>>
          %dma_start3A_352 = tpu.memref_slice %arg12[%rem3A_327] : memref<3x!tpu.dma_semaphore, #tpu.memory_space<semaphore_mem>> -> memref<1x!tpu.dma_semaphore, #tpu.memory_space<semaphore_mem>>
          %dma_start3A_353 = tpu.memref_squeeze %dma_start3A_352 : memref<1x!tpu.dma_semaphore, #tpu.memory_space<semaphore_mem>> -> memref<!tpu.dma_semaphore, #tpu.memory_space<semaphore_mem>>
          tpu.enqueue_indirect_dma source(%dma_start3A_345 : memref<128x128xf32, #tpu.memory_space<vmem>>) target(%dma_start3A_351 : memref<10016x128xf32, #tpu.memory_space<vmem_shared>>) offsets(%dma_start3A_348 : memref<128xi32, #tpu.memory_space<vmem>>) semaphore(%dma_start3A_353 : memref<!tpu.dma_semaphore, #tpu.memory_space<semaphore_mem>>) {add = true}
        } else {
        }
      }
      %scan3A_135 = arith.constant 42 : i32
      %rem3A = arith.constant 41 : i32
      %rem3A_136 = arith.constant 5 : i32
      %rem3A_137 = arith.remsi %rem3A, %rem3A_136 : i32
      %rem3A_138 = arith.constant 41 : i32
      %rem3A_139 = arith.constant 3 : i32
      %rem3A_140 = arith.remsi %rem3A_138, %rem3A_139 : i32
      %dma_wait3A = arith.constant 0 : i32
      %dma_wait3A_141 = arith.constant 0 : i32
      %dma_wait3A_142 = arith.constant 0 : i32
      %dma_wait3A_143 = tpu.memref_slice %arg8[%rem3A_140, %dma_wait3A_141, %dma_wait3A_142] : memref<3x128x128xf32, #tpu.memory_space<vmem>> -> memref<1x128x128xf32, #tpu.memory_space<vmem>>
      %dma_wait3A_144 = tpu.memref_squeeze %dma_wait3A_143 : memref<1x128x128xf32, #tpu.memory_space<vmem>> -> memref<128x128xf32, #tpu.memory_space<vmem>>
      %dma_wait3A_145 = arith.constant 0 : i32
      %dma_wait3A_146 = tpu.memref_slice %arg7[%rem3A_137, %dma_wait3A, %dma_wait3A_145] : memref<5x2x128xi32, #tpu.memory_space<vmem>> -> memref<1x1x128xi32, #tpu.memory_space<vmem>>
      %dma_wait3A_147 = tpu.memref_squeeze %dma_wait3A_146 : memref<1x1x128xi32, #tpu.memory_space<vmem>> -> memref<128xi32, #tpu.memory_space<vmem>>
      %dma_wait3A_148 = arith.constant 0 : i32
      %dma_wait3A_149 = arith.constant 0 : i32
      %dma_wait3A_150 = tpu.memref_slice %arg2[%dma_wait3A_148, %dma_wait3A_149] : memref<10000x128xf32, #tpu.memory_space<hbm>> -> memref<10000x128xf32, #tpu.memory_space<hbm>>
      %dma_wait3A_151 = tpu.memref_slice %arg11[%rem3A_140] : memref<3x!tpu.dma_semaphore, #tpu.memory_space<semaphore_mem>> -> memref<1x!tpu.dma_semaphore, #tpu.memory_space<semaphore_mem>>
      %dma_wait3A_152 = tpu.memref_squeeze %dma_wait3A_151 : memref<1x!tpu.dma_semaphore, #tpu.memory_space<semaphore_mem>> -> memref<!tpu.dma_semaphore, #tpu.memory_space<semaphore_mem>>
      tpu.wait_indirect_dma semaphore(%dma_wait3A_152 : memref<!tpu.dma_semaphore, #tpu.memory_space<semaphore_mem>>) src(%dma_wait3A_150 : memref<10000x128xf32, #tpu.memory_space<hbm>>) dst(%dma_wait3A_144 : memref<128x128xf32, #tpu.memory_space<vmem>>)
      %rem3A_153 = arith.constant 41 : i32
      %rem3A_154 = arith.constant 5 : i32
      %rem3A_155 = arith.remsi %rem3A_153, %rem3A_154 : i32
      %rem3A_156 = arith.constant 41 : i32
      %rem3A_157 = arith.constant 3 : i32
      %rem3A_158 = arith.remsi %rem3A_156, %rem3A_157 : i32
      %dma_start3A_159 = arith.constant 1 : i32
      %dma_start3A_160 = arith.constant 0 : i32
      %dma_start3A_161 = arith.constant 0 : i32
      %dma_start3A_162 = tpu.memref_slice %arg8[%rem3A_158, %dma_start3A_160, %dma_start3A_161] : memref<3x128x128xf32, #tpu.memory_space<vmem>> -> memref<1x128x128xf32, #tpu.memory_space<vmem>>
      %dma_start3A_163 = tpu.memref_squeeze %dma_start3A_162 : memref<1x128x128xf32, #tpu.memory_space<vmem>> -> memref<128x128xf32, #tpu.memory_space<vmem>>
      %dma_start3A_164 = arith.constant 0 : i32
      %dma_start3A_165 = tpu.memref_slice %arg7[%rem3A_155, %dma_start3A_159, %dma_start3A_164] : memref<5x2x128xi32, #tpu.memory_space<vmem>> -> memref<1x1x128xi32, #tpu.memory_space<vmem>>
      %dma_start3A_166 = tpu.memref_squeeze %dma_start3A_165 : memref<1x1x128xi32, #tpu.memory_space<vmem>> -> memref<128xi32, #tpu.memory_space<vmem>>
      %dma_start3A_167 = arith.constant 0 : i32
      %dma_start3A_168 = arith.constant 0 : i32
      %dma_start3A_169 = tpu.memref_slice %arg9[%dma_start3A_167, %dma_start3A_168] : memref<10016x128xf32, #tpu.memory_space<vmem_shared>> -> memref<10016x128xf32, #tpu.memory_space<vmem_shared>>
      %dma_start3A_170 = tpu.memref_slice %arg12[%rem3A_158] : memref<3x!tpu.dma_semaphore, #tpu.memory_space<semaphore_mem>> -> memref<1x!tpu.dma_semaphore, #tpu.memory_space<semaphore_mem>>
      %dma_start3A_171 = tpu.memref_squeeze %dma_start3A_170 : memref<1x!tpu.dma_semaphore, #tpu.memory_space<semaphore_mem>> -> memref<!tpu.dma_semaphore, #tpu.memory_space<semaphore_mem>>
      tpu.enqueue_indirect_dma source(%dma_start3A_163 : memref<128x128xf32, #tpu.memory_space<vmem>>) target(%dma_start3A_169 : memref<10016x128xf32, #tpu.memory_space<vmem_shared>>) offsets(%dma_start3A_166 : memref<128xi32, #tpu.memory_space<vmem>>) semaphore(%dma_start3A_171 : memref<!tpu.dma_semaphore, #tpu.memory_space<semaphore_mem>>) {add = true}
      %rem3A_172 = arith.constant 39 : i32
      %rem3A_173 = arith.constant 5 : i32
      %rem3A_174 = arith.remsi %rem3A_172, %rem3A_173 : i32
      %rem3A_175 = arith.constant 39 : i32
      %rem3A_176 = arith.constant 3 : i32
      %rem3A_177 = arith.remsi %rem3A_175, %rem3A_176 : i32
      %dma_wait3A_178 = arith.constant 1 : i32
      %dma_wait3A_179 = arith.constant 0 : i32
      %dma_wait3A_180 = arith.constant 0 : i32
      %dma_wait3A_181 = tpu.memref_slice %arg8[%rem3A_177, %dma_wait3A_179, %dma_wait3A_180] : memref<3x128x128xf32, #tpu.memory_space<vmem>> -> memref<1x128x128xf32, #tpu.memory_space<vmem>>
      %dma_wait3A_182 = tpu.memref_squeeze %dma_wait3A_181 : memref<1x128x128xf32, #tpu.memory_space<vmem>> -> memref<128x128xf32, #tpu.memory_space<vmem>>
      %dma_wait3A_183 = arith.constant 0 : i32
      %dma_wait3A_184 = tpu.memref_slice %arg7[%rem3A_174, %dma_wait3A_178, %dma_wait3A_183] : memref<5x2x128xi32, #tpu.memory_space<vmem>> -> memref<1x1x128xi32, #tpu.memory_space<vmem>>
      %dma_wait3A_185 = tpu.memref_squeeze %dma_wait3A_184 : memref<1x1x128xi32, #tpu.memory_space<vmem>> -> memref<128xi32, #tpu.memory_space<vmem>>
      %dma_wait3A_186 = arith.constant 0 : i32
      %dma_wait3A_187 = arith.constant 0 : i32
      %dma_wait3A_188 = tpu.memref_slice %arg9[%dma_wait3A_186, %dma_wait3A_187] : memref<10016x128xf32, #tpu.memory_space<vmem_shared>> -> memref<10016x128xf32, #tpu.memory_space<vmem_shared>>
      %dma_wait3A_189 = tpu.memref_slice %arg12[%rem3A_177] : memref<3x!tpu.dma_semaphore, #tpu.memory_space<semaphore_mem>> -> memref<1x!tpu.dma_semaphore, #tpu.memory_space<semaphore_mem>>
      %dma_wait3A_190 = tpu.memref_squeeze %dma_wait3A_189 : memref<1x!tpu.dma_semaphore, #tpu.memory_space<semaphore_mem>> -> memref<!tpu.dma_semaphore, #tpu.memory_space<semaphore_mem>>
      tpu.wait_indirect_dma semaphore(%dma_wait3A_190 : memref<!tpu.dma_semaphore, #tpu.memory_space<semaphore_mem>>) src(%dma_wait3A_182 : memref<128x128xf32, #tpu.memory_space<vmem>>) dst(%dma_wait3A_188 : memref<10016x128xf32, #tpu.memory_space<vmem_shared>>)
      %rem3A_191 = arith.constant 40 : i32
      %rem3A_192 = arith.constant 5 : i32
      %rem3A_193 = arith.remsi %rem3A_191, %rem3A_192 : i32
      %rem3A_194 = arith.constant 40 : i32
      %rem3A_195 = arith.constant 3 : i32
      %rem3A_196 = arith.remsi %rem3A_194, %rem3A_195 : i32
      %dma_wait3A_197 = arith.constant 1 : i32
      %dma_wait3A_198 = arith.constant 0 : i32
      %dma_wait3A_199 = arith.constant 0 : i32
      %dma_wait3A_200 = tpu.memref_slice %arg8[%rem3A_196, %dma_wait3A_198, %dma_wait3A_199] : memref<3x128x128xf32, #tpu.memory_space<vmem>> -> memref<1x128x128xf32, #tpu.memory_space<vmem>>
      %dma_wait3A_201 = tpu.memref_squeeze %dma_wait3A_200 : memref<1x128x128xf32, #tpu.memory_space<vmem>> -> memref<128x128xf32, #tpu.memory_space<vmem>>
      %dma_wait3A_202 = arith.constant 0 : i32
      %dma_wait3A_203 = tpu.memref_slice %arg7[%rem3A_193, %dma_wait3A_197, %dma_wait3A_202] : memref<5x2x128xi32, #tpu.memory_space<vmem>> -> memref<1x1x128xi32, #tpu.memory_space<vmem>>
      %dma_wait3A_204 = tpu.memref_squeeze %dma_wait3A_203 : memref<1x1x128xi32, #tpu.memory_space<vmem>> -> memref<128xi32, #tpu.memory_space<vmem>>
      %dma_wait3A_205 = arith.constant 0 : i32
      %dma_wait3A_206 = arith.constant 0 : i32
      %dma_wait3A_207 = tpu.memref_slice %arg9[%dma_wait3A_205, %dma_wait3A_206] : memref<10016x128xf32, #tpu.memory_space<vmem_shared>> -> memref<10016x128xf32, #tpu.memory_space<vmem_shared>>
      %dma_wait3A_208 = tpu.memref_slice %arg12[%rem3A_196] : memref<3x!tpu.dma_semaphore, #tpu.memory_space<semaphore_mem>> -> memref<1x!tpu.dma_semaphore, #tpu.memory_space<semaphore_mem>>
      %dma_wait3A_209 = tpu.memref_squeeze %dma_wait3A_208 : memref<1x!tpu.dma_semaphore, #tpu.memory_space<semaphore_mem>> -> memref<!tpu.dma_semaphore, #tpu.memory_space<semaphore_mem>>
      tpu.wait_indirect_dma semaphore(%dma_wait3A_209 : memref<!tpu.dma_semaphore, #tpu.memory_space<semaphore_mem>>) src(%dma_wait3A_201 : memref<128x128xf32, #tpu.memory_space<vmem>>) dst(%dma_wait3A_207 : memref<10016x128xf32, #tpu.memory_space<vmem_shared>>)
      %rem3A_210 = arith.constant 41 : i32
      %rem3A_211 = arith.constant 5 : i32
      %rem3A_212 = arith.remsi %rem3A_210, %rem3A_211 : i32
      %rem3A_213 = arith.constant 41 : i32
      %rem3A_214 = arith.constant 3 : i32
      %rem3A_215 = arith.remsi %rem3A_213, %rem3A_214 : i32
      %dma_wait3A_216 = arith.constant 1 : i32
      %dma_wait3A_217 = arith.constant 0 : i32
      %dma_wait3A_218 = arith.constant 0 : i32
      %dma_wait3A_219 = tpu.memref_slice %arg8[%rem3A_215, %dma_wait3A_217, %dma_wait3A_218] : memref<3x128x128xf32, #tpu.memory_space<vmem>> -> memref<1x128x128xf32, #tpu.memory_space<vmem>>
      %dma_wait3A_220 = tpu.memref_squeeze %dma_wait3A_219 : memref<1x128x128xf32, #tpu.memory_space<vmem>> -> memref<128x128xf32, #tpu.memory_space<vmem>>
      %dma_wait3A_221 = arith.constant 0 : i32
      %dma_wait3A_222 = tpu.memref_slice %arg7[%rem3A_212, %dma_wait3A_216, %dma_wait3A_221] : memref<5x2x128xi32, #tpu.memory_space<vmem>> -> memref<1x1x128xi32, #tpu.memory_space<vmem>>
      %dma_wait3A_223 = tpu.memref_squeeze %dma_wait3A_222 : memref<1x1x128xi32, #tpu.memory_space<vmem>> -> memref<128xi32, #tpu.memory_space<vmem>>
      %dma_wait3A_224 = arith.constant 0 : i32
      %dma_wait3A_225 = arith.constant 0 : i32
      %dma_wait3A_226 = tpu.memref_slice %arg9[%dma_wait3A_224, %dma_wait3A_225] : memref<10016x128xf32, #tpu.memory_space<vmem_shared>> -> memref<10016x128xf32, #tpu.memory_space<vmem_shared>>
      %dma_wait3A_227 = tpu.memref_slice %arg12[%rem3A_215] : memref<3x!tpu.dma_semaphore, #tpu.memory_space<semaphore_mem>> -> memref<1x!tpu.dma_semaphore, #tpu.memory_space<semaphore_mem>>
      %dma_wait3A_228 = tpu.memref_squeeze %dma_wait3A_227 : memref<1x!tpu.dma_semaphore, #tpu.memory_space<semaphore_mem>> -> memref<!tpu.dma_semaphore, #tpu.memory_space<semaphore_mem>>
      tpu.wait_indirect_dma semaphore(%dma_wait3A_228 : memref<!tpu.dma_semaphore, #tpu.memory_space<semaphore_mem>>) src(%dma_wait3A_220 : memref<128x128xf32, #tpu.memory_space<vmem>>) dst(%dma_wait3A_226 : memref<10016x128xf32, #tpu.memory_space<vmem_shared>>)
    } else {
    }
    %barrier3A_16 = arith.constant 0 : index
    tpu.barrier barrier_id(%barrier3A_16)
    %lt3A_17 = arith.constant 15 : i32
    %lt3A_18 = arith.cmpi slt, %arg1, %lt3A_17 : i32
    %convert_element_type3A_19 = arith.extui %lt3A_18 : i1 to i32
    %cond3A_20 = arith.constant 0 : i32
    %cond3A_21 = arith.cmpi ne, %convert_element_type3A_19, %cond3A_20 : i32
    scf.if %cond3A_21 {
      %mul3A = arith.constant 632 : i32
      %mul3A_27 = arith.muli %arg1, %mul3A : i32
      %mul3A_28 = arith.constant 632 : i32
      %mul3A_29 = arith.muli %arg1, %mul3A_28 : i32
      "tpu.region"() ({
        %run_scoped3A = tpu.sem_alloc : memref<!tpu.dma_semaphore, #tpu.memory_space<semaphore_mem>>
        %dma_start3A = arith.constant 0 : i32
        %dma_start3A_30 = tpu.memref_slice %arg6[%arg0, %mul3A_29, %dma_start3A] : memref<2x10016x128xf32, #tpu.memory_space<hbm>> -> memref<1x632x128xf32, #tpu.memory_space<hbm>>
        %dma_start3A_31 = tpu.memref_squeeze %dma_start3A_30 : memref<1x632x128xf32, #tpu.memory_space<hbm>> -> memref<632x128xf32, #tpu.memory_space<hbm>>
        %dma_start3A_32 = arith.constant 0 : i32
        %dma_start3A_33 = tpu.memref_slice %arg9[%mul3A_27, %dma_start3A_32] : memref<10016x128xf32, #tpu.memory_space<vmem_shared>> -> memref<632x128xf32, #tpu.memory_space<vmem_shared>>
        tpu.enqueue_dma source(%dma_start3A_33 : memref<632x128xf32, #tpu.memory_space<vmem_shared>>) target(%dma_start3A_31 : memref<632x128xf32, #tpu.memory_space<hbm>>) target_semaphore(%run_scoped3A : memref<!tpu.dma_semaphore, #tpu.memory_space<semaphore_mem>>)
        %dma_wait3A = arith.constant 0 : i32
        %dma_wait3A_34 = tpu.memref_slice %arg6[%arg0, %mul3A_29, %dma_wait3A] : memref<2x10016x128xf32, #tpu.memory_space<hbm>> -> memref<1x632x128xf32, #tpu.memory_space<hbm>>
        %dma_wait3A_35 = tpu.memref_squeeze %dma_wait3A_34 : memref<1x632x128xf32, #tpu.memory_space<hbm>> -> memref<632x128xf32, #tpu.memory_space<hbm>>
        %dma_wait3A_36 = arith.constant 0 : i32
        %dma_wait3A_37 = tpu.memref_slice %arg9[%mul3A_27, %dma_wait3A_36] : memref<10016x128xf32, #tpu.memory_space<vmem_shared>> -> memref<632x128xf32, #tpu.memory_space<vmem_shared>>
        tpu.wait_dma2 semaphore(%run_scoped3A : memref<!tpu.dma_semaphore, #tpu.memory_space<semaphore_mem>>) src(%dma_wait3A_37 : memref<632x128xf32, #tpu.memory_space<vmem_shared>>) dst(%dma_wait3A_35 : memref<632x128xf32, #tpu.memory_space<hbm>>)
        tpu.yield
      }) : () -> ()
    } else {
    }
    %eq3A_22 = arith.constant 15 : i32
    %eq3A_23 = arith.cmpi eq, %arg1, %eq3A_22 : i32
    %convert_element_type3A_24 = arith.extui %eq3A_23 : i1 to i32
    %cond3A_25 = arith.constant 0 : i32
    %cond3A_26 = arith.cmpi ne, %convert_element_type3A_24, %cond3A_25 : i32
    scf.if %cond3A_26 {
      "tpu.region"() ({
        %run_scoped3A = tpu.sem_alloc : memref<!tpu.dma_semaphore, #tpu.memory_space<semaphore_mem>>
        %dma_start3A = arith.constant 9480 : i32
        %dma_start3A_27 = arith.constant 0 : i32
        %dma_start3A_28 = tpu.memref_slice %arg6[%arg0, %dma_start3A, %dma_start3A_27] : memref<2x10016x128xf32, #tpu.memory_space<hbm>> -> memref<1x536x128xf32, #tpu.memory_space<hbm>>
        %dma_start3A_29 = tpu.memref_squeeze %dma_start3A_28 : memref<1x536x128xf32, #tpu.memory_space<hbm>> -> memref<536x128xf32, #tpu.memory_space<hbm>>
        %dma_start3A_30 = arith.constant 9480 : i32
        %dma_start3A_31 = arith.constant 0 : i32
        %dma_start3A_32 = tpu.memref_slice %arg9[%dma_start3A_30, %dma_start3A_31] : memref<10016x128xf32, #tpu.memory_space<vmem_shared>> -> memref<536x128xf32, #tpu.memory_space<vmem_shared>>
        tpu.enqueue_dma source(%dma_start3A_32 : memref<536x128xf32, #tpu.memory_space<vmem_shared>>) target(%dma_start3A_29 : memref<536x128xf32, #tpu.memory_space<hbm>>) target_semaphore(%run_scoped3A : memref<!tpu.dma_semaphore, #tpu.memory_space<semaphore_mem>>)
        %dma_wait3A = arith.constant 9480 : i32
        %dma_wait3A_33 = arith.constant 0 : i32
        %dma_wait3A_34 = tpu.memref_slice %arg6[%arg0, %dma_wait3A, %dma_wait3A_33] : memref<2x10016x128xf32, #tpu.memory_space<hbm>> -> memref<1x536x128xf32, #tpu.memory_space<hbm>>
        %dma_wait3A_35 = tpu.memref_squeeze %dma_wait3A_34 : memref<1x536x128xf32, #tpu.memory_space<hbm>> -> memref<536x128xf32, #tpu.memory_space<hbm>>
        %dma_wait3A_36 = arith.constant 9480 : i32
        %dma_wait3A_37 = arith.constant 0 : i32
        %dma_wait3A_38 = tpu.memref_slice %arg9[%dma_wait3A_36, %dma_wait3A_37] : memref<10016x128xf32, #tpu.memory_space<vmem_shared>> -> memref<536x128xf32, #tpu.memory_space<vmem_shared>>
        tpu.wait_dma2 semaphore(%run_scoped3A : memref<!tpu.dma_semaphore, #tpu.memory_space<semaphore_mem>>) src(%dma_wait3A_38 : memref<536x128xf32, #tpu.memory_space<vmem_shared>>) dst(%dma_wait3A_35 : memref<536x128xf32, #tpu.memory_space<hbm>>)
        tpu.yield
      }) : () -> ()
    } else {
    }
    return
  }
}

module attributes {stable_mosaic.version = 14 : i64} {
  func.func @body(%arg0: memref<32x2x80x128xf32, #tpu.memory_space<vmem>>, %arg1: memref<2x80x128xf32, #tpu.memory_space<vmem>>) attributes {dimension_semantics = [], scalar_prefetch = 0 : i64, scratch_operands = 0 : i64, tpu.core_type = #tpu.core_type<tc>} {
    %get3A = arith.constant 0 : index
    %get3A_0 = arith.constant 0 : index
    %get3A_1 = arith.constant 0 : index
    %get3A_2 = arith.constant 0 : index
    %get3A_3 = vector.load %arg0[%get3A, %get3A_0, %get3A_1, %get3A_2] : memref<32x2x80x128xf32, #tpu.memory_space<vmem>>, vector<32x2x80x128xf32>
    %reduce_sum3A = arith.constant dense<0.000000e+00> : vector<2x80x128xf32>
    %reduce_sum3A_4 = vector.multi_reduction <add>, %get3A_3, %reduce_sum3A [0] : vector<32x2x80x128xf32> to vector<2x80x128xf32>
    %gt3A = arith.constant 0.000000e+00 : f32
    %gt3A_5 = vector.broadcast %gt3A : f32 to vector<2x80x128xf32>
    %gt3A_6 = arith.cmpf ogt, %reduce_sum3A_4, %gt3A_5 : vector<2x80x128xf32>
    %rsqrt3A = math.rsqrt %reduce_sum3A_4 : vector<2x80x128xf32>
    %jit3A = arith.constant 0.000000e+00 : f32
    %broadcast_in_dim3A = vector.broadcast %jit3A : f32 to vector<2x80x128xf32>
    %select_n3A = arith.select %gt3A_6, %rsqrt3A, %broadcast_in_dim3A : vector<2x80x128xi1>, vector<2x80x128xf32>
    %swap3A = arith.constant 0 : index
    %swap3A_7 = arith.constant 0 : index
    %swap3A_8 = arith.constant 0 : index
    %swap3A_9 = vector.load %arg1[%swap3A, %swap3A_7, %swap3A_8] : memref<2x80x128xf32, #tpu.memory_space<vmem>>, vector<2x80x128xf32>
    tpu.vector_store %arg1[%swap3A, %swap3A_7, %swap3A_8], %select_n3A {strides = array<i32>} : memref<2x80x128xf32, #tpu.memory_space<vmem>>, vector<2x80x128xf32>,
    return
  }
}

module attributes {stable_mosaic.version = 14 : i64} {
  func.func @body(%arg0: i32, %arg1: memref<1000x128xf32, #tpu.memory_space<vmem>>, %arg2: memref<1000x1xf32, #tpu.memory_space<vmem>>, %arg3: memref<1000x128xf32, #tpu.memory_space<vmem>>) attributes {dimension_semantics = [#tpu.dimension_semantics<arbitrary>], iteration_bounds = array<i64: 10>, scalar_prefetch = 0 : i64, scratch_operands = 0 : i64, tpu.core_type = #tpu.core_type<tc>, window_params = [{transform_indices = @transform_0, window_bounds = array<i64: 1000, 128>}, {transform_indices = @transform_1, window_bounds = array<i64: 1000, 1>}, {transform_indices = @transform_2, window_bounds = array<i64: 1000, 128>}]} {
    %get3A = arith.constant 0 : index
    %get3A_0 = arith.constant 0 : index
    %get3A_1 = vector.load %arg1[%get3A, %get3A_0] : memref<1000x128xf32, #tpu.memory_space<vmem>>, vector<1000x128xf32>
    %get3A_2 = arith.constant 0 : index
    %get3A_3 = arith.constant 0 : index
    %get3A_4 = vector.load %arg2[%get3A_2, %get3A_3] : memref<1000x1xf32, #tpu.memory_space<vmem>>, vector<1000x1xf32>
    %mul3A = vector.broadcast %get3A_4 : vector<1000x1xf32> to vector<1000x128xf32>
    %mul3A_5 = arith.mulf %get3A_1, %mul3A : vector<1000x128xf32>
    %swap3A = arith.constant 0 : index
    %swap3A_6 = arith.constant 0 : index
    %swap3A_7 = vector.load %arg3[%swap3A, %swap3A_6] : memref<1000x128xf32, #tpu.memory_space<vmem>>, vector<1000x128xf32>
    tpu.vector_store %arg3[%swap3A, %swap3A_6], %mul3A_5 {strides = array<i32>} : memref<1000x128xf32, #tpu.memory_space<vmem>>, vector<1000x128xf32>,
    return
  }
  func.func @transform_0(%arg0: i32) -> (i32, i32) {
    %c0_i32 = arith.constant 0 : i32
    %c0_i32_0 = arith.constant 0 : i32
    return %arg0, %c0_i32 : i32, i32
  }
  func.func @transform_1(%arg0: i32) -> (i32, i32) {
    %c0_i32 = arith.constant 0 : i32
    %c0_i32_0 = arith.constant 0 : i32
    return %arg0, %c0_i32 : i32, i32
  }
  func.func @transform_2(%arg0: i32) -> (i32, i32) {
    %c0_i32 = arith.constant 0 : i32
    %c0_i32_0 = arith.constant 0 : i32
    return %arg0, %c0_i32 : i32, i32
  }
}

module attributes {stable_mosaic.version = 14 : i64} {
  func.func @body(%arg0: i32, %arg1: memref<2x1000x128xf32, #tpu.memory_space<vmem>>, %arg2: memref<1000x1xf32, #tpu.memory_space<vmem>>, %arg3: memref<1000x1xf32, #tpu.memory_space<vmem>>, %arg4: memref<128x256xf32, #tpu.memory_space<vmem>>, %arg5: memref<1x256xf32, #tpu.memory_space<vmem>>, %arg6: memref<256x128xf32, #tpu.memory_space<vmem>>, %arg7: memref<1000x128xf32, #tpu.memory_space<vmem>>) attributes {dimension_semantics = [#tpu.dimension_semantics<arbitrary>], iteration_bounds = array<i64: 10>, scalar_prefetch = 0 : i64, scratch_operands = 0 : i64, tpu.core_type = #tpu.core_type<tc>, window_params = [{transform_indices = @transform_0, window_bounds = array<i64: 2, 1000, 128>}, {transform_indices = @transform_1, window_bounds = array<i64: 1000, 1>}, {transform_indices = @transform_2, window_bounds = array<i64: 1000, 1>}, {pipeline_mode = #tpu.pipeline_mode<synchronous>, transform_indices = @transform_3, window_bounds = array<i64: 128, 256>}, {pipeline_mode = #tpu.pipeline_mode<synchronous>, transform_indices = @transform_4, window_bounds = array<i64: 1, 256>}, {pipeline_mode = #tpu.pipeline_mode<synchronous>, transform_indices = @transform_5, window_bounds = array<i64: 256, 128>}, {transform_indices = @transform_6, window_bounds = array<i64: 1000, 128>}]} {
    %get3A = arith.constant 0 : index
    %get3A_0 = arith.constant 0 : index
    %get3A_1 = arith.constant 0 : index
    %get3A_2 = vector.load %arg1[%get3A, %get3A_0, %get3A_1] : memref<2x1000x128xf32, #tpu.memory_space<vmem>>, vector<1x1000x128xf32>
    %get3A_3 = vector.shape_cast %get3A_2 : vector<1x1000x128xf32> to vector<1000x128xf32>
    %get3A_4 = arith.constant 1 : index
    %get3A_5 = arith.constant 0 : index
    %get3A_6 = arith.constant 0 : index
    %get3A_7 = vector.load %arg1[%get3A_4, %get3A_5, %get3A_6] : memref<2x1000x128xf32, #tpu.memory_space<vmem>>, vector<1x1000x128xf32>
    %get3A_8 = vector.shape_cast %get3A_7 : vector<1x1000x128xf32> to vector<1000x128xf32>
    %add3A = arith.addf %get3A_3, %get3A_8 : vector<1000x128xf32>
    %get3A_9 = arith.constant 0 : index
    %get3A_10 = arith.constant 0 : index
    %get3A_11 = vector.load %arg2[%get3A_9, %get3A_10] : memref<1000x1xf32, #tpu.memory_space<vmem>>, vector<1000x1xf32>
    %mul3A = vector.broadcast %get3A_11 : vector<1000x1xf32> to vector<1000x128xf32>
    %mul3A_12 = arith.mulf %add3A, %mul3A : vector<1000x128xf32>
    %get3A_13 = arith.constant 0 : index
    %get3A_14 = arith.constant 0 : index
    %get3A_15 = vector.load %arg4[%get3A_13, %get3A_14] : memref<128x256xf32, #tpu.memory_space<vmem>>, vector<128x256xf32>
    %dot_general3A = arith.constant dense<0.000000e+00> : vector<1000x256xf32>
    %dot_general3A_16 = tpu.matmul %mul3A_12, %get3A_15, %dot_general3A {dimension_numbers = #tpu.dot_dimension_numbers<[1], [0], [0], [1], [0, 0, 1, 1], [], []>, transpose_lhs_hint = false} : vector<1000x128xf32>, vector<128x256xf32>, vector<1000x256xf32> -> vector<1000x256xf32>
    %get3A_17 = arith.constant 0 : index
    %get3A_18 = arith.constant 0 : index
    %get3A_19 = vector.load %arg5[%get3A_17, %get3A_18] : memref<1x256xf32, #tpu.memory_space<vmem>>, vector<1x256xf32>
    %add3A_20 = vector.broadcast %get3A_19 : vector<1x256xf32> to vector<1000x256xf32>
    %add3A_21 = arith.addf %dot_general3A_16, %add3A_20 : vector<1000x256xf32>
    %max3A = arith.constant 0.000000e+00 : f32
    %max3A_22 = vector.broadcast %max3A : f32 to vector<1000x256xf32>
    %max3A_23 = arith.maximumf %add3A_21, %max3A_22 : vector<1000x256xf32>
    %get3A_24 = arith.constant 0 : index
    %get3A_25 = arith.constant 0 : index
    %get3A_26 = vector.load %arg3[%get3A_24, %get3A_25] : memref<1000x1xf32, #tpu.memory_space<vmem>>, vector<1000x1xf32>
    %mul3A_27 = vector.broadcast %get3A_26 : vector<1000x1xf32> to vector<1000x256xf32>
    %mul3A_28 = arith.mulf %max3A_23, %mul3A_27 : vector<1000x256xf32>
    %get3A_29 = arith.constant 0 : index
    %get3A_30 = arith.constant 0 : index
    %get3A_31 = vector.load %arg6[%get3A_29, %get3A_30] : memref<256x128xf32, #tpu.memory_space<vmem>>, vector<256x128xf32>
    %dot_general3A_32 = arith.constant dense<0.000000e+00> : vector<1000x128xf32>
    %dot_general3A_33 = tpu.matmul %mul3A_28, %get3A_31, %dot_general3A_32 {dimension_numbers = #tpu.dot_dimension_numbers<[1], [0], [0], [1], [0, 0, 1, 1], [], []>, transpose_lhs_hint = false} : vector<1000x256xf32>, vector<256x128xf32>, vector<1000x128xf32> -> vector<1000x128xf32>
    %swap3A = arith.constant 0 : index
    %swap3A_34 = arith.constant 0 : index
    %swap3A_35 = vector.load %arg7[%swap3A, %swap3A_34] : memref<1000x128xf32, #tpu.memory_space<vmem>>, vector<1000x128xf32>
    tpu.vector_store %arg7[%swap3A, %swap3A_34], %dot_general3A_33 {strides = array<i32>} : memref<1000x128xf32, #tpu.memory_space<vmem>>, vector<1000x128xf32>,
    return
  }
  func.func @transform_0(%arg0: i32) -> (i32, i32, i32) {
    %c0_i32 = arith.constant 0 : i32
    %c0_i32_0 = arith.constant 0 : i32
    %c0_i32_1 = arith.constant 0 : i32
    return %c0_i32, %arg0, %c0_i32_0 : i32, i32, i32
  }
  func.func @transform_1(%arg0: i32) -> (i32, i32) {
    %c0_i32 = arith.constant 0 : i32
    %c0_i32_0 = arith.constant 0 : i32
    return %arg0, %c0_i32 : i32, i32
  }
  func.func @transform_2(%arg0: i32) -> (i32, i32) {
    %c0_i32 = arith.constant 0 : i32
    %c0_i32_0 = arith.constant 0 : i32
    return %arg0, %c0_i32 : i32, i32
  }
  func.func @transform_3(%arg0: i32) -> (i32, i32) {
    %c0_i32 = arith.constant 0 : i32
    %c0_i32_0 = arith.constant 0 : i32
    %c0_i32_1 = arith.constant 0 : i32
    return %c0_i32, %c0_i32_0 : i32, i32
  }
  func.func @transform_4(%arg0: i32) -> (i32, i32) {
    %c0_i32 = arith.constant 0 : i32
    %c0_i32_0 = arith.constant 0 : i32
    %c0_i32_1 = arith.constant 0 : i32
    return %c0_i32, %c0_i32_0 : i32, i32
  }
  func.func @transform_5(%arg0: i32) -> (i32, i32) {
    %c0_i32 = arith.constant 0 : i32
    %c0_i32_0 = arith.constant 0 : i32
    %c0_i32_1 = arith.constant 0 : i32
    return %c0_i32, %c0_i32_0 : i32, i32
  }
  func.func @transform_6(%arg0: i32) -> (i32, i32) {
    %c0_i32 = arith.constant 0 : i32
    %c0_i32_0 = arith.constant 0 : i32
    return %arg0, %c0_i32 : i32, i32
  }
}

module attributes {stable_mosaic.version = 14 : i64} {
  func.func @body(%arg0: i32, %arg1: memref<2x1000x128xf32, #tpu.memory_space<vmem>>, %arg2: memref<1000x1xf32, #tpu.memory_space<vmem>>, %arg3: memref<1x128xf32, #tpu.memory_space<vmem>>, %arg4: memref<1000x128xf32, #tpu.memory_space<vmem>>) attributes {dimension_semantics = [#tpu.dimension_semantics<arbitrary>], iteration_bounds = array<i64: 10>, scalar_prefetch = 0 : i64, scratch_operands = 0 : i64, tpu.core_type = #tpu.core_type<tc>, window_params = [{transform_indices = @transform_0, window_bounds = array<i64: 2, 1000, 128>}, {transform_indices = @transform_1, window_bounds = array<i64: 1000, 1>}, {pipeline_mode = #tpu.pipeline_mode<synchronous>, transform_indices = @transform_2, window_bounds = array<i64: 1, 128>}, {transform_indices = @transform_3, window_bounds = array<i64: 1000, 128>}]} {
    %get3A = arith.constant 0 : index
    %get3A_0 = arith.constant 0 : index
    %get3A_1 = arith.constant 0 : index
    %get3A_2 = vector.load %arg1[%get3A, %get3A_0, %get3A_1] : memref<2x1000x128xf32, #tpu.memory_space<vmem>>, vector<1x1000x128xf32>
    %get3A_3 = vector.shape_cast %get3A_2 : vector<1x1000x128xf32> to vector<1000x128xf32>
    %get3A_4 = arith.constant 1 : index
    %get3A_5 = arith.constant 0 : index
    %get3A_6 = arith.constant 0 : index
    %get3A_7 = vector.load %arg1[%get3A_4, %get3A_5, %get3A_6] : memref<2x1000x128xf32, #tpu.memory_space<vmem>>, vector<1x1000x128xf32>
    %get3A_8 = vector.shape_cast %get3A_7 : vector<1x1000x128xf32> to vector<1000x128xf32>
    %add3A = arith.addf %get3A_3, %get3A_8 : vector<1000x128xf32>
    %get3A_9 = arith.constant 0 : index
    %get3A_10 = arith.constant 0 : index
    %get3A_11 = vector.load %arg2[%get3A_9, %get3A_10] : memref<1000x1xf32, #tpu.memory_space<vmem>>, vector<1000x1xf32>
    %mul3A = vector.broadcast %get3A_11 : vector<1000x1xf32> to vector<1000x128xf32>
    %mul3A_12 = arith.mulf %add3A, %mul3A : vector<1000x128xf32>
    %get3A_13 = arith.constant 0 : index
    %get3A_14 = arith.constant 0 : index
    %get3A_15 = vector.load %arg3[%get3A_13, %get3A_14] : memref<1x128xf32, #tpu.memory_space<vmem>>, vector<1x128xf32>
    %add3A_16 = vector.broadcast %get3A_15 : vector<1x128xf32> to vector<1000x128xf32>
    %add3A_17 = arith.addf %mul3A_12, %add3A_16 : vector<1000x128xf32>
    %swap3A = arith.constant 0 : index
    %swap3A_18 = arith.constant 0 : index
    %swap3A_19 = vector.load %arg4[%swap3A, %swap3A_18] : memref<1000x128xf32, #tpu.memory_space<vmem>>, vector<1000x128xf32>
    tpu.vector_store %arg4[%swap3A, %swap3A_18], %add3A_17 {strides = array<i32>} : memref<1000x128xf32, #tpu.memory_space<vmem>>, vector<1000x128xf32>,
    return
  }
  func.func @transform_0(%arg0: i32) -> (i32, i32, i32) {
    %c0_i32 = arith.constant 0 : i32
    %c0_i32_0 = arith.constant 0 : i32
    %c0_i32_1 = arith.constant 0 : i32
    return %c0_i32, %arg0, %c0_i32_0 : i32, i32, i32
  }
  func.func @transform_1(%arg0: i32) -> (i32, i32) {
    %c0_i32 = arith.constant 0 : i32
    %c0_i32_0 = arith.constant 0 : i32
    return %arg0, %c0_i32 : i32, i32
  }
  func.func @transform_2(%arg0: i32) -> (i32, i32) {
    %c0_i32 = arith.constant 0 : i32
    %c0_i32_0 = arith.constant 0 : i32
    %c0_i32_1 = arith.constant 0 : i32
    return %c0_i32, %c0_i32_0 : i32, i32
  }
  func.func @transform_3(%arg0: i32) -> (i32, i32) {
    %c0_i32 = arith.constant 0 : i32
    %c0_i32_0 = arith.constant 0 : i32
    return %arg0, %c0_i32 : i32, i32
  }
}

</mosaic_0001>

<sc_bundles>
// kernel: kernel.12.cloned.1.call-start
scs
__scs_entry_jumppad:
0x0: {  	(pc) =	sbr.rel $0x88, $3  }
0x1: {  	(tag) =	ssettag $0x0;
	lr =	simm.s32 $0x1  }
0x2: {  	[smem:$0x3F9B] =	sst lr;
	_ =	strace $0xD0000000  }
0x3: {  	_ = 	snop  }
0x4: {  	_ = 	snop  }
0x5: {  	_ = 	snop  }
0x6: {  	_ = 	snop  }
0x7: {  	_ = 	snop  }
__scs_overlays_trampoline_lowered:
0x8: {  	[smem:$0x3FAA] =	sst s0  }
0x9: {  	[smem:$0x3FAB] =	sst s1  }
0xa: {  	[smem:$0x3FAC] =	sst s2  }
0xb: {  	[smem:$0x3FAD] =	sst s3  }
0xc: {  	[smem:$0x3FAE] =	sst s4  }
0xd: {  	[smem:$0x3FAF] =	sst s5  }
0xe: {  	[smem:$0x3FB0] =	sst s6  }
0xf: {  	[smem:$0x3FB1] =	sst s7  }
0x10: {  	[smem:$0x3FB2] =	sst s8  }
0x11: {  	[smem:$0x3FB3] =	sst s9;
	s0 =	simm.s32 @!p0 $0x0  }
0x12: {  	s1 =	sld [smem:$0x3F99];
	s0 =	simm.s32 @p0 $0x1  }
0x13: {  	[smem:$0x3FB4] =	sst s0;
	s0 =	simm.s32 @!p1 $0x0  }
0x14: {  	s2 =	sld [smem:$0x3F98];
	s0 =	simm.s32 @p1 $0x1  }
0x15: {  	[smem:$0x3FB5] =	sst s0;
	s0 =	simm.s32 @!p2 $0x0  }
0x16: {  	s3 =	sld [smem:$0x3FDB];
	s0 =	simm.s32 @p2 $0x1  }
0x17: {  	s4 =	simm.s32 $0x1BF5;
	[smem:$0x3FB7] =	sst s0  }
0x18: {  	s0 =	sld [smem:$0x3F9A];
	_ =	swait.ge [sflag:s4], $0x0  }
0x19: {  	s7 =	sld [smem:$0x3F9B]  }
0x1a: {  	s8 =	sadd.s32 $0xFFFFE003, lr  }
0x1b: {  	s9 =	sadd.s32 $0xFFFFFEF7, lr;
	s5 =	simm.s32 $0xFFFFFFFF;
	p2 =	slt.u32 s8, $0xFFFFF086  }
0x1c: {  	p1 =	slt.u32 s9, $0xF7A;
	s5 =	simm.s32 @!p2 $0x0  }
0x1d: {  	s5 =	simm.s32 @p1 $0x1;
	p0 =	seq.s32 s7, s2  }
0x1e: {  	s7 =	smul.u32 @!p0 $0xF7A, s2;
	p2 =	seq.s32 @!p0 s5, $0x0  }
0x1f: {  	s9 =	smul.u32 $0xF7A, s1;
	s8 =	simm.s32 @!p0 $0x1BF5;
	p2 =	por !p2, p0  }
0x20: {  	[sflag:s8] =	ssyncset.s32 @!p0 $0xFFFFF086;
	s6 =	sadd.s32 @!p0 s3, s7;
	s7 =	simm.s32 @!p0 $0x108  }
0x21: {  	s3 =	sadd.s32 s3, s9;
	s6 =	sadd.s32 @!p0 $0x88, s6;
	s7 =	simm.s32 @p2 $0x1082  }
0x22: {  	[simem:s7], [sflag:s8] =	dma.local @!p0 [hbm:s6], $0xF7A  }
0x23: {  	s9 =	sor.u32 $0xD0000000, s2;
	s6 =	simm.s32 $0x108;
	_ =	swait.ge @!p0 [sflag:s8], $0x0  }
0x24: {  	s3 =	sadd.s32 $0x88, s3;
	s6 =	simm.s32 @!p1 $0x1082;
	[sflag:s4] =	ssyncset.s32 $0xFFFFF086  }
0x25: {  	[simem:s6], [sflag:s4] =	dma.local [hbm:s3], $0xF7A  }
0x26: {  	[smem:$0x3F9B] =	sst s1;
	(tag) =	ssettag s2;
	_ =	strace s9  }
0x27: {  	s1 =	sld [smem:$0x3FAB]  }
0x28: {  	s2 =	sld [smem:$0x3FAC]  }
0x29: {  	s4 =	sld [smem:$0x3FAE]  }
0x2a: {  	p0 =	seq.s32 s5, $0x0;
	s5 =	sld [smem:$0x3FAF]  }
0x2b: {  	s6 =	sld [smem:$0x3FB0]  }
0x2c: {  	s7 =	sld [smem:$0x3FB1]  }
0x2d: {  	s3 =	simm.s32 $0x108;
	s8 =	sld [smem:$0x3FB2]  }
0x2e: {  	s3 =	simm.s32 @!p0 $0x1082;
	s9 =	sld [smem:$0x3FB3]  }
0x2f: {  	lr =	sadd.s32 s0, s3;
	s0 =	sld [smem:$0x3FAA]  }
0x30: {  	s3 =	sld [smem:$0x3FAD]  }
0x31: {  	[smem:$0x3FB6] =	sst s10  }
0x32: {  	s10 =	sld [smem:$0x3FB4];
	_ =	sdelay $0x3  }
0x33: {  	p0 =	seq.s32 s10, $0x1;
	s10 =	sld [smem:$0x3FB6];
	_ =	sdelay $0x3  }
0x34: {  	[smem:$0x3FB6] =	sst s10  }
0x35: {  	s10 =	sld [smem:$0x3FB5];
	_ =	sdelay $0x3  }
0x36: {  	p1 =	seq.s32 s10, $0x1;
	s10 =	sld [smem:$0x3FB6];
	_ =	sdelay $0x3  }
0x37: {  	[smem:$0x3FB6] =	sst s10  }
0x38: {  	s10 =	sld [smem:$0x3FB7]  }
0x39: {  	_ = 	snop;
	(pc) =	sbr.ind lr, $3  }
0x3a: {  	_ = 	snop  }
0x3b: {  	_ = 	snop  }
0x3c: {  	p2 =	seq.s32 s10, $0x1;
	s10 =	sld [smem:$0x3FB6]  }
0x3d: {  	_ =	shalt  }
0x3e: {  	_ =	shalt  }
0x3f: {  	_ =	shalt  }
0x40: {  	_ =	shalt  }
0x41: {  	_ =	shalt  }
0x42: {  	_ =	shalt  }
0x43: {  	_ =	shalt  }
0x44: {  	_ =	shalt  }
0x45: {  	_ =	shalt  }
0x46: {  	_ =	shalt  }
0x47: {  	_ =	shalt  }
0x48: {  	_ =	shalt  }
0x49: {  	_ =	shalt  }
0x4a: {  	_ =	shalt  }
0x4b: {  	_ =	shalt  }
0x4c: {  	_ =	shalt  }
0x4d: {  	_ =	shalt  }
0x4e: {  	_ =	shalt  }
0x4f: {  	_ =	shalt  }
0x50: {  	_ =	shalt  }
0x51: {  	_ =	shalt  }
0x52: {  	_ =	shalt  }
0x53: {  	_ =	shalt  }
0x54: {  	_ =	shalt  }
0x55: {  	_ =	shalt  }
0x56: {  	_ =	shalt  }
0x57: {  	_ =	shalt  }
0x58: {  	_ =	shalt  }
0x59: {  	_ =	shalt  }
0x5a: {  	_ =	shalt  }
0x5b: {  	_ =	shalt  }
0x5c: {  	_ =	shalt  }
0x5d: {  	_ =	shalt  }
0x5e: {  	_ =	shalt  }
0x5f: {  	_ =	shalt  }
0x60: {  	_ =	shalt  }
0x61: {  	_ =	shalt  }
0x62: {  	_ =	shalt  }
0x63: {  	_ =	shalt  }
0x64: {  	_ =	shalt  }
0x65: {  	_ =	shalt  }
0x66: {  	_ =	shalt  }
0x67: {  	_ =	shalt  }
0x68: {  	_ =	shalt  }
0x69: {  	_ =	shalt  }
0x6a: {  	_ =	shalt  }
0x6b: {  	_ =	shalt  }
0x6c: {  	_ =	shalt  }
0x6d: {  	_ =	shalt  }
0x6e: {  	_ =	shalt  }
0x6f: {  	_ =	shalt  }
0x70: {  	_ =	shalt  }
0x71: {  	_ =	shalt  }
0x72: {  	_ =	shalt  }
0x73: {  	_ =	shalt  }
0x74: {  	_ =	shalt  }
0x75: {  	_ =	shalt  }
0x76: {  	_ =	shalt  }
0x77: {  	_ =	shalt  }
0x78: {  	_ =	shalt  }
0x79: {  	_ =	shalt  }
0x7a: {  	_ =	shalt  }
0x7b: {  	_ =	shalt  }
0x7c: {  	_ =	shalt  }
0x7d: {  	_ =	shalt  }
0x7e: {  	_ =	shalt  }
0x7f: {  	_ =	shalt  }
0x80: {  	_ =	shalt  }
0x81: {  	_ =	shalt  }
0x82: {  	_ =	shalt  }
0x83: {  	_ =	shalt  }
0x84: {  	_ =	shalt  }
0x85: {  	_ =	shalt  }
0x86: {  	_ =	shalt  }
0x87: {  	_ =	shalt  }
.Lfunc_end0:
.L_simem_size_0:
called_computation.1_lowered:
.L_overlay_start_0:
0x88: {  	s2 =	sld [smem:$0x3FD9]  }
0x89: {  	s3 =	sld [smem:$0x3FFE];
	_ =	sdelay $0x1  }
0x8a: {  	s1 =	srdreg.scid  }
0x8b: {  	s0 =	sand.u32 $0x1, s1  }
0x8c: {  	s17 =	sshll.u32 s0, $0xA;
	s2 =	sadd.s32 s3, s2  }
0x8d: {  	s2 =	sadd.s32 s2, s17  }
0x8e: {  	[smem:$0x3FC2] =	sst s2  }
0x8f: {  	_ = 	snop  }
0x90: {  	s2 =	sld [smem:$0x3FD0];
	(tm) =	ssettm $0x1  }
0x91: {  	s18 =	sld [smem:$0x3FFB];
	_ =	sdelay $0x3  }
0x92: {  	_ =	strace s18  }
0x93: {  	s3 =	sld [smem:$0x3FFC];
	_ =	sdelay $0x3  }
0x94: {  	_ =	strace s3  }
0x95: {  	s3 =	sld [smem:$0x3FFD];
	_ =	sdelay $0x3  }
0x96: {  	_ =	strace s3  }
0x97: {  	_ =	strace $0x8FFFFFFF  }
0x98: {  	s19 =	sld [smem:$0x3FDB];
	_ =	sdelay $0x1  }
0x99: {  	s4 =	simm.s32 $_scs_section_size  }
0x9a: {  	s5 =	simm.s32 $_size__tile_overlayer_lowered;
	s6 =	simm.s32 $_tile_overlayer_lowered  }
0x9b: {  	s22 =	simm.s32 $0x1BFF;
	s21 =	sshll.u32 s6, $0x1;
	s3 =	sadd.s32 s4, s19  }
0x9c: {  	s7 =	simm.s32 $0x0;
	s20 =	sshll.u32 s5, $0x1;
	s5 =	sadd.s32 s21, s3  }
0x9d: {  	[timem:s7], [sflag:s22] =	dma.local [hbm:s5], s20  }
0x9e: {  	_ =	swait.ge [sflag:s22], s20  }
0x9f: {  	s4 =	ssub.s32 $0x0, s20;
	[sflag:s22] =	ssyncset.done $0x0  }
0xa0: {  	[sflag:s22] =	ssyncadd.s32 s4;
	_ =	sdelay $0x1  }
0xa1: {  	s23 =	simm.s32 $0x1B8B  }
0xa2: {  	_ =	swait.ge [sflag:s23], $0x1  }
0xa3: {  	[sflag:s23] =	ssyncset.done $0x0  }
0xa4: {  	s25 =	simm.s32 $0x1B8E;
	s24 =	sld [smem:$0x3FFE];
	[sflag:s23] =	ssyncadd.s32 $0xFFFFFFFF  }
0xa5: {  	s26 =	simm.s32 $execute0_lowered;
	[smem:$0x3FD2] =	sst s25  }
0xa6: {  	s5 =	sshll.u32 s26, $0x1;
	_ =	strace $0x80000049;
	[dreg:$0x1] =	wrdreg $0xFFFFFFFF  }
0xa7: {  	s28 =	simm.s32 $_size_execute0_lowered;
	s3 =	sadd.s32 s3, s5;
	[dreg:$0x0] =	wrdreg $0x0  }
0xa8: {  	s5 =	sshll.u32 s28, $0x1;
	[dreg:$0x2] =	wrdreg s3  }
0xa9: {  	[dreg:$0x3] =	wrdreg s5  }
0xaa: {  	[dreg:$0x4] =	wrdreg $0xC0  }
0xab: {  	_ =	task [dreg:s7], $0x5FFFF  }
0xac: {  	[dreg:$0x1] =	wrdreg $0xFFFFFFFF  }
0xad: {  	[dreg:$0x0] =	wrdreg $0x60  }
0xae: {  	[dreg:$0x2] =	wrdreg s2  }
0xaf: {  	[dreg:$0x3] =	wrdreg s24  }
0xb0: {  	[dreg:$0x4] =	wrdreg $0xC5000  }
0xb1: {  	[dreg:$0x5] =	wrdreg $0x9  }
0xb2: {  	_ =	task.clear_ibuf [dreg:s7], $0x6FFFF;
	_ =	strace $0x90000049  }
0xb3: {  	s29 =	simm.s32 $0x9;
	_ =	strace $0x8000004B  }
0xb4: {  	_ =	swait.ge [sflag:s29], $0x1  }
0xb5: {  	[sflag:s29] =	ssyncadd.s32 $0xFFFFFFFF  }
0xb6: {  	_ =	strace $0x9000004B  }
0xb7: {  	_ =	sfence  }
0xb8: {  	s30 =	sld [smem:$0x0];
	_ =	sdelay $0x2  }
0xb9: {  	s31 =	sshll.u32 s1, $0xD;
	s1 =	sshrl.u32 s1, $0x2  }
0xba: {  	s3 =	sand.u32 $0x4000, s31;
	s1 =	sadd.s32 s1, s30  }
0xbb: {  	s0 =	sor.u32 s3, s0;
	s1 =	sshll.u32 s1, $0x11  }
0xbc: {  	s0 =	sor.u32 s1, s0  }
0xbd: {  	s0 =	sadd.s32 $0x8F2B, s0  }
0xbe: {  	[sflag:s0] =	ssyncadd.remote.s32 $0x1  }
0xbf: {  	_ =	sfence.sel $0xFFFF  }
0xc0: {  	[dreg:$0x0] =	wrdreg $0xFFFFFFFF;
	(pc) =	sbr.abs _section_cstart, $3  }
0xc1: {  	[dreg:$0x1] =	wrdreg $0xFFFFFFFF  }
0xc2: {  	_ =	task.clear_ibuf [dreg:s7], $0x2FFFF;
	_ =	strace $0x9FFFFFFF  }
0xc3: {  	(tm) =	ssettm $0x7FFFFFFF  }
tec
execute0_lowered:
.L_overlay_start_1:
0x0: {  	(tag) =	ssettag $0x1  }
0x1: {  	s1 =	rddreg [dreg:$0x0]  }
0x2: {  	s0 =	rddreg [dreg:$0x1]  }
0x3: {  	s2 =	rddreg [dreg:$0x2]  }
0x4: {  	s25 =	simm.s32 $0x0;
	s4 =	stileid.u32;
	s6 =	srdreg.scid  }
0x5: {  	[smem:$0x7FF] =	sst s25;
	s3 =	sadd.s32 $0x1B600, s0;
	s5 =	smul.u32 $0x2780, s4  }
0x6: {  	s7 =	sadd.s32 $0x16200, s0;
	s6 =	sand.u32 $0x1, s6;
	s8 =	smul.u32 $0x4F000, s4  }
0x7: {  	s9 =	sadd.s32 $0x50E00, s0;
	s12 =	smul.u32 $0x7300, s4;
	s31 =	sadd.s32 $0x128400, s2  }
0x8: {  	s17 =	smul.u32 $0x13C00, s4;
	_ =	strace $0x8000004A;
	s10 =	ssub.s32 $0x2, s6  }
0x9: {  	[dreg:$0x7] =	wrdreg s31;
	s15 =	smul.u32 $0x139000, s6;
	s5 =	sadd.s32 s5, s0  }
0xa: {  	s11 =	sshrl.u32 s10, $0x1;
	s8 =	sshrl.u32 s8, $0x2;
	s0 =	sadd.s32 $0x4EC80, s0  }
0xb: {  	s10 =	ssub.s32 s10, s11;
	s8 =	sadd.s32 s8, s2;
	[dreg:$0x8] =	wrdreg s0  }
0xc: {  	s5 =	sadd.s32 $0x29C00, s5;
	s0 =	sadd.s32 s17, s15;
	[dreg:$0x5] =	wrdreg s8  }
0xd: {  	[dreg:$0x6] =	wrdreg s5;
	s8 =	sshrl.u32 s12, $0x3;
	s30 =	smax.u32 s10, $0x1  }
0xe: {  	s0 =	sshrl.u32 s0, $0x3;
	s12 =	sadd.s32 s3, s8;
	[dreg:$0x15] =	wrdreg s30  }
0xf: {  	s0 =	sadd.s32 s9, s0;
	[dreg:$0x9] =	wrdreg s12  }
0x10: {  	s13 =	sadd.s32 $0x20, s12;
	[dreg:$0x12] =	wrdreg s0  }
0x11: {  	s11 =	smul.u32 $0x2A00, s4;
	s16 =	sadd.s32 $0x40, s12;
	[dreg:$0xa] =	wrdreg s13  }
0x12: {  	s5 =	sshrl.u32 s15, $0x3;
	s18 =	sadd.s32 $0x60, s12;
	[dreg:$0xb] =	wrdreg s16  }
0x13: {  	s14 =	sshrl.u32 s11, $0x3;
	s19 =	sadd.s32 $0x80, s12;
	[dreg:$0xd] =	wrdreg s18  }
0x14: {  	s24 =	sadd.s32 s9, s5;
	s8 =	sadd.s32 s7, s14;
	[dreg:$0xe] =	wrdreg s19  }
0x15: {  	s0 =	sadd.s32 $0x25080, s24;
	[dreg:$0xc] =	wrdreg s8  }
0x16: {  	s23 =	smul.u32 $0xE60, s4;
	s20 =	sadd.s32 $0x20, s8;
	[dreg:$0x14] =	wrdreg s0  }
0x17: {  	s26 =	smul.u32 $0x540, s4;
	s21 =	sadd.s32 $0x40, s8;
	[dreg:$0xf] =	wrdreg s20  }
.Ltmp0:
0x18: {  	s22 =	sadd.s32 $0x60, s8;
	[dreg:$0x10] =	wrdreg s21;
	(pc) =	sbr.rel .LBB2_1-.Ltmp0, $4  }
0x19: {  	s28 =	sadd.s32 s23, s3;
	s8 =	sadd.s32 $0x80, s8;
	[dreg:$0x11] =	wrdreg s22  }
0x1a: {  	s31 =	sadd.s32 s26, s7;
	s0 =	sadd.s32 $0x60, s28;
	[dreg:$0x13] =	wrdreg s8  }
0x1b: {  	s29 =	simm.s32 $0x80;
	[dreg:$0x16] =	wrdreg s0;
	s0 =	sadd.s32 $0x60, s31  }
0x1c: {  	p1 =	seq.s32 s4, $0xF;
	p0 =	seq.s32 s6, $0x1;
	[dreg:$0x17] =	wrdreg s0  }
.LBB2_7:
0x1d: {  	s0 =	sshrl.u32 s9, $0x2;
	_ =	swait.ge @!p2 [sflag:s6], $0x4000  }
0x1e: {  	p3 =	por p5, p2;
	s3 =	smul.u32 $0xFFFFEC00, s0;
	[sflag:s6] =	ssyncset.done @!p2 $0x0  }
0x1f: {  	s4 =	sadd.s32 @!p2 $0x9, s12;
	s0 =	smul.u32 $0xFFFFFFEC, s0;
	[sflag:s6] =	ssyncadd.s32 @!p2 $0xFFFFC000  }
0x20: {  	[spmem:s2] =	stream.indirect.scatter.add.f32 @!p2 [tilespmem:s7], [sflag:s30], $0x80, s20, s11, $0xb8;
	[tilespmem:$0x1FE00] =	vst v63  }
0x21: {  	s5 =	sadd.s32 $0x1, s21;
	s3 =	sshra.s32 s3, $0x2;
	_ =	swait.ge @!p2 [sflag:s4], $0x4000  }
0x22: {  	s0 =	sshra.s32 s0, $0x2;
	s3 =	sadd.s32 s3, s26;
	[sflag:s4] =	ssyncset.done @!p2 $0x0  }
0x23: {  	s0 =	sadd.s32 s0, s14;
	[sflag:s4] =	ssyncadd.s32 @!p2 $0xFFFFC000;
	s4 =	simm.s32 @!p3 $0x0  }
0x24: {  	[tilespmem:s3], [sflag:s0] =	stream.linear.gather @!p3 [hbm4b:s23+s4], $0x100, $0x38;
	[tilespmem:$0x1FE00] =	vst v63  }
0x25: {  	_ =	swait.ge [sflag:s5], $0x100  }
0x26: {  	s24 =	sshll.u32 s21, $0x8;
	[sflag:s5] =	ssyncset.done $0x0  }
0x27: {  	s20 =	sadd.s32 $0x6, s18;
	s23 =	sor.u32 $0x500, s22;
	[sflag:s5] =	ssyncadd.s32 $0xFFFFFF00  }
0x28: {  	[tilespmem:s23], [sflag:s20] =	stream.indirect.gather [hbm4b:s1+s29], $0x80, s24, s29, $0xb8;
	[tilespmem:$0x1FE00] =	vst v63  }
0x29: {  	_ =	swait.ge [sflag:s31], $0x4000  }
0x2a: {  	s25 =	sadd.s32 $0x9, s16;
	s28 =	simm.s32 $0x8;
	[sflag:s31] =	ssyncset.done $0x0  }
0x2b: {  	s30 =	simm.s32 $0x180;
	s26 =	sadd.s32 $0x80, s10;
	[sflag:s31] =	ssyncadd.s32 $0xFFFFC000  }
0x2c: {  	[spmem:s2] =	stream.indirect.scatter.add.f32 [tilespmem:s19], [sflag:s25], $0x80, s26, s29, $0xb8;
	[tilespmem:$0x1FE00] =	vst v63  }
0x2d: {  	s0 =	simm.s32 $0xB;
	s3 =	simm.s32 $0xA;
	_ =	swait.ge [sflag:s28], $0x4000  }
0x2e: {  	s4 =	stileid.u32;
	s5 =	simm.s32 $0x9;
	[sflag:s28] =	ssyncset.done $0x0  }
0x2f: {  	s31 =	simm.s32 $0x8500;
	s25 =	rddreg [dreg:$0x4];
	[sflag:s28] =	ssyncadd.s32 $0xFFFFC000  }
0x30: {  	[spmem:s2] =	stream.indirect.scatter.add.f32 [tilespmem:s31], [sflag:$0xB], $0x80, s30, s29, $0xb8;
	[tilespmem:$0x1FE00] =	vst v63  }
.LBB2_8:
0x31: {  	_ =	swait.ge [sflag:s5], $0x4000  }
0x32: {  	[sflag:s5] =	ssyncset.done $0x0  }
0x33: {  	[sflag:s5] =	ssyncadd.s32 $0xFFFFC000  }
0x34: {  	_ =	swait.ge [sflag:s3], $0x4000  }
0x35: {  	[sflag:s3] =	ssyncset.done $0x0  }
0x36: {  	[sflag:s3] =	ssyncadd.s32 $0xFFFFC000  }
0x37: {  	_ =	swait.ge [sflag:s0], $0x4000  }
0x38: {  	[sflag:s0] =	ssyncset.done $0x0  }
0x39: {  	[sflag:s0] =	ssyncadd.s32 $0xFFFFC000  }
0x3a: {  	[bflag:$0x0] =	sbarrier.arrive $0xFFFF  }
0x3b: {  	s3 =	rddreg [dreg:$0x14]  }
0x3c: {  	s0 =	simm.s32 @p1 $0x1FCC;
	s5 =	rddreg [dreg:$0x18]  }
0x3d: {  	[hbm:s3], [sflag:s0] =	dma.local @p1 [spmem:s5], $0x2180  }
0x3e: {  	s0 =	simm.s32 @p1 $0xC  }
0x3f: {  	_ =	swait.ge @p1 [sflag:s0], $0x2180  }
0x40: {  	s3 =	rddreg [dreg:$0x19]  }
0x41: {  	[sflag:s0] =	ssyncset.done @p1 $0x0;
	s5 =	rddreg [dreg:$0x1a]  }
0x42: {  	[sflag:s0] =	ssyncadd.s32 @p1 $0xFFFFDE80;
	s0 =	rddreg [dreg:$0x12]  }
0x43: {  	[hbm:s0], [sflag:s3] =	dma.local @!p1 [spmem:s5], $0x2780  }
0x44: {  	s0 =	simm.s32 @!p1 $0xC  }
0x45: {  	_ =	swait.ge @!p1 [sflag:s0], $0x2780  }
0x46: {  	s25 =	sadd.s32 $0x1, s25;
	s31 =	rddreg [dreg:$0x15]  }
0x47: {  	p2 =	sne.s32 s25, s31  }
.Ltmp1:
0x48: {  	_ = 	snop;
	(pc) =	sbr.rel @!p2 .LBB2_9-.Ltmp1, $3  }
0x49: {  	_ =	sdelay $0x1  }
0x4a: {  	[sflag:s0] =	ssyncset.done @!p1 $0x0  }
0x4b: {  	[sflag:s0] =	ssyncadd.s32 @!p1 $0xFFFFD880  }
.LBB2_1:
0x4c: {  	s0 =	rddreg [dreg:$0x7]  }
0x4d: {  	s3 =	rddreg [dreg:$0x8];
	s5 =	sshrl.u32 @p1 s0, $0x3  }
0x4e: {  	s0 =	simm.s32 @p1 $0x1FCC;
	[dreg:$0x18] =	wrdreg s5  }
0x4f: {  	[spmem:s5], [sflag:s0] =	dma.local @p1 [hbm:s3], $0x2180  }
0x50: {  	s0 =	simm.s32 @p1 $0xC;
	s3 =	sshll.u32 @!p1 s4, $0x6  }
0x51: {  	_ =	swait.ge @p1 [sflag:s0], $0x2180;
	s3 =	sor.u32 @!p1 $0x1C0C, s3  }
0x52: {  	[sflag:s0] =	ssyncset.done @p1 $0x0;
	[dreg:$0x19] =	wrdreg s3  }
0x53: {  	[sflag:s0] =	ssyncadd.s32 @p1 $0xFFFFDE80;
	s0 =	rddreg [dreg:$0x5]  }
0x54: {  	s5 =	sshrl.u32 @!p1 s0, $0x3;
	s0 =	rddreg [dreg:$0x6]  }
0x55: {  	[dreg:$0x1a] =	wrdreg s5  }
0x56: {  	[spmem:s5], [sflag:s3] =	dma.local @!p1 [hbm:s0], $0x2780  }
0x57: {  	s0 =	simm.s32 @!p1 $0xC  }
.Ltmp2:
0x58: {  	_ =	swait.ge @!p1 [sflag:s0], $0x2780;
	(pc) =	sbr.rel @!p0 .LBB2_2-.Ltmp2, $3  }
0x59: {  	[sflag:s0] =	ssyncset.done @!p1 $0x0  }
0x5a: {  	[sflag:s0] =	ssyncadd.s32 @!p1 $0xFFFFD880  }
0x5b: {  	[bflag:$0x0] =	sbarrier.arrive $0xFFFF;
	_ =	sdelay $0x1  }
0x5c: {  	[dreg:$0x4] =	wrdreg s25  }
0x5d: {  	s0 =	rddreg [dreg:$0xc]  }
0x5e: {  	s16 =	rddreg [dreg:$0xf]  }
0x5f: {  	s3 =	simm.s32 $0x0;
	s4 =	simm.s32 $0x100;
	s17 =	rddreg [dreg:$0x10]  }
0x60: {  	s18 =	simm.s32 $0x200;
	s19 =	rddreg [dreg:$0x11];
	s20 =	simm.s32 $0x300  }
0x61: {  	s22 =	rddreg [dreg:$0x13];
	s5 =	simm.s32 $0x400;
	p4 =	por $0x1, $0x1  }
0x62: {  	[tilespmem:s3], [sflag:$0x1] =	stream.linear.gather [hbm4b:s0+s3], $0x100, $0x38;
	[tilespmem:$0x1FE00] =	vst v63  }
0x63: {  	s14 =	simm.s32 $0xFFFFFFFF;
	s23 =	simm.s32 $0xFFFFFFFE;
	s21 =	smul.u32 $0xAB, s3  }
0x64: {  	s26 =	simm.s32 $0xFFFFFE00;
	s28 =	simm.s32 $0x2;
	s6 =	smul.u32 $0xCD, s3  }
0x65: {  	s15 =	simm.s32 $0x0;
	p2 =	por @!p4 $0x0, $0x0;
	s9 =	smulhi.u32 $0xCCCCCCCD, s23  }
0x66: {  	[tilespmem:s4], [sflag:$0x2] =	stream.linear.gather [hbm4b:s16+s3], $0x100, $0x38;
	[tilespmem:$0x1FE00] =	vst v63  }
0x67: {  	p3 =	por p2, p4;
	p2 =	por $0x1, $0x1;
	s0 =	sshrl.u32 s21, $0x9  }
0x68: {  	s7 =	simm.s32 @!p3 $0xFFFFFFFD;
	s24 =	sshrl.u32 s6, $0xA;
	s11 =	simm.s32 @!p2 $0x80  }
0x69: {  	p5 =	por @!p2 $0x0, $0x0;
	s21 =	simm.s32 @!p3 $0x0;
	s7 =	sand.u32 @!p3 $0xFF, s7  }
0x6a: {  	[tilespmem:s18], [sflag:$0x3] =	stream.linear.gather [hbm4b:s17+s3], $0x100, $0x38;
	[tilespmem:$0x1FE00] =	vst v63  }
0x6b: {  	s0 =	sand.u32 $0x7F, s0;
	s6 =	smul.u32 @!p3 $0xCD, s7;
	s7 =	simm.s32 @!p2 $0xFFFFFFFF  }
0x6c: {  	s0 =	smul.u32 $0x3, s0;
	s17 =	simm.s32 $0x0;
	s7 =	sand.u32 @!p2 $0xFF, s7  }
0x6d: {  	[tilespmem:s20], [sflag:$0x4] =	stream.linear.gather [hbm4b:s19+s3], $0x100, $0x38;
	[tilespmem:$0x1FE00] =	vst v63  }
0x6e: {  	s18 =	sor.u32 @!p2 $0x1, s3;
	s6 =	sshrl.u32 @!p3 s6, $0xA;
	s10 =	smul.u32 @!p2 $0xCD, s7  }
0x6f: {  	s8 =	ssub.s32 $0x0, s0;
	s0 =	simm.s32 $0x1;
	s7 =	smul.u32 @!p2 $0xAB, s7  }
0x70: {  	[tilespmem:s5], [sflag:$0x5] =	stream.linear.gather [hbm4b:s22+s3], $0x100, $0x38;
	[tilespmem:$0x1FE00] =	vst v63  }
0x71: {  	s6 =	smul.u32 @!p3 $0x5, s6;
	s16 =	sand.u32 $0xFF, s8;
	s5 =	sand.u32 $0x3F, s24  }
0x72: {  	s8 =	sadd.s32 @!p4 $0x9, s16;
	s10 =	sshrl.u32 @!p2 s10, $0xA;
	s5 =	smul.u32 $0x5, s5  }
0x73: {  	s7 =	sshrl.u32 @!p2 s7, $0x9;
	s25 =	sshll.u32 s16, $0xE;
	s31 =	sadd.s32 $0x6, s16  }
0x74: {  	s12 =	smul.u32 @!p2 $0x5, s10;
	_ =	swait.ge @!p4 [sflag:s8], $0x4000;
	s5 =	ssub.s32 $0x0, s5  }
0x75: {  	[sflag:s8] =	ssyncset.done @!p4 $0x0;
	s23 =	rddreg [dreg:$0x17];
	s5 =	sand.u32 $0xFF, s5  }
0x76: {  	s13 =	sadd.s32 $0x1, s5;
	s10 =	sshll.u32 s5, $0x8;
	s5 =	smul.u32 @!p2 $0x3, s7  }
0x77: {  	s19 =	sor.u32 $0x500, s25;
	[sflag:s8] =	ssyncadd.s32 @!p4 $0xFFFFC000;
	s22 =	sadd.s32 @!p3 $0xFFFFFFE0, s23  }
0x78: {  	s12 =	ssub.s32 @!p2 $0xFFFFFFFF, s12;
	s3 =	ssub.s32 @!p2 $0xFFFFFFFF, s5;
	s5 =	ssub.s32 @!p3 $0xFFFFFFFD, s6  }
0x79: {  	s7 =	sand.u32 @!p2 $0xFF, s18;
	s8 =	sand.u32 @!p2 $0xFF, s3;
	s3 =	sand.u32 @!p3 $0xFF, s5  }
0x7a: {  	s5 =	smul.u32 @!p2 $0xAB, s7;
	s20 =	sadd.s32 @!p3 $0x1, s3;
	s3 =	sshll.u32 @!p3 s3, $0x8  }
0x7b: {  	[tilespmem:s3], [sflag:s20] =	stream.linear.gather @!p3 [hbm4b:s22+s21], $0x100, $0x38;
	[tilespmem:$0x1FE00] =	vst v63  }
0x7c: {  	s12 =	sand.u32 @!p2 $0xFF, s12;
	s20 =	smul.u32 @!p2 $0xCD, s7;
	s5 =	sshrl.u32 @!p2 s5, $0x9  }
0x7d: {  	s6 =	sadd.s32 @!p2 $0x6, s8;
	s5 =	smul.u32 @!p2 $0x3, s5;
	_ =	swait.ge [sflag:s13], $0x100  }
0x7e: {  	s21 =	sshll.u32 @!p2 s12, $0x8;
	s20 =	sshrl.u32 @!p2 s20, $0xA;
	[sflag:s13] =	ssyncset.done $0x0  }
0x7f: {  	s12 =	smul.u32 @!p2 $0x5, s20;
	s5 =	ssub.s32 @!p2 s18, s5;
	[sflag:s13] =	ssyncadd.s32 $0xFFFFFF00  }
0x80: {  	[tilespmem:s19], [sflag:s31] =	stream.indirect.gather [hbm4b:s1+s29], $0x80, s10, s29, $0xb8;
	[tilespmem:$0x1FE00] =	vst v63  }
0x81: {  	s3 =	sshll.u32 @!p2 s8, $0xE;
	s22 =	ssub.s32 @!p2 s18, s12;
	s12 =	sand.u32 @!p2 $0xFF, s5  }
0x82: {  	s30 =	sadd.s32 @!p2 $0x9, s8;
	s7 =	sor.u32 @!p2 $0x500, s3;
	s18 =	smov.u32 s12  }
0x83: {  	s3 =	sadd.s32 $0x40, s23;
	s22 =	simm.s32 @p2 $0x1;
	s18 =	simm.s32 @p2 $0x1  }
0x84: {  	s20 =	sor.u32 @!p2 $0x80, s21;
	s21 =	sand.u32 $0xFF, s22;
	s22 =	sshll.u32 s18, $0xE  }
.LBB2_6:
0x85: {  	s13 =	smul.u32 $0xAB, s28  }
0x86: {  	s9 =	sshrl.u32 s9, $0x2;
	p4 =	por p5, p2;
	s5 =	smov.u32 s28  }
0x87: {  	s8 =	sadd.s32 $0x2, s28;
	s12 =	sadd.s32 @!p2 $0x9, s12;
	s24 =	smul.u32 $0xFFFFEC00, s9  }
0x88: {  	s25 =	sadd.s32 $0x1, s21;
	s9 =	smul.u32 $0xFFFFFFEC, s9;
	_ =	swait.ge @!p2 [sflag:s6], $0x4000  }
0x89: {  	p3 =	slt.u32 s28, $0x28;
	s24 =	sshra.s32 s24, $0x2;
	[sflag:s6] =	ssyncset.done @!p2 $0x0  }
0x8a: {  	s13 =	sshrl.u32 s13, $0x9;
	s9 =	sshra.s32 s9, $0x2;
	[sflag:s6] =	ssyncadd.s32 @!p2 $0xFFFFC000  }
0x8b: {  	s6 =	sand.u32 $0x7F, s13;
	s13 =	sadd.s32 s24, s26;
	s26 =	smov.u32 s15  }
0x8c: {  	[spmem:s2] =	stream.indirect.scatter.add.f32 @!p2 [tilespmem:s7], [sflag:s30], $0x80, s20, s11, $0xb8;
	[tilespmem:$0x1FE00] =	vst v63  }
0x8d: {  	s6 =	smul.u32 $0x3, s6;
	s7 =	sadd.s32 $0x6, s18;
	_ =	swait.ge @!p2 [sflag:s12], $0x4000  }
0x8e: {  	s11 =	sor.u32 $0x500, s22;
	s18 =	sshll.u32 s21, $0x8;
	[sflag:s12] =	ssyncset.done @!p2 $0x0  }
0x8f: {  	s9 =	sadd.s32 s9, s14;
	[sflag:s12] =	ssyncadd.s32 @!p2 $0xFFFFC000;
	s12 =	simm.s32 @!p4 $0x0  }
0x90: {  	[tilespmem:s13], [sflag:s9] =	stream.linear.gather @!p4 [hbm4b:s23+s12], $0x100, $0x38;
	[tilespmem:$0x1FE00] =	vst v63  }
0x91: {  	p5 =	slt.u32 s5, $0x3;
	s14 =	smov.u32 s0;
	_ =	swait.ge [sflag:s25], $0x100  }
0x92: {  	p2 =	sgt.u32 @!p5 s5, $0x27;
	s23 =	smov.u32 s3;
	[sflag:s25] =	ssyncset.done $0x0  }
0x93: {  	p4 =	por p2, p5;
	[sflag:s25] =	ssyncadd.s32 $0xFFFFFF00  }
0x94: {  	[tilespmem:s11], [sflag:s7] =	stream.indirect.gather [hbm4b:s1+s29], $0x80, s18, s29, $0xb8;
	[tilespmem:$0x1FE00] =	vst v63  }
0x95: {  	s12 =	sadd.s32 @!p4 $0xFFFFFFFD, s5;
	s7 =	smul.u32 $0xCD, s5;
	_ =	swait.ge [sflag:s31], $0x4000  }
0x96: {  	s11 =	sand.u32 @!p4 $0xFF, s12;
	[sflag:s31] =	ssyncset.done $0x0  }
0x97: {  	s9 =	smulhi.u32 $0xCCCCCCCD, s17;
	s7 =	sshrl.u32 s7, $0xA;
	[sflag:s31] =	ssyncadd.s32 $0xFFFFC000  }
0x98: {  	s13 =	sadd.s32 $0x9, s16;
	s11 =	smul.u32 @!p4 $0xCD, s11;
	s7 =	sand.u32 $0x3F, s7  }
0x99: {  	s10 =	sadd.s32 $0x80, s10;
	s15 =	sadd.s32 $0x200, s15;
	p2 =	seq.s32 s5, $0x0  }
0x9a: {  	[spmem:s2] =	stream.indirect.scatter.add.f32 [tilespmem:s19], [sflag:s13], $0x80, s10, s29, $0xb8;
	[tilespmem:$0x1FE00] =	vst v63  }
0x9b: {  	s7 =	smul.u32 $0x5, s7;
	s10 =	sshrl.u32 @!p4 s11, $0xA;
	s13 =	sadd.s32 @!p2 $0xFFFFFFFF, s5  }
0x9c: {  	s17 =	sadd.s32 $0x2, s17;
	s18 =	smul.u32 @!p4 $0x5, s10;
	s10 =	sand.u32 @!p2 $0xFF, s13  }
0x9d: {  	s0 =	sadd.s32 $0x2, s0;
	s6 =	ssub.s32 s5, s6;
	s11 =	smul.u32 @!p2 $0xCD, s10  }
0x9e: {  	s16 =	sand.u32 $0xFF, s6;
	s7 =	ssub.s32 s5, s7;
	s6 =	smul.u32 @!p2 $0xAB, s10  }
0x9f: {  	s20 =	sadd.s32 @!p5 $0x9, s16;
	s7 =	sand.u32 $0xFF, s7;
	s10 =	sshrl.u32 @!p2 s11, $0xA  }
0xa0: {  	s21 =	sadd.s32 $0x1, s7;
	s6 =	sshrl.u32 @!p2 s6, $0x9;
	s22 =	smul.u32 @!p2 $0x5, s10  }
0xa1: {  	s24 =	sor.u32 @!p2 $0x1, s5;
	s10 =	sshll.u32 s7, $0x8;
	s6 =	smul.u32 @!p2 $0x3, s6  }
0xa2: {  	s25 =	sand.u32 @!p2 $0xFF, s24;
	s7 =	sshll.u32 s16, $0xE;
	_ =	swait.ge @!p5 [sflag:s20], $0x4000  }
0xa3: {  	s19 =	sor.u32 $0x500, s7;
	s6 =	ssub.s32 @!p2 s13, s6;
	[sflag:s20] =	ssyncset.done @!p5 $0x0  }
0xa4: {  	s11 =	simm.s32 @!p2 $0x80;
	[sflag:s20] =	ssyncadd.s32 @!p5 $0xFFFFC000;
	p5 =	sgt.u32 @!p2 s5, $0x26  }
0xa5: {  	s5 =	ssub.s32 @!p4 s12, s18;
	s12 =	sand.u32 @!p2 $0xFF, s6;
	s18 =	smul.u32 @!p2 $0xAB, s25  }
0xa6: {  	s5 =	sand.u32 @!p4 $0xFF, s5;
	s6 =	sadd.s32 @!p2 $0x6, s12;
	s7 =	sshll.u32 @!p2 s12, $0xE  }
0xa7: {  	s13 =	ssub.s32 @!p2 s13, s22;
	s22 =	smul.u32 @!p2 $0xCD, s25;
	s28 =	sadd.s32 @!p4 $0x1, s5  }
0xa8: {  	s3 =	sadd.s32 $0x40, s3;
	s5 =	sshll.u32 @!p4 s5, $0x8;
	s7 =	sor.u32 @!p2 $0x500, s7  }
0xa9: {  	s13 =	sand.u32 @!p2 $0xFF, s13;
	s25 =	simm.s32 @!p4 $0x0;
	s18 =	sshrl.u32 @!p2 s18, $0x9  }
0xaa: {  	s4 =	sadd.s32 @!p4 $0xFFFFFFE0, s23;
	s13 =	sshll.u32 @!p2 s13, $0x8;
	s18 =	smul.u32 @!p2 $0x3, s18  }
0xab: {  	s20 =	sor.u32 @!p2 $0x80, s13;
	s30 =	sadd.s32 @!p2 $0x9, s12;
	s12 =	sshrl.u32 @!p2 s22, $0xA  }
0xac: {  	s31 =	sadd.s32 $0x6, s16;
	s12 =	smul.u32 @!p2 $0x5, s12;
	s13 =	ssub.s32 @!p2 s24, s18  }
0xad: {  	[tilespmem:s5], [sflag:s28] =	stream.linear.gather @!p4 [hbm4b:s4+s25], $0x100, $0x38;
	[tilespmem:$0x1FE00] =	vst v63  }
.Ltmp3:
0xae: {  	s4 =	ssub.s32 @!p2 s24, s12;
	s12 =	sand.u32 @!p2 $0xFF, s13;
	(pc) =	sbr.rel @p3 .LBB2_6-.Ltmp3, $4  }
0xaf: {  	s28 =	smov.u32 s8;
	_ =	swait.ge [sflag:s21], $0x100;
	s18 =	smov.u32 s12  }
0xb0: {  	s4 =	simm.s32 @p2 $0x1;
	[sflag:s21] =	ssyncset.done $0x0;
	s18 =	simm.s32 @p2 $0x1  }
0xb1: {  	[sflag:s21] =	ssyncadd.s32 $0xFFFFFF00;
	s21 =	sand.u32 $0xFF, s4;
	s22 =	sshll.u32 s18, $0xE  }
0xb2: {  	[tilespmem:s19], [sflag:s31] =	stream.indirect.gather [hbm4b:s1+s29], $0x80, s10, s29, $0xb8;
	[tilespmem:$0x1FE00] =	vst v63  }
.Ltmp4:
0xb3: {  	_ = 	snop;
	(pc) =	sbr.rel .LBB2_7-.Ltmp4, $1  }
0xb4: {  	_ =	sdelay $0x3  }
.LBB2_2:
0xb5: {  	s0 =	rddreg [dreg:$0x9]  }
0xb6: {  	s13 =	rddreg [dreg:$0xa]  }
0xb7: {  	s3 =	simm.s32 $0x0;
	s14 =	rddreg [dreg:$0xb]  }
0xb8: {  	s5 =	simm.s32 $0x100;
	s15 =	simm.s32 $0x200;
	s16 =	rddreg [dreg:$0xd]  }
0xb9: {  	s17 =	simm.s32 $0x300;
	s18 =	rddreg [dreg:$0xe];
	s19 =	simm.s32 $0x400  }
0xba: {  	[tilespmem:s3], [sflag:$0x1] =	stream.linear.gather [hbm4b:s0+s3], $0x100, $0x38;
	[tilespmem:$0x1FE00] =	vst v63  }
0xbb: {  	s20 =	simm.s32 $0xFFFFFFFE;
	p3 =	por $0x1, $0x1;
	s21 =	smul.u32 $0xAB, s3  }
0xbc: {  	s31 =	simm.s32 $0x2;
	s0 =	smulhi.u32 $0xCCCCCCCD, s20;
	s6 =	simm.s32 @!p3 $0xFFFFFFFD  }
0xbd: {  	s26 =	simm.s32 $0x0;
	s7 =	smul.u32 $0xCD, s3;
	s6 =	sand.u32 @!p3 $0xFF, s6  }
0xbe: {  	[tilespmem:s5], [sflag:$0x2] =	stream.linear.gather [hbm4b:s13+s3], $0x100, $0x38;
	[tilespmem:$0x1FE00] =	vst v63  }
0xbf: {  	p2 =	por $0x1, $0x1;
	s22 =	sshrl.u32 s0, $0x2;
	s6 =	smul.u32 @!p3 $0xCD, s6  }
0xc0: {  	s12 =	sor.u32 @!p2 $0x1, s3;
	s5 =	sshrl.u32 s21, $0x9;
	s11 =	smul.u32 $0xFFFFEC00, s22  }
0xc1: {  	s7 =	sshrl.u32 s7, $0xA;
	s8 =	sand.u32 $0x7F, s5;
	s5 =	smul.u32 $0xFFFFFFEC, s22  }
0xc2: {  	[tilespmem:s15], [sflag:$0x3] =	stream.linear.gather [hbm4b:s14+s3], $0x100, $0x38;
	[tilespmem:$0x1FE00] =	vst v63  }
0xc3: {  	s7 =	sand.u32 $0x3F, s7;
	s14 =	simm.s32 $0xFFFFFE00;
	s24 =	smul.u32 $0x3, s8  }
0xc4: {  	s15 =	simm.s32 $0x0;
	s6 =	sshrl.u32 @!p3 s6, $0xA;
	s7 =	smul.u32 $0x5, s7  }
0xc5: {  	[tilespmem:s17], [sflag:$0x4] =	stream.linear.gather [hbm4b:s16+s3], $0x100, $0x38;
	[tilespmem:$0x1FE00] =	vst v63  }
0xc6: {  	s8 =	simm.s32 @!p3 $0x0;
	s6 =	smul.u32 @!p3 $0x5, s6;
	s0 =	ssub.s32 $0x0, s24  }
0xc7: {  	s11 =	sshra.s32 s11, $0x2;
	s16 =	simm.s32 $0xFFFFFFFF;
	s0 =	sand.u32 $0xFF, s0  }
0xc8: {  	[tilespmem:s19], [sflag:$0x5] =	stream.linear.gather [hbm4b:s18+s3], $0x100, $0x38;
	[tilespmem:$0x1FE00] =	vst v63  }
0xc9: {  	s17 =	simm.s32 @!p2 $0xFFFFFFFF;
	s28 =	ssub.s32 $0x0, s7;
	s3 =	sadd.s32 @!p3 $0x9, s0  }
0xca: {  	s9 =	sshll.u32 s0, $0xE;
	s18 =	sand.u32 @!p2 $0xFF, s17;
	_ =	swait.ge @!p3 [sflag:s3], $0x4000  }
0xcb: {  	s17 =	sor.u32 $0x500, s9;
	s9 =	smul.u32 @!p2 $0xAB, s18;
	[sflag:s3] =	ssyncset.done @!p3 $0x0  }
0xcc: {  	s13 =	rddreg [dreg:$0x16];
	[sflag:s3] =	ssyncadd.s32 @!p3 $0xFFFFC000;
	s3 =	ssub.s32 @!p3 $0xFFFFFFFD, s6  }
0xcd: {  	s6 =	sadd.s32 @!p3 $0xFFFFFFE0, s13;
	s9 =	sshrl.u32 @!p2 s9, $0x9;
	s3 =	sand.u32 @!p3 $0xFF, s3  }
0xce: {  	s9 =	smul.u32 @!p2 $0x3, s9;
	s19 =	sshll.u32 @!p3 s3, $0x8;
	s3 =	sadd.s32 @!p3 $0x1, s3  }
0xcf: {  	[tilespmem:s19], [sflag:s3] =	stream.linear.gather @!p3 [hbm4b:s6+s8], $0x100, $0x38;
	[tilespmem:$0x1FE00] =	vst v63  }
0xd0: {  	s7 =	sand.u32 @!p2 $0xFF, s12;
	s10 =	sadd.s32 $0x6, s0;
	s6 =	smul.u32 @!p2 $0xCD, s18  }
0xd1: {  	s3 =	sand.u32 $0xFF, s28;
	s8 =	smul.u32 @!p2 $0xAB, s7;
	s9 =	ssub.s32 @!p2 $0xFFFFFFFF, s9  }
0xd2: {  	s7 =	smul.u32 @!p2 $0xCD, s7;
	p3 =	por @!p2 $0x0, $0x0;
	s19 =	smov.u32 s13  }
0xd3: {  	s30 =	sadd.s32 $0x1, s3;
	s23 =	sshll.u32 s3, $0x8;
	s3 =	simm.s32 @!p2 $0x80  }
0xd4: {  	s9 =	sand.u32 @!p2 $0xFF, s9;
	s6 =	sshrl.u32 @!p2 s6, $0xA;
	_ =	swait.ge [sflag:s30], $0x100  }
0xd5: {  	s8 =	sshrl.u32 @!p2 s8, $0x9;
	s18 =	sadd.s32 @!p2 $0x6, s9;
	[sflag:s30] =	ssyncset.done $0x0  }
0xd6: {  	s7 =	sshrl.u32 @!p2 s7, $0xA;
	s6 =	smul.u32 @!p2 $0x5, s6;
	[sflag:s30] =	ssyncadd.s32 $0xFFFFFF00  }
0xd7: {  	[tilespmem:s17], [sflag:s10] =	stream.indirect.gather [hbm4b:s1+s29], $0x80, s23, s29, $0xb8;
	[tilespmem:$0x1FE00] =	vst v63  }
0xd8: {  	s8 =	smul.u32 @!p2 $0x3, s8;
	s6 =	ssub.s32 @!p2 $0xFFFFFFFF, s6;
	_ =	swait.ge @!p2 [sflag:s18], $0x4000  }
0xd9: {  	s7 =	smul.u32 @!p2 $0x5, s7;
	s6 =	sand.u32 @!p2 $0xFF, s6;
	[sflag:s18] =	ssyncset.done @!p2 $0x0  }
0xda: {  	s6 =	sshll.u32 @!p2 s6, $0x8;
	[sflag:s18] =	ssyncadd.s32 @!p2 $0xFFFFC000;
	s18 =	sshll.u32 @!p2 s9, $0xE  }
0xdb: {  	s9 =	sadd.s32 @!p2 $0x9, s9;
	s6 =	sor.u32 @!p2 $0x80, s6;
	s18 =	sor.u32 @!p2 $0x500, s18  }
0xdc: {  	[spmem:s2] =	stream.indirect.scatter.add.f32 @!p2 [tilespmem:s18], [sflag:s9], $0x80, s6, s3, $0xb8;
	[tilespmem:$0x1FE00] =	vst v63  }
0xdd: {  	p4 =	por p3, p2;
	s3 =	sadd.s32 $0x40, s13;
	s6 =	ssub.s32 @!p2 s12, s8  }
0xde: {  	s9 =	simm.s32 $0x1;
	s12 =	ssub.s32 @!p2 s12, s7;
	s7 =	sand.u32 @!p2 $0xFF, s6  }
0xdf: {  	s18 =	sshra.s32 s5, $0x2;
	s12 =	simm.s32 @p2 $0x1;
	s8 =	sadd.s32 @!p2 $0x9, s7  }
0xe0: {  	s5 =	simm.s32 @!p4 $0x0;
	s12 =	sand.u32 $0xFF, s12;
	_ =	swait.ge @!p2 [sflag:s8], $0x4000  }
.LBB2_3:
0xe1: {  	s7 =	simm.s32 @p2 $0x1;
	s20 =	sadd.s32 $0x1, s12  }
0xe2: {  	s6 =	smov.u32 s31;
	s28 =	sadd.s32 $0x2, s31;
	s21 =	smov.u32 s15  }
0xe3: {  	s12 =	sshll.u32 s12, $0x8;
	[sflag:s8] =	ssyncset.done @!p2 $0x0;
	s22 =	sshll.u32 s7, $0xE  }
0xe4: {  	s16 =	sadd.s32 s18, s16;
	s11 =	sadd.s32 s11, s14;
	[sflag:s8] =	ssyncadd.s32 @!p2 $0xFFFFC000  }
0xe5: {  	[tilespmem:s11], [sflag:s16] =	stream.linear.gather @!p4 [hbm4b:s19+s5], $0x100, $0x38;
	[tilespmem:$0x1FE00] =	vst v63  }
0xe6: {  	p3 =	slt.u32 s31, $0x70;
	s14 =	smov.u32 s26;
	_ =	swait.ge [sflag:s20], $0x100  }
0xe7: {  	s19 =	smov.u32 s3;
	s16 =	smov.u32 s9;
	[sflag:s20] =	ssyncset.done $0x0  }
0xe8: {  	s7 =	sadd.s32 $0x6, s7;
	s5 =	sor.u32 $0x500, s22;
	[sflag:s20] =	ssyncadd.s32 $0xFFFFFF00  }
0xe9: {  	[tilespmem:s5], [sflag:s7] =	stream.indirect.gather [hbm4b:s1+s29], $0x80, s12, s29, $0xb8;
	[tilespmem:$0x1FE00] =	vst v63  }
0xea: {  	s26 =	sadd.s32 $0x200, s26;
	_ =	swait.ge [sflag:s10], $0x4000  }
0xeb: {  	s15 =	sadd.s32 $0x2, s15;
	s0 =	sadd.s32 $0x9, s0;
	[sflag:s10] =	ssyncset.done $0x0  }
0xec: {  	s5 =	smul.u32 $0xAB, s6;
	s7 =	sadd.s32 $0x80, s23;
	[sflag:s10] =	ssyncadd.s32 $0xFFFFC000  }
0xed: {  	[spmem:s2] =	stream.indirect.scatter.add.f32 [tilespmem:s17], [sflag:s0], $0x80, s7, s29, $0xb8;
	[tilespmem:$0x1FE00] =	vst v63  }
0xee: {  	p5 =	slt.u32 s6, $0x3;
	s3 =	sadd.s32 $0x40, s3;
	s9 =	sadd.s32 $0x2, s9  }
0xef: {  	s5 =	sshrl.u32 s5, $0x9;
	s0 =	smulhi.u32 $0xCCCCCCCD, s21;
	s7 =	sadd.s32 @!p5 $0xFFFFFFFD, s6  }
0xf0: {  	s8 =	smul.u32 $0xCD, s6;
	s5 =	sand.u32 $0x7F, s5;
	s10 =	sand.u32 @!p5 $0xFF, s7  }
0xf1: {  	p2 =	seq.s32 s6, $0x0;
	s11 =	smul.u32 $0x3, s5;
	s0 =	sshrl.u32 s0, $0x2  }
0xf2: {  	s8 =	sshrl.u32 s8, $0xA;
	s12 =	simm.s32 @!p5 $0x0;
	s5 =	smul.u32 $0xFFFFFFEC, s0  }
0xf3: {  	s17 =	sand.u32 $0x3F, s8;
	s8 =	ssub.s32 s6, s11;
	s18 =	smul.u32 @!p5 $0xCD, s10  }
0xf4: {  	s11 =	smul.u32 $0xFFFFEC00, s0;
	s0 =	sand.u32 $0xFF, s8;
	s8 =	sor.u32 @!p2 $0x1, s6  }
0xf5: {  	s20 =	sadd.s32 @!p5 $0x9, s0;
	s21 =	sshll.u32 s0, $0xE;
	s10 =	sadd.s32 $0x6, s0  }
0xf6: {  	s22 =	sadd.s32 @!p2 $0xFFFFFFFF, s6;
	s11 =	sshra.s32 s11, $0x2;
	_ =	swait.ge @!p5 [sflag:s20], $0x4000  }
0xf7: {  	s30 =	sand.u32 @!p2 $0xFF, s22;
	s23 =	smul.u32 $0x5, s17;
	[sflag:s20] =	ssyncset.done @!p5 $0x0  }
0xf8: {  	s18 =	sshrl.u32 @!p5 s18, $0xA;
	s17 =	sor.u32 $0x500, s21;
	[sflag:s20] =	ssyncadd.s32 @!p5 $0xFFFFC000  }
0xf9: {  	p4 =	sgt.u32 @!p2 s6, $0x6F;
	s18 =	smul.u32 @!p5 $0x5, s18;
	s20 =	ssub.s32 s6, s23  }
0xfa: {  	s21 =	sand.u32 @!p2 $0xFF, s8;
	s6 =	sand.u32 $0xFF, s20;
	s20 =	smul.u32 @!p2 $0xCD, s30  }
0xfb: {  	s7 =	ssub.s32 @!p5 s7, s18;
	s18 =	sadd.s32 @!p5 $0xFFFFFFE0, s19;
	s31 =	sadd.s32 $0x1, s6  }
0xfc: {  	s7 =	sand.u32 @!p5 $0xFF, s7;
	s30 =	smul.u32 @!p2 $0xAB, s30;
	s20 =	sshrl.u32 @!p2 s20, $0xA  }
0xfd: {  	s13 =	smul.u32 @!p2 $0xAB, s21;
	s24 =	sshll.u32 @!p5 s7, $0x8;
	s7 =	sadd.s32 @!p5 $0x1, s7  }
0xfe: {  	p4 =	por p4, p2;
	s23 =	sshll.u32 s6, $0x8;
	s6 =	sshrl.u32 @!p2 s30, $0x9  }
0xff: {  	s13 =	sshrl.u32 @!p2 s13, $0x9;
	s30 =	simm.s32 @!p2 $0x80;
	s6 =	smul.u32 @!p2 $0x3, s6  }
0x100: {  	[tilespmem:s24], [sflag:s7] =	stream.linear.gather @!p5 [hbm4b:s18+s12], $0x100, $0x38;
	[tilespmem:$0x1FE00] =	vst v63  }
0x101: {  	s6 =	ssub.s32 @!p2 s22, s6;
	s7 =	smul.u32 @!p2 $0xCD, s21  }
0x102: {  	s6 =	sand.u32 @!p2 $0xFF, s6;
	s12 =	smul.u32 @!p2 $0x3, s13;
	_ =	swait.ge [sflag:s31], $0x100  }
0x103: {  	s13 =	smul.u32 @!p2 $0x5, s20;
	[sflag:s31] =	ssyncset.done $0x0;
	s7 =	sshrl.u32 @!p2 s7, $0xA  }
0x104: {  	s18 =	sadd.s32 @!p2 $0x6, s6;
	[sflag:s31] =	ssyncadd.s32 $0xFFFFFF00;
	s20 =	smul.u32 @!p2 $0x5, s7  }
0x105: {  	s7 =	ssub.s32 @!p2 s8, s12;
	s12 =	ssub.s32 @!p2 s22, s13;
	s13 =	sshll.u32 @!p2 s6, $0xE  }
0x106: {  	[tilespmem:s17], [sflag:s10] =	stream.indirect.gather [hbm4b:s1+s29], $0x80, s23, s29, $0xb8;
	[tilespmem:$0x1FE00] =	vst v63  }
0x107: {  	s6 =	sadd.s32 @!p2 $0x9, s6;
	s7 =	sand.u32 @!p2 $0xFF, s7;
	_ =	swait.ge @!p2 [sflag:s18], $0x4000  }
0x108: {  	s12 =	sand.u32 @!p2 $0xFF, s12;
	s13 =	sor.u32 @!p2 $0x500, s13;
	[sflag:s18] =	ssyncset.done @!p2 $0x0  }
.Ltmp5:
0x109: {  	[sflag:s18] =	ssyncadd.s32 @!p2 $0xFFFFC000;
	s18 =	ssub.s32 @!p2 s8, s20;
	(pc) =	sbr.rel @p3 .LBB2_3-.Ltmp5, $4  }
0x10a: {  	s31 =	smov.u32 s28;
	s8 =	sshll.u32 @!p2 s12, $0x8;
	s18 =	simm.s32 @p2 $0x1  }
0x10b: {  	s20 =	sor.u32 @!p2 $0x80, s8;
	s8 =	sadd.s32 @!p2 $0x9, s7;
	s12 =	sand.u32 $0xFF, s18  }
0x10c: {  	[spmem:s2] =	stream.indirect.scatter.add.f32 @!p2 [tilespmem:s13], [sflag:s6], $0x80, s20, s30, $0xb8;
	[tilespmem:$0x1FE00] =	vst v63  }
0x10d: {  	s18 =	sshra.s32 s5, $0x2;
	s5 =	simm.s32 @!p4 $0x0;
	_ =	swait.ge @!p2 [sflag:s8], $0x4000  }
0x10e: {  	s3 =	sadd.s32 $0x1, s12;
	[sflag:s8] =	ssyncset.done @!p2 $0x0  }
0x10f: {  	s6 =	sadd.s32 s18, s16;
	s9 =	sadd.s32 s11, s14;
	[sflag:s8] =	ssyncadd.s32 @!p2 $0xFFFFC000  }
0x110: {  	[tilespmem:s9], [sflag:s6] =	stream.linear.gather @!p4 [hbm4b:s19+s5], $0x100, $0x38;
	[tilespmem:$0x1FE00] =	vst v63  }
0x111: {  	s7 =	simm.s32 @p2 $0x1;
	_ =	swait.ge [sflag:s3], $0x100  }
0x112: {  	s16 =	sshll.u32 s12, $0x8;
	s15 =	sshll.u32 s7, $0xE;
	[sflag:s3] =	ssyncset.done $0x0  }
0x113: {  	s18 =	sor.u32 $0x500, s15;
	s19 =	sadd.s32 $0x6, s7;
	[sflag:s3] =	ssyncadd.s32 $0xFFFFFF00  }
0x114: {  	[tilespmem:s18], [sflag:s19] =	stream.indirect.gather [hbm4b:s1+s29], $0x80, s16, s29, $0xb8;
	[tilespmem:$0x1FE00] =	vst v63  }
0x115: {  	_ =	swait.ge [sflag:s10], $0x4000  }
0x116: {  	[sflag:s10] =	ssyncset.done $0x0  }
0x117: {  	s0 =	sadd.s32 $0x9, s0;
	s20 =	sadd.s32 $0x80, s23;
	[sflag:s10] =	ssyncadd.s32 $0xFFFFC000  }
0x118: {  	[spmem:s2] =	stream.indirect.scatter.add.f32 [tilespmem:s17], [sflag:s0], $0x80, s20, s29, $0xb8;
	[tilespmem:$0x1FE00] =	vst v63  }
0x119: {  	s0 =	simm.s32 $0x9  }
0x11a: {  	_ =	swait.ge [sflag:s0], $0x4000  }
0x11b: {  	[sflag:s0] =	ssyncset.done $0x0  }
0x11c: {  	s21 =	simm.s32 $0x5;
	[sflag:s0] =	ssyncadd.s32 $0xFFFFC000  }
0x11d: {  	_ =	swait.ge [sflag:s21], $0x100  }
0x11e: {  	s22 =	simm.s32 $0x400;
	[sflag:s21] =	ssyncset.done $0x0  }
0x11f: {  	s23 =	simm.s32 $0x500;
	s24 =	simm.s32 $0x8;
	[sflag:s21] =	ssyncadd.s32 $0xFFFFFF00  }
0x120: {  	[tilespmem:s23], [sflag:$0x6] =	stream.indirect.gather [hbm4b:s1+s29], $0x80, s22, s29, $0xb8;
	[tilespmem:$0x1FE00] =	vst v63  }
0x121: {  	_ =	swait.ge [sflag:s24], $0x4000  }
0x122: {  	[sflag:s24] =	ssyncset.done $0x0  }
0x123: {  	s26 =	simm.s32 $0x8500;
	s28 =	simm.s32 $0x380;
	[sflag:s24] =	ssyncadd.s32 $0xFFFFC000  }
0x124: {  	[spmem:s2] =	stream.indirect.scatter.add.f32 [tilespmem:s26], [sflag:$0xB], $0x80, s28, s29, $0xb8;
	[tilespmem:$0x1FE00] =	vst v63  }
.Ltmp6:
0x125: {  	s30 =	simm.s32 $0x6;
	(pc) =	sbr.rel .LBB2_8-.Ltmp6, $4  }
0x126: {  	_ =	swait.ge [sflag:s30], $0x4000  }
0x127: {  	s31 =	simm.s32 $0x480;
	[sflag:s30] =	ssyncset.done $0x0  }
0x128: {  	s5 =	simm.s32 $0xA;
	s3 =	simm.s32 $0xB;
	[sflag:s30] =	ssyncadd.s32 $0xFFFFC000  }
0x129: {  	[spmem:s2] =	stream.indirect.scatter.add.f32 [tilespmem:s23], [sflag:$0x9], $0x80, s31, s29, $0xb8;
	[tilespmem:$0x1FE00] =	vst v63  }
.LBB2_9:
0x12a: {  	_ =	sfence.sel $0x180000  }
0x12b: {  	[bflag:$0x0] =	sbarrier.arrive $0xFFFF  }
0x12c: {  	_ =	strace $0x9000004A  }
0x12d: {  	[bflag:$0x2] =	sbarrier.arrive $0xFFFF  }
0x12e: {  	p0 =	sne.s32 s4, $0x0;
	s0 =	rddreg [dreg:$0x3]  }
0x12f: {  	s0 =	sadd.s32 @!p0 $0x100000, s0  }
0x130: {  	[sflag:s0] =	ssyncadd.tile.s32 @!p0 $0x1;
	_ =	shalt  }
.Lfunc_end2:
_tile_overlayer_lowered:
.L_overlay_start_2:
0x131: {  	(tag) =	ssettag $0x2  }
0x132: {  	s0 =	rddreg [dreg:$0x0];
	s2 =	stileid.u32  }
0x133: {  	s1 =	rddreg [dreg:$0x1];
	p0 =	sne.s32 s2, $0x0  }
0x134: {  	s3 =	rddreg [dreg:$0x2];
	[bflag:$0x3] =	sbarrier.arrive $0xFFFF;
	s2 =	simm.s32 @!p0 $0x1C0C  }
0x135: {  	[timem:s3], [sflag:s2] =	dma.local @!p0 [hbm:s0], s1  }
0x136: {  	s0 =	simm.s32 @!p0 $0xC  }
0x137: {  	_ =	swait.ge @!p0 [sflag:s0], s1  }
0x138: {  	s1 =	ssub.s32 @!p0 $0x0, s1;
	[sflag:s0] =	ssyncset.done @!p0 $0x0  }
0x139: {  	[sflag:s0] =	ssyncadd.s32 @!p0 s1  }
0x13a: {  	[bflag:$0x3] =	sbarrier.arrive $0xFFFF  }
0x13b: {  	_ =	shalt  }

// kernel: kernel.15.cloned.1.call-start
scs
__scs_entry_jumppad:
0x0: {  	(pc) =	sbr.rel $0x88, $3  }
0x1: {  	(tag) =	ssettag $0x0;
	lr =	simm.s32 $0x1  }
0x2: {  	[smem:$0x3F9B] =	sst lr;
	_ =	strace $0xD0000000  }
0x3: {  	_ = 	snop  }
0x4: {  	_ = 	snop  }
0x5: {  	_ = 	snop  }
0x6: {  	_ = 	snop  }
0x7: {  	_ = 	snop  }
__scs_overlays_trampoline_lowered:
0x8: {  	[smem:$0x3FAA] =	sst s0  }
0x9: {  	[smem:$0x3FAB] =	sst s1  }
0xa: {  	[smem:$0x3FAC] =	sst s2  }
0xb: {  	[smem:$0x3FAD] =	sst s3  }
0xc: {  	[smem:$0x3FAE] =	sst s4  }
0xd: {  	[smem:$0x3FAF] =	sst s5  }
0xe: {  	[smem:$0x3FB0] =	sst s6  }
0xf: {  	[smem:$0x3FB1] =	sst s7  }
0x10: {  	[smem:$0x3FB2] =	sst s8  }
0x11: {  	[smem:$0x3FB3] =	sst s9;
	s0 =	simm.s32 @!p0 $0x0  }
0x12: {  	s1 =	sld [smem:$0x3F99];
	s0 =	simm.s32 @p0 $0x1  }
0x13: {  	[smem:$0x3FB4] =	sst s0;
	s0 =	simm.s32 @!p1 $0x0  }
0x14: {  	s2 =	sld [smem:$0x3F98];
	s0 =	simm.s32 @p1 $0x1  }
0x15: {  	[smem:$0x3FB5] =	sst s0;
	s0 =	simm.s32 @!p2 $0x0  }
0x16: {  	s3 =	sld [smem:$0x3FDB];
	s0 =	simm.s32 @p2 $0x1  }
0x17: {  	s4 =	simm.s32 $0x1BF5;
	[smem:$0x3FB7] =	sst s0  }
0x18: {  	s0 =	sld [smem:$0x3F9A];
	_ =	swait.ge [sflag:s4], $0x0  }
0x19: {  	s7 =	sld [smem:$0x3F9B]  }
0x1a: {  	s8 =	sadd.s32 $0xFFFFE003, lr  }
0x1b: {  	s9 =	sadd.s32 $0xFFFFFEF7, lr;
	s5 =	simm.s32 $0xFFFFFFFF;
	p2 =	slt.u32 s8, $0xFFFFF086  }
0x1c: {  	p1 =	slt.u32 s9, $0xF7A;
	s5 =	simm.s32 @!p2 $0x0  }
0x1d: {  	s5 =	simm.s32 @p1 $0x1;
	p0 =	seq.s32 s7, s2  }
0x1e: {  	s7 =	smul.u32 @!p0 $0xF7A, s2;
	p2 =	seq.s32 @!p0 s5, $0x0  }
0x1f: {  	s9 =	smul.u32 $0xF7A, s1;
	s8 =	simm.s32 @!p0 $0x1BF5;
	p2 =	por !p2, p0  }
0x20: {  	[sflag:s8] =	ssyncset.s32 @!p0 $0xFFFFF086;
	s6 =	sadd.s32 @!p0 s3, s7;
	s7 =	simm.s32 @!p0 $0x108  }
0x21: {  	s3 =	sadd.s32 s3, s9;
	s6 =	sadd.s32 @!p0 $0x88, s6;
	s7 =	simm.s32 @p2 $0x1082  }
0x22: {  	[simem:s7], [sflag:s8] =	dma.local @!p0 [hbm:s6], $0xF7A  }
0x23: {  	s9 =	sor.u32 $0xD0000000, s2;
	s6 =	simm.s32 $0x108;
	_ =	swait.ge @!p0 [sflag:s8], $0x0  }
0x24: {  	s3 =	sadd.s32 $0x88, s3;
	s6 =	simm.s32 @!p1 $0x1082;
	[sflag:s4] =	ssyncset.s32 $0xFFFFF086  }
0x25: {  	[simem:s6], [sflag:s4] =	dma.local [hbm:s3], $0xF7A  }
0x26: {  	[smem:$0x3F9B] =	sst s1;
	(tag) =	ssettag s2;
	_ =	strace s9  }
0x27: {  	s1 =	sld [smem:$0x3FAB]  }
0x28: {  	s2 =	sld [smem:$0x3FAC]  }
0x29: {  	s4 =	sld [smem:$0x3FAE]  }
0x2a: {  	p0 =	seq.s32 s5, $0x0;
	s5 =	sld [smem:$0x3FAF]  }
0x2b: {  	s6 =	sld [smem:$0x3FB0]  }
0x2c: {  	s7 =	sld [smem:$0x3FB1]  }
0x2d: {  	s3 =	simm.s32 $0x108;
	s8 =	sld [smem:$0x3FB2]  }
0x2e: {  	s3 =	simm.s32 @!p0 $0x1082;
	s9 =	sld [smem:$0x3FB3]  }
0x2f: {  	lr =	sadd.s32 s0, s3;
	s0 =	sld [smem:$0x3FAA]  }
0x30: {  	s3 =	sld [smem:$0x3FAD]  }
0x31: {  	[smem:$0x3FB6] =	sst s10  }
0x32: {  	s10 =	sld [smem:$0x3FB4];
	_ =	sdelay $0x3  }
0x33: {  	p0 =	seq.s32 s10, $0x1;
	s10 =	sld [smem:$0x3FB6];
	_ =	sdelay $0x3  }
0x34: {  	[smem:$0x3FB6] =	sst s10  }
0x35: {  	s10 =	sld [smem:$0x3FB5];
	_ =	sdelay $0x3  }
0x36: {  	p1 =	seq.s32 s10, $0x1;
	s10 =	sld [smem:$0x3FB6];
	_ =	sdelay $0x3  }
0x37: {  	[smem:$0x3FB6] =	sst s10  }
0x38: {  	s10 =	sld [smem:$0x3FB7]  }
0x39: {  	_ = 	snop;
	(pc) =	sbr.ind lr, $3  }
0x3a: {  	_ = 	snop  }
0x3b: {  	_ = 	snop  }
0x3c: {  	p2 =	seq.s32 s10, $0x1;
	s10 =	sld [smem:$0x3FB6]  }
0x3d: {  	_ =	shalt  }
0x3e: {  	_ =	shalt  }
0x3f: {  	_ =	shalt  }
0x40: {  	_ =	shalt  }
0x41: {  	_ =	shalt  }
0x42: {  	_ =	shalt  }
0x43: {  	_ =	shalt  }
0x44: {  	_ =	shalt  }
0x45: {  	_ =	shalt  }
0x46: {  	_ =	shalt  }
0x47: {  	_ =	shalt  }
0x48: {  	_ =	shalt  }
0x49: {  	_ =	shalt  }
0x4a: {  	_ =	shalt  }
0x4b: {  	_ =	shalt  }
0x4c: {  	_ =	shalt  }
0x4d: {  	_ =	shalt  }
0x4e: {  	_ =	shalt  }
0x4f: {  	_ =	shalt  }
0x50: {  	_ =	shalt  }
0x51: {  	_ =	shalt  }
0x52: {  	_ =	shalt  }
0x53: {  	_ =	shalt  }
0x54: {  	_ =	shalt  }
0x55: {  	_ =	shalt  }
0x56: {  	_ =	shalt  }
0x57: {  	_ =	shalt  }
0x58: {  	_ =	shalt  }
0x59: {  	_ =	shalt  }
0x5a: {  	_ =	shalt  }
0x5b: {  	_ =	shalt  }
0x5c: {  	_ =	shalt  }
0x5d: {  	_ =	shalt  }
0x5e: {  	_ =	shalt  }
0x5f: {  	_ =	shalt  }
0x60: {  	_ =	shalt  }
0x61: {  	_ =	shalt  }
0x62: {  	_ =	shalt  }
0x63: {  	_ =	shalt  }
0x64: {  	_ =	shalt  }
0x65: {  	_ =	shalt  }
0x66: {  	_ =	shalt  }
0x67: {  	_ =	shalt  }
0x68: {  	_ =	shalt  }
0x69: {  	_ =	shalt  }
0x6a: {  	_ =	shalt  }
0x6b: {  	_ =	shalt  }
0x6c: {  	_ =	shalt  }
0x6d: {  	_ =	shalt  }
0x6e: {  	_ =	shalt  }
0x6f: {  	_ =	shalt  }
0x70: {  	_ =	shalt  }
0x71: {  	_ =	shalt  }
0x72: {  	_ =	shalt  }
0x73: {  	_ =	shalt  }
0x74: {  	_ =	shalt  }
0x75: {  	_ =	shalt  }
0x76: {  	_ =	shalt  }
0x77: {  	_ =	shalt  }
0x78: {  	_ =	shalt  }
0x79: {  	_ =	shalt  }
0x7a: {  	_ =	shalt  }
0x7b: {  	_ =	shalt  }
0x7c: {  	_ =	shalt  }
0x7d: {  	_ =	shalt  }
0x7e: {  	_ =	shalt  }
0x7f: {  	_ =	shalt  }
0x80: {  	_ =	shalt  }
0x81: {  	_ =	shalt  }
0x82: {  	_ =	shalt  }
0x83: {  	_ =	shalt  }
0x84: {  	_ =	shalt  }
0x85: {  	_ =	shalt  }
0x86: {  	_ =	shalt  }
0x87: {  	_ =	shalt  }
.Lfunc_end0:
.L_simem_size_0:
called_computation.2_lowered:
.L_overlay_start_0:
0x88: {  	s2 =	sld [smem:$0x3FD9]  }
0x89: {  	s3 =	sld [smem:$0x3FFE];
	_ =	sdelay $0x1  }
0x8a: {  	s1 =	srdreg.scid  }
0x8b: {  	s0 =	sand.u32 $0x1, s1  }
0x8c: {  	s17 =	sshll.u32 s0, $0xA;
	s2 =	sadd.s32 s3, s2  }
0x8d: {  	s2 =	sadd.s32 s2, s17  }
0x8e: {  	[smem:$0x3FC2] =	sst s2  }
0x8f: {  	_ = 	snop  }
0x90: {  	s2 =	sld [smem:$0x3FD0];
	(tm) =	ssettm $0x1  }
0x91: {  	s18 =	sld [smem:$0x3FFB];
	_ =	sdelay $0x3  }
0x92: {  	_ =	strace s18  }
0x93: {  	s3 =	sld [smem:$0x3FFC];
	_ =	sdelay $0x3  }
0x94: {  	_ =	strace s3  }
0x95: {  	s3 =	sld [smem:$0x3FFD];
	_ =	sdelay $0x3  }
0x96: {  	_ =	strace s3  }
0x97: {  	_ =	strace $0x8FFFFFFF  }
0x98: {  	s19 =	sld [smem:$0x3FDB];
	_ =	sdelay $0x1  }
0x99: {  	s4 =	simm.s32 $_scs_section_size  }
0x9a: {  	s5 =	simm.s32 $_size__tile_overlayer_lowered;
	s6 =	simm.s32 $_tile_overlayer_lowered  }
0x9b: {  	s22 =	simm.s32 $0x1BFF;
	s21 =	sshll.u32 s6, $0x1;
	s3 =	sadd.s32 s4, s19  }
0x9c: {  	s7 =	simm.s32 $0x0;
	s20 =	sshll.u32 s5, $0x1;
	s5 =	sadd.s32 s21, s3  }
0x9d: {  	[timem:s7], [sflag:s22] =	dma.local [hbm:s5], s20  }
0x9e: {  	_ =	swait.ge [sflag:s22], s20  }
0x9f: {  	s4 =	ssub.s32 $0x0, s20;
	[sflag:s22] =	ssyncset.done $0x0  }
0xa0: {  	[sflag:s22] =	ssyncadd.s32 s4;
	_ =	sdelay $0x1  }
0xa1: {  	s23 =	simm.s32 $0x1B8B  }
0xa2: {  	_ =	swait.ge [sflag:s23], $0x1  }
0xa3: {  	[sflag:s23] =	ssyncset.done $0x0  }
0xa4: {  	s25 =	simm.s32 $0x1B8E;
	s24 =	sld [smem:$0x3FFE];
	[sflag:s23] =	ssyncadd.s32 $0xFFFFFFFF  }
0xa5: {  	s26 =	simm.s32 $execute0_lowered;
	[smem:$0x3FD2] =	sst s25  }
0xa6: {  	s5 =	sshll.u32 s26, $0x1;
	_ =	strace $0x8000004C;
	[dreg:$0x1] =	wrdreg $0xFFFFFFFF  }
0xa7: {  	s28 =	simm.s32 $_size_execute0_lowered;
	s3 =	sadd.s32 s3, s5;
	[dreg:$0x0] =	wrdreg $0x0  }
0xa8: {  	s5 =	sshll.u32 s28, $0x1;
	[dreg:$0x2] =	wrdreg s3  }
0xa9: {  	[dreg:$0x3] =	wrdreg s5  }
0xaa: {  	[dreg:$0x4] =	wrdreg $0xC0  }
0xab: {  	_ =	task [dreg:s7], $0x5FFFF  }
0xac: {  	[dreg:$0x1] =	wrdreg $0xFFFFFFFF  }
0xad: {  	[dreg:$0x0] =	wrdreg $0x60  }
0xae: {  	[dreg:$0x2] =	wrdreg s2  }
0xaf: {  	[dreg:$0x3] =	wrdreg s24  }
0xb0: {  	[dreg:$0x4] =	wrdreg $0xC5000  }
0xb1: {  	[dreg:$0x5] =	wrdreg $0x9  }
0xb2: {  	_ =	task.clear_ibuf [dreg:s7], $0x6FFFF;
	_ =	strace $0x9000004C  }
0xb3: {  	s29 =	simm.s32 $0x9;
	_ =	strace $0x8000004E  }
0xb4: {  	_ =	swait.ge [sflag:s29], $0x1  }
0xb5: {  	[sflag:s29] =	ssyncadd.s32 $0xFFFFFFFF  }
0xb6: {  	_ =	strace $0x9000004E  }
0xb7: {  	_ =	sfence  }
0xb8: {  	s30 =	sld [smem:$0x0];
	_ =	sdelay $0x2  }
0xb9: {  	s31 =	sshll.u32 s1, $0xD;
	s1 =	sshrl.u32 s1, $0x2  }
0xba: {  	s3 =	sand.u32 $0x4000, s31;
	s1 =	sadd.s32 s1, s30  }
0xbb: {  	s0 =	sor.u32 s3, s0;
	s1 =	sshll.u32 s1, $0x11  }
0xbc: {  	s0 =	sor.u32 s1, s0  }
0xbd: {  	s0 =	sadd.s32 $0x8F2B, s0  }
0xbe: {  	[sflag:s0] =	ssyncadd.remote.s32 $0x1  }
0xbf: {  	_ =	sfence.sel $0xFFFF  }
0xc0: {  	[dreg:$0x0] =	wrdreg $0xFFFFFFFF;
	(pc) =	sbr.abs _section_cstart, $3  }
0xc1: {  	[dreg:$0x1] =	wrdreg $0xFFFFFFFF  }
0xc2: {  	_ =	task.clear_ibuf [dreg:s7], $0x2FFFF;
	_ =	strace $0x9FFFFFFF  }
0xc3: {  	(tm) =	ssettm $0x7FFFFFFF  }
tec
execute0_lowered:
.L_overlay_start_1:
0x0: {  	(tag) =	ssettag $0x1  }
0x1: {  	s1 =	rddreg [dreg:$0x0]  }
0x2: {  	s0 =	rddreg [dreg:$0x1]  }
0x3: {  	s2 =	rddreg [dreg:$0x2]  }
0x4: {  	s25 =	simm.s32 $0x0;
	s4 =	stileid.u32;
	s6 =	srdreg.scid  }
0x5: {  	[smem:$0x7FF] =	sst s25;
	s3 =	sadd.s32 $0x1B600, s0;
	s5 =	smul.u32 $0x2780, s4  }
0x6: {  	s7 =	sadd.s32 $0x16200, s0;
	s6 =	sand.u32 $0x1, s6;
	s8 =	smul.u32 $0x4F000, s4  }
0x7: {  	s9 =	sadd.s32 $0x50E00, s0;
	s12 =	smul.u32 $0x7300, s4;
	s31 =	sadd.s32 $0x128400, s2  }
0x8: {  	s17 =	smul.u32 $0x13C00, s4;
	_ =	strace $0x8000004D;
	s10 =	ssub.s32 $0x2, s6  }
0x9: {  	[dreg:$0x7] =	wrdreg s31;
	s15 =	smul.u32 $0x139000, s6;
	s5 =	sadd.s32 s5, s0  }
0xa: {  	s11 =	sshrl.u32 s10, $0x1;
	s8 =	sshrl.u32 s8, $0x2;
	s0 =	sadd.s32 $0x4EC80, s0  }
0xb: {  	s10 =	ssub.s32 s10, s11;
	s8 =	sadd.s32 s8, s2;
	[dreg:$0x8] =	wrdreg s0  }
0xc: {  	s5 =	sadd.s32 $0x29C00, s5;
	s0 =	sadd.s32 s17, s15;
	[dreg:$0x5] =	wrdreg s8  }
0xd: {  	[dreg:$0x6] =	wrdreg s5;
	s8 =	sshrl.u32 s12, $0x3;
	s30 =	smax.u32 s10, $0x1  }
0xe: {  	s0 =	sshrl.u32 s0, $0x3;
	s12 =	sadd.s32 s3, s8;
	[dreg:$0x15] =	wrdreg s30  }
0xf: {  	s0 =	sadd.s32 s9, s0;
	[dreg:$0x9] =	wrdreg s12  }
0x10: {  	s13 =	sadd.s32 $0x20, s12;
	[dreg:$0x12] =	wrdreg s0  }
0x11: {  	s11 =	smul.u32 $0x2A00, s4;
	s16 =	sadd.s32 $0x40, s12;
	[dreg:$0xa] =	wrdreg s13  }
0x12: {  	s5 =	sshrl.u32 s15, $0x3;
	s18 =	sadd.s32 $0x60, s12;
	[dreg:$0xb] =	wrdreg s16  }
0x13: {  	s14 =	sshrl.u32 s11, $0x3;
	s19 =	sadd.s32 $0x80, s12;
	[dreg:$0xd] =	wrdreg s18  }
0x14: {  	s24 =	sadd.s32 s9, s5;
	s8 =	sadd.s32 s7, s14;
	[dreg:$0xe] =	wrdreg s19  }
0x15: {  	s0 =	sadd.s32 $0x25080, s24;
	[dreg:$0xc] =	wrdreg s8  }
0x16: {  	s23 =	smul.u32 $0xE60, s4;
	s20 =	sadd.s32 $0x20, s8;
	[dreg:$0x14] =	wrdreg s0  }
0x17: {  	s26 =	smul.u32 $0x540, s4;
	s21 =	sadd.s32 $0x40, s8;
	[dreg:$0xf] =	wrdreg s20  }
.Ltmp0:
0x18: {  	s22 =	sadd.s32 $0x60, s8;
	[dreg:$0x10] =	wrdreg s21;
	(pc) =	sbr.rel .LBB2_1-.Ltmp0, $4  }
0x19: {  	s28 =	sadd.s32 s23, s3;
	s8 =	sadd.s32 $0x80, s8;
	[dreg:$0x11] =	wrdreg s22  }
0x1a: {  	s31 =	sadd.s32 s26, s7;
	s0 =	sadd.s32 $0x60, s28;
	[dreg:$0x13] =	wrdreg s8  }
0x1b: {  	s29 =	simm.s32 $0x80;
	[dreg:$0x16] =	wrdreg s0;
	s0 =	sadd.s32 $0x60, s31  }
0x1c: {  	p1 =	seq.s32 s4, $0xF;
	p0 =	seq.s32 s6, $0x1;
	[dreg:$0x17] =	wrdreg s0  }
.LBB2_7:
0x1d: {  	s0 =	sshrl.u32 s9, $0x2;
	_ =	swait.ge @!p2 [sflag:s6], $0x4000  }
0x1e: {  	p3 =	por p5, p2;
	s3 =	smul.u32 $0xFFFFEC00, s0;
	[sflag:s6] =	ssyncset.done @!p2 $0x0  }
0x1f: {  	s4 =	sadd.s32 @!p2 $0x9, s12;
	s0 =	smul.u32 $0xFFFFFFEC, s0;
	[sflag:s6] =	ssyncadd.s32 @!p2 $0xFFFFC000  }
0x20: {  	[spmem:s2] =	stream.indirect.scatter.add.f32 @!p2 [tilespmem:s7], [sflag:s30], $0x80, s20, s11, $0xb8;
	[tilespmem:$0x1FE00] =	vst v63  }
0x21: {  	s5 =	sadd.s32 $0x1, s21;
	s3 =	sshra.s32 s3, $0x2;
	_ =	swait.ge @!p2 [sflag:s4], $0x4000  }
0x22: {  	s0 =	sshra.s32 s0, $0x2;
	s3 =	sadd.s32 s3, s26;
	[sflag:s4] =	ssyncset.done @!p2 $0x0  }
0x23: {  	s0 =	sadd.s32 s0, s14;
	[sflag:s4] =	ssyncadd.s32 @!p2 $0xFFFFC000;
	s4 =	simm.s32 @!p3 $0x0  }
0x24: {  	[tilespmem:s3], [sflag:s0] =	stream.linear.gather @!p3 [hbm4b:s23+s4], $0x100, $0x38;
	[tilespmem:$0x1FE00] =	vst v63  }
0x25: {  	_ =	swait.ge [sflag:s5], $0x100  }
0x26: {  	s24 =	sshll.u32 s21, $0x8;
	[sflag:s5] =	ssyncset.done $0x0  }
0x27: {  	s20 =	sadd.s32 $0x6, s18;
	s23 =	sor.u32 $0x500, s22;
	[sflag:s5] =	ssyncadd.s32 $0xFFFFFF00  }
0x28: {  	[tilespmem:s23], [sflag:s20] =	stream.indirect.gather [hbm4b:s1+s29], $0x80, s24, s29, $0xb8;
	[tilespmem:$0x1FE00] =	vst v63  }
0x29: {  	_ =	swait.ge [sflag:s31], $0x4000  }
0x2a: {  	s25 =	sadd.s32 $0x9, s16;
	s28 =	simm.s32 $0x8;
	[sflag:s31] =	ssyncset.done $0x0  }
0x2b: {  	s30 =	simm.s32 $0x180;
	s26 =	sadd.s32 $0x80, s10;
	[sflag:s31] =	ssyncadd.s32 $0xFFFFC000  }
0x2c: {  	[spmem:s2] =	stream.indirect.scatter.add.f32 [tilespmem:s19], [sflag:s25], $0x80, s26, s29, $0xb8;
	[tilespmem:$0x1FE00] =	vst v63  }
0x2d: {  	s0 =	simm.s32 $0xB;
	s3 =	simm.s32 $0xA;
	_ =	swait.ge [sflag:s28], $0x4000  }
0x2e: {  	s4 =	stileid.u32;
	s5 =	simm.s32 $0x9;
	[sflag:s28] =	ssyncset.done $0x0  }
0x2f: {  	s31 =	simm.s32 $0x8500;
	s25 =	rddreg [dreg:$0x4];
	[sflag:s28] =	ssyncadd.s32 $0xFFFFC000  }
0x30: {  	[spmem:s2] =	stream.indirect.scatter.add.f32 [tilespmem:s31], [sflag:$0xB], $0x80, s30, s29, $0xb8;
	[tilespmem:$0x1FE00] =	vst v63  }
.LBB2_8:
0x31: {  	_ =	swait.ge [sflag:s5], $0x4000  }
0x32: {  	[sflag:s5] =	ssyncset.done $0x0  }
0x33: {  	[sflag:s5] =	ssyncadd.s32 $0xFFFFC000  }
0x34: {  	_ =	swait.ge [sflag:s3], $0x4000  }
0x35: {  	[sflag:s3] =	ssyncset.done $0x0  }
0x36: {  	[sflag:s3] =	ssyncadd.s32 $0xFFFFC000  }
0x37: {  	_ =	swait.ge [sflag:s0], $0x4000  }
0x38: {  	[sflag:s0] =	ssyncset.done $0x0  }
0x39: {  	[sflag:s0] =	ssyncadd.s32 $0xFFFFC000  }
0x3a: {  	[bflag:$0x0] =	sbarrier.arrive $0xFFFF  }
0x3b: {  	s3 =	rddreg [dreg:$0x14]  }
0x3c: {  	s0 =	simm.s32 @p1 $0x1FCC;
	s5 =	rddreg [dreg:$0x18]  }
0x3d: {  	[hbm:s3], [sflag:s0] =	dma.local @p1 [spmem:s5], $0x2180  }
0x3e: {  	s0 =	simm.s32 @p1 $0xC  }
0x3f: {  	_ =	swait.ge @p1 [sflag:s0], $0x2180  }
0x40: {  	s3 =	rddreg [dreg:$0x19]  }
0x41: {  	[sflag:s0] =	ssyncset.done @p1 $0x0;
	s5 =	rddreg [dreg:$0x1a]  }
0x42: {  	[sflag:s0] =	ssyncadd.s32 @p1 $0xFFFFDE80;
	s0 =	rddreg [dreg:$0x12]  }
0x43: {  	[hbm:s0], [sflag:s3] =	dma.local @!p1 [spmem:s5], $0x2780  }
0x44: {  	s0 =	simm.s32 @!p1 $0xC  }
0x45: {  	_ =	swait.ge @!p1 [sflag:s0], $0x2780  }
0x46: {  	s25 =	sadd.s32 $0x1, s25;
	s31 =	rddreg [dreg:$0x15]  }
0x47: {  	p2 =	sne.s32 s25, s31  }
.Ltmp1:
0x48: {  	_ = 	snop;
	(pc) =	sbr.rel @!p2 .LBB2_9-.Ltmp1, $3  }
0x49: {  	_ =	sdelay $0x1  }
0x4a: {  	[sflag:s0] =	ssyncset.done @!p1 $0x0  }
0x4b: {  	[sflag:s0] =	ssyncadd.s32 @!p1 $0xFFFFD880  }
.LBB2_1:
0x4c: {  	s0 =	rddreg [dreg:$0x7]  }
0x4d: {  	s3 =	rddreg [dreg:$0x8];
	s5 =	sshrl.u32 @p1 s0, $0x3  }
0x4e: {  	s0 =	simm.s32 @p1 $0x1FCC;
	[dreg:$0x18] =	wrdreg s5  }
0x4f: {  	[spmem:s5], [sflag:s0] =	dma.local @p1 [hbm:s3], $0x2180  }
0x50: {  	s0 =	simm.s32 @p1 $0xC;
	s3 =	sshll.u32 @!p1 s4, $0x6  }
0x51: {  	_ =	swait.ge @p1 [sflag:s0], $0x2180;
	s3 =	sor.u32 @!p1 $0x1C0C, s3  }
0x52: {  	[sflag:s0] =	ssyncset.done @p1 $0x0;
	[dreg:$0x19] =	wrdreg s3  }
0x53: {  	[sflag:s0] =	ssyncadd.s32 @p1 $0xFFFFDE80;
	s0 =	rddreg [dreg:$0x5]  }
0x54: {  	s5 =	sshrl.u32 @!p1 s0, $0x3;
	s0 =	rddreg [dreg:$0x6]  }
0x55: {  	[dreg:$0x1a] =	wrdreg s5  }
0x56: {  	[spmem:s5], [sflag:s3] =	dma.local @!p1 [hbm:s0], $0x2780  }
0x57: {  	s0 =	simm.s32 @!p1 $0xC  }
.Ltmp2:
0x58: {  	_ =	swait.ge @!p1 [sflag:s0], $0x2780;
	(pc) =	sbr.rel @!p0 .LBB2_2-.Ltmp2, $3  }
0x59: {  	[sflag:s0] =	ssyncset.done @!p1 $0x0  }
0x5a: {  	[sflag:s0] =	ssyncadd.s32 @!p1 $0xFFFFD880  }
0x5b: {  	[bflag:$0x0] =	sbarrier.arrive $0xFFFF;
	_ =	sdelay $0x1  }
0x5c: {  	[dreg:$0x4] =	wrdreg s25  }
0x5d: {  	s0 =	rddreg [dreg:$0xc]  }
0x5e: {  	s16 =	rddreg [dreg:$0xf]  }
0x5f: {  	s3 =	simm.s32 $0x0;
	s4 =	simm.s32 $0x100;
	s17 =	rddreg [dreg:$0x10]  }
0x60: {  	s18 =	simm.s32 $0x200;
	s19 =	rddreg [dreg:$0x11];
	s20 =	simm.s32 $0x300  }
0x61: {  	s22 =	rddreg [dreg:$0x13];
	s5 =	simm.s32 $0x400;
	p4 =	por $0x1, $0x1  }
0x62: {  	[tilespmem:s3], [sflag:$0x1] =	stream.linear.gather [hbm4b:s0+s3], $0x100, $0x38;
	[tilespmem:$0x1FE00] =	vst v63  }
0x63: {  	s14 =	simm.s32 $0xFFFFFFFF;
	s23 =	simm.s32 $0xFFFFFFFE;
	s21 =	smul.u32 $0xAB, s3  }
0x64: {  	s26 =	simm.s32 $0xFFFFFE00;
	s28 =	simm.s32 $0x2;
	s6 =	smul.u32 $0xCD, s3  }
0x65: {  	s15 =	simm.s32 $0x0;
	p2 =	por @!p4 $0x0, $0x0;
	s9 =	smulhi.u32 $0xCCCCCCCD, s23  }
0x66: {  	[tilespmem:s4], [sflag:$0x2] =	stream.linear.gather [hbm4b:s16+s3], $0x100, $0x38;
	[tilespmem:$0x1FE00] =	vst v63  }
0x67: {  	p3 =	por p2, p4;
	p2 =	por $0x1, $0x1;
	s0 =	sshrl.u32 s21, $0x9  }
0x68: {  	s7 =	simm.s32 @!p3 $0xFFFFFFFD;
	s24 =	sshrl.u32 s6, $0xA;
	s11 =	simm.s32 @!p2 $0x80  }
0x69: {  	p5 =	por @!p2 $0x0, $0x0;
	s21 =	simm.s32 @!p3 $0x0;
	s7 =	sand.u32 @!p3 $0xFF, s7  }
0x6a: {  	[tilespmem:s18], [sflag:$0x3] =	stream.linear.gather [hbm4b:s17+s3], $0x100, $0x38;
	[tilespmem:$0x1FE00] =	vst v63  }
0x6b: {  	s0 =	sand.u32 $0x7F, s0;
	s6 =	smul.u32 @!p3 $0xCD, s7;
	s7 =	simm.s32 @!p2 $0xFFFFFFFF  }
0x6c: {  	s0 =	smul.u32 $0x3, s0;
	s17 =	simm.s32 $0x0;
	s7 =	sand.u32 @!p2 $0xFF, s7  }
0x6d: {  	[tilespmem:s20], [sflag:$0x4] =	stream.linear.gather [hbm4b:s19+s3], $0x100, $0x38;
	[tilespmem:$0x1FE00] =	vst v63  }
0x6e: {  	s18 =	sor.u32 @!p2 $0x1, s3;
	s6 =	sshrl.u32 @!p3 s6, $0xA;
	s10 =	smul.u32 @!p2 $0xCD, s7  }
0x6f: {  	s8 =	ssub.s32 $0x0, s0;
	s0 =	simm.s32 $0x1;
	s7 =	smul.u32 @!p2 $0xAB, s7  }
0x70: {  	[tilespmem:s5], [sflag:$0x5] =	stream.linear.gather [hbm4b:s22+s3], $0x100, $0x38;
	[tilespmem:$0x1FE00] =	vst v63  }
0x71: {  	s6 =	smul.u32 @!p3 $0x5, s6;
	s16 =	sand.u32 $0xFF, s8;
	s5 =	sand.u32 $0x3F, s24  }
0x72: {  	s8 =	sadd.s32 @!p4 $0x9, s16;
	s10 =	sshrl.u32 @!p2 s10, $0xA;
	s5 =	smul.u32 $0x5, s5  }
0x73: {  	s7 =	sshrl.u32 @!p2 s7, $0x9;
	s25 =	sshll.u32 s16, $0xE;
	s31 =	sadd.s32 $0x6, s16  }
0x74: {  	s12 =	smul.u32 @!p2 $0x5, s10;
	_ =	swait.ge @!p4 [sflag:s8], $0x4000;
	s5 =	ssub.s32 $0x0, s5  }
0x75: {  	[sflag:s8] =	ssyncset.done @!p4 $0x0;
	s23 =	rddreg [dreg:$0x17];
	s5 =	sand.u32 $0xFF, s5  }
0x76: {  	s13 =	sadd.s32 $0x1, s5;
	s10 =	sshll.u32 s5, $0x8;
	s5 =	smul.u32 @!p2 $0x3, s7  }
0x77: {  	s19 =	sor.u32 $0x500, s25;
	[sflag:s8] =	ssyncadd.s32 @!p4 $0xFFFFC000;
	s22 =	sadd.s32 @!p3 $0xFFFFFFE0, s23  }
0x78: {  	s12 =	ssub.s32 @!p2 $0xFFFFFFFF, s12;
	s3 =	ssub.s32 @!p2 $0xFFFFFFFF, s5;
	s5 =	ssub.s32 @!p3 $0xFFFFFFFD, s6  }
0x79: {  	s7 =	sand.u32 @!p2 $0xFF, s18;
	s8 =	sand.u32 @!p2 $0xFF, s3;
	s3 =	sand.u32 @!p3 $0xFF, s5  }
0x7a: {  	s5 =	smul.u32 @!p2 $0xAB, s7;
	s20 =	sadd.s32 @!p3 $0x1, s3;
	s3 =	sshll.u32 @!p3 s3, $0x8  }
0x7b: {  	[tilespmem:s3], [sflag:s20] =	stream.linear.gather @!p3 [hbm4b:s22+s21], $0x100, $0x38;
	[tilespmem:$0x1FE00] =	vst v63  }
0x7c: {  	s12 =	sand.u32 @!p2 $0xFF, s12;
	s20 =	smul.u32 @!p2 $0xCD, s7;
	s5 =	sshrl.u32 @!p2 s5, $0x9  }
0x7d: {  	s6 =	sadd.s32 @!p2 $0x6, s8;
	s5 =	smul.u32 @!p2 $0x3, s5;
	_ =	swait.ge [sflag:s13], $0x100  }
0x7e: {  	s21 =	sshll.u32 @!p2 s12, $0x8;
	s20 =	sshrl.u32 @!p2 s20, $0xA;
	[sflag:s13] =	ssyncset.done $0x0  }
0x7f: {  	s12 =	smul.u32 @!p2 $0x5, s20;
	s5 =	ssub.s32 @!p2 s18, s5;
	[sflag:s13] =	ssyncadd.s32 $0xFFFFFF00  }
0x80: {  	[tilespmem:s19], [sflag:s31] =	stream.indirect.gather [hbm4b:s1+s29], $0x80, s10, s29, $0xb8;
	[tilespmem:$0x1FE00] =	vst v63  }
0x81: {  	s3 =	sshll.u32 @!p2 s8, $0xE;
	s22 =	ssub.s32 @!p2 s18, s12;
	s12 =	sand.u32 @!p2 $0xFF, s5  }
0x82: {  	s30 =	sadd.s32 @!p2 $0x9, s8;
	s7 =	sor.u32 @!p2 $0x500, s3;
	s18 =	smov.u32 s12  }
0x83: {  	s3 =	sadd.s32 $0x40, s23;
	s22 =	simm.s32 @p2 $0x1;
	s18 =	simm.s32 @p2 $0x1  }
0x84: {  	s20 =	sor.u32 @!p2 $0x80, s21;
	s21 =	sand.u32 $0xFF, s22;
	s22 =	sshll.u32 s18, $0xE  }
.LBB2_6:
0x85: {  	s13 =	smul.u32 $0xAB, s28  }
0x86: {  	s9 =	sshrl.u32 s9, $0x2;
	p4 =	por p5, p2;
	s5 =	smov.u32 s28  }
0x87: {  	s8 =	sadd.s32 $0x2, s28;
	s12 =	sadd.s32 @!p2 $0x9, s12;
	s24 =	smul.u32 $0xFFFFEC00, s9  }
0x88: {  	s25 =	sadd.s32 $0x1, s21;
	s9 =	smul.u32 $0xFFFFFFEC, s9;
	_ =	swait.ge @!p2 [sflag:s6], $0x4000  }
0x89: {  	p3 =	slt.u32 s28, $0x28;
	s24 =	sshra.s32 s24, $0x2;
	[sflag:s6] =	ssyncset.done @!p2 $0x0  }
0x8a: {  	s13 =	sshrl.u32 s13, $0x9;
	s9 =	sshra.s32 s9, $0x2;
	[sflag:s6] =	ssyncadd.s32 @!p2 $0xFFFFC000  }
0x8b: {  	s6 =	sand.u32 $0x7F, s13;
	s13 =	sadd.s32 s24, s26;
	s26 =	smov.u32 s15  }
0x8c: {  	[spmem:s2] =	stream.indirect.scatter.add.f32 @!p2 [tilespmem:s7], [sflag:s30], $0x80, s20, s11, $0xb8;
	[tilespmem:$0x1FE00] =	vst v63  }
0x8d: {  	s6 =	smul.u32 $0x3, s6;
	s7 =	sadd.s32 $0x6, s18;
	_ =	swait.ge @!p2 [sflag:s12], $0x4000  }
0x8e: {  	s11 =	sor.u32 $0x500, s22;
	s18 =	sshll.u32 s21, $0x8;
	[sflag:s12] =	ssyncset.done @!p2 $0x0  }
0x8f: {  	s9 =	sadd.s32 s9, s14;
	[sflag:s12] =	ssyncadd.s32 @!p2 $0xFFFFC000;
	s12 =	simm.s32 @!p4 $0x0  }
0x90: {  	[tilespmem:s13], [sflag:s9] =	stream.linear.gather @!p4 [hbm4b:s23+s12], $0x100, $0x38;
	[tilespmem:$0x1FE00] =	vst v63  }
0x91: {  	p5 =	slt.u32 s5, $0x3;
	s14 =	smov.u32 s0;
	_ =	swait.ge [sflag:s25], $0x100  }
0x92: {  	p2 =	sgt.u32 @!p5 s5, $0x27;
	s23 =	smov.u32 s3;
	[sflag:s25] =	ssyncset.done $0x0  }
0x93: {  	p4 =	por p2, p5;
	[sflag:s25] =	ssyncadd.s32 $0xFFFFFF00  }
0x94: {  	[tilespmem:s11], [sflag:s7] =	stream.indirect.gather [hbm4b:s1+s29], $0x80, s18, s29, $0xb8;
	[tilespmem:$0x1FE00] =	vst v63  }
0x95: {  	s12 =	sadd.s32 @!p4 $0xFFFFFFFD, s5;
	s7 =	smul.u32 $0xCD, s5;
	_ =	swait.ge [sflag:s31], $0x4000  }
0x96: {  	s11 =	sand.u32 @!p4 $0xFF, s12;
	[sflag:s31] =	ssyncset.done $0x0  }
0x97: {  	s9 =	smulhi.u32 $0xCCCCCCCD, s17;
	s7 =	sshrl.u32 s7, $0xA;
	[sflag:s31] =	ssyncadd.s32 $0xFFFFC000  }
0x98: {  	s13 =	sadd.s32 $0x9, s16;
	s11 =	smul.u32 @!p4 $0xCD, s11;
	s7 =	sand.u32 $0x3F, s7  }
0x99: {  	s10 =	sadd.s32 $0x80, s10;
	s15 =	sadd.s32 $0x200, s15;
	p2 =	seq.s32 s5, $0x0  }
0x9a: {  	[spmem:s2] =	stream.indirect.scatter.add.f32 [tilespmem:s19], [sflag:s13], $0x80, s10, s29, $0xb8;
	[tilespmem:$0x1FE00] =	vst v63  }
0x9b: {  	s7 =	smul.u32 $0x5, s7;
	s10 =	sshrl.u32 @!p4 s11, $0xA;
	s13 =	sadd.s32 @!p2 $0xFFFFFFFF, s5  }
0x9c: {  	s17 =	sadd.s32 $0x2, s17;
	s18 =	smul.u32 @!p4 $0x5, s10;
	s10 =	sand.u32 @!p2 $0xFF, s13  }
0x9d: {  	s0 =	sadd.s32 $0x2, s0;
	s6 =	ssub.s32 s5, s6;
	s11 =	smul.u32 @!p2 $0xCD, s10  }
0x9e: {  	s16 =	sand.u32 $0xFF, s6;
	s7 =	ssub.s32 s5, s7;
	s6 =	smul.u32 @!p2 $0xAB, s10  }
0x9f: {  	s20 =	sadd.s32 @!p5 $0x9, s16;
	s7 =	sand.u32 $0xFF, s7;
	s10 =	sshrl.u32 @!p2 s11, $0xA  }
0xa0: {  	s21 =	sadd.s32 $0x1, s7;
	s6 =	sshrl.u32 @!p2 s6, $0x9;
	s22 =	smul.u32 @!p2 $0x5, s10  }
0xa1: {  	s24 =	sor.u32 @!p2 $0x1, s5;
	s10 =	sshll.u32 s7, $0x8;
	s6 =	smul.u32 @!p2 $0x3, s6  }
0xa2: {  	s25 =	sand.u32 @!p2 $0xFF, s24;
	s7 =	sshll.u32 s16, $0xE;
	_ =	swait.ge @!p5 [sflag:s20], $0x4000  }
0xa3: {  	s19 =	sor.u32 $0x500, s7;
	s6 =	ssub.s32 @!p2 s13, s6;
	[sflag:s20] =	ssyncset.done @!p5 $0x0  }
0xa4: {  	s11 =	simm.s32 @!p2 $0x80;
	[sflag:s20] =	ssyncadd.s32 @!p5 $0xFFFFC000;
	p5 =	sgt.u32 @!p2 s5, $0x26  }
0xa5: {  	s5 =	ssub.s32 @!p4 s12, s18;
	s12 =	sand.u32 @!p2 $0xFF, s6;
	s18 =	smul.u32 @!p2 $0xAB, s25  }
0xa6: {  	s5 =	sand.u32 @!p4 $0xFF, s5;
	s6 =	sadd.s32 @!p2 $0x6, s12;
	s7 =	sshll.u32 @!p2 s12, $0xE  }
0xa7: {  	s13 =	ssub.s32 @!p2 s13, s22;
	s22 =	smul.u32 @!p2 $0xCD, s25;
	s28 =	sadd.s32 @!p4 $0x1, s5  }
0xa8: {  	s3 =	sadd.s32 $0x40, s3;
	s5 =	sshll.u32 @!p4 s5, $0x8;
	s7 =	sor.u32 @!p2 $0x500, s7  }
0xa9: {  	s13 =	sand.u32 @!p2 $0xFF, s13;
	s25 =	simm.s32 @!p4 $0x0;
	s18 =	sshrl.u32 @!p2 s18, $0x9  }
0xaa: {  	s4 =	sadd.s32 @!p4 $0xFFFFFFE0, s23;
	s13 =	sshll.u32 @!p2 s13, $0x8;
	s18 =	smul.u32 @!p2 $0x3, s18  }
0xab: {  	s20 =	sor.u32 @!p2 $0x80, s13;
	s30 =	sadd.s32 @!p2 $0x9, s12;
	s12 =	sshrl.u32 @!p2 s22, $0xA  }
0xac: {  	s31 =	sadd.s32 $0x6, s16;
	s12 =	smul.u32 @!p2 $0x5, s12;
	s13 =	ssub.s32 @!p2 s24, s18  }
0xad: {  	[tilespmem:s5], [sflag:s28] =	stream.linear.gather @!p4 [hbm4b:s4+s25], $0x100, $0x38;
	[tilespmem:$0x1FE00] =	vst v63  }
.Ltmp3:
0xae: {  	s4 =	ssub.s32 @!p2 s24, s12;
	s12 =	sand.u32 @!p2 $0xFF, s13;
	(pc) =	sbr.rel @p3 .LBB2_6-.Ltmp3, $4  }
0xaf: {  	s28 =	smov.u32 s8;
	_ =	swait.ge [sflag:s21], $0x100;
	s18 =	smov.u32 s12  }
0xb0: {  	s4 =	simm.s32 @p2 $0x1;
	[sflag:s21] =	ssyncset.done $0x0;
	s18 =	simm.s32 @p2 $0x1  }
0xb1: {  	[sflag:s21] =	ssyncadd.s32 $0xFFFFFF00;
	s21 =	sand.u32 $0xFF, s4;
	s22 =	sshll.u32 s18, $0xE  }
0xb2: {  	[tilespmem:s19], [sflag:s31] =	stream.indirect.gather [hbm4b:s1+s29], $0x80, s10, s29, $0xb8;
	[tilespmem:$0x1FE00] =	vst v63  }
.Ltmp4:
0xb3: {  	_ = 	snop;
	(pc) =	sbr.rel .LBB2_7-.Ltmp4, $1  }
0xb4: {  	_ =	sdelay $0x3  }
.LBB2_2:
0xb5: {  	s0 =	rddreg [dreg:$0x9]  }
0xb6: {  	s13 =	rddreg [dreg:$0xa]  }
0xb7: {  	s3 =	simm.s32 $0x0;
	s14 =	rddreg [dreg:$0xb]  }
0xb8: {  	s5 =	simm.s32 $0x100;
	s15 =	simm.s32 $0x200;
	s16 =	rddreg [dreg:$0xd]  }
0xb9: {  	s17 =	simm.s32 $0x300;
	s18 =	rddreg [dreg:$0xe];
	s19 =	simm.s32 $0x400  }
0xba: {  	[tilespmem:s3], [sflag:$0x1] =	stream.linear.gather [hbm4b:s0+s3], $0x100, $0x38;
	[tilespmem:$0x1FE00] =	vst v63  }
0xbb: {  	s20 =	simm.s32 $0xFFFFFFFE;
	p3 =	por $0x1, $0x1;
	s21 =	smul.u32 $0xAB, s3  }
0xbc: {  	s31 =	simm.s32 $0x2;
	s0 =	smulhi.u32 $0xCCCCCCCD, s20;
	s6 =	simm.s32 @!p3 $0xFFFFFFFD  }
0xbd: {  	s26 =	simm.s32 $0x0;
	s7 =	smul.u32 $0xCD, s3;
	s6 =	sand.u32 @!p3 $0xFF, s6  }
0xbe: {  	[tilespmem:s5], [sflag:$0x2] =	stream.linear.gather [hbm4b:s13+s3], $0x100, $0x38;
	[tilespmem:$0x1FE00] =	vst v63  }
0xbf: {  	p2 =	por $0x1, $0x1;
	s22 =	sshrl.u32 s0, $0x2;
	s6 =	smul.u32 @!p3 $0xCD, s6  }
0xc0: {  	s12 =	sor.u32 @!p2 $0x1, s3;
	s5 =	sshrl.u32 s21, $0x9;
	s11 =	smul.u32 $0xFFFFEC00, s22  }
0xc1: {  	s7 =	sshrl.u32 s7, $0xA;
	s8 =	sand.u32 $0x7F, s5;
	s5 =	smul.u32 $0xFFFFFFEC, s22  }
0xc2: {  	[tilespmem:s15], [sflag:$0x3] =	stream.linear.gather [hbm4b:s14+s3], $0x100, $0x38;
	[tilespmem:$0x1FE00] =	vst v63  }
0xc3: {  	s7 =	sand.u32 $0x3F, s7;
	s14 =	simm.s32 $0xFFFFFE00;
	s24 =	smul.u32 $0x3, s8  }
0xc4: {  	s15 =	simm.s32 $0x0;
	s6 =	sshrl.u32 @!p3 s6, $0xA;
	s7 =	smul.u32 $0x5, s7  }
0xc5: {  	[tilespmem:s17], [sflag:$0x4] =	stream.linear.gather [hbm4b:s16+s3], $0x100, $0x38;
	[tilespmem:$0x1FE00] =	vst v63  }
0xc6: {  	s8 =	simm.s32 @!p3 $0x0;
	s6 =	smul.u32 @!p3 $0x5, s6;
	s0 =	ssub.s32 $0x0, s24  }
0xc7: {  	s11 =	sshra.s32 s11, $0x2;
	s16 =	simm.s32 $0xFFFFFFFF;
	s0 =	sand.u32 $0xFF, s0  }
0xc8: {  	[tilespmem:s19], [sflag:$0x5] =	stream.linear.gather [hbm4b:s18+s3], $0x100, $0x38;
	[tilespmem:$0x1FE00] =	vst v63  }
0xc9: {  	s17 =	simm.s32 @!p2 $0xFFFFFFFF;
	s28 =	ssub.s32 $0x0, s7;
	s3 =	sadd.s32 @!p3 $0x9, s0  }
0xca: {  	s9 =	sshll.u32 s0, $0xE;
	s18 =	sand.u32 @!p2 $0xFF, s17;
	_ =	swait.ge @!p3 [sflag:s3], $0x4000  }
0xcb: {  	s17 =	sor.u32 $0x500, s9;
	s9 =	smul.u32 @!p2 $0xAB, s18;
	[sflag:s3] =	ssyncset.done @!p3 $0x0  }
0xcc: {  	s13 =	rddreg [dreg:$0x16];
	[sflag:s3] =	ssyncadd.s32 @!p3 $0xFFFFC000;
	s3 =	ssub.s32 @!p3 $0xFFFFFFFD, s6  }
0xcd: {  	s6 =	sadd.s32 @!p3 $0xFFFFFFE0, s13;
	s9 =	sshrl.u32 @!p2 s9, $0x9;
	s3 =	sand.u32 @!p3 $0xFF, s3  }
0xce: {  	s9 =	smul.u32 @!p2 $0x3, s9;
	s19 =	sshll.u32 @!p3 s3, $0x8;
	s3 =	sadd.s32 @!p3 $0x1, s3  }
0xcf: {  	[tilespmem:s19], [sflag:s3] =	stream.linear.gather @!p3 [hbm4b:s6+s8], $0x100, $0x38;
	[tilespmem:$0x1FE00] =	vst v63  }
0xd0: {  	s7 =	sand.u32 @!p2 $0xFF, s12;
	s10 =	sadd.s32 $0x6, s0;
	s6 =	smul.u32 @!p2 $0xCD, s18  }
0xd1: {  	s3 =	sand.u32 $0xFF, s28;
	s8 =	smul.u32 @!p2 $0xAB, s7;
	s9 =	ssub.s32 @!p2 $0xFFFFFFFF, s9  }
0xd2: {  	s7 =	smul.u32 @!p2 $0xCD, s7;
	p3 =	por @!p2 $0x0, $0x0;
	s19 =	smov.u32 s13  }
0xd3: {  	s30 =	sadd.s32 $0x1, s3;
	s23 =	sshll.u32 s3, $0x8;
	s3 =	simm.s32 @!p2 $0x80  }
0xd4: {  	s9 =	sand.u32 @!p2 $0xFF, s9;
	s6 =	sshrl.u32 @!p2 s6, $0xA;
	_ =	swait.ge [sflag:s30], $0x100  }
0xd5: {  	s8 =	sshrl.u32 @!p2 s8, $0x9;
	s18 =	sadd.s32 @!p2 $0x6, s9;
	[sflag:s30] =	ssyncset.done $0x0  }
0xd6: {  	s7 =	sshrl.u32 @!p2 s7, $0xA;
	s6 =	smul.u32 @!p2 $0x5, s6;
	[sflag:s30] =	ssyncadd.s32 $0xFFFFFF00  }
0xd7: {  	[tilespmem:s17], [sflag:s10] =	stream.indirect.gather [hbm4b:s1+s29], $0x80, s23, s29, $0xb8;
	[tilespmem:$0x1FE00] =	vst v63  }
0xd8: {  	s8 =	smul.u32 @!p2 $0x3, s8;
	s6 =	ssub.s32 @!p2 $0xFFFFFFFF, s6;
	_ =	swait.ge @!p2 [sflag:s18], $0x4000  }
0xd9: {  	s7 =	smul.u32 @!p2 $0x5, s7;
	s6 =	sand.u32 @!p2 $0xFF, s6;
	[sflag:s18] =	ssyncset.done @!p2 $0x0  }
0xda: {  	s6 =	sshll.u32 @!p2 s6, $0x8;
	[sflag:s18] =	ssyncadd.s32 @!p2 $0xFFFFC000;
	s18 =	sshll.u32 @!p2 s9, $0xE  }
0xdb: {  	s9 =	sadd.s32 @!p2 $0x9, s9;
	s6 =	sor.u32 @!p2 $0x80, s6;
	s18 =	sor.u32 @!p2 $0x500, s18  }
0xdc: {  	[spmem:s2] =	stream.indirect.scatter.add.f32 @!p2 [tilespmem:s18], [sflag:s9], $0x80, s6, s3, $0xb8;
	[tilespmem:$0x1FE00] =	vst v63  }
0xdd: {  	p4 =	por p3, p2;
	s3 =	sadd.s32 $0x40, s13;
	s6 =	ssub.s32 @!p2 s12, s8  }
0xde: {  	s9 =	simm.s32 $0x1;
	s12 =	ssub.s32 @!p2 s12, s7;
	s7 =	sand.u32 @!p2 $0xFF, s6  }
0xdf: {  	s18 =	sshra.s32 s5, $0x2;
	s12 =	simm.s32 @p2 $0x1;
	s8 =	sadd.s32 @!p2 $0x9, s7  }
0xe0: {  	s5 =	simm.s32 @!p4 $0x0;
	s12 =	sand.u32 $0xFF, s12;
	_ =	swait.ge @!p2 [sflag:s8], $0x4000  }
.LBB2_3:
0xe1: {  	s7 =	simm.s32 @p2 $0x1;
	s20 =	sadd.s32 $0x1, s12  }
0xe2: {  	s6 =	smov.u32 s31;
	s28 =	sadd.s32 $0x2, s31;
	s21 =	smov.u32 s15  }
0xe3: {  	s12 =	sshll.u32 s12, $0x8;
	[sflag:s8] =	ssyncset.done @!p2 $0x0;
	s22 =	sshll.u32 s7, $0xE  }
0xe4: {  	s16 =	sadd.s32 s18, s16;
	s11 =	sadd.s32 s11, s14;
	[sflag:s8] =	ssyncadd.s32 @!p2 $0xFFFFC000  }
0xe5: {  	[tilespmem:s11], [sflag:s16] =	stream.linear.gather @!p4 [hbm4b:s19+s5], $0x100, $0x38;
	[tilespmem:$0x1FE00] =	vst v63  }
0xe6: {  	p3 =	slt.u32 s31, $0x70;
	s14 =	smov.u32 s26;
	_ =	swait.ge [sflag:s20], $0x100  }
0xe7: {  	s19 =	smov.u32 s3;
	s16 =	smov.u32 s9;
	[sflag:s20] =	ssyncset.done $0x0  }
0xe8: {  	s7 =	sadd.s32 $0x6, s7;
	s5 =	sor.u32 $0x500, s22;
	[sflag:s20] =	ssyncadd.s32 $0xFFFFFF00  }
0xe9: {  	[tilespmem:s5], [sflag:s7] =	stream.indirect.gather [hbm4b:s1+s29], $0x80, s12, s29, $0xb8;
	[tilespmem:$0x1FE00] =	vst v63  }
0xea: {  	s26 =	sadd.s32 $0x200, s26;
	_ =	swait.ge [sflag:s10], $0x4000  }
0xeb: {  	s15 =	sadd.s32 $0x2, s15;
	s0 =	sadd.s32 $0x9, s0;
	[sflag:s10] =	ssyncset.done $0x0  }
0xec: {  	s5 =	smul.u32 $0xAB, s6;
	s7 =	sadd.s32 $0x80, s23;
	[sflag:s10] =	ssyncadd.s32 $0xFFFFC000  }
0xed: {  	[spmem:s2] =	stream.indirect.scatter.add.f32 [tilespmem:s17], [sflag:s0], $0x80, s7, s29, $0xb8;
	[tilespmem:$0x1FE00] =	vst v63  }
0xee: {  	p5 =	slt.u32 s6, $0x3;
	s3 =	sadd.s32 $0x40, s3;
	s9 =	sadd.s32 $0x2, s9  }
0xef: {  	s5 =	sshrl.u32 s5, $0x9;
	s0 =	smulhi.u32 $0xCCCCCCCD, s21;
	s7 =	sadd.s32 @!p5 $0xFFFFFFFD, s6  }
0xf0: {  	s8 =	smul.u32 $0xCD, s6;
	s5 =	sand.u32 $0x7F, s5;
	s10 =	sand.u32 @!p5 $0xFF, s7  }
0xf1: {  	p2 =	seq.s32 s6, $0x0;
	s11 =	smul.u32 $0x3, s5;
	s0 =	sshrl.u32 s0, $0x2  }
0xf2: {  	s8 =	sshrl.u32 s8, $0xA;
	s12 =	simm.s32 @!p5 $0x0;
	s5 =	smul.u32 $0xFFFFFFEC, s0  }
0xf3: {  	s17 =	sand.u32 $0x3F, s8;
	s8 =	ssub.s32 s6, s11;
	s18 =	smul.u32 @!p5 $0xCD, s10  }
0xf4: {  	s11 =	smul.u32 $0xFFFFEC00, s0;
	s0 =	sand.u32 $0xFF, s8;
	s8 =	sor.u32 @!p2 $0x1, s6  }
0xf5: {  	s20 =	sadd.s32 @!p5 $0x9, s0;
	s21 =	sshll.u32 s0, $0xE;
	s10 =	sadd.s32 $0x6, s0  }
0xf6: {  	s22 =	sadd.s32 @!p2 $0xFFFFFFFF, s6;
	s11 =	sshra.s32 s11, $0x2;
	_ =	swait.ge @!p5 [sflag:s20], $0x4000  }
0xf7: {  	s30 =	sand.u32 @!p2 $0xFF, s22;
	s23 =	smul.u32 $0x5, s17;
	[sflag:s20] =	ssyncset.done @!p5 $0x0  }
0xf8: {  	s18 =	sshrl.u32 @!p5 s18, $0xA;
	s17 =	sor.u32 $0x500, s21;
	[sflag:s20] =	ssyncadd.s32 @!p5 $0xFFFFC000  }
0xf9: {  	p4 =	sgt.u32 @!p2 s6, $0x6F;
	s18 =	smul.u32 @!p5 $0x5, s18;
	s20 =	ssub.s32 s6, s23  }
0xfa: {  	s21 =	sand.u32 @!p2 $0xFF, s8;
	s6 =	sand.u32 $0xFF, s20;
	s20 =	smul.u32 @!p2 $0xCD, s30  }
0xfb: {  	s7 =	ssub.s32 @!p5 s7, s18;
	s18 =	sadd.s32 @!p5 $0xFFFFFFE0, s19;
	s31 =	sadd.s32 $0x1, s6  }
0xfc: {  	s7 =	sand.u32 @!p5 $0xFF, s7;
	s30 =	smul.u32 @!p2 $0xAB, s30;
	s20 =	sshrl.u32 @!p2 s20, $0xA  }
0xfd: {  	s13 =	smul.u32 @!p2 $0xAB, s21;
	s24 =	sshll.u32 @!p5 s7, $0x8;
	s7 =	sadd.s32 @!p5 $0x1, s7  }
0xfe: {  	p4 =	por p4, p2;
	s23 =	sshll.u32 s6, $0x8;
	s6 =	sshrl.u32 @!p2 s30, $0x9  }
0xff: {  	s13 =	sshrl.u32 @!p2 s13, $0x9;
	s30 =	simm.s32 @!p2 $0x80;
	s6 =	smul.u32 @!p2 $0x3, s6  }
0x100: {  	[tilespmem:s24], [sflag:s7] =	stream.linear.gather @!p5 [hbm4b:s18+s12], $0x100, $0x38;
	[tilespmem:$0x1FE00] =	vst v63  }
0x101: {  	s6 =	ssub.s32 @!p2 s22, s6;
	s7 =	smul.u32 @!p2 $0xCD, s21  }
0x102: {  	s6 =	sand.u32 @!p2 $0xFF, s6;
	s12 =	smul.u32 @!p2 $0x3, s13;
	_ =	swait.ge [sflag:s31], $0x100  }
0x103: {  	s13 =	smul.u32 @!p2 $0x5, s20;
	[sflag:s31] =	ssyncset.done $0x0;
	s7 =	sshrl.u32 @!p2 s7, $0xA  }
0x104: {  	s18 =	sadd.s32 @!p2 $0x6, s6;
	[sflag:s31] =	ssyncadd.s32 $0xFFFFFF00;
	s20 =	smul.u32 @!p2 $0x5, s7  }
0x105: {  	s7 =	ssub.s32 @!p2 s8, s12;
	s12 =	ssub.s32 @!p2 s22, s13;
	s13 =	sshll.u32 @!p2 s6, $0xE  }
0x106: {  	[tilespmem:s17], [sflag:s10] =	stream.indirect.gather [hbm4b:s1+s29], $0x80, s23, s29, $0xb8;
	[tilespmem:$0x1FE00] =	vst v63  }
0x107: {  	s6 =	sadd.s32 @!p2 $0x9, s6;
	s7 =	sand.u32 @!p2 $0xFF, s7;
	_ =	swait.ge @!p2 [sflag:s18], $0x4000  }
0x108: {  	s12 =	sand.u32 @!p2 $0xFF, s12;
	s13 =	sor.u32 @!p2 $0x500, s13;
	[sflag:s18] =	ssyncset.done @!p2 $0x0  }
.Ltmp5:
0x109: {  	[sflag:s18] =	ssyncadd.s32 @!p2 $0xFFFFC000;
	s18 =	ssub.s32 @!p2 s8, s20;
	(pc) =	sbr.rel @p3 .LBB2_3-.Ltmp5, $4  }
0x10a: {  	s31 =	smov.u32 s28;
	s8 =	sshll.u32 @!p2 s12, $0x8;
	s18 =	simm.s32 @p2 $0x1  }
0x10b: {  	s20 =	sor.u32 @!p2 $0x80, s8;
	s8 =	sadd.s32 @!p2 $0x9, s7;
	s12 =	sand.u32 $0xFF, s18  }
0x10c: {  	[spmem:s2] =	stream.indirect.scatter.add.f32 @!p2 [tilespmem:s13], [sflag:s6], $0x80, s20, s30, $0xb8;
	[tilespmem:$0x1FE00] =	vst v63  }
0x10d: {  	s18 =	sshra.s32 s5, $0x2;
	s5 =	simm.s32 @!p4 $0x0;
	_ =	swait.ge @!p2 [sflag:s8], $0x4000  }
0x10e: {  	s3 =	sadd.s32 $0x1, s12;
	[sflag:s8] =	ssyncset.done @!p2 $0x0  }
0x10f: {  	s6 =	sadd.s32 s18, s16;
	s9 =	sadd.s32 s11, s14;
	[sflag:s8] =	ssyncadd.s32 @!p2 $0xFFFFC000  }
0x110: {  	[tilespmem:s9], [sflag:s6] =	stream.linear.gather @!p4 [hbm4b:s19+s5], $0x100, $0x38;
	[tilespmem:$0x1FE00] =	vst v63  }
0x111: {  	s7 =	simm.s32 @p2 $0x1;
	_ =	swait.ge [sflag:s3], $0x100  }
0x112: {  	s16 =	sshll.u32 s12, $0x8;
	s15 =	sshll.u32 s7, $0xE;
	[sflag:s3] =	ssyncset.done $0x0  }
0x113: {  	s18 =	sor.u32 $0x500, s15;
	s19 =	sadd.s32 $0x6, s7;
	[sflag:s3] =	ssyncadd.s32 $0xFFFFFF00  }
0x114: {  	[tilespmem:s18], [sflag:s19] =	stream.indirect.gather [hbm4b:s1+s29], $0x80, s16, s29, $0xb8;
	[tilespmem:$0x1FE00] =	vst v63  }
0x115: {  	_ =	swait.ge [sflag:s10], $0x4000  }
0x116: {  	[sflag:s10] =	ssyncset.done $0x0  }
0x117: {  	s0 =	sadd.s32 $0x9, s0;
	s20 =	sadd.s32 $0x80, s23;
	[sflag:s10] =	ssyncadd.s32 $0xFFFFC000  }
0x118: {  	[spmem:s2] =	stream.indirect.scatter.add.f32 [tilespmem:s17], [sflag:s0], $0x80, s20, s29, $0xb8;
	[tilespmem:$0x1FE00] =	vst v63  }
0x119: {  	s0 =	simm.s32 $0x9  }
0x11a: {  	_ =	swait.ge [sflag:s0], $0x4000  }
0x11b: {  	[sflag:s0] =	ssyncset.done $0x0  }
0x11c: {  	s21 =	simm.s32 $0x5;
	[sflag:s0] =	ssyncadd.s32 $0xFFFFC000  }
0x11d: {  	_ =	swait.ge [sflag:s21], $0x100  }
0x11e: {  	s22 =	simm.s32 $0x400;
	[sflag:s21] =	ssyncset.done $0x0  }
0x11f: {  	s23 =	simm.s32 $0x500;
	s24 =	simm.s32 $0x8;
	[sflag:s21] =	ssyncadd.s32 $0xFFFFFF00  }
0x120: {  	[tilespmem:s23], [sflag:$0x6] =	stream.indirect.gather [hbm4b:s1+s29], $0x80, s22, s29, $0xb8;
	[tilespmem:$0x1FE00] =	vst v63  }
0x121: {  	_ =	swait.ge [sflag:s24], $0x4000  }
0x122: {  	[sflag:s24] =	ssyncset.done $0x0  }
0x123: {  	s26 =	simm.s32 $0x8500;
	s28 =	simm.s32 $0x380;
	[sflag:s24] =	ssyncadd.s32 $0xFFFFC000  }
0x124: {  	[spmem:s2] =	stream.indirect.scatter.add.f32 [tilespmem:s26], [sflag:$0xB], $0x80, s28, s29, $0xb8;
	[tilespmem:$0x1FE00] =	vst v63  }
.Ltmp6:
0x125: {  	s30 =	simm.s32 $0x6;
	(pc) =	sbr.rel .LBB2_8-.Ltmp6, $4  }
0x126: {  	_ =	swait.ge [sflag:s30], $0x4000  }
0x127: {  	s31 =	simm.s32 $0x480;
	[sflag:s30] =	ssyncset.done $0x0  }
0x128: {  	s5 =	simm.s32 $0xA;
	s3 =	simm.s32 $0xB;
	[sflag:s30] =	ssyncadd.s32 $0xFFFFC000  }
0x129: {  	[spmem:s2] =	stream.indirect.scatter.add.f32 [tilespmem:s23], [sflag:$0x9], $0x80, s31, s29, $0xb8;
	[tilespmem:$0x1FE00] =	vst v63  }
.LBB2_9:
0x12a: {  	_ =	sfence.sel $0x180000  }
0x12b: {  	[bflag:$0x0] =	sbarrier.arrive $0xFFFF  }
0x12c: {  	_ =	strace $0x9000004D  }
0x12d: {  	[bflag:$0x2] =	sbarrier.arrive $0xFFFF  }
0x12e: {  	p0 =	sne.s32 s4, $0x0;
	s0 =	rddreg [dreg:$0x3]  }
0x12f: {  	s0 =	sadd.s32 @!p0 $0x100000, s0  }
0x130: {  	[sflag:s0] =	ssyncadd.tile.s32 @!p0 $0x1;
	_ =	shalt  }
.Lfunc_end2:
_tile_overlayer_lowered:
.L_overlay_start_2:
0x131: {  	(tag) =	ssettag $0x2  }
0x132: {  	s0 =	rddreg [dreg:$0x0];
	s2 =	stileid.u32  }
0x133: {  	s1 =	rddreg [dreg:$0x1];
	p0 =	sne.s32 s2, $0x0  }
0x134: {  	s3 =	rddreg [dreg:$0x2];
	[bflag:$0x3] =	sbarrier.arrive $0xFFFF;
	s2 =	simm.s32 @!p0 $0x1C0C  }
0x135: {  	[timem:s3], [sflag:s2] =	dma.local @!p0 [hbm:s0], s1  }
0x136: {  	s0 =	simm.s32 @!p0 $0xC  }
0x137: {  	_ =	swait.ge @!p0 [sflag:s0], s1  }
0x138: {  	s1 =	ssub.s32 @!p0 $0x0, s1;
	[sflag:s0] =	ssyncset.done @!p0 $0x0  }
0x139: {  	[sflag:s0] =	ssyncadd.s32 @!p0 s1  }
0x13a: {  	[bflag:$0x3] =	sbarrier.arrive $0xFFFF  }
0x13b: {  	_ =	shalt  }

// kernel: kernel.9.cloned.1.call-start
scs
__scs_entry_jumppad:
0x0: {  	(pc) =	sbr.rel $0x88, $3  }
0x1: {  	(tag) =	ssettag $0x0;
	lr =	simm.s32 $0x1  }
0x2: {  	[smem:$0x3F9B] =	sst lr;
	_ =	strace $0xD0000000  }
0x3: {  	_ = 	snop  }
0x4: {  	_ = 	snop  }
0x5: {  	_ = 	snop  }
0x6: {  	_ = 	snop  }
0x7: {  	_ = 	snop  }
__scs_overlays_trampoline_lowered:
0x8: {  	[smem:$0x3FAA] =	sst s0  }
0x9: {  	[smem:$0x3FAB] =	sst s1  }
0xa: {  	[smem:$0x3FAC] =	sst s2  }
0xb: {  	[smem:$0x3FAD] =	sst s3  }
0xc: {  	[smem:$0x3FAE] =	sst s4  }
0xd: {  	[smem:$0x3FAF] =	sst s5  }
0xe: {  	[smem:$0x3FB0] =	sst s6  }
0xf: {  	[smem:$0x3FB1] =	sst s7  }
0x10: {  	[smem:$0x3FB2] =	sst s8  }
0x11: {  	[smem:$0x3FB3] =	sst s9;
	s0 =	simm.s32 @!p0 $0x0  }
0x12: {  	s1 =	sld [smem:$0x3F99];
	s0 =	simm.s32 @p0 $0x1  }
0x13: {  	[smem:$0x3FB4] =	sst s0;
	s0 =	simm.s32 @!p1 $0x0  }
0x14: {  	s2 =	sld [smem:$0x3F98];
	s0 =	simm.s32 @p1 $0x1  }
0x15: {  	[smem:$0x3FB5] =	sst s0;
	s0 =	simm.s32 @!p2 $0x0  }
0x16: {  	s3 =	sld [smem:$0x3FDB];
	s0 =	simm.s32 @p2 $0x1  }
0x17: {  	s4 =	simm.s32 $0x1BF5;
	[smem:$0x3FB7] =	sst s0  }
0x18: {  	s0 =	sld [smem:$0x3F9A];
	_ =	swait.ge [sflag:s4], $0x0  }
0x19: {  	s7 =	sld [smem:$0x3F9B]  }
0x1a: {  	s8 =	sadd.s32 $0xFFFFE003, lr  }
0x1b: {  	s9 =	sadd.s32 $0xFFFFFEF7, lr;
	s5 =	simm.s32 $0xFFFFFFFF;
	p2 =	slt.u32 s8, $0xFFFFF086  }
0x1c: {  	p1 =	slt.u32 s9, $0xF7A;
	s5 =	simm.s32 @!p2 $0x0  }
0x1d: {  	s5 =	simm.s32 @p1 $0x1;
	p0 =	seq.s32 s7, s2  }
0x1e: {  	s7 =	smul.u32 @!p0 $0xF7A, s2;
	p2 =	seq.s32 @!p0 s5, $0x0  }
0x1f: {  	s9 =	smul.u32 $0xF7A, s1;
	s8 =	simm.s32 @!p0 $0x1BF5;
	p2 =	por !p2, p0  }
0x20: {  	[sflag:s8] =	ssyncset.s32 @!p0 $0xFFFFF086;
	s6 =	sadd.s32 @!p0 s3, s7;
	s7 =	simm.s32 @!p0 $0x108  }
0x21: {  	s3 =	sadd.s32 s3, s9;
	s6 =	sadd.s32 @!p0 $0x88, s6;
	s7 =	simm.s32 @p2 $0x1082  }
0x22: {  	[simem:s7], [sflag:s8] =	dma.local @!p0 [hbm:s6], $0xF7A  }
0x23: {  	s9 =	sor.u32 $0xD0000000, s2;
	s6 =	simm.s32 $0x108;
	_ =	swait.ge @!p0 [sflag:s8], $0x0  }
0x24: {  	s3 =	sadd.s32 $0x88, s3;
	s6 =	simm.s32 @!p1 $0x1082;
	[sflag:s4] =	ssyncset.s32 $0xFFFFF086  }
0x25: {  	[simem:s6], [sflag:s4] =	dma.local [hbm:s3], $0xF7A  }
0x26: {  	[smem:$0x3F9B] =	sst s1;
	(tag) =	ssettag s2;
	_ =	strace s9  }
0x27: {  	s1 =	sld [smem:$0x3FAB]  }
0x28: {  	s2 =	sld [smem:$0x3FAC]  }
0x29: {  	s4 =	sld [smem:$0x3FAE]  }
0x2a: {  	p0 =	seq.s32 s5, $0x0;
	s5 =	sld [smem:$0x3FAF]  }
0x2b: {  	s6 =	sld [smem:$0x3FB0]  }
0x2c: {  	s7 =	sld [smem:$0x3FB1]  }
0x2d: {  	s3 =	simm.s32 $0x108;
	s8 =	sld [smem:$0x3FB2]  }
0x2e: {  	s3 =	simm.s32 @!p0 $0x1082;
	s9 =	sld [smem:$0x3FB3]  }
0x2f: {  	lr =	sadd.s32 s0, s3;
	s0 =	sld [smem:$0x3FAA]  }
0x30: {  	s3 =	sld [smem:$0x3FAD]  }
0x31: {  	[smem:$0x3FB6] =	sst s10  }
0x32: {  	s10 =	sld [smem:$0x3FB4];
	_ =	sdelay $0x3  }
0x33: {  	p0 =	seq.s32 s10, $0x1;
	s10 =	sld [smem:$0x3FB6];
	_ =	sdelay $0x3  }
0x34: {  	[smem:$0x3FB6] =	sst s10  }
0x35: {  	s10 =	sld [smem:$0x3FB5];
	_ =	sdelay $0x3  }
0x36: {  	p1 =	seq.s32 s10, $0x1;
	s10 =	sld [smem:$0x3FB6];
	_ =	sdelay $0x3  }
0x37: {  	[smem:$0x3FB6] =	sst s10  }
0x38: {  	s10 =	sld [smem:$0x3FB7]  }
0x39: {  	_ = 	snop;
	(pc) =	sbr.ind lr, $3  }
0x3a: {  	_ = 	snop  }
0x3b: {  	_ = 	snop  }
0x3c: {  	p2 =	seq.s32 s10, $0x1;
	s10 =	sld [smem:$0x3FB6]  }
0x3d: {  	_ =	shalt  }
0x3e: {  	_ =	shalt  }
0x3f: {  	_ =	shalt  }
0x40: {  	_ =	shalt  }
0x41: {  	_ =	shalt  }
0x42: {  	_ =	shalt  }
0x43: {  	_ =	shalt  }
0x44: {  	_ =	shalt  }
0x45: {  	_ =	shalt  }
0x46: {  	_ =	shalt  }
0x47: {  	_ =	shalt  }
0x48: {  	_ =	shalt  }
0x49: {  	_ =	shalt  }
0x4a: {  	_ =	shalt  }
0x4b: {  	_ =	shalt  }
0x4c: {  	_ =	shalt  }
0x4d: {  	_ =	shalt  }
0x4e: {  	_ =	shalt  }
0x4f: {  	_ =	shalt  }
0x50: {  	_ =	shalt  }
0x51: {  	_ =	shalt  }
0x52: {  	_ =	shalt  }
0x53: {  	_ =	shalt  }
0x54: {  	_ =	shalt  }
0x55: {  	_ =	shalt  }
0x56: {  	_ =	shalt  }
0x57: {  	_ =	shalt  }
0x58: {  	_ =	shalt  }
0x59: {  	_ =	shalt  }
0x5a: {  	_ =	shalt  }
0x5b: {  	_ =	shalt  }
0x5c: {  	_ =	shalt  }
0x5d: {  	_ =	shalt  }
0x5e: {  	_ =	shalt  }
0x5f: {  	_ =	shalt  }
0x60: {  	_ =	shalt  }
0x61: {  	_ =	shalt  }
0x62: {  	_ =	shalt  }
0x63: {  	_ =	shalt  }
0x64: {  	_ =	shalt  }
0x65: {  	_ =	shalt  }
0x66: {  	_ =	shalt  }
0x67: {  	_ =	shalt  }
0x68: {  	_ =	shalt  }
0x69: {  	_ =	shalt  }
0x6a: {  	_ =	shalt  }
0x6b: {  	_ =	shalt  }
0x6c: {  	_ =	shalt  }
0x6d: {  	_ =	shalt  }
0x6e: {  	_ =	shalt  }
0x6f: {  	_ =	shalt  }
0x70: {  	_ =	shalt  }
0x71: {  	_ =	shalt  }
0x72: {  	_ =	shalt  }
0x73: {  	_ =	shalt  }
0x74: {  	_ =	shalt  }
0x75: {  	_ =	shalt  }
0x76: {  	_ =	shalt  }
0x77: {  	_ =	shalt  }
0x78: {  	_ =	shalt  }
0x79: {  	_ =	shalt  }
0x7a: {  	_ =	shalt  }
0x7b: {  	_ =	shalt  }
0x7c: {  	_ =	shalt  }
0x7d: {  	_ =	shalt  }
0x7e: {  	_ =	shalt  }
0x7f: {  	_ =	shalt  }
0x80: {  	_ =	shalt  }
0x81: {  	_ =	shalt  }
0x82: {  	_ =	shalt  }
0x83: {  	_ =	shalt  }
0x84: {  	_ =	shalt  }
0x85: {  	_ =	shalt  }
0x86: {  	_ =	shalt  }
0x87: {  	_ =	shalt  }
.Lfunc_end0:
.L_simem_size_0:
called_computation_lowered:
.L_overlay_start_0:
0x88: {  	s2 =	sld [smem:$0x3FD9]  }
0x89: {  	s3 =	sld [smem:$0x3FFE];
	_ =	sdelay $0x1  }
0x8a: {  	s1 =	srdreg.scid  }
0x8b: {  	s0 =	sand.u32 $0x1, s1  }
0x8c: {  	s17 =	sshll.u32 s0, $0xA;
	s2 =	sadd.s32 s3, s2  }
0x8d: {  	s2 =	sadd.s32 s2, s17  }
0x8e: {  	[smem:$0x3FC2] =	sst s2  }
0x8f: {  	_ = 	snop  }
0x90: {  	s2 =	sld [smem:$0x3FD0];
	(tm) =	ssettm $0x1  }
0x91: {  	s18 =	sld [smem:$0x3FFB];
	_ =	sdelay $0x3  }
0x92: {  	_ =	strace s18  }
0x93: {  	s3 =	sld [smem:$0x3FFC];
	_ =	sdelay $0x3  }
0x94: {  	_ =	strace s3  }
0x95: {  	s3 =	sld [smem:$0x3FFD];
	_ =	sdelay $0x3  }
0x96: {  	_ =	strace s3  }
0x97: {  	_ =	strace $0x8FFFFFFF  }
0x98: {  	s19 =	sld [smem:$0x3FDB];
	_ =	sdelay $0x1  }
0x99: {  	s4 =	simm.s32 $_scs_section_size  }
0x9a: {  	s5 =	simm.s32 $_size__tile_overlayer_lowered;
	s6 =	simm.s32 $_tile_overlayer_lowered  }
0x9b: {  	s22 =	simm.s32 $0x1BFF;
	s21 =	sshll.u32 s6, $0x1;
	s3 =	sadd.s32 s4, s19  }
0x9c: {  	s7 =	simm.s32 $0x0;
	s20 =	sshll.u32 s5, $0x1;
	s5 =	sadd.s32 s21, s3  }
0x9d: {  	[timem:s7], [sflag:s22] =	dma.local [hbm:s5], s20  }
0x9e: {  	_ =	swait.ge [sflag:s22], s20  }
0x9f: {  	s4 =	ssub.s32 $0x0, s20;
	[sflag:s22] =	ssyncset.done $0x0  }
0xa0: {  	[sflag:s22] =	ssyncadd.s32 s4;
	_ =	sdelay $0x1  }
0xa1: {  	s23 =	simm.s32 $0x1B8B  }
0xa2: {  	_ =	swait.ge [sflag:s23], $0x1  }
0xa3: {  	[sflag:s23] =	ssyncset.done $0x0  }
0xa4: {  	s25 =	simm.s32 $0x1B8E;
	s24 =	sld [smem:$0x3FFE];
	[sflag:s23] =	ssyncadd.s32 $0xFFFFFFFF  }
0xa5: {  	s26 =	simm.s32 $execute0_lowered;
	[smem:$0x3FD2] =	sst s25  }
0xa6: {  	s5 =	sshll.u32 s26, $0x1;
	_ =	strace $0x80000046;
	[dreg:$0x1] =	wrdreg $0xFFFFFFFF  }
0xa7: {  	s28 =	simm.s32 $_size_execute0_lowered;
	s3 =	sadd.s32 s3, s5;
	[dreg:$0x0] =	wrdreg $0x0  }
0xa8: {  	s5 =	sshll.u32 s28, $0x1;
	[dreg:$0x2] =	wrdreg s3  }
0xa9: {  	[dreg:$0x3] =	wrdreg s5  }
0xaa: {  	[dreg:$0x4] =	wrdreg $0xC0  }
0xab: {  	_ =	task [dreg:s7], $0x5FFFF  }
0xac: {  	[dreg:$0x1] =	wrdreg $0xFFFFFFFF  }
0xad: {  	[dreg:$0x0] =	wrdreg $0x60  }
0xae: {  	[dreg:$0x2] =	wrdreg s24  }
0xaf: {  	[dreg:$0x3] =	wrdreg s2  }
0xb0: {  	[dreg:$0x4] =	wrdreg $0x9  }
0xb1: {  	_ =	task.clear_ibuf [dreg:s7], $0x5FFFF;
	_ =	strace $0x90000046  }
0xb2: {  	s29 =	simm.s32 $0x9;
	_ =	strace $0x80000048  }
0xb3: {  	_ =	swait.ge [sflag:s29], $0x1  }
0xb4: {  	[sflag:s29] =	ssyncadd.s32 $0xFFFFFFFF  }
0xb5: {  	_ =	strace $0x90000048  }
0xb6: {  	_ =	sfence  }
0xb7: {  	s30 =	sld [smem:$0x0];
	_ =	sdelay $0x2  }
0xb8: {  	s31 =	sshll.u32 s1, $0xD;
	s1 =	sshrl.u32 s1, $0x2  }
0xb9: {  	s3 =	sand.u32 $0x4000, s31;
	s1 =	sadd.s32 s1, s30  }
0xba: {  	s0 =	sor.u32 s3, s0;
	s1 =	sshll.u32 s1, $0x11  }
0xbb: {  	s0 =	sor.u32 s1, s0  }
0xbc: {  	s0 =	sadd.s32 $0x8F2B, s0  }
0xbd: {  	[sflag:s0] =	ssyncadd.remote.s32 $0x1  }
0xbe: {  	_ =	sfence.sel $0xFFFF  }
0xbf: {  	[dreg:$0x0] =	wrdreg $0xFFFFFFFF;
	(pc) =	sbr.abs _section_cstart, $3  }
0xc0: {  	[dreg:$0x1] =	wrdreg $0xFFFFFFFF  }
0xc1: {  	_ =	task.clear_ibuf [dreg:s7], $0x2FFFF;
	_ =	strace $0x9FFFFFFF  }
0xc2: {  	(tm) =	ssettm $0x7FFFFFFF  }
0xc3: {  	_ =	shalt  }
tec
execute0_lowered:
.L_overlay_start_1:
0x0: {  	(tag) =	ssettag $0x1  }
0x1: {  	s5 =	rddreg [dreg:$0x0]  }
0x2: {  	s0 =	srdreg.scid;
	s6 =	rddreg [dreg:$0x1]  }
0x3: {  	s2 =	simm.s32 $0x0;
	s10 =	simm.s32 $0x400;
	s11 =	simm.s32 $0x1  }
0x4: {  	s12 =	simm.s32 $0x2780;
	s13 =	simm.s32 $0x4F00;
	s3 =	sand.u32 $0x1, s0  }
0x5: {  	s14 =	simm.s32 $0x7700;
	s0 =	stileid.u32;
	s1 =	sshll.u32 s3, $0x4  }
0x6: {  	s15 =	simm.s32 $0x100;
	s16 =	simm.s32 $0x0;
	s4 =	sor.u32 s0, s1  }
0x7: {  	[smem:$0x7FF] =	sst s2;
	s8 =	sshll.u32 s0, $0x7;
	s1 =	sshrl.u32 s4, $0x3  }
0x8: {  	s31 =	ssub.s32 $0x2, s3;
	s3 =	sadd.s32 $0x15C00, s5;
	s7 =	smul.u32 $0x13C00, s1  }
0x9: {  	s8 =	sand.u32 $0x380, s8;
	s9 =	sshrl.u32 s31, $0x1;
	s4 =	smul.u32 $0xA00, s4  }
0xa: {  	s1 =	rddreg [dreg:$0x2];
	_ =	strace $0x80000047;
	s7 =	sor.u32 s8, s7  }
0xb: {  	s4 =	sadd.s32 s6, s4;
	s8 =	ssub.s32 s31, s9;
	s7 =	sshrl.u32 s7, $0x3  }
0xc: {  	s9 =	simm.s32 $0x80;
	s8 =	smax.u32 s8, $0x1;
	s7 =	sadd.s32 s7, s5  }
0xd: {  	v0 =	vimm.f32 $1.000000000e+00;
	s5 =	sadd.s32 $0x2000, s7;
	s6 =	sadd.s32 $0xBE00, s7;
	s7 =	sadd.s32 $0x10, s4  }
.LBB2_1:
0xe: {  	[tilespmem:s2], [sflag:$0x1] =	stream.strided.gather [hbm4b:s5+s9], $0x2780, s10, s9, $0x38;
	[tilespmem:$0x9F00] =	vst v63  }
0xf: {  	_ =	swait.ge [sflag:s11], $0x2780  }
0x10: {  	[sflag:s11] =	ssyncset.done $0x0  }
0x11: {  	[sflag:s11] =	ssyncadd.s32 $0xFFFFD880  }
0x12: {  	[tilespmem:s12], [sflag:$0x1] =	stream.strided.gather [hbm4b:s6+s9], $0x2780, s10, s9, $0x38;
	[tilespmem:$0x9F00] =	vst v63  }
0x13: {  	_ =	swait.ge [sflag:s11], $0x2780  }
0x14: {  	[sflag:s11] =	ssyncset.done $0x0  }
0x15: {  	[sflag:s11] =	ssyncadd.s32 $0xFFFFD880  }
0x16: {  	[tilespmem:s13], [sflag:$0x1] =	stream.linear.gather [hbm4b:s3+s2], $0x2800, $0x38;
	[tilespmem:$0x9F00] =	vst v63  }
0x17: {  	_ =	swait.ge [sflag:s11], $0x2800  }
0x18: {  	[sflag:s11] =	ssyncset.done $0x0  }
0x19: {  	[sflag:s11] =	ssyncadd.s32 $0xFFFFD800  }
0x1a: {  	[tilespmem:s14], [sflag:$0x1] =	stream.linear.gather [hbm4b:s3+s2], $0x2800, $0x38;
	[tilespmem:$0x9F00] =	vst v63  }
0x1b: {  	_ =	swait.ge [sflag:s11], $0x2800  }
0x1c: {  	[sflag:s11] =	ssyncset.done $0x0  }
0x1d: {  	s18 =	simm.s32 $0x0;
	s17 =	simm.s32 $0x40;
	[sflag:s11] =	ssyncadd.s32 $0xFFFFD800  }
.LBB2_2:
0x1e: {  	p0 =	sne.s32 s17, $0x9CC0;
	v1 =	vld [tilespmem:s18+$0x0];
	_ =	sdelay $0x7  }
0x1f: {  	[tilespmem:v1+s13+$0x0] =	vst.idx.add.f32.msk $0xffff, v0  }
0x20: {  	v1 =	vld [tilespmem:s18+$0x2780];
	_ =	sdelay $0x3  }
.Ltmp0:
0x21: {  	(pc) =	sbr.rel @p0 .LBB2_2-.Ltmp0, $2  }
0x22: {  	_ =	sdelay $0x2  }
0x23: {  	s18 =	sshra.s32 s17, $0x2;
	s17 =	sadd.s32 $0x40, s17;
	[tilespmem:v1+s14+$0x0] =	vst.idx.add.f32.msk $0xffff, v0  }
0x24: {  	v1 =	vld [tilespmem:s18+$0x0];
	_ =	sdelay $0x7  }
0x25: {  	[tilespmem:v1+s13+$0x0] =	vst.idx.add.f32.msk $0xffff, v0  }
0x26: {  	v1 =	vld [tilespmem:s18+$0x2780];
	_ =	sdelay $0x7  }
0x27: {  	[tilespmem:v1+s14+$0x0] =	vst.idx.add.f32.msk $0xffff, v0  }
0x28: {  	[hbm4b:s4+s9] =	stream.strided.scatter [tilespmem:s13], [sflag:$0x1], $0x2800, s15, s9, $0x38;
	[tilespmem:$0x9F00] =	vst v63  }
0x29: {  	s16 =	sadd.s32 $0x1, s16;
	_ =	swait.ge [sflag:s11], $0x2800  }
0x2a: {  	p0 =	sne.s32 s16, s8;
	[sflag:s11] =	ssyncset.done $0x0  }
.Ltmp1:
0x2b: {  	[sflag:s11] =	ssyncadd.s32 $0xFFFFD800;
	(pc) =	sbr.rel @p0 .LBB2_1-.Ltmp1, $4  }
0x2c: {  	[hbm4b:s7+s9] =	stream.strided.scatter [tilespmem:s14], [sflag:$0x1], $0x2800, s15, s9, $0x38;
	[tilespmem:$0x9F00] =	vst v63  }
0x2d: {  	_ =	swait.ge [sflag:s11], $0x2800  }
0x2e: {  	[sflag:s11] =	ssyncset.done $0x0  }
0x2f: {  	[sflag:s11] =	ssyncadd.s32 $0xFFFFD800  }
0x30: {  	_ =	sfence.sel $0x180000  }
0x31: {  	[bflag:$0x0] =	sbarrier.arrive $0xFFFF  }
0x32: {  	p0 =	sne.s32 s0, $0x0;
	_ =	strace $0x90000047  }
0x33: {  	s0 =	sadd.s32 @!p0 $0x100000, s1;
	[bflag:$0x2] =	sbarrier.arrive $0xFFFF  }
0x34: {  	[sflag:s0] =	ssyncadd.tile.s32 @!p0 $0x1;
	_ =	shalt  }
.Lfunc_end2:
_tile_overlayer_lowered:
.L_overlay_start_2:
0x35: {  	(tag) =	ssettag $0x2  }
0x36: {  	s0 =	rddreg [dreg:$0x0];
	s2 =	stileid.u32  }
0x37: {  	s1 =	rddreg [dreg:$0x1];
	p0 =	sne.s32 s2, $0x0  }
0x38: {  	s3 =	rddreg [dreg:$0x2];
	[bflag:$0x3] =	sbarrier.arrive $0xFFFF;
	s2 =	simm.s32 @!p0 $0x1C01  }
0x39: {  	[timem:s3], [sflag:s2] =	dma.local @!p0 [hbm:s0], s1  }
0x3a: {  	s0 =	simm.s32 @!p0 $0x1  }
0x3b: {  	_ =	swait.ge @!p0 [sflag:s0], s1  }
0x3c: {  	s1 =	ssub.s32 @!p0 $0x0, s1;
	[sflag:s0] =	ssyncset.done @!p0 $0x0  }
0x3d: {  	[sflag:s0] =	ssyncadd.s32 @!p0 s1  }
0x3e: {  	[bflag:$0x3] =	sbarrier.arrive $0xFFFF  }
0x3f: {  	_ =	shalt  }

</sc_bundles>
